<compile_context>
chip_gen: v7x
topology: tpu7x:2x2x1
jax: 0.10.2.dev20260603
libtpu: 0.0.44.dev20260713+nightly
codegen_flags: <defaults>
</compile_context>

<pallas_src>
import functools
import math

import jax
import jax.numpy as jnp
from jax import lax
from jax.experimental import pallas as pl
from jax.experimental.pallas import tpu as pltpu
from jax.experimental.pallas import tpu_sc as plsc

N_IDX = 2048
N_BATCH = 6
D = 256
TAB = N_BATCH * 4096

_NC = 2
_NS = 16
_NW = _NC * _NS
_PER_TILE = N_IDX // _NW
_ROWS = N_BATCH * D // _NW


def _sc_mesh():
    return plsc.VectorSubcoreMesh(core_axis_name="c", subcore_axis_name="s",
                                  num_cores=_NC, num_subcores=_NS)


def _base_body(p1_ref, p3_ref, base_ref, mul_ref):
    mt = (0.975 * p3_ref[0]).T
    mul_ref[0] = mt
    base_ref[0] = p1_ref[0].T + mt


def _base_call(p1, p3):
    spec = pl.BlockSpec((1, D, D), lambda b: (b, 0, 0))
    return pl.pallas_call(
        _base_body,
        grid=(N_BATCH,),
        in_specs=[spec, spec],
        out_specs=[spec, spec],
        out_shape=[jax.ShapeDtypeStruct((N_BATCH, D, D), jnp.float32)] * 2,
    )(p1, p3)


def _copy_body(p1_ref, p3_ref, p1c_ref, p3c_ref):
    p1c_ref[0] = p1_ref[0]
    p3c_ref[0] = p3_ref[0]


def _copy_call(p1, p3):
    spec = pl.BlockSpec((1, D, D), lambda b: (b, 0, 0))
    return pl.pallas_call(
        _copy_body,
        grid=(N_BATCH,),
        in_specs=[spec, spec],
        out_specs=[spec, spec],
        out_shape=[jax.ShapeDtypeStruct((N_BATCH, D, D), jnp.float32)] * 2,
    )(p1, p3)


def _gather_body(p5h, p6h, p7h, p8h, tabs_hbm,
                 v0_hbm, v1_hbm, v2_hbm, tpm_hbm,
                 b5, b6, b7, b8, g0_v, g1_v, g2_v, tpm_v,
                 r0, r1, r2, s0, s1, s2):
    wid = lax.axis_index("s") * _NC + lax.axis_index("c")
    base = wid * _PER_TILE
    pltpu.sync_copy(p5h.at[pl.ds(base, _PER_TILE)], b5)
    pltpu.sync_copy(p6h.at[pl.ds(base, _PER_TILE)], b6)
    pltpu.sync_copy(p7h.at[pl.ds(base, _PER_TILE)], b7)
    pltpu.sync_copy(p8h.at[pl.ds(base, _PER_TILE)], b8)
    for j in range(_PER_TILE // 16):
        sl = pl.ds(j * 16, 16)
        b = b5[sl]
        e = b6[sl]
        r = b7[sl]
        c = b8[sl]
        g = b * 4096 + e
        g0_v[sl] = g
        g1_v[sl] = g + TAB
        g2_v[sl] = g + 2 * TAB
        tpm_v[sl] = b * 65536 + c * 256 + r
    c0 = pltpu.async_copy(tabs_hbm.at[g0_v], r0, s0)
    c1 = pltpu.async_copy(tabs_hbm.at[g1_v], r1, s1)
    c2 = pltpu.async_copy(tabs_hbm.at[g2_v], r2, s2)
    c0.wait()
    c1.wait()
    c2.wait()
    pltpu.sync_copy(r0, v0_hbm.at[pl.ds(base, _PER_TILE)])
    pltpu.sync_copy(r1, v1_hbm.at[pl.ds(base, _PER_TILE)])
    pltpu.sync_copy(r2, v2_hbm.at[pl.ds(base, _PER_TILE)])
    pltpu.sync_copy(tpm_v, tpm_hbm.at[pl.ds(base, _PER_TILE)])


@functools.lru_cache(maxsize=None)
def _gather_call_fn():
    return pl.kernel(
        _gather_body,
        out_type=[jax.ShapeDtypeStruct((N_IDX,), jnp.float32)] * 3
        + [jax.ShapeDtypeStruct((N_IDX,), jnp.int32)],
        mesh=_sc_mesh(),
        compiler_params=pltpu.CompilerParams(needs_layout_passes=False),
        scratch_types=[
            pltpu.VMEM((_PER_TILE,), jnp.int32),
            pltpu.VMEM((_PER_TILE,), jnp.int32),
            pltpu.VMEM((_PER_TILE,), jnp.int32),
            pltpu.VMEM((_PER_TILE,), jnp.int32),
            pltpu.VMEM((_PER_TILE,), jnp.int32),
            pltpu.VMEM((_PER_TILE,), jnp.int32),
            pltpu.VMEM((_PER_TILE,), jnp.int32),
            pltpu.VMEM((_PER_TILE,), jnp.int32),
            pltpu.VMEM((_PER_TILE,), jnp.float32),
            pltpu.VMEM((_PER_TILE,), jnp.float32),
            pltpu.VMEM((_PER_TILE,), jnp.float32),
            pltpu.SemaphoreType.DMA,
            pltpu.SemaphoreType.DMA,
            pltpu.SemaphoreType.DMA,
        ],
    )


def _gather_call(p5, p6, p7, p8, tabs):
    return _gather_call_fn()(p5, p6, p7, p8, tabs)


def _scat_body(baseT_hbm, mulT_hbm, tpm_hbm, v0_hbm, v1_hbm, v2_hbm,
               o24_hbm, o20_hbm, o16_hbm,
               buf, mbuf, tpm_v, v0, v1, v2, hri,
               sa, sm, so):
    wid = lax.axis_index("s") * _NC + lax.axis_index("c")
    row0 = wid * _ROWS
    handles = []
    for s in range(_ROWS // 16):
        r = row0 + s * 16
        bb = lax.div(r, D)
        rr = lax.rem(r, D)
        dsl = pl.ds(s * 16, 16)
        handles.append(pltpu.async_copy(baseT_hbm.at[bb, pl.ds(rr, 16), :],
                                        buf.at[dsl, :], sa))
        handles.append(pltpu.async_copy(mulT_hbm.at[bb, pl.ds(rr, 16), :],
                                        mbuf.at[dsl, :], sm))
    pltpu.sync_copy(tpm_hbm, tpm_v)
    pltpu.sync_copy(v0_hbm, v0)
    pltpu.sync_copy(v1_hbm, v1)
    pltpu.sync_copy(v2_hbm, v2)
    lane = lax.broadcasted_iota(jnp.int32, (16,), 0)

    def cbody(j, cnt):
        sl = pl.ds(j * 16, 16)
        tp = tpm_v[sl]
        trow = lax.shift_right_arithmetic(tp, 8)
        m = (trow >= row0) & (trow < row0 + _ROWS)
        packed = ((trow - row0) * 524288 + lax.bitwise_and(tp, 255) * 2048
                  + j * 16 + lane)
        plsc.store_compressed(hri.at[pl.ds(cnt, 16)], packed, mask=m)
        return cnt + jnp.max(plsc.all_reduce_population_count(m))

    cnt = lax.fori_loop(0, N_IDX // 16, cbody, 0)
    ntr = lax.div(cnt + 15, 16)
    for h in handles:
        h.wait()

    def stage(vref, dst_hbm, sem):
        def sbody(t, _):
            sl = pl.ds(t * 16, 16)
            valid = (t * 16 + lane) < cnt
            packed = jnp.where(valid, hri[sl], 0)
            ri = lax.shift_right_logical(packed, 19)
            ci = lax.bitwise_and(lax.shift_right_logical(packed, 11), 255)
            idv = lax.bitwise_and(packed, 2047)
            key = jnp.where(valid, ri * D + ci, -1)
            dead = lane < 0
            for k in range(1, 16):
                idx = jnp.minimum(lane + k, 15)
                sh = key.at[idx].get(mode="promise_in_bounds")
                dead = dead | ((sh == key) & (lane + k < 16))
            m = valid & (~dead)
            mu = plsc.load_gather(mbuf, [ri, ci], mask=m)
            w = plsc.load_gather(vref, [idv], mask=m) + mu
            plsc.store_scatter(buf, [ri, ci], w, mask=m)
            return 0

        lax.fori_loop(0, ntr, sbody, 0)
        oh = []
        for s in range(_ROWS // 16):
            r = row0 + s * 16
            bb = lax.div(r, D)
            rr = lax.rem(r, D)
            dsl = pl.ds(s * 16, 16)
            oh.append(pltpu.async_copy(buf.at[dsl, :],
                                       dst_hbm.at[bb, pl.ds(rr, 16), :], sem))
        for h in oh:
            h.wait()

    stage(v0, o24_hbm, so)
    stage(v1, o20_hbm, so)
    stage(v2, o16_hbm, so)


@functools.lru_cache(maxsize=None)
def _scat_call_fn():
    return pl.kernel(
        _scat_body,
        out_type=[jax.ShapeDtypeStruct((N_BATCH, D, D), jnp.float32)] * 3,
        mesh=_sc_mesh(),
        compiler_params=pltpu.CompilerParams(needs_layout_passes=False,
                                             use_tc_tiling_on_sc=True),
        scratch_types=[
            pltpu.VMEM((_ROWS, D), jnp.float32),
            pltpu.VMEM((_ROWS, D), jnp.float32),
            pltpu.VMEM((N_IDX,), jnp.int32),
            pltpu.VMEM((N_IDX,), jnp.float32),
            pltpu.VMEM((N_IDX,), jnp.float32),
            pltpu.VMEM((N_IDX,), jnp.float32),
            pltpu.VMEM((N_IDX + 16,), jnp.int32),
            pltpu.SemaphoreType.DMA,
            pltpu.SemaphoreType.DMA,
            pltpu.SemaphoreType.DMA,
        ],
    )


def _scat_call(baseT, mulT, tpm, v0, v1, v2):
    return _scat_call_fn()(baseT, mulT, tpm, v0, v1, v2)


def _bmm_body(a_ref, t0_ref, t1_ref, t2_ref,
              s9, s10, s12, s13, s15, s16,
              div1_ref, sub1_ref, sub2_ref):
    tc = lax.broadcasted_iota(jnp.int32, (D, 1), 0).astype(jnp.float32) * (
        2.0 * math.pi)
    sub0c = jnp.sin(tc * s9[0, 0] + s10[0, 0]) ** 2 * 0.1 + 1.0 - 0.05
    sub1c = jnp.sin(tc * s12[0, 0] + s13[0, 0]) ** 2 * 0.1 + 1.0 - 0.05
    tr = lax.broadcasted_iota(jnp.int32, (1, D), 1).astype(jnp.float32) * (
        2.0 * math.pi)
    sub1r = jnp.sin(tr * s12[0, 0] + s13[0, 0]) ** 2 * 0.1 + 1.0 - 0.05
    sub2r = jnp.sin(tr * s15[0, 0] + s16[0, 0]) ** 2 * 0.1 + 1.0 - 0.05
    rs0 = 1.0 / sub0c
    rs2r = 1.0 / sub2r
    for b in range(N_BATCH):
        a = a_ref[:, b, :]
        T0 = t0_ref[b]
        T1 = t1_ref[b]
        T2 = t2_ref[b]
        m0 = lax.dot_general(T0, a, (((1,), (1,)), ((), ())),
                             preferred_element_type=jnp.float32)
        d0 = m0 * rs0
        m1 = lax.dot_general(T1, d0, (((1,), (0,)), ((), ())),
                             preferred_element_type=jnp.float32)
        t1m = m1 * sub1c
        m2t = lax.dot_general(t1m, T2, (((0,), (1,)), ((), ())),
                              preferred_element_type=jnp.float32)
        div1_ref[:, b, :] = m2t * rs2r
    sub1_ref[...] = sub1r
    sub2_ref[...] = sub2r


def _bmm_call(p2, o24, o20, o16, p9, p10, p12, p13, p15, p16):
    scal = lambda x: x.reshape(1, 1).astype(jnp.float32)
    div1, sub1, sub2 = pl.pallas_call(
        _bmm_body,
        out_shape=[jax.ShapeDtypeStruct((12, N_BATCH, D), jnp.float32),
                   jax.ShapeDtypeStruct((1, D), jnp.float32),
                   jax.ShapeDtypeStruct((1, D), jnp.float32)],
    )(p2, o24, o20, o16, scal(p9), scal(p10), scal(p12), scal(p13),
      scal(p15), scal(p16))
    return div1, sub1.reshape(D), sub2.reshape(D)


def kernel(primals_1, primals_2, primals_3, primals_4, primals_5, primals_6,
           primals_7, primals_8, primals_9, primals_10, primals_11,
           primals_12, primals_13, primals_14, primals_15, primals_16):
    baseT, mulT = _base_call(primals_1, primals_3)
    tabs = jnp.concatenate([primals_4, primals_11, primals_14]).reshape(-1)
    v0, v1, v2, tpm = _gather_call(primals_5, primals_6, primals_7, primals_8,
                                   tabs)
    o24, o20, o16 = _scat_call(baseT, mulT, tpm, v0, v1, v2)
    p1c, p3c = _copy_call(primals_1, primals_3)
    div1, sub1, sub2 = _bmm_call(primals_2, o24, o20, o16, primals_9,
                                 primals_10, primals_12, primals_13,
                                 primals_15, primals_16)
    return (div1, p3c, p1c, primals_9, primals_10, sub1, sub2,
            o16, o20, o24)

# --- scband reference (transcript-rebuilt; emitter-appended) ---
"""Pipeline reference for scband-repro-87402584474057 (READ-ONLY COPY).

The authoritative reference and input builder live on the scoring server;
editing this copy changes nothing except your own understanding.
"""

import jax, jax.numpy as jnp
import numpy as np
import math


def setup_inputs(seed: int = 0) -> dict:
    key = jax.random.key(seed)
    ks = jax.random.split(key, 20)
    inp = {}
    inp["primals_1"] = jax.random.normal(ks[0], (6, 256, 256), dtype=jnp.float32)
    inp["primals_2"] = jax.random.normal(ks[1], (12, 6, 256), dtype=jnp.float32)
    inp["primals_3"] = jax.random.normal(ks[2], (6, 256, 256), dtype=jnp.float32)
    inp["primals_4"] = jax.random.normal(ks[3], (6, 4096), dtype=jnp.float32)
    inp["primals_5"] = jax.random.randint(ks[4], (2048,), 0, 6, dtype=jnp.int32)
    inp["primals_6"] = jax.random.randint(ks[5], (2048,), 0, 4096, dtype=jnp.int32)
    inp["primals_7"] = jax.random.randint(ks[6], (2048,), 0, 256, dtype=jnp.int32)
    inp["primals_8"] = jax.random.randint(ks[7], (2048,), 0, 256, dtype=jnp.int32)
    inp["primals_9"] = jax.random.uniform(ks[8], (), dtype=jnp.float32)
    inp["primals_10"] = jax.random.uniform(ks[9], (), dtype=jnp.float32)
    inp["primals_11"] = jax.random.normal(ks[10], (6, 4096), dtype=jnp.float32)
    inp["primals_12"] = jax.random.uniform(ks[11], (), dtype=jnp.float32)
    inp["primals_13"] = jax.random.uniform(ks[12], (), dtype=jnp.float32)
    inp["primals_14"] = jax.random.normal(ks[13], (6, 4096), dtype=jnp.float32)
    inp["primals_15"] = jax.random.uniform(ks[14], (), dtype=jnp.float32)
    inp["primals_16"] = jax.random.uniform(ks[15], (), dtype=jnp.float32)
    return inp


def reference(primals_1, primals_2, primals_3, primals_4, primals_5, primals_6,
              primals_7, primals_8, primals_9, primals_10, primals_11, primals_12,
              primals_13, primals_14, primals_15, primals_16):
    # stage 0: gather from primals_4, scatter-overwrite into memory primals_1
    idx0 = primals_4[primals_5, primals_6]
    ip0 = primals_1.at[primals_5, primals_7, primals_8].set(idx0)
    mul = primals_3 * 0.975
    add0 = ip0 + mul  # [6,256,256]
    a = jnp.swapaxes(primals_2, 0, 1)  # [6,12,256]
    bmm0 = jnp.matmul(a, add0)  # [6,12,256]
    view_3 = jnp.swapaxes(bmm0, 0, 1)  # [12,6,256]
    t = jnp.arange(256, dtype=jnp.float32)
    base = t * 2.0 * math.pi
    sub0 = (jnp.sin(base * primals_9 + primals_10) ** 2) * 0.1 + 1.0 - 0.05
    div0 = view_3 / sub0
    # stage 1
    idx1 = primals_11[primals_5, primals_6]
    ip1 = primals_1.at[primals_5, primals_7, primals_8].set(idx1)
    add1 = ip1 + mul
    bmm1 = jnp.matmul(jnp.swapaxes(div0, 0, 1), add1)
    view_7 = jnp.swapaxes(bmm1, 0, 1)
    sub1 = (jnp.sin(base * primals_12 + primals_13) ** 2) * 0.1 + 1.0 - 0.05
    mul12 = view_7 * sub1
    # stage 2
    idx2 = primals_14[primals_5, primals_6]
    ip2 = primals_1.at[primals_5, primals_7, primals_8].set(idx2)
    add2 = ip2 + mul
    bmm2 = jnp.matmul(jnp.swapaxes(mul12, 0, 1), add2)
    view_11 = jnp.swapaxes(bmm2, 0, 1)
    sub2 = (jnp.sin(base * primals_15 + primals_16) ** 2) * 0.1 + 1.0 - 0.05
    div1 = view_11 / sub2
    permute_16 = jnp.swapaxes(add2, 1, 2)
    permute_20 = jnp.swapaxes(add1, 1, 2)
    permute_24 = jnp.swapaxes(add0, 1, 2)
    return (div1, primals_3, primals_1, primals_9, primals_10, sub1, sub2,
            permute_16, permute_20, permute_24)

if __name__ == "__main__":
    import jax
    _d = setup_inputs()
    print(jax.jit(kernel)(*tuple(_d.values())))

</pallas_src>

<mosaic_0001>
#map = affine_map<(d0, d1) -> (0)>
module attributes {stable_mosaic.version = 14 : i64} {
  func.func @_gather_body(%arg0: i32, %arg1: i32, %arg2: memref<2048xi32, #tpu.memory_space<hbm>>, %arg3: memref<2048xi32, #tpu.memory_space<hbm>>, %arg4: memref<2048xi32, #tpu.memory_space<hbm>>, %arg5: memref<2048xi32, #tpu.memory_space<hbm>>, %arg6: memref<73728xf32, #tpu.memory_space<hbm>>, %arg7: memref<2048xf32, #tpu.memory_space<hbm>>, %arg8: memref<2048xf32, #tpu.memory_space<hbm>>, %arg9: memref<2048xf32, #tpu.memory_space<hbm>>, %arg10: memref<2048xi32, #tpu.memory_space<hbm>>, %arg11: memref<64xi32, #tpu.memory_space<vmem>>, %arg12: memref<64xi32, #tpu.memory_space<vmem>>, %arg13: memref<64xi32, #tpu.memory_space<vmem>>, %arg14: memref<64xi32, #tpu.memory_space<vmem>>, %arg15: memref<64xi32, #tpu.memory_space<vmem>>, %arg16: memref<64xi32, #tpu.memory_space<vmem>>, %arg17: memref<64xi32, #tpu.memory_space<vmem>>, %arg18: memref<64xi32, #tpu.memory_space<vmem>>, %arg19: memref<64xf32, #tpu.memory_space<vmem>>, %arg20: memref<64xf32, #tpu.memory_space<vmem>>, %arg21: memref<64xf32, #tpu.memory_space<vmem>>, %arg22: memref<!tpu.dma_semaphore, #tpu.memory_space<semaphore_mem>>, %arg23: memref<!tpu.dma_semaphore, #tpu.memory_space<semaphore_mem>>, %arg24: memref<!tpu.dma_semaphore, #tpu.memory_space<semaphore_mem>>) attributes {dimension_semantics = [#tpu.dimension_semantics<core_parallel>, #tpu.dimension_semantics<subcore_parallel>], iteration_bounds = array<i64: 2, 16>, scalar_prefetch = 0 : i64, scratch_operands = 14 : i64, tpu.core_type = #tpu.core_type<sc_vector_subcore>, window_params = [{transform_indices = #map}, {transform_indices = #map}, {transform_indices = #map}, {transform_indices = #map}, {transform_indices = #map}, {transform_indices = #map}, {transform_indices = #map}, {transform_indices = #map}, {transform_indices = #map}]} {
    %mul3A = arith.constant 2 : i32
    %mul3A_0 = arith.muli %arg1, %mul3A : i32
    %add3A = arith.addi %mul3A_0, %arg0 : i32
    %mul3A_1 = arith.constant 64 : i32
    %mul3A_2 = arith.muli %add3A, %mul3A_1 : i32
    "tpu.region"() ({
      %run_scoped3A = tpu.sem_alloc : memref<!tpu.dma_semaphore, #tpu.memory_space<semaphore_mem>>
      %dma_start3A_147 = tpu.memref_slice %arg2[%mul3A_2] : memref<2048xi32, #tpu.memory_space<hbm>> -> memref<64xi32, #tpu.memory_space<hbm>>
      %dma_start3A_148 = tpu.memref_slice %arg2[%mul3A_2] : memref<2048xi32, #tpu.memory_space<hbm>> -> memref<64xi32, #tpu.memory_space<hbm>>
      tpu.enqueue_dma source(%dma_start3A_148 : memref<64xi32, #tpu.memory_space<hbm>>) target(%arg11 : memref<64xi32, #tpu.memory_space<vmem>>) target_semaphore(%run_scoped3A : memref<!tpu.dma_semaphore, #tpu.memory_space<semaphore_mem>>)
      %dma_wait3A_149 = tpu.memref_slice %arg2[%mul3A_2] : memref<2048xi32, #tpu.memory_space<hbm>> -> memref<64xi32, #tpu.memory_space<hbm>>
      %dma_wait3A_150 = tpu.memref_slice %arg2[%mul3A_2] : memref<2048xi32, #tpu.memory_space<hbm>> -> memref<64xi32, #tpu.memory_space<hbm>>
      tpu.wait_dma2 semaphore(%run_scoped3A : memref<!tpu.dma_semaphore, #tpu.memory_space<semaphore_mem>>) src(%dma_wait3A_150 : memref<64xi32, #tpu.memory_space<hbm>>) dst(%arg11 : memref<64xi32, #tpu.memory_space<vmem>>)
      tpu.yield
    }) : () -> ()
    "tpu.region"() ({
      %run_scoped3A = tpu.sem_alloc : memref<!tpu.dma_semaphore, #tpu.memory_space<semaphore_mem>>
      %dma_start3A_147 = tpu.memref_slice %arg3[%mul3A_2] : memref<2048xi32, #tpu.memory_space<hbm>> -> memref<64xi32, #tpu.memory_space<hbm>>
      %dma_start3A_148 = tpu.memref_slice %arg3[%mul3A_2] : memref<2048xi32, #tpu.memory_space<hbm>> -> memref<64xi32, #tpu.memory_space<hbm>>
      tpu.enqueue_dma source(%dma_start3A_148 : memref<64xi32, #tpu.memory_space<hbm>>) target(%arg12 : memref<64xi32, #tpu.memory_space<vmem>>) target_semaphore(%run_scoped3A : memref<!tpu.dma_semaphore, #tpu.memory_space<semaphore_mem>>)
      %dma_wait3A_149 = tpu.memref_slice %arg3[%mul3A_2] : memref<2048xi32, #tpu.memory_space<hbm>> -> memref<64xi32, #tpu.memory_space<hbm>>
      %dma_wait3A_150 = tpu.memref_slice %arg3[%mul3A_2] : memref<2048xi32, #tpu.memory_space<hbm>> -> memref<64xi32, #tpu.memory_space<hbm>>
      tpu.wait_dma2 semaphore(%run_scoped3A : memref<!tpu.dma_semaphore, #tpu.memory_space<semaphore_mem>>) src(%dma_wait3A_150 : memref<64xi32, #tpu.memory_space<hbm>>) dst(%arg12 : memref<64xi32, #tpu.memory_space<vmem>>)
      tpu.yield
    }) : () -> ()
    "tpu.region"() ({
      %run_scoped3A = tpu.sem_alloc : memref<!tpu.dma_semaphore, #tpu.memory_space<semaphore_mem>>
      %dma_start3A_147 = tpu.memref_slice %arg4[%mul3A_2] : memref<2048xi32, #tpu.memory_space<hbm>> -> memref<64xi32, #tpu.memory_space<hbm>>
      %dma_start3A_148 = tpu.memref_slice %arg4[%mul3A_2] : memref<2048xi32, #tpu.memory_space<hbm>> -> memref<64xi32, #tpu.memory_space<hbm>>
      tpu.enqueue_dma source(%dma_start3A_148 : memref<64xi32, #tpu.memory_space<hbm>>) target(%arg13 : memref<64xi32, #tpu.memory_space<vmem>>) target_semaphore(%run_scoped3A : memref<!tpu.dma_semaphore, #tpu.memory_space<semaphore_mem>>)
      %dma_wait3A_149 = tpu.memref_slice %arg4[%mul3A_2] : memref<2048xi32, #tpu.memory_space<hbm>> -> memref<64xi32, #tpu.memory_space<hbm>>
      %dma_wait3A_150 = tpu.memref_slice %arg4[%mul3A_2] : memref<2048xi32, #tpu.memory_space<hbm>> -> memref<64xi32, #tpu.memory_space<hbm>>
      tpu.wait_dma2 semaphore(%run_scoped3A : memref<!tpu.dma_semaphore, #tpu.memory_space<semaphore_mem>>) src(%dma_wait3A_150 : memref<64xi32, #tpu.memory_space<hbm>>) dst(%arg13 : memref<64xi32, #tpu.memory_space<vmem>>)
      tpu.yield
    }) : () -> ()
    "tpu.region"() ({
      %run_scoped3A = tpu.sem_alloc : memref<!tpu.dma_semaphore, #tpu.memory_space<semaphore_mem>>
      %dma_start3A_147 = tpu.memref_slice %arg5[%mul3A_2] : memref<2048xi32, #tpu.memory_space<hbm>> -> memref<64xi32, #tpu.memory_space<hbm>>
      %dma_start3A_148 = tpu.memref_slice %arg5[%mul3A_2] : memref<2048xi32, #tpu.memory_space<hbm>> -> memref<64xi32, #tpu.memory_space<hbm>>
      tpu.enqueue_dma source(%dma_start3A_148 : memref<64xi32, #tpu.memory_space<hbm>>) target(%arg14 : memref<64xi32, #tpu.memory_space<vmem>>) target_semaphore(%run_scoped3A : memref<!tpu.dma_semaphore, #tpu.memory_space<semaphore_mem>>)
      %dma_wait3A_149 = tpu.memref_slice %arg5[%mul3A_2] : memref<2048xi32, #tpu.memory_space<hbm>> -> memref<64xi32, #tpu.memory_space<hbm>>
      %dma_wait3A_150 = tpu.memref_slice %arg5[%mul3A_2] : memref<2048xi32, #tpu.memory_space<hbm>> -> memref<64xi32, #tpu.memory_space<hbm>>
      tpu.wait_dma2 semaphore(%run_scoped3A : memref<!tpu.dma_semaphore, #tpu.memory_space<semaphore_mem>>) src(%dma_wait3A_150 : memref<64xi32, #tpu.memory_space<hbm>>) dst(%arg14 : memref<64xi32, #tpu.memory_space<vmem>>)
      tpu.yield
    }) : () -> ()
    %get3A = arith.constant 0 : index
    %get3A_3 = tpu.vector_load %arg11[%get3A] {strides = array<i32>} : memref<64xi32, #tpu.memory_space<vmem>>, vector<16xi32>,
    %get3A_4 = arith.constant 0 : index
    %get3A_5 = tpu.vector_load %arg12[%get3A_4] {strides = array<i32>} : memref<64xi32, #tpu.memory_space<vmem>>, vector<16xi32>,
    %get3A_6 = arith.constant 0 : index
    %get3A_7 = tpu.vector_load %arg13[%get3A_6] {strides = array<i32>} : memref<64xi32, #tpu.memory_space<vmem>>, vector<16xi32>,
    %get3A_8 = arith.constant 0 : index
    %get3A_9 = tpu.vector_load %arg14[%get3A_8] {strides = array<i32>} : memref<64xi32, #tpu.memory_space<vmem>>, vector<16xi32>,
    %mul3A_10 = arith.constant 4096 : i32
    %mul3A_11 = vector.broadcast %mul3A_10 : i32 to vector<16xi32>
    %mul3A_12 = arith.muli %get3A_3, %mul3A_11 : vector<16xi32>
    %add3A_13 = arith.addi %mul3A_12, %get3A_5 : vector<16xi32>
    %swap3A = arith.constant 0 : index
    %swap3A_14 = tpu.vector_load %arg15[%swap3A] {strides = array<i32>} : memref<64xi32, #tpu.memory_space<vmem>>, vector<16xi32>,
    tpu.vector_store %arg15[%swap3A], %add3A_13 {strides = array<i32>} : memref<64xi32, #tpu.memory_space<vmem>>, vector<16xi32>,
    %add3A_15 = arith.constant 24576 : i32
    %add3A_16 = vector.broadcast %add3A_15 : i32 to vector<16xi32>
    %add3A_17 = arith.addi %add3A_13, %add3A_16 : vector<16xi32>
    %swap3A_18 = arith.constant 0 : index
    %swap3A_19 = tpu.vector_load %arg16[%swap3A_18] {strides = array<i32>} : memref<64xi32, #tpu.memory_space<vmem>>, vector<16xi32>,
    tpu.vector_store %arg16[%swap3A_18], %add3A_17 {strides = array<i32>} : memref<64xi32, #tpu.memory_space<vmem>>, vector<16xi32>,
    %add3A_20 = arith.constant 49152 : i32
    %add3A_21 = vector.broadcast %add3A_20 : i32 to vector<16xi32>
    %add3A_22 = arith.addi %add3A_13, %add3A_21 : vector<16xi32>
    %swap3A_23 = arith.constant 0 : index
    %swap3A_24 = tpu.vector_load %arg17[%swap3A_23] {strides = array<i32>} : memref<64xi32, #tpu.memory_space<vmem>>, vector<16xi32>,
    tpu.vector_store %arg17[%swap3A_23], %add3A_22 {strides = array<i32>} : memref<64xi32, #tpu.memory_space<vmem>>, vector<16xi32>,
    %mul3A_25 = arith.constant 65536 : i32
    %mul3A_26 = vector.broadcast %mul3A_25 : i32 to vector<16xi32>
    %mul3A_27 = arith.muli %get3A_3, %mul3A_26 : vector<16xi32>
    %mul3A_28 = arith.constant 256 : i32
    %mul3A_29 = vector.broadcast %mul3A_28 : i32 to vector<16xi32>
    %mul3A_30 = arith.muli %get3A_9, %mul3A_29 : vector<16xi32>
    %add3A_31 = arith.addi %mul3A_27, %mul3A_30 : vector<16xi32>
    %add3A_32 = arith.addi %add3A_31, %get3A_7 : vector<16xi32>
    %swap3A_33 = arith.constant 0 : index
    %swap3A_34 = tpu.vector_load %arg18[%swap3A_33] {strides = array<i32>} : memref<64xi32, #tpu.memory_space<vmem>>, vector<16xi32>,
    tpu.vector_store %arg18[%swap3A_33], %add3A_32 {strides = array<i32>} : memref<64xi32, #tpu.memory_space<vmem>>, vector<16xi32>,
    %get3A_35 = arith.constant 16 : index
    %get3A_36 = tpu.vector_load %arg11[%get3A_35] {strides = array<i32>} : memref<64xi32, #tpu.memory_space<vmem>>, vector<16xi32>,
    %get3A_37 = arith.constant 16 : index
    %get3A_38 = tpu.vector_load %arg12[%get3A_37] {strides = array<i32>} : memref<64xi32, #tpu.memory_space<vmem>>, vector<16xi32>,
    %get3A_39 = arith.constant 16 : index
    %get3A_40 = tpu.vector_load %arg13[%get3A_39] {strides = array<i32>} : memref<64xi32, #tpu.memory_space<vmem>>, vector<16xi32>,
    %get3A_41 = arith.constant 16 : index
    %get3A_42 = tpu.vector_load %arg14[%get3A_41] {strides = array<i32>} : memref<64xi32, #tpu.memory_space<vmem>>, vector<16xi32>,
    %mul3A_43 = arith.constant 4096 : i32
    %mul3A_44 = vector.broadcast %mul3A_43 : i32 to vector<16xi32>
    %mul3A_45 = arith.muli %get3A_36, %mul3A_44 : vector<16xi32>
    %add3A_46 = arith.addi %mul3A_45, %get3A_38 : vector<16xi32>
    %swap3A_47 = arith.constant 16 : index
    %swap3A_48 = tpu.vector_load %arg15[%swap3A_47] {strides = array<i32>} : memref<64xi32, #tpu.memory_space<vmem>>, vector<16xi32>,
    tpu.vector_store %arg15[%swap3A_47], %add3A_46 {strides = array<i32>} : memref<64xi32, #tpu.memory_space<vmem>>, vector<16xi32>,
    %add3A_49 = arith.constant 24576 : i32
    %add3A_50 = vector.broadcast %add3A_49 : i32 to vector<16xi32>
    %add3A_51 = arith.addi %add3A_46, %add3A_50 : vector<16xi32>
    %swap3A_52 = arith.constant 16 : index
    %swap3A_53 = tpu.vector_load %arg16[%swap3A_52] {strides = array<i32>} : memref<64xi32, #tpu.memory_space<vmem>>, vector<16xi32>,
    tpu.vector_store %arg16[%swap3A_52], %add3A_51 {strides = array<i32>} : memref<64xi32, #tpu.memory_space<vmem>>, vector<16xi32>,
    %add3A_54 = arith.constant 49152 : i32
    %add3A_55 = vector.broadcast %add3A_54 : i32 to vector<16xi32>
    %add3A_56 = arith.addi %add3A_46, %add3A_55 : vector<16xi32>
    %swap3A_57 = arith.constant 16 : index
    %swap3A_58 = tpu.vector_load %arg17[%swap3A_57] {strides = array<i32>} : memref<64xi32, #tpu.memory_space<vmem>>, vector<16xi32>,
    tpu.vector_store %arg17[%swap3A_57], %add3A_56 {strides = array<i32>} : memref<64xi32, #tpu.memory_space<vmem>>, vector<16xi32>,
    %mul3A_59 = arith.constant 65536 : i32
    %mul3A_60 = vector.broadcast %mul3A_59 : i32 to vector<16xi32>
    %mul3A_61 = arith.muli %get3A_36, %mul3A_60 : vector<16xi32>
    %mul3A_62 = arith.constant 256 : i32
    %mul3A_63 = vector.broadcast %mul3A_62 : i32 to vector<16xi32>
    %mul3A_64 = arith.muli %get3A_42, %mul3A_63 : vector<16xi32>
    %add3A_65 = arith.addi %mul3A_61, %mul3A_64 : vector<16xi32>
    %add3A_66 = arith.addi %add3A_65, %get3A_40 : vector<16xi32>
    %swap3A_67 = arith.constant 16 : index
    %swap3A_68 = tpu.vector_load %arg18[%swap3A_67] {strides = array<i32>} : memref<64xi32, #tpu.memory_space<vmem>>, vector<16xi32>,
    tpu.vector_store %arg18[%swap3A_67], %add3A_66 {strides = array<i32>} : memref<64xi32, #tpu.memory_space<vmem>>, vector<16xi32>,
    %get3A_69 = arith.constant 32 : index
    %get3A_70 = tpu.vector_load %arg11[%get3A_69] {strides = array<i32>} : memref<64xi32, #tpu.memory_space<vmem>>, vector<16xi32>,
    %get3A_71 = arith.constant 32 : index
    %get3A_72 = tpu.vector_load %arg12[%get3A_71] {strides = array<i32>} : memref<64xi32, #tpu.memory_space<vmem>>, vector<16xi32>,
    %get3A_73 = arith.constant 32 : index
    %get3A_74 = tpu.vector_load %arg13[%get3A_73] {strides = array<i32>} : memref<64xi32, #tpu.memory_space<vmem>>, vector<16xi32>,
    %get3A_75 = arith.constant 32 : index
    %get3A_76 = tpu.vector_load %arg14[%get3A_75] {strides = array<i32>} : memref<64xi32, #tpu.memory_space<vmem>>, vector<16xi32>,
    %mul3A_77 = arith.constant 4096 : i32
    %mul3A_78 = vector.broadcast %mul3A_77 : i32 to vector<16xi32>
    %mul3A_79 = arith.muli %get3A_70, %mul3A_78 : vector<16xi32>
    %add3A_80 = arith.addi %mul3A_79, %get3A_72 : vector<16xi32>
    %swap3A_81 = arith.constant 32 : index
    %swap3A_82 = tpu.vector_load %arg15[%swap3A_81] {strides = array<i32>} : memref<64xi32, #tpu.memory_space<vmem>>, vector<16xi32>,
    tpu.vector_store %arg15[%swap3A_81], %add3A_80 {strides = array<i32>} : memref<64xi32, #tpu.memory_space<vmem>>, vector<16xi32>,
    %add3A_83 = arith.constant 24576 : i32
    %add3A_84 = vector.broadcast %add3A_83 : i32 to vector<16xi32>
    %add3A_85 = arith.addi %add3A_80, %add3A_84 : vector<16xi32>
    %swap3A_86 = arith.constant 32 : index
    %swap3A_87 = tpu.vector_load %arg16[%swap3A_86] {strides = array<i32>} : memref<64xi32, #tpu.memory_space<vmem>>, vector<16xi32>,
    tpu.vector_store %arg16[%swap3A_86], %add3A_85 {strides = array<i32>} : memref<64xi32, #tpu.memory_space<vmem>>, vector<16xi32>,
    %add3A_88 = arith.constant 49152 : i32
    %add3A_89 = vector.broadcast %add3A_88 : i32 to vector<16xi32>
    %add3A_90 = arith.addi %add3A_80, %add3A_89 : vector<16xi32>
    %swap3A_91 = arith.constant 32 : index
    %swap3A_92 = tpu.vector_load %arg17[%swap3A_91] {strides = array<i32>} : memref<64xi32, #tpu.memory_space<vmem>>, vector<16xi32>,
    tpu.vector_store %arg17[%swap3A_91], %add3A_90 {strides = array<i32>} : memref<64xi32, #tpu.memory_space<vmem>>, vector<16xi32>,
    %mul3A_93 = arith.constant 65536 : i32
    %mul3A_94 = vector.broadcast %mul3A_93 : i32 to vector<16xi32>
    %mul3A_95 = arith.muli %get3A_70, %mul3A_94 : vector<16xi32>
    %mul3A_96 = arith.constant 256 : i32
    %mul3A_97 = vector.broadcast %mul3A_96 : i32 to vector<16xi32>
    %mul3A_98 = arith.muli %get3A_76, %mul3A_97 : vector<16xi32>
    %add3A_99 = arith.addi %mul3A_95, %mul3A_98 : vector<16xi32>
    %add3A_100 = arith.addi %add3A_99, %get3A_74 : vector<16xi32>
    %swap3A_101 = arith.constant 32 : index
    %swap3A_102 = tpu.vector_load %arg18[%swap3A_101] {strides = array<i32>} : memref<64xi32, #tpu.memory_space<vmem>>, vector<16xi32>,
    tpu.vector_store %arg18[%swap3A_101], %add3A_100 {strides = array<i32>} : memref<64xi32, #tpu.memory_space<vmem>>, vector<16xi32>,
    %get3A_103 = arith.constant 48 : index
    %get3A_104 = tpu.vector_load %arg11[%get3A_103] {strides = array<i32>} : memref<64xi32, #tpu.memory_space<vmem>>, vector<16xi32>,
    %get3A_105 = arith.constant 48 : index
    %get3A_106 = tpu.vector_load %arg12[%get3A_105] {strides = array<i32>} : memref<64xi32, #tpu.memory_space<vmem>>, vector<16xi32>,
    %get3A_107 = arith.constant 48 : index
    %get3A_108 = tpu.vector_load %arg13[%get3A_107] {strides = array<i32>} : memref<64xi32, #tpu.memory_space<vmem>>, vector<16xi32>,
    %get3A_109 = arith.constant 48 : index
    %get3A_110 = tpu.vector_load %arg14[%get3A_109] {strides = array<i32>} : memref<64xi32, #tpu.memory_space<vmem>>, vector<16xi32>,
    %mul3A_111 = arith.constant 4096 : i32
    %mul3A_112 = vector.broadcast %mul3A_111 : i32 to vector<16xi32>
    %mul3A_113 = arith.muli %get3A_104, %mul3A_112 : vector<16xi32>
    %add3A_114 = arith.addi %mul3A_113, %get3A_106 : vector<16xi32>
    %swap3A_115 = arith.constant 48 : index
    %swap3A_116 = tpu.vector_load %arg15[%swap3A_115] {strides = array<i32>} : memref<64xi32, #tpu.memory_space<vmem>>, vector<16xi32>,
    tpu.vector_store %arg15[%swap3A_115], %add3A_114 {strides = array<i32>} : memref<64xi32, #tpu.memory_space<vmem>>, vector<16xi32>,
    %add3A_117 = arith.constant 24576 : i32
    %add3A_118 = vector.broadcast %add3A_117 : i32 to vector<16xi32>
    %add3A_119 = arith.addi %add3A_114, %add3A_118 : vector<16xi32>
    %swap3A_120 = arith.constant 48 : index
    %swap3A_121 = tpu.vector_load %arg16[%swap3A_120] {strides = array<i32>} : memref<64xi32, #tpu.memory_space<vmem>>, vector<16xi32>,
    tpu.vector_store %arg16[%swap3A_120], %add3A_119 {strides = array<i32>} : memref<64xi32, #tpu.memory_space<vmem>>, vector<16xi32>,
    %add3A_122 = arith.constant 49152 : i32
    %add3A_123 = vector.broadcast %add3A_122 : i32 to vector<16xi32>
    %add3A_124 = arith.addi %add3A_114, %add3A_123 : vector<16xi32>
    %swap3A_125 = arith.constant 48 : index
    %swap3A_126 = tpu.vector_load %arg17[%swap3A_125] {strides = array<i32>} : memref<64xi32, #tpu.memory_space<vmem>>, vector<16xi32>,
    tpu.vector_store %arg17[%swap3A_125], %add3A_124 {strides = array<i32>} : memref<64xi32, #tpu.memory_space<vmem>>, vector<16xi32>,
    %mul3A_127 = arith.constant 65536 : i32
    %mul3A_128 = vector.broadcast %mul3A_127 : i32 to vector<16xi32>
    %mul3A_129 = arith.muli %get3A_104, %mul3A_128 : vector<16xi32>
    %mul3A_130 = arith.constant 256 : i32
    %mul3A_131 = vector.broadcast %mul3A_130 : i32 to vector<16xi32>
    %mul3A_132 = arith.muli %get3A_110, %mul3A_131 : vector<16xi32>
    %add3A_133 = arith.addi %mul3A_129, %mul3A_132 : vector<16xi32>
    %add3A_134 = arith.addi %add3A_133, %get3A_108 : vector<16xi32>
    %swap3A_135 = arith.constant 48 : index
    %swap3A_136 = tpu.vector_load %arg18[%swap3A_135] {strides = array<i32>} : memref<64xi32, #tpu.memory_space<vmem>>, vector<16xi32>,
    tpu.vector_store %arg18[%swap3A_135], %add3A_134 {strides = array<i32>} : memref<64xi32, #tpu.memory_space<vmem>>, vector<16xi32>,
    %dma_start3A = arith.constant 0 : i32
    %dma_start3A_137 = tpu.memref_slice %arg6[%dma_start3A] : memref<73728xf32, #tpu.memory_space<hbm>> -> memref<73728xf32, #tpu.memory_space<hbm>>
    tpu.enqueue_indirect_dma source(%dma_start3A_137 : memref<73728xf32, #tpu.memory_space<hbm>>) target(%arg19 : memref<64xf32, #tpu.memory_space<vmem>>) offsets(%arg15 : memref<64xi32, #tpu.memory_space<vmem>>) semaphore(%arg22 : memref<!tpu.dma_semaphore, #tpu.memory_space<semaphore_mem>>)
    %dma_start3A_138 = arith.constant 0 : i32
    %dma_start3A_139 = tpu.memref_slice %arg6[%dma_start3A_138] : memref<73728xf32, #tpu.memory_space<hbm>> -> memref<73728xf32, #tpu.memory_space<hbm>>
    tpu.enqueue_indirect_dma source(%dma_start3A_139 : memref<73728xf32, #tpu.memory_space<hbm>>) target(%arg20 : memref<64xf32, #tpu.memory_space<vmem>>) offsets(%arg16 : memref<64xi32, #tpu.memory_space<vmem>>) semaphore(%arg23 : memref<!tpu.dma_semaphore, #tpu.memory_space<semaphore_mem>>)
    %dma_start3A_140 = arith.constant 0 : i32
    %dma_start3A_141 = tpu.memref_slice %arg6[%dma_start3A_140] : memref<73728xf32, #tpu.memory_space<hbm>> -> memref<73728xf32, #tpu.memory_space<hbm>>
    tpu.enqueue_indirect_dma source(%dma_start3A_141 : memref<73728xf32, #tpu.memory_space<hbm>>) target(%arg21 : memref<64xf32, #tpu.memory_space<vmem>>) offsets(%arg17 : memref<64xi32, #tpu.memory_space<vmem>>) semaphore(%arg24 : memref<!tpu.dma_semaphore, #tpu.memory_space<semaphore_mem>>)
    %dma_wait3A = arith.constant 0 : i32
    %dma_wait3A_142 = tpu.memref_slice %arg6[%dma_wait3A] : memref<73728xf32, #tpu.memory_space<hbm>> -> memref<73728xf32, #tpu.memory_space<hbm>>
    tpu.wait_indirect_dma semaphore(%arg22 : memref<!tpu.dma_semaphore, #tpu.memory_space<semaphore_mem>>) src(%dma_wait3A_142 : memref<73728xf32, #tpu.memory_space<hbm>>) dst(%arg19 : memref<64xf32, #tpu.memory_space<vmem>>)
    %dma_wait3A_143 = arith.constant 0 : i32
    %dma_wait3A_144 = tpu.memref_slice %arg6[%dma_wait3A_143] : memref<73728xf32, #tpu.memory_space<hbm>> -> memref<73728xf32, #tpu.memory_space<hbm>>
    tpu.wait_indirect_dma semaphore(%arg23 : memref<!tpu.dma_semaphore, #tpu.memory_space<semaphore_mem>>) src(%dma_wait3A_144 : memref<73728xf32, #tpu.memory_space<hbm>>) dst(%arg20 : memref<64xf32, #tpu.memory_space<vmem>>)
    %dma_wait3A_145 = arith.constant 0 : i32
    %dma_wait3A_146 = tpu.memref_slice %arg6[%dma_wait3A_145] : memref<73728xf32, #tpu.memory_space<hbm>> -> memref<73728xf32, #tpu.memory_space<hbm>>
    tpu.wait_indirect_dma semaphore(%arg24 : memref<!tpu.dma_semaphore, #tpu.memory_space<semaphore_mem>>) src(%dma_wait3A_146 : memref<73728xf32, #tpu.memory_space<hbm>>) dst(%arg21 : memref<64xf32, #tpu.memory_space<vmem>>)
    "tpu.region"() ({
      %run_scoped3A = tpu.sem_alloc : memref<!tpu.dma_semaphore, #tpu.memory_space<semaphore_mem>>
      %dma_start3A_147 = tpu.memref_slice %arg7[%mul3A_2] : memref<2048xf32, #tpu.memory_space<hbm>> -> memref<64xf32, #tpu.memory_space<hbm>>
      %dma_start3A_148 = tpu.memref_slice %arg7[%mul3A_2] : memref<2048xf32, #tpu.memory_space<hbm>> -> memref<64xf32, #tpu.memory_space<hbm>>
      tpu.enqueue_dma source(%arg19 : memref<64xf32, #tpu.memory_space<vmem>>) target(%dma_start3A_148 : memref<64xf32, #tpu.memory_space<hbm>>) target_semaphore(%run_scoped3A : memref<!tpu.dma_semaphore, #tpu.memory_space<semaphore_mem>>)
      %dma_wait3A_149 = tpu.memref_slice %arg7[%mul3A_2] : memref<2048xf32, #tpu.memory_space<hbm>> -> memref<64xf32, #tpu.memory_space<hbm>>
      %dma_wait3A_150 = tpu.memref_slice %arg7[%mul3A_2] : memref<2048xf32, #tpu.memory_space<hbm>> -> memref<64xf32, #tpu.memory_space<hbm>>
      tpu.wait_dma2 semaphore(%run_scoped3A : memref<!tpu.dma_semaphore, #tpu.memory_space<semaphore_mem>>) src(%arg19 : memref<64xf32, #tpu.memory_space<vmem>>) dst(%dma_wait3A_150 : memref<64xf32, #tpu.memory_space<hbm>>)
      tpu.yield
    }) : () -> ()
    "tpu.region"() ({
      %run_scoped3A = tpu.sem_alloc : memref<!tpu.dma_semaphore, #tpu.memory_space<semaphore_mem>>
      %dma_start3A_147 = tpu.memref_slice %arg8[%mul3A_2] : memref<2048xf32, #tpu.memory_space<hbm>> -> memref<64xf32, #tpu.memory_space<hbm>>
      %dma_start3A_148 = tpu.memref_slice %arg8[%mul3A_2] : memref<2048xf32, #tpu.memory_space<hbm>> -> memref<64xf32, #tpu.memory_space<hbm>>
      tpu.enqueue_dma source(%arg20 : memref<64xf32, #tpu.memory_space<vmem>>) target(%dma_start3A_148 : memref<64xf32, #tpu.memory_space<hbm>>) target_semaphore(%run_scoped3A : memref<!tpu.dma_semaphore, #tpu.memory_space<semaphore_mem>>)
      %dma_wait3A_149 = tpu.memref_slice %arg8[%mul3A_2] : memref<2048xf32, #tpu.memory_space<hbm>> -> memref<64xf32, #tpu.memory_space<hbm>>
      %dma_wait3A_150 = tpu.memref_slice %arg8[%mul3A_2] : memref<2048xf32, #tpu.memory_space<hbm>> -> memref<64xf32, #tpu.memory_space<hbm>>
      tpu.wait_dma2 semaphore(%run_scoped3A : memref<!tpu.dma_semaphore, #tpu.memory_space<semaphore_mem>>) src(%arg20 : memref<64xf32, #tpu.memory_space<vmem>>) dst(%dma_wait3A_150 : memref<64xf32, #tpu.memory_space<hbm>>)
      tpu.yield
    }) : () -> ()
    "tpu.region"() ({
      %run_scoped3A = tpu.sem_alloc : memref<!tpu.dma_semaphore, #tpu.memory_space<semaphore_mem>>
      %dma_start3A_147 = tpu.memref_slice %arg9[%mul3A_2] : memref<2048xf32, #tpu.memory_space<hbm>> -> memref<64xf32, #tpu.memory_space<hbm>>
      %dma_start3A_148 = tpu.memref_slice %arg9[%mul3A_2] : memref<2048xf32, #tpu.memory_space<hbm>> -> memref<64xf32, #tpu.memory_space<hbm>>
      tpu.enqueue_dma source(%arg21 : memref<64xf32, #tpu.memory_space<vmem>>) target(%dma_start3A_148 : memref<64xf32, #tpu.memory_space<hbm>>) target_semaphore(%run_scoped3A : memref<!tpu.dma_semaphore, #tpu.memory_space<semaphore_mem>>)
      %dma_wait3A_149 = tpu.memref_slice %arg9[%mul3A_2] : memref<2048xf32, #tpu.memory_space<hbm>> -> memref<64xf32, #tpu.memory_space<hbm>>
      %dma_wait3A_150 = tpu.memref_slice %arg9[%mul3A_2] : memref<2048xf32, #tpu.memory_space<hbm>> -> memref<64xf32, #tpu.memory_space<hbm>>
      tpu.wait_dma2 semaphore(%run_scoped3A : memref<!tpu.dma_semaphore, #tpu.memory_space<semaphore_mem>>) src(%arg21 : memref<64xf32, #tpu.memory_space<vmem>>) dst(%dma_wait3A_150 : memref<64xf32, #tpu.memory_space<hbm>>)
      tpu.yield
    }) : () -> ()
    "tpu.region"() ({
      %run_scoped3A = tpu.sem_alloc : memref<!tpu.dma_semaphore, #tpu.memory_space<semaphore_mem>>
      %dma_start3A_147 = tpu.memref_slice %arg10[%mul3A_2] : memref<2048xi32, #tpu.memory_space<hbm>> -> memref<64xi32, #tpu.memory_space<hbm>>
      %dma_start3A_148 = tpu.memref_slice %arg10[%mul3A_2] : memref<2048xi32, #tpu.memory_space<hbm>> -> memref<64xi32, #tpu.memory_space<hbm>>
      tpu.enqueue_dma source(%arg18 : memref<64xi32, #tpu.memory_space<vmem>>) target(%dma_start3A_148 : memref<64xi32, #tpu.memory_space<hbm>>) target_semaphore(%run_scoped3A : memref<!tpu.dma_semaphore, #tpu.memory_space<semaphore_mem>>)
      %dma_wait3A_149 = tpu.memref_slice %arg10[%mul3A_2] : memref<2048xi32, #tpu.memory_space<hbm>> -> memref<64xi32, #tpu.memory_space<hbm>>
      %dma_wait3A_150 = tpu.memref_slice %arg10[%mul3A_2] : memref<2048xi32, #tpu.memory_space<hbm>> -> memref<64xi32, #tpu.memory_space<hbm>>
      tpu.wait_dma2 semaphore(%run_scoped3A : memref<!tpu.dma_semaphore, #tpu.memory_space<semaphore_mem>>) src(%arg18 : memref<64xi32, #tpu.memory_space<vmem>>) dst(%dma_wait3A_150 : memref<64xi32, #tpu.memory_space<hbm>>)
      tpu.yield
    }) : () -> ()
    return
  }
}

#map = affine_map<(d0, d1) -> (0, 0, 0)>
#map1 = affine_map<(d0, d1) -> (0)>
module attributes {stable_mosaic.version = 14 : i64} {
  func.func @_scat_body(%arg0: i32, %arg1: i32, %arg2: memref<6x256x256xf32, #tpu.memory_space<hbm>>, %arg3: memref<6x256x256xf32, #tpu.memory_space<hbm>>, %arg4: memref<2048xi32, #tpu.memory_space<hbm>>, %arg5: memref<2048xf32, #tpu.memory_space<hbm>>, %arg6: memref<2048xf32, #tpu.memory_space<hbm>>, %arg7: memref<2048xf32, #tpu.memory_space<hbm>>, %arg8: memref<6x256x256xf32, #tpu.memory_space<hbm>>, %arg9: memref<6x256x256xf32, #tpu.memory_space<hbm>>, %arg10: memref<6x256x256xf32, #tpu.memory_space<hbm>>, %arg11: memref<48x256xf32, #tpu.memory_space<vmem>>, %arg12: memref<48x256xf32, #tpu.memory_space<vmem>>, %arg13: memref<2048xi32, #tpu.memory_space<vmem>>, %arg14: memref<2048xf32, #tpu.memory_space<vmem>>, %arg15: memref<2048xf32, #tpu.memory_space<vmem>>, %arg16: memref<2048xf32, #tpu.memory_space<vmem>>, %arg17: memref<2064xi32, #tpu.memory_space<vmem>>, %arg18: memref<!tpu.dma_semaphore, #tpu.memory_space<semaphore_mem>>, %arg19: memref<!tpu.dma_semaphore, #tpu.memory_space<semaphore_mem>>, %arg20: memref<!tpu.dma_semaphore, #tpu.memory_space<semaphore_mem>>) attributes {dimension_semantics = [#tpu.dimension_semantics<core_parallel>, #tpu.dimension_semantics<subcore_parallel>], iteration_bounds = array<i64: 2, 16>, scalar_prefetch = 0 : i64, scratch_operands = 10 : i64, tpu.core_type = #tpu.core_type<sc_vector_subcore>, window_params = [{transform_indices = #map}, {transform_indices = #map}, {transform_indices = #map1}, {transform_indices = #map1}, {transform_indices = #map1}, {transform_indices = #map1}, {transform_indices = #map}, {transform_indices = #map}, {transform_indices = #map}]} {
    %mul3A = arith.constant 2 : i32
    %mul3A_0 = arith.muli %arg1, %mul3A : i32
    %add3A = arith.addi %mul3A_0, %arg0 : i32
    %mul3A_1 = arith.constant 48 : i32
    %mul3A_2 = arith.muli %add3A, %mul3A_1 : i32
    %add3A_3 = arith.constant 0 : i32
    %add3A_4 = arith.addi %mul3A_2, %add3A_3 : i32
    %div3A = arith.constant 256 : i32
    %div3A_5 = arith.divsi %add3A_4, %div3A : i32
    %rem3A = arith.constant 256 : i32
    %rem3A_6 = arith.remsi %add3A_4, %rem3A : i32
    %dma_start3A = arith.constant 0 : i32
    %dma_start3A_7 = arith.constant 0 : i32
    %dma_start3A_8 = tpu.memref_slice %arg11[%dma_start3A, %dma_start3A_7] : memref<48x256xf32, #tpu.memory_space<vmem>> -> memref<16x256xf32, #tpu.memory_space<vmem>>
    %dma_start3A_9 = arith.constant 0 : i32
    %dma_start3A_10 = tpu.memref_slice %arg2[%div3A_5, %rem3A_6, %dma_start3A_9] : memref<6x256x256xf32, #tpu.memory_space<hbm>> -> memref<1x16x256xf32, #tpu.memory_space<hbm>>
    %dma_start3A_11 = tpu.memref_squeeze %dma_start3A_10 : memref<1x16x256xf32, #tpu.memory_space<hbm>> -> memref<16x256xf32, #tpu.memory_space<hbm>>
    %dma_start3A_12 = arith.constant 0 : i32
    %dma_start3A_13 = arith.constant 0 : i32
    %dma_start3A_14 = tpu.memref_slice %arg11[%dma_start3A_12, %dma_start3A_13] : memref<48x256xf32, #tpu.memory_space<vmem>> -> memref<16x256xf32, #tpu.memory_space<vmem>>
    %dma_start3A_15 = arith.constant 0 : i32
    %dma_start3A_16 = tpu.memref_slice %arg2[%div3A_5, %rem3A_6, %dma_start3A_15] : memref<6x256x256xf32, #tpu.memory_space<hbm>> -> memref<1x16x256xf32, #tpu.memory_space<hbm>>
    %dma_start3A_17 = tpu.memref_squeeze %dma_start3A_16 : memref<1x16x256xf32, #tpu.memory_space<hbm>> -> memref<16x256xf32, #tpu.memory_space<hbm>>
    tpu.enqueue_dma source(%dma_start3A_17 : memref<16x256xf32, #tpu.memory_space<hbm>>) target(%dma_start3A_14 : memref<16x256xf32, #tpu.memory_space<vmem>>) target_semaphore(%arg18 : memref<!tpu.dma_semaphore, #tpu.memory_space<semaphore_mem>>)
    %dma_start3A_18 = arith.constant 0 : i32
    %dma_start3A_19 = arith.constant 0 : i32
    %dma_start3A_20 = tpu.memref_slice %arg12[%dma_start3A_18, %dma_start3A_19] : memref<48x256xf32, #tpu.memory_space<vmem>> -> memref<16x256xf32, #tpu.memory_space<vmem>>
    %dma_start3A_21 = arith.constant 0 : i32
    %dma_start3A_22 = tpu.memref_slice %arg3[%div3A_5, %rem3A_6, %dma_start3A_21] : memref<6x256x256xf32, #tpu.memory_space<hbm>> -> memref<1x16x256xf32, #tpu.memory_space<hbm>>
    %dma_start3A_23 = tpu.memref_squeeze %dma_start3A_22 : memref<1x16x256xf32, #tpu.memory_space<hbm>> -> memref<16x256xf32, #tpu.memory_space<hbm>>
    %dma_start3A_24 = arith.constant 0 : i32
    %dma_start3A_25 = arith.constant 0 : i32
    %dma_start3A_26 = tpu.memref_slice %arg12[%dma_start3A_24, %dma_start3A_25] : memref<48x256xf32, #tpu.memory_space<vmem>> -> memref<16x256xf32, #tpu.memory_space<vmem>>
    %dma_start3A_27 = arith.constant 0 : i32
    %dma_start3A_28 = tpu.memref_slice %arg3[%div3A_5, %rem3A_6, %dma_start3A_27] : memref<6x256x256xf32, #tpu.memory_space<hbm>> -> memref<1x16x256xf32, #tpu.memory_space<hbm>>
    %dma_start3A_29 = tpu.memref_squeeze %dma_start3A_28 : memref<1x16x256xf32, #tpu.memory_space<hbm>> -> memref<16x256xf32, #tpu.memory_space<hbm>>
    tpu.enqueue_dma source(%dma_start3A_29 : memref<16x256xf32, #tpu.memory_space<hbm>>) target(%dma_start3A_26 : memref<16x256xf32, #tpu.memory_space<vmem>>) target_semaphore(%arg19 : memref<!tpu.dma_semaphore, #tpu.memory_space<semaphore_mem>>)
    %add3A_30 = arith.constant 16 : i32
    %add3A_31 = arith.addi %mul3A_2, %add3A_30 : i32
    %div3A_32 = arith.constant 256 : i32
    %div3A_33 = arith.divsi %add3A_31, %div3A_32 : i32
    %rem3A_34 = arith.constant 256 : i32
    %rem3A_35 = arith.remsi %add3A_31, %rem3A_34 : i32
    %dma_start3A_36 = arith.constant 16 : i32
    %dma_start3A_37 = arith.constant 0 : i32
    %dma_start3A_38 = tpu.memref_slice %arg11[%dma_start3A_36, %dma_start3A_37] : memref<48x256xf32, #tpu.memory_space<vmem>> -> memref<16x256xf32, #tpu.memory_space<vmem>>
    %dma_start3A_39 = arith.constant 0 : i32
    %dma_start3A_40 = tpu.memref_slice %arg2[%div3A_33, %rem3A_35, %dma_start3A_39] : memref<6x256x256xf32, #tpu.memory_space<hbm>> -> memref<1x16x256xf32, #tpu.memory_space<hbm>>
    %dma_start3A_41 = tpu.memref_squeeze %dma_start3A_40 : memref<1x16x256xf32, #tpu.memory_space<hbm>> -> memref<16x256xf32, #tpu.memory_space<hbm>>
    %dma_start3A_42 = arith.constant 16 : i32
    %dma_start3A_43 = arith.constant 0 : i32
    %dma_start3A_44 = tpu.memref_slice %arg11[%dma_start3A_42, %dma_start3A_43] : memref<48x256xf32, #tpu.memory_space<vmem>> -> memref<16x256xf32, #tpu.memory_space<vmem>>
    %dma_start3A_45 = arith.constant 0 : i32
    %dma_start3A_46 = tpu.memref_slice %arg2[%div3A_33, %rem3A_35, %dma_start3A_45] : memref<6x256x256xf32, #tpu.memory_space<hbm>> -> memref<1x16x256xf32, #tpu.memory_space<hbm>>
    %dma_start3A_47 = tpu.memref_squeeze %dma_start3A_46 : memref<1x16x256xf32, #tpu.memory_space<hbm>> -> memref<16x256xf32, #tpu.memory_space<hbm>>
    tpu.enqueue_dma source(%dma_start3A_47 : memref<16x256xf32, #tpu.memory_space<hbm>>) target(%dma_start3A_44 : memref<16x256xf32, #tpu.memory_space<vmem>>) target_semaphore(%arg18 : memref<!tpu.dma_semaphore, #tpu.memory_space<semaphore_mem>>)
    %dma_start3A_48 = arith.constant 16 : i32
    %dma_start3A_49 = arith.constant 0 : i32
    %dma_start3A_50 = tpu.memref_slice %arg12[%dma_start3A_48, %dma_start3A_49] : memref<48x256xf32, #tpu.memory_space<vmem>> -> memref<16x256xf32, #tpu.memory_space<vmem>>
    %dma_start3A_51 = arith.constant 0 : i32
    %dma_start3A_52 = tpu.memref_slice %arg3[%div3A_33, %rem3A_35, %dma_start3A_51] : memref<6x256x256xf32, #tpu.memory_space<hbm>> -> memref<1x16x256xf32, #tpu.memory_space<hbm>>
    %dma_start3A_53 = tpu.memref_squeeze %dma_start3A_52 : memref<1x16x256xf32, #tpu.memory_space<hbm>> -> memref<16x256xf32, #tpu.memory_space<hbm>>
    %dma_start3A_54 = arith.constant 16 : i32
    %dma_start3A_55 = arith.constant 0 : i32
    %dma_start3A_56 = tpu.memref_slice %arg12[%dma_start3A_54, %dma_start3A_55] : memref<48x256xf32, #tpu.memory_space<vmem>> -> memref<16x256xf32, #tpu.memory_space<vmem>>
    %dma_start3A_57 = arith.constant 0 : i32
    %dma_start3A_58 = tpu.memref_slice %arg3[%div3A_33, %rem3A_35, %dma_start3A_57] : memref<6x256x256xf32, #tpu.memory_space<hbm>> -> memref<1x16x256xf32, #tpu.memory_space<hbm>>
    %dma_start3A_59 = tpu.memref_squeeze %dma_start3A_58 : memref<1x16x256xf32, #tpu.memory_space<hbm>> -> memref<16x256xf32, #tpu.memory_space<hbm>>
    tpu.enqueue_dma source(%dma_start3A_59 : memref<16x256xf32, #tpu.memory_space<hbm>>) target(%dma_start3A_56 : memref<16x256xf32, #tpu.memory_space<vmem>>) target_semaphore(%arg19 : memref<!tpu.dma_semaphore, #tpu.memory_space<semaphore_mem>>)
    %add3A_60 = arith.constant 32 : i32
    %add3A_61 = arith.addi %mul3A_2, %add3A_60 : i32
    %div3A_62 = arith.constant 256 : i32
    %div3A_63 = arith.divsi %add3A_61, %div3A_62 : i32
    %rem3A_64 = arith.constant 256 : i32
    %rem3A_65 = arith.remsi %add3A_61, %rem3A_64 : i32
    %dma_start3A_66 = arith.constant 32 : i32
    %dma_start3A_67 = arith.constant 0 : i32
    %dma_start3A_68 = tpu.memref_slice %arg11[%dma_start3A_66, %dma_start3A_67] : memref<48x256xf32, #tpu.memory_space<vmem>> -> memref<16x256xf32, #tpu.memory_space<vmem>>
    %dma_start3A_69 = arith.constant 0 : i32
    %dma_start3A_70 = tpu.memref_slice %arg2[%div3A_63, %rem3A_65, %dma_start3A_69] : memref<6x256x256xf32, #tpu.memory_space<hbm>> -> memref<1x16x256xf32, #tpu.memory_space<hbm>>
    %dma_start3A_71 = tpu.memref_squeeze %dma_start3A_70 : memref<1x16x256xf32, #tpu.memory_space<hbm>> -> memref<16x256xf32, #tpu.memory_space<hbm>>
    %dma_start3A_72 = arith.constant 32 : i32
    %dma_start3A_73 = arith.constant 0 : i32
    %dma_start3A_74 = tpu.memref_slice %arg11[%dma_start3A_72, %dma_start3A_73] : memref<48x256xf32, #tpu.memory_space<vmem>> -> memref<16x256xf32, #tpu.memory_space<vmem>>
    %dma_start3A_75 = arith.constant 0 : i32
    %dma_start3A_76 = tpu.memref_slice %arg2[%div3A_63, %rem3A_65, %dma_start3A_75] : memref<6x256x256xf32, #tpu.memory_space<hbm>> -> memref<1x16x256xf32, #tpu.memory_space<hbm>>
    %dma_start3A_77 = tpu.memref_squeeze %dma_start3A_76 : memref<1x16x256xf32, #tpu.memory_space<hbm>> -> memref<16x256xf32, #tpu.memory_space<hbm>>
    tpu.enqueue_dma source(%dma_start3A_77 : memref<16x256xf32, #tpu.memory_space<hbm>>) target(%dma_start3A_74 : memref<16x256xf32, #tpu.memory_space<vmem>>) target_semaphore(%arg18 : memref<!tpu.dma_semaphore, #tpu.memory_space<semaphore_mem>>)
    %dma_start3A_78 = arith.constant 32 : i32
    %dma_start3A_79 = arith.constant 0 : i32
    %dma_start3A_80 = tpu.memref_slice %arg12[%dma_start3A_78, %dma_start3A_79] : memref<48x256xf32, #tpu.memory_space<vmem>> -> memref<16x256xf32, #tpu.memory_space<vmem>>
    %dma_start3A_81 = arith.constant 0 : i32
    %dma_start3A_82 = tpu.memref_slice %arg3[%div3A_63, %rem3A_65, %dma_start3A_81] : memref<6x256x256xf32, #tpu.memory_space<hbm>> -> memref<1x16x256xf32, #tpu.memory_space<hbm>>
    %dma_start3A_83 = tpu.memref_squeeze %dma_start3A_82 : memref<1x16x256xf32, #tpu.memory_space<hbm>> -> memref<16x256xf32, #tpu.memory_space<hbm>>
    %dma_start3A_84 = arith.constant 32 : i32
    %dma_start3A_85 = arith.constant 0 : i32
    %dma_start3A_86 = tpu.memref_slice %arg12[%dma_start3A_84, %dma_start3A_85] : memref<48x256xf32, #tpu.memory_space<vmem>> -> memref<16x256xf32, #tpu.memory_space<vmem>>
    %dma_start3A_87 = arith.constant 0 : i32
    %dma_start3A_88 = tpu.memref_slice %arg3[%div3A_63, %rem3A_65, %dma_start3A_87] : memref<6x256x256xf32, #tpu.memory_space<hbm>> -> memref<1x16x256xf32, #tpu.memory_space<hbm>>
    %dma_start3A_89 = tpu.memref_squeeze %dma_start3A_88 : memref<1x16x256xf32, #tpu.memory_space<hbm>> -> memref<16x256xf32, #tpu.memory_space<hbm>>
    tpu.enqueue_dma source(%dma_start3A_89 : memref<16x256xf32, #tpu.memory_space<hbm>>) target(%dma_start3A_86 : memref<16x256xf32, #tpu.memory_space<vmem>>) target_semaphore(%arg19 : memref<!tpu.dma_semaphore, #tpu.memory_space<semaphore_mem>>)
    "tpu.region"() ({
      %run_scoped3A = tpu.sem_alloc : memref<!tpu.dma_semaphore, #tpu.memory_space<semaphore_mem>>
      tpu.enqueue_dma source(%arg4 : memref<2048xi32, #tpu.memory_space<hbm>>) target(%arg13 : memref<2048xi32, #tpu.memory_space<vmem>>) target_semaphore(%run_scoped3A : memref<!tpu.dma_semaphore, #tpu.memory_space<semaphore_mem>>)
      tpu.wait_dma2 semaphore(%run_scoped3A : memref<!tpu.dma_semaphore, #tpu.memory_space<semaphore_mem>>) src(%arg4 : memref<2048xi32, #tpu.memory_space<hbm>>) dst(%arg13 : memref<2048xi32, #tpu.memory_space<vmem>>)
      tpu.yield
    }) : () -> ()
    "tpu.region"() ({
      %run_scoped3A = tpu.sem_alloc : memref<!tpu.dma_semaphore, #tpu.memory_space<semaphore_mem>>
      tpu.enqueue_dma source(%arg5 : memref<2048xf32, #tpu.memory_space<hbm>>) target(%arg14 : memref<2048xf32, #tpu.memory_space<vmem>>) target_semaphore(%run_scoped3A : memref<!tpu.dma_semaphore, #tpu.memory_space<semaphore_mem>>)
      tpu.wait_dma2 semaphore(%run_scoped3A : memref<!tpu.dma_semaphore, #tpu.memory_space<semaphore_mem>>) src(%arg5 : memref<2048xf32, #tpu.memory_space<hbm>>) dst(%arg14 : memref<2048xf32, #tpu.memory_space<vmem>>)
      tpu.yield
    }) : () -> ()
    "tpu.region"() ({
      %run_scoped3A = tpu.sem_alloc : memref<!tpu.dma_semaphore, #tpu.memory_space<semaphore_mem>>
      tpu.enqueue_dma source(%arg6 : memref<2048xf32, #tpu.memory_space<hbm>>) target(%arg15 : memref<2048xf32, #tpu.memory_space<vmem>>) target_semaphore(%run_scoped3A : memref<!tpu.dma_semaphore, #tpu.memory_space<semaphore_mem>>)
      tpu.wait_dma2 semaphore(%run_scoped3A : memref<!tpu.dma_semaphore, #tpu.memory_space<semaphore_mem>>) src(%arg6 : memref<2048xf32, #tpu.memory_space<hbm>>) dst(%arg15 : memref<2048xf32, #tpu.memory_space<vmem>>)
      tpu.yield
    }) : () -> ()
    "tpu.region"() ({
      %run_scoped3A = tpu.sem_alloc : memref<!tpu.dma_semaphore, #tpu.memory_space<semaphore_mem>>
      tpu.enqueue_dma source(%arg7 : memref<2048xf32, #tpu.memory_space<hbm>>) target(%arg16 : memref<2048xf32, #tpu.memory_space<vmem>>) target_semaphore(%run_scoped3A : memref<!tpu.dma_semaphore, #tpu.memory_space<semaphore_mem>>)
      tpu.wait_dma2 semaphore(%run_scoped3A : memref<!tpu.dma_semaphore, #tpu.memory_space<semaphore_mem>>) src(%arg7 : memref<2048xf32, #tpu.memory_space<hbm>>) dst(%arg16 : memref<2048xf32, #tpu.memory_space<vmem>>)
      tpu.yield
    }) : () -> ()
    %iota3A = tpu.iota {dimensions = array<i32: 0>} : vector<16xi32>
    %scan3A = arith.constant 0 : i32
    %scan3A_90 = arith.constant 0 : i32
    %scan3A_91 = arith.constant 128 : i32
    %scan3A_92 = arith.addi %scan3A_90, %scan3A_91 : i32
    %scan3A_93 = arith.constant 1 : i32
    %scan3A_94 = scf.for %scan3A_476 = %scan3A_90 to %scan3A_92 step %scan3A_93 iter_args(%scan3A_477 = %scan3A) -> (i32)  : i32 {
      %mul3A_478 = arith.constant 16 : i32
      %mul3A_479 = arith.muli %scan3A_476, %mul3A_478 : i32
      %get3A = arith.index_cast %mul3A_479 : i32 to index
      %get3A_480 = tpu.vector_load %arg13[%get3A] {strides = array<i32>} : memref<2048xi32, #tpu.memory_space<vmem>>, vector<16xi32>,
      %shift_right_arithmetic3A = arith.constant 8 : i32
      %shift_right_arithmetic3A_481 = vector.broadcast %shift_right_arithmetic3A : i32 to vector<16xi32>
      %shift_right_arithmetic3A_482 = arith.shrsi %get3A_480, %shift_right_arithmetic3A_481 : vector<16xi32>
      %ge3A = vector.broadcast %mul3A_2 : i32 to vector<16xi32>
      %ge3A_483 = arith.cmpi sge, %shift_right_arithmetic3A_482, %ge3A : vector<16xi32>
      %add3A_484 = arith.constant 48 : i32
      %add3A_485 = arith.addi %mul3A_2, %add3A_484 : i32
      %lt3A = vector.broadcast %add3A_485 : i32 to vector<16xi32>
      %lt3A_486 = arith.cmpi slt, %shift_right_arithmetic3A_482, %lt3A : vector<16xi32>
      %and3A = arith.andi %ge3A_483, %lt3A_486 : vector<16xi1>
      %sub3A = vector.broadcast %mul3A_2 : i32 to vector<16xi32>
      %sub3A_487 = arith.subi %shift_right_arithmetic3A_482, %sub3A : vector<16xi32>
      %mul3A_488 = arith.constant 524288 : i32
      %mul3A_489 = vector.broadcast %mul3A_488 : i32 to vector<16xi32>
      %mul3A_490 = arith.muli %sub3A_487, %mul3A_489 : vector<16xi32>
      %and3A_491 = arith.constant 255 : i32
      %and3A_492 = vector.broadcast %and3A_491 : i32 to vector<16xi32>
      %and3A_493 = arith.andi %get3A_480, %and3A_492 : vector<16xi32>
      %mul3A_494 = arith.constant 2048 : i32
      %mul3A_495 = vector.broadcast %mul3A_494 : i32 to vector<16xi32>
      %mul3A_496 = arith.muli %and3A_493, %mul3A_495 : vector<16xi32>
      %add3A_497 = arith.addi %mul3A_490, %mul3A_496 : vector<16xi32>
      %mul3A_498 = arith.constant 16 : i32
      %mul3A_499 = arith.muli %scan3A_476, %mul3A_498 : i32
      %add3A_500 = vector.broadcast %mul3A_499 : i32 to vector<16xi32>
      %add3A_501 = arith.addi %add3A_497, %add3A_500 : vector<16xi32>
      %add3A_502 = arith.addi %add3A_501, %iota3A : vector<16xi32>
      %swap3A = arith.index_cast %scan3A_477 : i32 to index
      %swap3A_503 = tpu.vector_load %arg17[%swap3A] masked %and3A {strides = array<i32>} : memref<2064xi32, #tpu.memory_space<vmem>>, vector<16xi32>, vector<16xi1>
      tpu.vector_store %arg17[%swap3A], %add3A_502 masked %and3A {strides = array<i32>} : memref<2064xi32, #tpu.memory_space<vmem>>, vector<16xi32>, vector<16xi1>
      %all_reduce_population_count3A = tpu.all_reduce %and3A {dim = 0 : i64, kind = #tpu.reduction_kind<sum>} : vector<16xi1> -> vector<16xi32>
      %reduce_max3A = arith.constant true
      %reduce_max3A_504 = vector.broadcast %reduce_max3A : i1 to vector<16xi1>
      %reduce_max3A_505 = arith.constant -2147483648 : i32
      %reduce_max3A_506 = vector.broadcast %reduce_max3A_505 : i32 to vector<16xi32>
      %reduce_max3A_507 = arith.xori %all_reduce_population_count3A, %reduce_max3A_506 : vector<16xi32>
      %reduce_max3A_508 = tpu.scan <max>, %reduce_max3A_507 masked %reduce_max3A_504 : vector<16xi32>, vector<16xi1> -> vector<16xi32>
      %reduce_max3A_509 = arith.xori %reduce_max3A_508, %reduce_max3A_506 : vector<16xi32>
      %reduce_max3A_510 = vector.extract %reduce_max3A_509[15] : i32 from vector<16xi32>
      %add3A_511 = arith.addi %scan3A_477, %reduce_max3A_510 : i32
      scf.yield %add3A_511 : i32
    }
    %scan3A_95 = arith.constant 128 : i32
    %add3A_96 = arith.constant 15 : i32
    %add3A_97 = arith.addi %scan3A_94, %add3A_96 : i32
    %div3A_98 = arith.constant 16 : i32
    %div3A_99 = arith.divsi %add3A_97, %div3A_98 : i32
    %dma_wait3A = arith.constant 0 : i32
    %dma_wait3A_100 = arith.constant 0 : i32
    %dma_wait3A_101 = tpu.memref_slice %arg11[%dma_wait3A, %dma_wait3A_100] : memref<48x256xf32, #tpu.memory_space<vmem>> -> memref<16x256xf32, #tpu.memory_space<vmem>>
    %dma_wait3A_102 = arith.constant 0 : i32
    %dma_wait3A_103 = tpu.memref_slice %arg2[%div3A_5, %rem3A_6, %dma_wait3A_102] : memref<6x256x256xf32, #tpu.memory_space<hbm>> -> memref<1x16x256xf32, #tpu.memory_space<hbm>>
    %dma_wait3A_104 = tpu.memref_squeeze %dma_wait3A_103 : memref<1x16x256xf32, #tpu.memory_space<hbm>> -> memref<16x256xf32, #tpu.memory_space<hbm>>
    %dma_wait3A_105 = arith.constant 0 : i32
    %dma_wait3A_106 = arith.constant 0 : i32
    %dma_wait3A_107 = tpu.memref_slice %arg11[%dma_wait3A_105, %dma_wait3A_106] : memref<48x256xf32, #tpu.memory_space<vmem>> -> memref<16x256xf32, #tpu.memory_space<vmem>>
    %dma_wait3A_108 = arith.constant 0 : i32
    %dma_wait3A_109 = tpu.memref_slice %arg2[%div3A_5, %rem3A_6, %dma_wait3A_108] : memref<6x256x256xf32, #tpu.memory_space<hbm>> -> memref<1x16x256xf32, #tpu.memory_space<hbm>>
    %dma_wait3A_110 = tpu.memref_squeeze %dma_wait3A_109 : memref<1x16x256xf32, #tpu.memory_space<hbm>> -> memref<16x256xf32, #tpu.memory_space<hbm>>
    tpu.wait_dma2 semaphore(%arg18 : memref<!tpu.dma_semaphore, #tpu.memory_space<semaphore_mem>>) src(%dma_wait3A_110 : memref<16x256xf32, #tpu.memory_space<hbm>>) dst(%dma_wait3A_107 : memref<16x256xf32, #tpu.memory_space<vmem>>)
    %dma_wait3A_111 = arith.constant 0 : i32
    %dma_wait3A_112 = arith.constant 0 : i32
    %dma_wait3A_113 = tpu.memref_slice %arg12[%dma_wait3A_111, %dma_wait3A_112] : memref<48x256xf32, #tpu.memory_space<vmem>> -> memref<16x256xf32, #tpu.memory_space<vmem>>
    %dma_wait3A_114 = arith.constant 0 : i32
    %dma_wait3A_115 = tpu.memref_slice %arg3[%div3A_5, %rem3A_6, %dma_wait3A_114] : memref<6x256x256xf32, #tpu.memory_space<hbm>> -> memref<1x16x256xf32, #tpu.memory_space<hbm>>
    %dma_wait3A_116 = tpu.memref_squeeze %dma_wait3A_115 : memref<1x16x256xf32, #tpu.memory_space<hbm>> -> memref<16x256xf32, #tpu.memory_space<hbm>>
    %dma_wait3A_117 = arith.constant 0 : i32
    %dma_wait3A_118 = arith.constant 0 : i32
    %dma_wait3A_119 = tpu.memref_slice %arg12[%dma_wait3A_117, %dma_wait3A_118] : memref<48x256xf32, #tpu.memory_space<vmem>> -> memref<16x256xf32, #tpu.memory_space<vmem>>
    %dma_wait3A_120 = arith.constant 0 : i32
    %dma_wait3A_121 = tpu.memref_slice %arg3[%div3A_5, %rem3A_6, %dma_wait3A_120] : memref<6x256x256xf32, #tpu.memory_space<hbm>> -> memref<1x16x256xf32, #tpu.memory_space<hbm>>
    %dma_wait3A_122 = tpu.memref_squeeze %dma_wait3A_121 : memref<1x16x256xf32, #tpu.memory_space<hbm>> -> memref<16x256xf32, #tpu.memory_space<hbm>>
    tpu.wait_dma2 semaphore(%arg19 : memref<!tpu.dma_semaphore, #tpu.memory_space<semaphore_mem>>) src(%dma_wait3A_122 : memref<16x256xf32, #tpu.memory_space<hbm>>) dst(%dma_wait3A_119 : memref<16x256xf32, #tpu.memory_space<vmem>>)
    %dma_wait3A_123 = arith.constant 16 : i32
    %dma_wait3A_124 = arith.constant 0 : i32
    %dma_wait3A_125 = tpu.memref_slice %arg11[%dma_wait3A_123, %dma_wait3A_124] : memref<48x256xf32, #tpu.memory_space<vmem>> -> memref<16x256xf32, #tpu.memory_space<vmem>>
    %dma_wait3A_126 = arith.constant 0 : i32
    %dma_wait3A_127 = tpu.memref_slice %arg2[%div3A_33, %rem3A_35, %dma_wait3A_126] : memref<6x256x256xf32, #tpu.memory_space<hbm>> -> memref<1x16x256xf32, #tpu.memory_space<hbm>>
    %dma_wait3A_128 = tpu.memref_squeeze %dma_wait3A_127 : memref<1x16x256xf32, #tpu.memory_space<hbm>> -> memref<16x256xf32, #tpu.memory_space<hbm>>
    %dma_wait3A_129 = arith.constant 16 : i32
    %dma_wait3A_130 = arith.constant 0 : i32
    %dma_wait3A_131 = tpu.memref_slice %arg11[%dma_wait3A_129, %dma_wait3A_130] : memref<48x256xf32, #tpu.memory_space<vmem>> -> memref<16x256xf32, #tpu.memory_space<vmem>>
    %dma_wait3A_132 = arith.constant 0 : i32
    %dma_wait3A_133 = tpu.memref_slice %arg2[%div3A_33, %rem3A_35, %dma_wait3A_132] : memref<6x256x256xf32, #tpu.memory_space<hbm>> -> memref<1x16x256xf32, #tpu.memory_space<hbm>>
    %dma_wait3A_134 = tpu.memref_squeeze %dma_wait3A_133 : memref<1x16x256xf32, #tpu.memory_space<hbm>> -> memref<16x256xf32, #tpu.memory_space<hbm>>
    tpu.wait_dma2 semaphore(%arg18 : memref<!tpu.dma_semaphore, #tpu.memory_space<semaphore_mem>>) src(%dma_wait3A_134 : memref<16x256xf32, #tpu.memory_space<hbm>>) dst(%dma_wait3A_131 : memref<16x256xf32, #tpu.memory_space<vmem>>)
    %dma_wait3A_135 = arith.constant 16 : i32
    %dma_wait3A_136 = arith.constant 0 : i32
    %dma_wait3A_137 = tpu.memref_slice %arg12[%dma_wait3A_135, %dma_wait3A_136] : memref<48x256xf32, #tpu.memory_space<vmem>> -> memref<16x256xf32, #tpu.memory_space<vmem>>
    %dma_wait3A_138 = arith.constant 0 : i32
    %dma_wait3A_139 = tpu.memref_slice %arg3[%div3A_33, %rem3A_35, %dma_wait3A_138] : memref<6x256x256xf32, #tpu.memory_space<hbm>> -> memref<1x16x256xf32, #tpu.memory_space<hbm>>
    %dma_wait3A_140 = tpu.memref_squeeze %dma_wait3A_139 : memref<1x16x256xf32, #tpu.memory_space<hbm>> -> memref<16x256xf32, #tpu.memory_space<hbm>>
    %dma_wait3A_141 = arith.constant 16 : i32
    %dma_wait3A_142 = arith.constant 0 : i32
    %dma_wait3A_143 = tpu.memref_slice %arg12[%dma_wait3A_141, %dma_wait3A_142] : memref<48x256xf32, #tpu.memory_space<vmem>> -> memref<16x256xf32, #tpu.memory_space<vmem>>
    %dma_wait3A_144 = arith.constant 0 : i32
    %dma_wait3A_145 = tpu.memref_slice %arg3[%div3A_33, %rem3A_35, %dma_wait3A_144] : memref<6x256x256xf32, #tpu.memory_space<hbm>> -> memref<1x16x256xf32, #tpu.memory_space<hbm>>
    %dma_wait3A_146 = tpu.memref_squeeze %dma_wait3A_145 : memref<1x16x256xf32, #tpu.memory_space<hbm>> -> memref<16x256xf32, #tpu.memory_space<hbm>>
    tpu.wait_dma2 semaphore(%arg19 : memref<!tpu.dma_semaphore, #tpu.memory_space<semaphore_mem>>) src(%dma_wait3A_146 : memref<16x256xf32, #tpu.memory_space<hbm>>) dst(%dma_wait3A_143 : memref<16x256xf32, #tpu.memory_space<vmem>>)
    %dma_wait3A_147 = arith.constant 32 : i32
    %dma_wait3A_148 = arith.constant 0 : i32
    %dma_wait3A_149 = tpu.memref_slice %arg11[%dma_wait3A_147, %dma_wait3A_148] : memref<48x256xf32, #tpu.memory_space<vmem>> -> memref<16x256xf32, #tpu.memory_space<vmem>>
    %dma_wait3A_150 = arith.constant 0 : i32
    %dma_wait3A_151 = tpu.memref_slice %arg2[%div3A_63, %rem3A_65, %dma_wait3A_150] : memref<6x256x256xf32, #tpu.memory_space<hbm>> -> memref<1x16x256xf32, #tpu.memory_space<hbm>>
    %dma_wait3A_152 = tpu.memref_squeeze %dma_wait3A_151 : memref<1x16x256xf32, #tpu.memory_space<hbm>> -> memref<16x256xf32, #tpu.memory_space<hbm>>
    %dma_wait3A_153 = arith.constant 32 : i32
    %dma_wait3A_154 = arith.constant 0 : i32
    %dma_wait3A_155 = tpu.memref_slice %arg11[%dma_wait3A_153, %dma_wait3A_154] : memref<48x256xf32, #tpu.memory_space<vmem>> -> memref<16x256xf32, #tpu.memory_space<vmem>>
    %dma_wait3A_156 = arith.constant 0 : i32
    %dma_wait3A_157 = tpu.memref_slice %arg2[%div3A_63, %rem3A_65, %dma_wait3A_156] : memref<6x256x256xf32, #tpu.memory_space<hbm>> -> memref<1x16x256xf32, #tpu.memory_space<hbm>>
    %dma_wait3A_158 = tpu.memref_squeeze %dma_wait3A_157 : memref<1x16x256xf32, #tpu.memory_space<hbm>> -> memref<16x256xf32, #tpu.memory_space<hbm>>
    tpu.wait_dma2 semaphore(%arg18 : memref<!tpu.dma_semaphore, #tpu.memory_space<semaphore_mem>>) src(%dma_wait3A_158 : memref<16x256xf32, #tpu.memory_space<hbm>>) dst(%dma_wait3A_155 : memref<16x256xf32, #tpu.memory_space<vmem>>)
    %dma_wait3A_159 = arith.constant 32 : i32
    %dma_wait3A_160 = arith.constant 0 : i32
    %dma_wait3A_161 = tpu.memref_slice %arg12[%dma_wait3A_159, %dma_wait3A_160] : memref<48x256xf32, #tpu.memory_space<vmem>> -> memref<16x256xf32, #tpu.memory_space<vmem>>
    %dma_wait3A_162 = arith.constant 0 : i32
    %dma_wait3A_163 = tpu.memref_slice %arg3[%div3A_63, %rem3A_65, %dma_wait3A_162] : memref<6x256x256xf32, #tpu.memory_space<hbm>> -> memref<1x16x256xf32, #tpu.memory_space<hbm>>
    %dma_wait3A_164 = tpu.memref_squeeze %dma_wait3A_163 : memref<1x16x256xf32, #tpu.memory_space<hbm>> -> memref<16x256xf32, #tpu.memory_space<hbm>>
    %dma_wait3A_165 = arith.constant 32 : i32
    %dma_wait3A_166 = arith.constant 0 : i32
    %dma_wait3A_167 = tpu.memref_slice %arg12[%dma_wait3A_165, %dma_wait3A_166] : memref<48x256xf32, #tpu.memory_space<vmem>> -> memref<16x256xf32, #tpu.memory_space<vmem>>
    %dma_wait3A_168 = arith.constant 0 : i32
    %dma_wait3A_169 = tpu.memref_slice %arg3[%div3A_63, %rem3A_65, %dma_wait3A_168] : memref<6x256x256xf32, #tpu.memory_space<hbm>> -> memref<1x16x256xf32, #tpu.memory_space<hbm>>
    %dma_wait3A_170 = tpu.memref_squeeze %dma_wait3A_169 : memref<1x16x256xf32, #tpu.memory_space<hbm>> -> memref<16x256xf32, #tpu.memory_space<hbm>>
    tpu.wait_dma2 semaphore(%arg19 : memref<!tpu.dma_semaphore, #tpu.memory_space<semaphore_mem>>) src(%dma_wait3A_170 : memref<16x256xf32, #tpu.memory_space<hbm>>) dst(%dma_wait3A_167 : memref<16x256xf32, #tpu.memory_space<vmem>>)
    %while3A = arith.constant 0 : i32
    %while3A_171 = arith.constant 0 : i32
    %while3A_172 = arith.subi %div3A_99, %while3A : i32
    %while3A_173 = arith.addi %while3A, %while3A_172 : i32
    %while3A_174 = arith.constant 1 : i32
    %while3A_175 = arith.divsi %while3A_172, %while3A_174 : i32
    %while3A_176 = arith.muli %while3A_175, %while3A_174 : i32
    %while3A_177 = arith.addi %while3A, %while3A_176 : i32
    %while3A_178 = arith.constant 1 : i32
    %while3A_179 = scf.for %while3A_476 = %while3A to %while3A_177 step %while3A_178 iter_args(%while3A_477 = %while3A_171) -> (i32)  : i32 {
      %mul3A_478 = arith.constant 16 : i32
      %mul3A_479 = arith.muli %while3A_476, %mul3A_478 : i32
      %mul3A_480 = arith.constant 16 : i32
      %mul3A_481 = arith.muli %while3A_476, %mul3A_480 : i32
      %add3A_482 = vector.broadcast %mul3A_481 : i32 to vector<16xi32>
      %add3A_483 = arith.addi %add3A_482, %iota3A : vector<16xi32>
      %lt3A = vector.broadcast %scan3A_94 : i32 to vector<16xi32>
      %lt3A_484 = arith.cmpi slt, %add3A_483, %lt3A : vector<16xi32>
      %get3A = arith.index_cast %mul3A_479 : i32 to index
      %get3A_485 = tpu.vector_load %arg17[%get3A] {strides = array<i32>} : memref<2064xi32, #tpu.memory_space<vmem>>, vector<16xi32>,
      %jit3A = arith.constant 0 : i32
      %broadcast_in_dim3A = vector.broadcast %jit3A : i32 to vector<16xi32>
      %select_n3A = arith.select %lt3A_484, %get3A_485, %broadcast_in_dim3A : vector<16xi1>, vector<16xi32>
      %shift_right_logical3A = arith.constant 19 : i32
      %shift_right_logical3A_486 = vector.broadcast %shift_right_logical3A : i32 to vector<16xi32>
      %shift_right_logical3A_487 = arith.shrui %select_n3A, %shift_right_logical3A_486 : vector<16xi32>
      %shift_right_logical3A_488 = arith.constant 11 : i32
      %shift_right_logical3A_489 = vector.broadcast %shift_right_logical3A_488 : i32 to vector<16xi32>
      %shift_right_logical3A_490 = arith.shrui %select_n3A, %shift_right_logical3A_489 : vector<16xi32>
      %and3A = arith.constant 255 : i32
      %and3A_491 = vector.broadcast %and3A : i32 to vector<16xi32>
      %and3A_492 = arith.andi %shift_right_logical3A_490, %and3A_491 : vector<16xi32>
      %and3A_493 = arith.constant 2047 : i32
      %and3A_494 = vector.broadcast %and3A_493 : i32 to vector<16xi32>
      %and3A_495 = arith.andi %select_n3A, %and3A_494 : vector<16xi32>
      %mul3A_496 = arith.constant 256 : i32
      %mul3A_497 = vector.broadcast %mul3A_496 : i32 to vector<16xi32>
      %mul3A_498 = arith.muli %shift_right_logical3A_487, %mul3A_497 : vector<16xi32>
      %add3A_499 = arith.addi %mul3A_498, %and3A_492 : vector<16xi32>
      %jit3A_500 = arith.constant -1 : i32
      %broadcast_in_dim3A_501 = vector.broadcast %jit3A_500 : i32 to vector<16xi32>
      %select_n3A_502 = arith.select %lt3A_484, %add3A_499, %broadcast_in_dim3A_501 : vector<16xi1>, vector<16xi32>
      %lt3A_503 = arith.constant 0 : i32
      %lt3A_504 = vector.broadcast %lt3A_503 : i32 to vector<16xi32>
      %lt3A_505 = arith.cmpi slt, %iota3A, %lt3A_504 : vector<16xi32>
      %add3A_506 = arith.constant 1 : i32
      %add3A_507 = vector.broadcast %add3A_506 : i32 to vector<16xi32>
      %add3A_508 = arith.addi %iota3A, %add3A_507 : vector<16xi32>
      %min3A = arith.constant 15 : i32
      %min3A_509 = vector.broadcast %min3A : i32 to vector<16xi32>
      %min3A_510 = arith.minsi %add3A_508, %min3A_509 : vector<16xi32>
      %lt3A_511 = arith.constant 0 : i32
      %lt3A_512 = vector.broadcast %lt3A_511 : i32 to vector<16xi32>
      %lt3A_513 = arith.cmpi slt, %min3A_510, %lt3A_512 : vector<16xi32>
      %add3A_514 = arith.constant 16 : i32
      %add3A_515 = vector.broadcast %add3A_514 : i32 to vector<16xi32>
      %add3A_516 = arith.addi %min3A_510, %add3A_515 : vector<16xi32>
      %select_n3A_517 = arith.select %lt3A_513, %add3A_516, %min3A_510 : vector<16xi1>, vector<16xi32>
      %broadcast_in_dim3A_518 = vector.shape_cast %select_n3A_517 : vector<16xi32> to vector<16x1xi32>
      %gather3A = vector.shape_cast %broadcast_in_dim3A_518 : vector<16x1xi32> to vector<16xi32>
      %gather3A_519 = tpu.dynamic_gather %select_n3A_502[%gather3A] in [0] : vector<16xi32>, vector<16xi32> -> vector<16xi32>
      %eq3A = arith.cmpi eq, %gather3A_519, %select_n3A_502 : vector<16xi32>
      %add3A_520 = arith.constant 1 : i32
      %add3A_521 = vector.broadcast %add3A_520 : i32 to vector<16xi32>
      %add3A_522 = arith.addi %iota3A, %add3A_521 : vector<16xi32>
      %lt3A_523 = arith.constant 16 : i32
      %lt3A_524 = vector.broadcast %lt3A_523 : i32 to vector<16xi32>
      %lt3A_525 = arith.cmpi slt, %add3A_522, %lt3A_524 : vector<16xi32>
      %and3A_526 = arith.andi %eq3A, %lt3A_525 : vector<16xi1>
      %or3A = arith.ori %lt3A_505, %and3A_526 : vector<16xi1>
      %add3A_527 = arith.constant 2 : i32
      %add3A_528 = vector.broadcast %add3A_527 : i32 to vector<16xi32>
      %add3A_529 = arith.addi %iota3A, %add3A_528 : vector<16xi32>
      %min3A_530 = arith.constant 15 : i32
      %min3A_531 = vector.broadcast %min3A_530 : i32 to vector<16xi32>
      %min3A_532 = arith.minsi %add3A_529, %min3A_531 : vector<16xi32>
      %lt3A_533 = arith.constant 0 : i32
      %lt3A_534 = vector.broadcast %lt3A_533 : i32 to vector<16xi32>
      %lt3A_535 = arith.cmpi slt, %min3A_532, %lt3A_534 : vector<16xi32>
      %add3A_536 = arith.constant 16 : i32
      %add3A_537 = vector.broadcast %add3A_536 : i32 to vector<16xi32>
      %add3A_538 = arith.addi %min3A_532, %add3A_537 : vector<16xi32>
      %select_n3A_539 = arith.select %lt3A_535, %add3A_538, %min3A_532 : vector<16xi1>, vector<16xi32>
      %broadcast_in_dim3A_540 = vector.shape_cast %select_n3A_539 : vector<16xi32> to vector<16x1xi32>
      %gather3A_541 = vector.shape_cast %broadcast_in_dim3A_540 : vector<16x1xi32> to vector<16xi32>
      %gather3A_542 = tpu.dynamic_gather %select_n3A_502[%gather3A_541] in [0] : vector<16xi32>, vector<16xi32> -> vector<16xi32>
      %eq3A_543 = arith.cmpi eq, %gather3A_542, %select_n3A_502 : vector<16xi32>
      %add3A_544 = arith.constant 2 : i32
      %add3A_545 = vector.broadcast %add3A_544 : i32 to vector<16xi32>
      %add3A_546 = arith.addi %iota3A, %add3A_545 : vector<16xi32>
      %lt3A_547 = arith.constant 16 : i32
      %lt3A_548 = vector.broadcast %lt3A_547 : i32 to vector<16xi32>
      %lt3A_549 = arith.cmpi slt, %add3A_546, %lt3A_548 : vector<16xi32>
      %and3A_550 = arith.andi %eq3A_543, %lt3A_549 : vector<16xi1>
      %or3A_551 = arith.ori %or3A, %and3A_550 : vector<16xi1>
      %add3A_552 = arith.constant 3 : i32
      %add3A_553 = vector.broadcast %add3A_552 : i32 to vector<16xi32>
      %add3A_554 = arith.addi %iota3A, %add3A_553 : vector<16xi32>
      %min3A_555 = arith.constant 15 : i32
      %min3A_556 = vector.broadcast %min3A_555 : i32 to vector<16xi32>
      %min3A_557 = arith.minsi %add3A_554, %min3A_556 : vector<16xi32>
      %lt3A_558 = arith.constant 0 : i32
      %lt3A_559 = vector.broadcast %lt3A_558 : i32 to vector<16xi32>
      %lt3A_560 = arith.cmpi slt, %min3A_557, %lt3A_559 : vector<16xi32>
      %add3A_561 = arith.constant 16 : i32
      %add3A_562 = vector.broadcast %add3A_561 : i32 to vector<16xi32>
      %add3A_563 = arith.addi %min3A_557, %add3A_562 : vector<16xi32>
      %select_n3A_564 = arith.select %lt3A_560, %add3A_563, %min3A_557 : vector<16xi1>, vector<16xi32>
      %broadcast_in_dim3A_565 = vector.shape_cast %select_n3A_564 : vector<16xi32> to vector<16x1xi32>
      %gather3A_566 = vector.shape_cast %broadcast_in_dim3A_565 : vector<16x1xi32> to vector<16xi32>
      %gather3A_567 = tpu.dynamic_gather %select_n3A_502[%gather3A_566] in [0] : vector<16xi32>, vector<16xi32> -> vector<16xi32>
      %eq3A_568 = arith.cmpi eq, %gather3A_567, %select_n3A_502 : vector<16xi32>
      %add3A_569 = arith.constant 3 : i32
      %add3A_570 = vector.broadcast %add3A_569 : i32 to vector<16xi32>
      %add3A_571 = arith.addi %iota3A, %add3A_570 : vector<16xi32>
      %lt3A_572 = arith.constant 16 : i32
      %lt3A_573 = vector.broadcast %lt3A_572 : i32 to vector<16xi32>
      %lt3A_574 = arith.cmpi slt, %add3A_571, %lt3A_573 : vector<16xi32>
      %and3A_575 = arith.andi %eq3A_568, %lt3A_574 : vector<16xi1>
      %or3A_576 = arith.ori %or3A_551, %and3A_575 : vector<16xi1>
      %add3A_577 = arith.constant 4 : i32
      %add3A_578 = vector.broadcast %add3A_577 : i32 to vector<16xi32>
      %add3A_579 = arith.addi %iota3A, %add3A_578 : vector<16xi32>
      %min3A_580 = arith.constant 15 : i32
      %min3A_581 = vector.broadcast %min3A_580 : i32 to vector<16xi32>
      %min3A_582 = arith.minsi %add3A_579, %min3A_581 : vector<16xi32>
      %lt3A_583 = arith.constant 0 : i32
      %lt3A_584 = vector.broadcast %lt3A_583 : i32 to vector<16xi32>
      %lt3A_585 = arith.cmpi slt, %min3A_582, %lt3A_584 : vector<16xi32>
      %add3A_586 = arith.constant 16 : i32
      %add3A_587 = vector.broadcast %add3A_586 : i32 to vector<16xi32>
      %add3A_588 = arith.addi %min3A_582, %add3A_587 : vector<16xi32>
      %select_n3A_589 = arith.select %lt3A_585, %add3A_588, %min3A_582 : vector<16xi1>, vector<16xi32>
      %broadcast_in_dim3A_590 = vector.shape_cast %select_n3A_589 : vector<16xi32> to vector<16x1xi32>
      %gather3A_591 = vector.shape_cast %broadcast_in_dim3A_590 : vector<16x1xi32> to vector<16xi32>
      %gather3A_592 = tpu.dynamic_gather %select_n3A_502[%gather3A_591] in [0] : vector<16xi32>, vector<16xi32> -> vector<16xi32>
      %eq3A_593 = arith.cmpi eq, %gather3A_592, %select_n3A_502 : vector<16xi32>
      %add3A_594 = arith.constant 4 : i32
      %add3A_595 = vector.broadcast %add3A_594 : i32 to vector<16xi32>
      %add3A_596 = arith.addi %iota3A, %add3A_595 : vector<16xi32>
      %lt3A_597 = arith.constant 16 : i32
      %lt3A_598 = vector.broadcast %lt3A_597 : i32 to vector<16xi32>
      %lt3A_599 = arith.cmpi slt, %add3A_596, %lt3A_598 : vector<16xi32>
      %and3A_600 = arith.andi %eq3A_593, %lt3A_599 : vector<16xi1>
      %or3A_601 = arith.ori %or3A_576, %and3A_600 : vector<16xi1>
      %add3A_602 = arith.constant 5 : i32
      %add3A_603 = vector.broadcast %add3A_602 : i32 to vector<16xi32>
      %add3A_604 = arith.addi %iota3A, %add3A_603 : vector<16xi32>
      %min3A_605 = arith.constant 15 : i32
      %min3A_606 = vector.broadcast %min3A_605 : i32 to vector<16xi32>
      %min3A_607 = arith.minsi %add3A_604, %min3A_606 : vector<16xi32>
      %lt3A_608 = arith.constant 0 : i32
      %lt3A_609 = vector.broadcast %lt3A_608 : i32 to vector<16xi32>
      %lt3A_610 = arith.cmpi slt, %min3A_607, %lt3A_609 : vector<16xi32>
      %add3A_611 = arith.constant 16 : i32
      %add3A_612 = vector.broadcast %add3A_611 : i32 to vector<16xi32>
      %add3A_613 = arith.addi %min3A_607, %add3A_612 : vector<16xi32>
      %select_n3A_614 = arith.select %lt3A_610, %add3A_613, %min3A_607 : vector<16xi1>, vector<16xi32>
      %broadcast_in_dim3A_615 = vector.shape_cast %select_n3A_614 : vector<16xi32> to vector<16x1xi32>
      %gather3A_616 = vector.shape_cast %broadcast_in_dim3A_615 : vector<16x1xi32> to vector<16xi32>
      %gather3A_617 = tpu.dynamic_gather %select_n3A_502[%gather3A_616] in [0] : vector<16xi32>, vector<16xi32> -> vector<16xi32>
      %eq3A_618 = arith.cmpi eq, %gather3A_617, %select_n3A_502 : vector<16xi32>
      %add3A_619 = arith.constant 5 : i32
      %add3A_620 = vector.broadcast %add3A_619 : i32 to vector<16xi32>
      %add3A_621 = arith.addi %iota3A, %add3A_620 : vector<16xi32>
      %lt3A_622 = arith.constant 16 : i32
      %lt3A_623 = vector.broadcast %lt3A_622 : i32 to vector<16xi32>
      %lt3A_624 = arith.cmpi slt, %add3A_621, %lt3A_623 : vector<16xi32>
      %and3A_625 = arith.andi %eq3A_618, %lt3A_624 : vector<16xi1>
      %or3A_626 = arith.ori %or3A_601, %and3A_625 : vector<16xi1>
      %add3A_627 = arith.constant 6 : i32
      %add3A_628 = vector.broadcast %add3A_627 : i32 to vector<16xi32>
      %add3A_629 = arith.addi %iota3A, %add3A_628 : vector<16xi32>
      %min3A_630 = arith.constant 15 : i32
      %min3A_631 = vector.broadcast %min3A_630 : i32 to vector<16xi32>
      %min3A_632 = arith.minsi %add3A_629, %min3A_631 : vector<16xi32>
      %lt3A_633 = arith.constant 0 : i32
      %lt3A_634 = vector.broadcast %lt3A_633 : i32 to vector<16xi32>
      %lt3A_635 = arith.cmpi slt, %min3A_632, %lt3A_634 : vector<16xi32>
      %add3A_636 = arith.constant 16 : i32
      %add3A_637 = vector.broadcast %add3A_636 : i32 to vector<16xi32>
      %add3A_638 = arith.addi %min3A_632, %add3A_637 : vector<16xi32>
      %select_n3A_639 = arith.select %lt3A_635, %add3A_638, %min3A_632 : vector<16xi1>, vector<16xi32>
      %broadcast_in_dim3A_640 = vector.shape_cast %select_n3A_639 : vector<16xi32> to vector<16x1xi32>
      %gather3A_641 = vector.shape_cast %broadcast_in_dim3A_640 : vector<16x1xi32> to vector<16xi32>
      %gather3A_642 = tpu.dynamic_gather %select_n3A_502[%gather3A_641] in [0] : vector<16xi32>, vector<16xi32> -> vector<16xi32>
      %eq3A_643 = arith.cmpi eq, %gather3A_642, %select_n3A_502 : vector<16xi32>
      %add3A_644 = arith.constant 6 : i32
      %add3A_645 = vector.broadcast %add3A_644 : i32 to vector<16xi32>
      %add3A_646 = arith.addi %iota3A, %add3A_645 : vector<16xi32>
      %lt3A_647 = arith.constant 16 : i32
      %lt3A_648 = vector.broadcast %lt3A_647 : i32 to vector<16xi32>
      %lt3A_649 = arith.cmpi slt, %add3A_646, %lt3A_648 : vector<16xi32>
      %and3A_650 = arith.andi %eq3A_643, %lt3A_649 : vector<16xi1>
      %or3A_651 = arith.ori %or3A_626, %and3A_650 : vector<16xi1>
      %add3A_652 = arith.constant 7 : i32
      %add3A_653 = vector.broadcast %add3A_652 : i32 to vector<16xi32>
      %add3A_654 = arith.addi %iota3A, %add3A_653 : vector<16xi32>
      %min3A_655 = arith.constant 15 : i32
      %min3A_656 = vector.broadcast %min3A_655 : i32 to vector<16xi32>
      %min3A_657 = arith.minsi %add3A_654, %min3A_656 : vector<16xi32>
      %lt3A_658 = arith.constant 0 : i32
      %lt3A_659 = vector.broadcast %lt3A_658 : i32 to vector<16xi32>
      %lt3A_660 = arith.cmpi slt, %min3A_657, %lt3A_659 : vector<16xi32>
      %add3A_661 = arith.constant 16 : i32
      %add3A_662 = vector.broadcast %add3A_661 : i32 to vector<16xi32>
      %add3A_663 = arith.addi %min3A_657, %add3A_662 : vector<16xi32>
      %select_n3A_664 = arith.select %lt3A_660, %add3A_663, %min3A_657 : vector<16xi1>, vector<16xi32>
      %broadcast_in_dim3A_665 = vector.shape_cast %select_n3A_664 : vector<16xi32> to vector<16x1xi32>
      %gather3A_666 = vector.shape_cast %broadcast_in_dim3A_665 : vector<16x1xi32> to vector<16xi32>
      %gather3A_667 = tpu.dynamic_gather %select_n3A_502[%gather3A_666] in [0] : vector<16xi32>, vector<16xi32> -> vector<16xi32>
      %eq3A_668 = arith.cmpi eq, %gather3A_667, %select_n3A_502 : vector<16xi32>
      %add3A_669 = arith.constant 7 : i32
      %add3A_670 = vector.broadcast %add3A_669 : i32 to vector<16xi32>
      %add3A_671 = arith.addi %iota3A, %add3A_670 : vector<16xi32>
      %lt3A_672 = arith.constant 16 : i32
      %lt3A_673 = vector.broadcast %lt3A_672 : i32 to vector<16xi32>
      %lt3A_674 = arith.cmpi slt, %add3A_671, %lt3A_673 : vector<16xi32>
      %and3A_675 = arith.andi %eq3A_668, %lt3A_674 : vector<16xi1>
      %or3A_676 = arith.ori %or3A_651, %and3A_675 : vector<16xi1>
      %add3A_677 = arith.constant 8 : i32
      %add3A_678 = vector.broadcast %add3A_677 : i32 to vector<16xi32>
      %add3A_679 = arith.addi %iota3A, %add3A_678 : vector<16xi32>
      %min3A_680 = arith.constant 15 : i32
      %min3A_681 = vector.broadcast %min3A_680 : i32 to vector<16xi32>
      %min3A_682 = arith.minsi %add3A_679, %min3A_681 : vector<16xi32>
      %lt3A_683 = arith.constant 0 : i32
      %lt3A_684 = vector.broadcast %lt3A_683 : i32 to vector<16xi32>
      %lt3A_685 = arith.cmpi slt, %min3A_682, %lt3A_684 : vector<16xi32>
      %add3A_686 = arith.constant 16 : i32
      %add3A_687 = vector.broadcast %add3A_686 : i32 to vector<16xi32>
      %add3A_688 = arith.addi %min3A_682, %add3A_687 : vector<16xi32>
      %select_n3A_689 = arith.select %lt3A_685, %add3A_688, %min3A_682 : vector<16xi1>, vector<16xi32>
      %broadcast_in_dim3A_690 = vector.shape_cast %select_n3A_689 : vector<16xi32> to vector<16x1xi32>
      %gather3A_691 = vector.shape_cast %broadcast_in_dim3A_690 : vector<16x1xi32> to vector<16xi32>
      %gather3A_692 = tpu.dynamic_gather %select_n3A_502[%gather3A_691] in [0] : vector<16xi32>, vector<16xi32> -> vector<16xi32>
      %eq3A_693 = arith.cmpi eq, %gather3A_692, %select_n3A_502 : vector<16xi32>
      %add3A_694 = arith.constant 8 : i32
      %add3A_695 = vector.broadcast %add3A_694 : i32 to vector<16xi32>
      %add3A_696 = arith.addi %iota3A, %add3A_695 : vector<16xi32>
      %lt3A_697 = arith.constant 16 : i32
      %lt3A_698 = vector.broadcast %lt3A_697 : i32 to vector<16xi32>
      %lt3A_699 = arith.cmpi slt, %add3A_696, %lt3A_698 : vector<16xi32>
      %and3A_700 = arith.andi %eq3A_693, %lt3A_699 : vector<16xi1>
      %or3A_701 = arith.ori %or3A_676, %and3A_700 : vector<16xi1>
      %add3A_702 = arith.constant 9 : i32
      %add3A_703 = vector.broadcast %add3A_702 : i32 to vector<16xi32>
      %add3A_704 = arith.addi %iota3A, %add3A_703 : vector<16xi32>
      %min3A_705 = arith.constant 15 : i32
      %min3A_706 = vector.broadcast %min3A_705 : i32 to vector<16xi32>
      %min3A_707 = arith.minsi %add3A_704, %min3A_706 : vector<16xi32>
      %lt3A_708 = arith.constant 0 : i32
      %lt3A_709 = vector.broadcast %lt3A_708 : i32 to vector<16xi32>
      %lt3A_710 = arith.cmpi slt, %min3A_707, %lt3A_709 : vector<16xi32>
      %add3A_711 = arith.constant 16 : i32
      %add3A_712 = vector.broadcast %add3A_711 : i32 to vector<16xi32>
      %add3A_713 = arith.addi %min3A_707, %add3A_712 : vector<16xi32>
      %select_n3A_714 = arith.select %lt3A_710, %add3A_713, %min3A_707 : vector<16xi1>, vector<16xi32>
      %broadcast_in_dim3A_715 = vector.shape_cast %select_n3A_714 : vector<16xi32> to vector<16x1xi32>
      %gather3A_716 = vector.shape_cast %broadcast_in_dim3A_715 : vector<16x1xi32> to vector<16xi32>
      %gather3A_717 = tpu.dynamic_gather %select_n3A_502[%gather3A_716] in [0] : vector<16xi32>, vector<16xi32> -> vector<16xi32>
      %eq3A_718 = arith.cmpi eq, %gather3A_717, %select_n3A_502 : vector<16xi32>
      %add3A_719 = arith.constant 9 : i32
      %add3A_720 = vector.broadcast %add3A_719 : i32 to vector<16xi32>
      %add3A_721 = arith.addi %iota3A, %add3A_720 : vector<16xi32>
      %lt3A_722 = arith.constant 16 : i32
      %lt3A_723 = vector.broadcast %lt3A_722 : i32 to vector<16xi32>
      %lt3A_724 = arith.cmpi slt, %add3A_721, %lt3A_723 : vector<16xi32>
      %and3A_725 = arith.andi %eq3A_718, %lt3A_724 : vector<16xi1>
      %or3A_726 = arith.ori %or3A_701, %and3A_725 : vector<16xi1>
      %add3A_727 = arith.constant 10 : i32
      %add3A_728 = vector.broadcast %add3A_727 : i32 to vector<16xi32>
      %add3A_729 = arith.addi %iota3A, %add3A_728 : vector<16xi32>
      %min3A_730 = arith.constant 15 : i32
      %min3A_731 = vector.broadcast %min3A_730 : i32 to vector<16xi32>
      %min3A_732 = arith.minsi %add3A_729, %min3A_731 : vector<16xi32>
      %lt3A_733 = arith.constant 0 : i32
      %lt3A_734 = vector.broadcast %lt3A_733 : i32 to vector<16xi32>
      %lt3A_735 = arith.cmpi slt, %min3A_732, %lt3A_734 : vector<16xi32>
      %add3A_736 = arith.constant 16 : i32
      %add3A_737 = vector.broadcast %add3A_736 : i32 to vector<16xi32>
      %add3A_738 = arith.addi %min3A_732, %add3A_737 : vector<16xi32>
      %select_n3A_739 = arith.select %lt3A_735, %add3A_738, %min3A_732 : vector<16xi1>, vector<16xi32>
      %broadcast_in_dim3A_740 = vector.shape_cast %select_n3A_739 : vector<16xi32> to vector<16x1xi32>
      %gather3A_741 = vector.shape_cast %broadcast_in_dim3A_740 : vector<16x1xi32> to vector<16xi32>
      %gather3A_742 = tpu.dynamic_gather %select_n3A_502[%gather3A_741] in [0] : vector<16xi32>, vector<16xi32> -> vector<16xi32>
      %eq3A_743 = arith.cmpi eq, %gather3A_742, %select_n3A_502 : vector<16xi32>
      %add3A_744 = arith.constant 10 : i32
      %add3A_745 = vector.broadcast %add3A_744 : i32 to vector<16xi32>
      %add3A_746 = arith.addi %iota3A, %add3A_745 : vector<16xi32>
      %lt3A_747 = arith.constant 16 : i32
      %lt3A_748 = vector.broadcast %lt3A_747 : i32 to vector<16xi32>
      %lt3A_749 = arith.cmpi slt, %add3A_746, %lt3A_748 : vector<16xi32>
      %and3A_750 = arith.andi %eq3A_743, %lt3A_749 : vector<16xi1>
      %or3A_751 = arith.ori %or3A_726, %and3A_750 : vector<16xi1>
      %add3A_752 = arith.constant 11 : i32
      %add3A_753 = vector.broadcast %add3A_752 : i32 to vector<16xi32>
      %add3A_754 = arith.addi %iota3A, %add3A_753 : vector<16xi32>
      %min3A_755 = arith.constant 15 : i32
      %min3A_756 = vector.broadcast %min3A_755 : i32 to vector<16xi32>
      %min3A_757 = arith.minsi %add3A_754, %min3A_756 : vector<16xi32>
      %lt3A_758 = arith.constant 0 : i32
      %lt3A_759 = vector.broadcast %lt3A_758 : i32 to vector<16xi32>
      %lt3A_760 = arith.cmpi slt, %min3A_757, %lt3A_759 : vector<16xi32>
      %add3A_761 = arith.constant 16 : i32
      %add3A_762 = vector.broadcast %add3A_761 : i32 to vector<16xi32>
      %add3A_763 = arith.addi %min3A_757, %add3A_762 : vector<16xi32>
      %select_n3A_764 = arith.select %lt3A_760, %add3A_763, %min3A_757 : vector<16xi1>, vector<16xi32>
      %broadcast_in_dim3A_765 = vector.shape_cast %select_n3A_764 : vector<16xi32> to vector<16x1xi32>
      %gather3A_766 = vector.shape_cast %broadcast_in_dim3A_765 : vector<16x1xi32> to vector<16xi32>
      %gather3A_767 = tpu.dynamic_gather %select_n3A_502[%gather3A_766] in [0] : vector<16xi32>, vector<16xi32> -> vector<16xi32>
      %eq3A_768 = arith.cmpi eq, %gather3A_767, %select_n3A_502 : vector<16xi32>
      %add3A_769 = arith.constant 11 : i32
      %add3A_770 = vector.broadcast %add3A_769 : i32 to vector<16xi32>
      %add3A_771 = arith.addi %iota3A, %add3A_770 : vector<16xi32>
      %lt3A_772 = arith.constant 16 : i32
      %lt3A_773 = vector.broadcast %lt3A_772 : i32 to vector<16xi32>
      %lt3A_774 = arith.cmpi slt, %add3A_771, %lt3A_773 : vector<16xi32>
      %and3A_775 = arith.andi %eq3A_768, %lt3A_774 : vector<16xi1>
      %or3A_776 = arith.ori %or3A_751, %and3A_775 : vector<16xi1>
      %add3A_777 = arith.constant 12 : i32
      %add3A_778 = vector.broadcast %add3A_777 : i32 to vector<16xi32>
      %add3A_779 = arith.addi %iota3A, %add3A_778 : vector<16xi32>
      %min3A_780 = arith.constant 15 : i32
      %min3A_781 = vector.broadcast %min3A_780 : i32 to vector<16xi32>
      %min3A_782 = arith.minsi %add3A_779, %min3A_781 : vector<16xi32>
      %lt3A_783 = arith.constant 0 : i32
      %lt3A_784 = vector.broadcast %lt3A_783 : i32 to vector<16xi32>
      %lt3A_785 = arith.cmpi slt, %min3A_782, %lt3A_784 : vector<16xi32>
      %add3A_786 = arith.constant 16 : i32
      %add3A_787 = vector.broadcast %add3A_786 : i32 to vector<16xi32>
      %add3A_788 = arith.addi %min3A_782, %add3A_787 : vector<16xi32>
      %select_n3A_789 = arith.select %lt3A_785, %add3A_788, %min3A_782 : vector<16xi1>, vector<16xi32>
      %broadcast_in_dim3A_790 = vector.shape_cast %select_n3A_789 : vector<16xi32> to vector<16x1xi32>
      %gather3A_791 = vector.shape_cast %broadcast_in_dim3A_790 : vector<16x1xi32> to vector<16xi32>
      %gather3A_792 = tpu.dynamic_gather %select_n3A_502[%gather3A_791] in [0] : vector<16xi32>, vector<16xi32> -> vector<16xi32>
      %eq3A_793 = arith.cmpi eq, %gather3A_792, %select_n3A_502 : vector<16xi32>
      %add3A_794 = arith.constant 12 : i32
      %add3A_795 = vector.broadcast %add3A_794 : i32 to vector<16xi32>
      %add3A_796 = arith.addi %iota3A, %add3A_795 : vector<16xi32>
      %lt3A_797 = arith.constant 16 : i32
      %lt3A_798 = vector.broadcast %lt3A_797 : i32 to vector<16xi32>
      %lt3A_799 = arith.cmpi slt, %add3A_796, %lt3A_798 : vector<16xi32>
      %and3A_800 = arith.andi %eq3A_793, %lt3A_799 : vector<16xi1>
      %or3A_801 = arith.ori %or3A_776, %and3A_800 : vector<16xi1>
      %add3A_802 = arith.constant 13 : i32
      %add3A_803 = vector.broadcast %add3A_802 : i32 to vector<16xi32>
      %add3A_804 = arith.addi %iota3A, %add3A_803 : vector<16xi32>
      %min3A_805 = arith.constant 15 : i32
      %min3A_806 = vector.broadcast %min3A_805 : i32 to vector<16xi32>
      %min3A_807 = arith.minsi %add3A_804, %min3A_806 : vector<16xi32>
      %lt3A_808 = arith.constant 0 : i32
      %lt3A_809 = vector.broadcast %lt3A_808 : i32 to vector<16xi32>
      %lt3A_810 = arith.cmpi slt, %min3A_807, %lt3A_809 : vector<16xi32>
      %add3A_811 = arith.constant 16 : i32
      %add3A_812 = vector.broadcast %add3A_811 : i32 to vector<16xi32>
      %add3A_813 = arith.addi %min3A_807, %add3A_812 : vector<16xi32>
      %select_n3A_814 = arith.select %lt3A_810, %add3A_813, %min3A_807 : vector<16xi1>, vector<16xi32>
      %broadcast_in_dim3A_815 = vector.shape_cast %select_n3A_814 : vector<16xi32> to vector<16x1xi32>
      %gather3A_816 = vector.shape_cast %broadcast_in_dim3A_815 : vector<16x1xi32> to vector<16xi32>
      %gather3A_817 = tpu.dynamic_gather %select_n3A_502[%gather3A_816] in [0] : vector<16xi32>, vector<16xi32> -> vector<16xi32>
      %eq3A_818 = arith.cmpi eq, %gather3A_817, %select_n3A_502 : vector<16xi32>
      %add3A_819 = arith.constant 13 : i32
      %add3A_820 = vector.broadcast %add3A_819 : i32 to vector<16xi32>
      %add3A_821 = arith.addi %iota3A, %add3A_820 : vector<16xi32>
      %lt3A_822 = arith.constant 16 : i32
      %lt3A_823 = vector.broadcast %lt3A_822 : i32 to vector<16xi32>
      %lt3A_824 = arith.cmpi slt, %add3A_821, %lt3A_823 : vector<16xi32>
      %and3A_825 = arith.andi %eq3A_818, %lt3A_824 : vector<16xi1>
      %or3A_826 = arith.ori %or3A_801, %and3A_825 : vector<16xi1>
      %add3A_827 = arith.constant 14 : i32
      %add3A_828 = vector.broadcast %add3A_827 : i32 to vector<16xi32>
      %add3A_829 = arith.addi %iota3A, %add3A_828 : vector<16xi32>
      %min3A_830 = arith.constant 15 : i32
      %min3A_831 = vector.broadcast %min3A_830 : i32 to vector<16xi32>
      %min3A_832 = arith.minsi %add3A_829, %min3A_831 : vector<16xi32>
      %lt3A_833 = arith.constant 0 : i32
      %lt3A_834 = vector.broadcast %lt3A_833 : i32 to vector<16xi32>
      %lt3A_835 = arith.cmpi slt, %min3A_832, %lt3A_834 : vector<16xi32>
      %add3A_836 = arith.constant 16 : i32
      %add3A_837 = vector.broadcast %add3A_836 : i32 to vector<16xi32>
      %add3A_838 = arith.addi %min3A_832, %add3A_837 : vector<16xi32>
      %select_n3A_839 = arith.select %lt3A_835, %add3A_838, %min3A_832 : vector<16xi1>, vector<16xi32>
      %broadcast_in_dim3A_840 = vector.shape_cast %select_n3A_839 : vector<16xi32> to vector<16x1xi32>
      %gather3A_841 = vector.shape_cast %broadcast_in_dim3A_840 : vector<16x1xi32> to vector<16xi32>
      %gather3A_842 = tpu.dynamic_gather %select_n3A_502[%gather3A_841] in [0] : vector<16xi32>, vector<16xi32> -> vector<16xi32>
      %eq3A_843 = arith.cmpi eq, %gather3A_842, %select_n3A_502 : vector<16xi32>
      %add3A_844 = arith.constant 14 : i32
      %add3A_845 = vector.broadcast %add3A_844 : i32 to vector<16xi32>
      %add3A_846 = arith.addi %iota3A, %add3A_845 : vector<16xi32>
      %lt3A_847 = arith.constant 16 : i32
      %lt3A_848 = vector.broadcast %lt3A_847 : i32 to vector<16xi32>
      %lt3A_849 = arith.cmpi slt, %add3A_846, %lt3A_848 : vector<16xi32>
      %and3A_850 = arith.andi %eq3A_843, %lt3A_849 : vector<16xi1>
      %or3A_851 = arith.ori %or3A_826, %and3A_850 : vector<16xi1>
      %add3A_852 = arith.constant 15 : i32
      %add3A_853 = vector.broadcast %add3A_852 : i32 to vector<16xi32>
      %add3A_854 = arith.addi %iota3A, %add3A_853 : vector<16xi32>
      %min3A_855 = arith.constant 15 : i32
      %min3A_856 = vector.broadcast %min3A_855 : i32 to vector<16xi32>
      %min3A_857 = arith.minsi %add3A_854, %min3A_856 : vector<16xi32>
      %lt3A_858 = arith.constant 0 : i32
      %lt3A_859 = vector.broadcast %lt3A_858 : i32 to vector<16xi32>
      %lt3A_860 = arith.cmpi slt, %min3A_857, %lt3A_859 : vector<16xi32>
      %add3A_861 = arith.constant 16 : i32
      %add3A_862 = vector.broadcast %add3A_861 : i32 to vector<16xi32>
      %add3A_863 = arith.addi %min3A_857, %add3A_862 : vector<16xi32>
      %select_n3A_864 = arith.select %lt3A_860, %add3A_863, %min3A_857 : vector<16xi1>, vector<16xi32>
      %broadcast_in_dim3A_865 = vector.shape_cast %select_n3A_864 : vector<16xi32> to vector<16x1xi32>
      %gather3A_866 = vector.shape_cast %broadcast_in_dim3A_865 : vector<16x1xi32> to vector<16xi32>
      %gather3A_867 = tpu.dynamic_gather %select_n3A_502[%gather3A_866] in [0] : vector<16xi32>, vector<16xi32> -> vector<16xi32>
      %eq3A_868 = arith.cmpi eq, %gather3A_867, %select_n3A_502 : vector<16xi32>
      %add3A_869 = arith.constant 15 : i32
      %add3A_870 = vector.broadcast %add3A_869 : i32 to vector<16xi32>
      %add3A_871 = arith.addi %iota3A, %add3A_870 : vector<16xi32>
      %lt3A_872 = arith.constant 16 : i32
      %lt3A_873 = vector.broadcast %lt3A_872 : i32 to vector<16xi32>
      %lt3A_874 = arith.cmpi slt, %add3A_871, %lt3A_873 : vector<16xi32>
      %and3A_875 = arith.andi %eq3A_868, %lt3A_874 : vector<16xi1>
      %or3A_876 = arith.ori %or3A_851, %and3A_875 : vector<16xi1>
      %not3A = arith.constant dense<true> : vector<16xi1>
      %not3A_877 = arith.xori %or3A_876, %not3A : vector<16xi1>
      %and3A_878 = arith.andi %lt3A_484, %not3A_877 : vector<16xi1>
      %gather3A_879 = tpu.vector_load_idx %arg12[%shift_right_logical3A_487, %and3A_492] masked %and3A_878 : memref<48x256xf32, #tpu.memory_space<vmem>>[vector<16xi32>, vector<16xi32>], vector<16xf32>, vector<16xi1>
      %gather3A_880 = tpu.vector_load_idx %arg14[%and3A_495] masked %and3A_878 : memref<2048xf32, #tpu.memory_space<vmem>>[vector<16xi32>], vector<16xf32>, vector<16xi1>
      %add3A_881 = arith.addf %gather3A_880, %gather3A_879 : vector<16xf32>
      tpu.vector_store_idx %arg11[%shift_right_logical3A_487, %and3A_492], %add3A_881 masked %and3A_878 : memref<48x256xf32, #tpu.memory_space<vmem>>[vector<16xi32>, vector<16xi32>], vector<16xf32>, vector<16xi1>
      %while3A_882 = arith.constant 0 : i32
      scf.yield %while3A_882 : i32
    }
    %while3A_180 = arith.constant 1 : i32
    %while3A_181 = scf.for %while3A_476 = %while3A_177 to %while3A_173 step %while3A_180 iter_args(%while3A_477 = %while3A_179) -> (i32)  : i32 {
      %mul3A_478 = arith.constant 16 : i32
      %mul3A_479 = arith.muli %while3A_476, %mul3A_478 : i32
      %mul3A_480 = arith.constant 16 : i32
      %mul3A_481 = arith.muli %while3A_476, %mul3A_480 : i32
      %add3A_482 = vector.broadcast %mul3A_481 : i32 to vector<16xi32>
      %add3A_483 = arith.addi %add3A_482, %iota3A : vector<16xi32>
      %lt3A = vector.broadcast %scan3A_94 : i32 to vector<16xi32>
      %lt3A_484 = arith.cmpi slt, %add3A_483, %lt3A : vector<16xi32>
      %get3A = arith.index_cast %mul3A_479 : i32 to index
      %get3A_485 = tpu.vector_load %arg17[%get3A] {strides = array<i32>} : memref<2064xi32, #tpu.memory_space<vmem>>, vector<16xi32>,
      %jit3A = arith.constant 0 : i32
      %broadcast_in_dim3A = vector.broadcast %jit3A : i32 to vector<16xi32>
      %select_n3A = arith.select %lt3A_484, %get3A_485, %broadcast_in_dim3A : vector<16xi1>, vector<16xi32>
      %shift_right_logical3A = arith.constant 19 : i32
      %shift_right_logical3A_486 = vector.broadcast %shift_right_logical3A : i32 to vector<16xi32>
      %shift_right_logical3A_487 = arith.shrui %select_n3A, %shift_right_logical3A_486 : vector<16xi32>
      %shift_right_logical3A_488 = arith.constant 11 : i32
      %shift_right_logical3A_489 = vector.broadcast %shift_right_logical3A_488 : i32 to vector<16xi32>
      %shift_right_logical3A_490 = arith.shrui %select_n3A, %shift_right_logical3A_489 : vector<16xi32>
      %and3A = arith.constant 255 : i32
      %and3A_491 = vector.broadcast %and3A : i32 to vector<16xi32>
      %and3A_492 = arith.andi %shift_right_logical3A_490, %and3A_491 : vector<16xi32>
      %and3A_493 = arith.constant 2047 : i32
      %and3A_494 = vector.broadcast %and3A_493 : i32 to vector<16xi32>
      %and3A_495 = arith.andi %select_n3A, %and3A_494 : vector<16xi32>
      %mul3A_496 = arith.constant 256 : i32
      %mul3A_497 = vector.broadcast %mul3A_496 : i32 to vector<16xi32>
      %mul3A_498 = arith.muli %shift_right_logical3A_487, %mul3A_497 : vector<16xi32>
      %add3A_499 = arith.addi %mul3A_498, %and3A_492 : vector<16xi32>
      %jit3A_500 = arith.constant -1 : i32
      %broadcast_in_dim3A_501 = vector.broadcast %jit3A_500 : i32 to vector<16xi32>
      %select_n3A_502 = arith.select %lt3A_484, %add3A_499, %broadcast_in_dim3A_501 : vector<16xi1>, vector<16xi32>
      %lt3A_503 = arith.constant 0 : i32
      %lt3A_504 = vector.broadcast %lt3A_503 : i32 to vector<16xi32>
      %lt3A_505 = arith.cmpi slt, %iota3A, %lt3A_504 : vector<16xi32>
      %add3A_506 = arith.constant 1 : i32
      %add3A_507 = vector.broadcast %add3A_506 : i32 to vector<16xi32>
      %add3A_508 = arith.addi %iota3A, %add3A_507 : vector<16xi32>
      %min3A = arith.constant 15 : i32
      %min3A_509 = vector.broadcast %min3A : i32 to vector<16xi32>
      %min3A_510 = arith.minsi %add3A_508, %min3A_509 : vector<16xi32>
      %lt3A_511 = arith.constant 0 : i32
      %lt3A_512 = vector.broadcast %lt3A_511 : i32 to vector<16xi32>
      %lt3A_513 = arith.cmpi slt, %min3A_510, %lt3A_512 : vector<16xi32>
      %add3A_514 = arith.constant 16 : i32
      %add3A_515 = vector.broadcast %add3A_514 : i32 to vector<16xi32>
      %add3A_516 = arith.addi %min3A_510, %add3A_515 : vector<16xi32>
      %select_n3A_517 = arith.select %lt3A_513, %add3A_516, %min3A_510 : vector<16xi1>, vector<16xi32>
      %broadcast_in_dim3A_518 = vector.shape_cast %select_n3A_517 : vector<16xi32> to vector<16x1xi32>
      %gather3A = vector.shape_cast %broadcast_in_dim3A_518 : vector<16x1xi32> to vector<16xi32>
      %gather3A_519 = tpu.dynamic_gather %select_n3A_502[%gather3A] in [0] : vector<16xi32>, vector<16xi32> -> vector<16xi32>
      %eq3A = arith.cmpi eq, %gather3A_519, %select_n3A_502 : vector<16xi32>
      %add3A_520 = arith.constant 1 : i32
      %add3A_521 = vector.broadcast %add3A_520 : i32 to vector<16xi32>
      %add3A_522 = arith.addi %iota3A, %add3A_521 : vector<16xi32>
      %lt3A_523 = arith.constant 16 : i32
      %lt3A_524 = vector.broadcast %lt3A_523 : i32 to vector<16xi32>
      %lt3A_525 = arith.cmpi slt, %add3A_522, %lt3A_524 : vector<16xi32>
      %and3A_526 = arith.andi %eq3A, %lt3A_525 : vector<16xi1>
      %or3A = arith.ori %lt3A_505, %and3A_526 : vector<16xi1>
      %add3A_527 = arith.constant 2 : i32
      %add3A_528 = vector.broadcast %add3A_527 : i32 to vector<16xi32>
      %add3A_529 = arith.addi %iota3A, %add3A_528 : vector<16xi32>
      %min3A_530 = arith.constant 15 : i32
      %min3A_531 = vector.broadcast %min3A_530 : i32 to vector<16xi32>
      %min3A_532 = arith.minsi %add3A_529, %min3A_531 : vector<16xi32>
      %lt3A_533 = arith.constant 0 : i32
      %lt3A_534 = vector.broadcast %lt3A_533 : i32 to vector<16xi32>
      %lt3A_535 = arith.cmpi slt, %min3A_532, %lt3A_534 : vector<16xi32>
      %add3A_536 = arith.constant 16 : i32
      %add3A_537 = vector.broadcast %add3A_536 : i32 to vector<16xi32>
      %add3A_538 = arith.addi %min3A_532, %add3A_537 : vector<16xi32>
      %select_n3A_539 = arith.select %lt3A_535, %add3A_538, %min3A_532 : vector<16xi1>, vector<16xi32>
      %broadcast_in_dim3A_540 = vector.shape_cast %select_n3A_539 : vector<16xi32> to vector<16x1xi32>
      %gather3A_541 = vector.shape_cast %broadcast_in_dim3A_540 : vector<16x1xi32> to vector<16xi32>
      %gather3A_542 = tpu.dynamic_gather %select_n3A_502[%gather3A_541] in [0] : vector<16xi32>, vector<16xi32> -> vector<16xi32>
      %eq3A_543 = arith.cmpi eq, %gather3A_542, %select_n3A_502 : vector<16xi32>
      %add3A_544 = arith.constant 2 : i32
      %add3A_545 = vector.broadcast %add3A_544 : i32 to vector<16xi32>
      %add3A_546 = arith.addi %iota3A, %add3A_545 : vector<16xi32>
      %lt3A_547 = arith.constant 16 : i32
      %lt3A_548 = vector.broadcast %lt3A_547 : i32 to vector<16xi32>
      %lt3A_549 = arith.cmpi slt, %add3A_546, %lt3A_548 : vector<16xi32>
      %and3A_550 = arith.andi %eq3A_543, %lt3A_549 : vector<16xi1>
      %or3A_551 = arith.ori %or3A, %and3A_550 : vector<16xi1>
      %add3A_552 = arith.constant 3 : i32
      %add3A_553 = vector.broadcast %add3A_552 : i32 to vector<16xi32>
      %add3A_554 = arith.addi %iota3A, %add3A_553 : vector<16xi32>
      %min3A_555 = arith.constant 15 : i32
      %min3A_556 = vector.broadcast %min3A_555 : i32 to vector<16xi32>
      %min3A_557 = arith.minsi %add3A_554, %min3A_556 : vector<16xi32>
      %lt3A_558 = arith.constant 0 : i32
      %lt3A_559 = vector.broadcast %lt3A_558 : i32 to vector<16xi32>
      %lt3A_560 = arith.cmpi slt, %min3A_557, %lt3A_559 : vector<16xi32>
      %add3A_561 = arith.constant 16 : i32
      %add3A_562 = vector.broadcast %add3A_561 : i32 to vector<16xi32>
      %add3A_563 = arith.addi %min3A_557, %add3A_562 : vector<16xi32>
      %select_n3A_564 = arith.select %lt3A_560, %add3A_563, %min3A_557 : vector<16xi1>, vector<16xi32>
      %broadcast_in_dim3A_565 = vector.shape_cast %select_n3A_564 : vector<16xi32> to vector<16x1xi32>
      %gather3A_566 = vector.shape_cast %broadcast_in_dim3A_565 : vector<16x1xi32> to vector<16xi32>
      %gather3A_567 = tpu.dynamic_gather %select_n3A_502[%gather3A_566] in [0] : vector<16xi32>, vector<16xi32> -> vector<16xi32>
      %eq3A_568 = arith.cmpi eq, %gather3A_567, %select_n3A_502 : vector<16xi32>
      %add3A_569 = arith.constant 3 : i32
      %add3A_570 = vector.broadcast %add3A_569 : i32 to vector<16xi32>
      %add3A_571 = arith.addi %iota3A, %add3A_570 : vector<16xi32>
      %lt3A_572 = arith.constant 16 : i32
      %lt3A_573 = vector.broadcast %lt3A_572 : i32 to vector<16xi32>
      %lt3A_574 = arith.cmpi slt, %add3A_571, %lt3A_573 : vector<16xi32>
      %and3A_575 = arith.andi %eq3A_568, %lt3A_574 : vector<16xi1>
      %or3A_576 = arith.ori %or3A_551, %and3A_575 : vector<16xi1>
      %add3A_577 = arith.constant 4 : i32
      %add3A_578 = vector.broadcast %add3A_577 : i32 to vector<16xi32>
      %add3A_579 = arith.addi %iota3A, %add3A_578 : vector<16xi32>
      %min3A_580 = arith.constant 15 : i32
      %min3A_581 = vector.broadcast %min3A_580 : i32 to vector<16xi32>
      %min3A_582 = arith.minsi %add3A_579, %min3A_581 : vector<16xi32>
      %lt3A_583 = arith.constant 0 : i32
      %lt3A_584 = vector.broadcast %lt3A_583 : i32 to vector<16xi32>
      %lt3A_585 = arith.cmpi slt, %min3A_582, %lt3A_584 : vector<16xi32>
      %add3A_586 = arith.constant 16 : i32
      %add3A_587 = vector.broadcast %add3A_586 : i32 to vector<16xi32>
      %add3A_588 = arith.addi %min3A_582, %add3A_587 : vector<16xi32>
      %select_n3A_589 = arith.select %lt3A_585, %add3A_588, %min3A_582 : vector<16xi1>, vector<16xi32>
      %broadcast_in_dim3A_590 = vector.shape_cast %select_n3A_589 : vector<16xi32> to vector<16x1xi32>
      %gather3A_591 = vector.shape_cast %broadcast_in_dim3A_590 : vector<16x1xi32> to vector<16xi32>
      %gather3A_592 = tpu.dynamic_gather %select_n3A_502[%gather3A_591] in [0] : vector<16xi32>, vector<16xi32> -> vector<16xi32>
      %eq3A_593 = arith.cmpi eq, %gather3A_592, %select_n3A_502 : vector<16xi32>
      %add3A_594 = arith.constant 4 : i32
      %add3A_595 = vector.broadcast %add3A_594 : i32 to vector<16xi32>
      %add3A_596 = arith.addi %iota3A, %add3A_595 : vector<16xi32>
      %lt3A_597 = arith.constant 16 : i32
      %lt3A_598 = vector.broadcast %lt3A_597 : i32 to vector<16xi32>
      %lt3A_599 = arith.cmpi slt, %add3A_596, %lt3A_598 : vector<16xi32>
      %and3A_600 = arith.andi %eq3A_593, %lt3A_599 : vector<16xi1>
      %or3A_601 = arith.ori %or3A_576, %and3A_600 : vector<16xi1>
      %add3A_602 = arith.constant 5 : i32
      %add3A_603 = vector.broadcast %add3A_602 : i32 to vector<16xi32>
      %add3A_604 = arith.addi %iota3A, %add3A_603 : vector<16xi32>
      %min3A_605 = arith.constant 15 : i32
      %min3A_606 = vector.broadcast %min3A_605 : i32 to vector<16xi32>
      %min3A_607 = arith.minsi %add3A_604, %min3A_606 : vector<16xi32>
      %lt3A_608 = arith.constant 0 : i32
      %lt3A_609 = vector.broadcast %lt3A_608 : i32 to vector<16xi32>
      %lt3A_610 = arith.cmpi slt, %min3A_607, %lt3A_609 : vector<16xi32>
      %add3A_611 = arith.constant 16 : i32
      %add3A_612 = vector.broadcast %add3A_611 : i32 to vector<16xi32>
      %add3A_613 = arith.addi %min3A_607, %add3A_612 : vector<16xi32>
      %select_n3A_614 = arith.select %lt3A_610, %add3A_613, %min3A_607 : vector<16xi1>, vector<16xi32>
      %broadcast_in_dim3A_615 = vector.shape_cast %select_n3A_614 : vector<16xi32> to vector<16x1xi32>
      %gather3A_616 = vector.shape_cast %broadcast_in_dim3A_615 : vector<16x1xi32> to vector<16xi32>
      %gather3A_617 = tpu.dynamic_gather %select_n3A_502[%gather3A_616] in [0] : vector<16xi32>, vector<16xi32> -> vector<16xi32>
      %eq3A_618 = arith.cmpi eq, %gather3A_617, %select_n3A_502 : vector<16xi32>
      %add3A_619 = arith.constant 5 : i32
      %add3A_620 = vector.broadcast %add3A_619 : i32 to vector<16xi32>
      %add3A_621 = arith.addi %iota3A, %add3A_620 : vector<16xi32>
      %lt3A_622 = arith.constant 16 : i32
      %lt3A_623 = vector.broadcast %lt3A_622 : i32 to vector<16xi32>
      %lt3A_624 = arith.cmpi slt, %add3A_621, %lt3A_623 : vector<16xi32>
      %and3A_625 = arith.andi %eq3A_618, %lt3A_624 : vector<16xi1>
      %or3A_626 = arith.ori %or3A_601, %and3A_625 : vector<16xi1>
      %add3A_627 = arith.constant 6 : i32
      %add3A_628 = vector.broadcast %add3A_627 : i32 to vector<16xi32>
      %add3A_629 = arith.addi %iota3A, %add3A_628 : vector<16xi32>
      %min3A_630 = arith.constant 15 : i32
      %min3A_631 = vector.broadcast %min3A_630 : i32 to vector<16xi32>
      %min3A_632 = arith.minsi %add3A_629, %min3A_631 : vector<16xi32>
      %lt3A_633 = arith.constant 0 : i32
      %lt3A_634 = vector.broadcast %lt3A_633 : i32 to vector<16xi32>
      %lt3A_635 = arith.cmpi slt, %min3A_632, %lt3A_634 : vector<16xi32>
      %add3A_636 = arith.constant 16 : i32
      %add3A_637 = vector.broadcast %add3A_636 : i32 to vector<16xi32>
      %add3A_638 = arith.addi %min3A_632, %add3A_637 : vector<16xi32>
      %select_n3A_639 = arith.select %lt3A_635, %add3A_638, %min3A_632 : vector<16xi1>, vector<16xi32>
      %broadcast_in_dim3A_640 = vector.shape_cast %select_n3A_639 : vector<16xi32> to vector<16x1xi32>
      %gather3A_641 = vector.shape_cast %broadcast_in_dim3A_640 : vector<16x1xi32> to vector<16xi32>
      %gather3A_642 = tpu.dynamic_gather %select_n3A_502[%gather3A_641] in [0] : vector<16xi32>, vector<16xi32> -> vector<16xi32>
      %eq3A_643 = arith.cmpi eq, %gather3A_642, %select_n3A_502 : vector<16xi32>
      %add3A_644 = arith.constant 6 : i32
      %add3A_645 = vector.broadcast %add3A_644 : i32 to vector<16xi32>
      %add3A_646 = arith.addi %iota3A, %add3A_645 : vector<16xi32>
      %lt3A_647 = arith.constant 16 : i32
      %lt3A_648 = vector.broadcast %lt3A_647 : i32 to vector<16xi32>
      %lt3A_649 = arith.cmpi slt, %add3A_646, %lt3A_648 : vector<16xi32>
      %and3A_650 = arith.andi %eq3A_643, %lt3A_649 : vector<16xi1>
      %or3A_651 = arith.ori %or3A_626, %and3A_650 : vector<16xi1>
      %add3A_652 = arith.constant 7 : i32
      %add3A_653 = vector.broadcast %add3A_652 : i32 to vector<16xi32>
      %add3A_654 = arith.addi %iota3A, %add3A_653 : vector<16xi32>
      %min3A_655 = arith.constant 15 : i32
      %min3A_656 = vector.broadcast %min3A_655 : i32 to vector<16xi32>
      %min3A_657 = arith.minsi %add3A_654, %min3A_656 : vector<16xi32>
      %lt3A_658 = arith.constant 0 : i32
      %lt3A_659 = vector.broadcast %lt3A_658 : i32 to vector<16xi32>
      %lt3A_660 = arith.cmpi slt, %min3A_657, %lt3A_659 : vector<16xi32>
      %add3A_661 = arith.constant 16 : i32
      %add3A_662 = vector.broadcast %add3A_661 : i32 to vector<16xi32>
      %add3A_663 = arith.addi %min3A_657, %add3A_662 : vector<16xi32>
      %select_n3A_664 = arith.select %lt3A_660, %add3A_663, %min3A_657 : vector<16xi1>, vector<16xi32>
      %broadcast_in_dim3A_665 = vector.shape_cast %select_n3A_664 : vector<16xi32> to vector<16x1xi32>
      %gather3A_666 = vector.shape_cast %broadcast_in_dim3A_665 : vector<16x1xi32> to vector<16xi32>
      %gather3A_667 = tpu.dynamic_gather %select_n3A_502[%gather3A_666] in [0] : vector<16xi32>, vector<16xi32> -> vector<16xi32>
      %eq3A_668 = arith.cmpi eq, %gather3A_667, %select_n3A_502 : vector<16xi32>
      %add3A_669 = arith.constant 7 : i32
      %add3A_670 = vector.broadcast %add3A_669 : i32 to vector<16xi32>
      %add3A_671 = arith.addi %iota3A, %add3A_670 : vector<16xi32>
      %lt3A_672 = arith.constant 16 : i32
      %lt3A_673 = vector.broadcast %lt3A_672 : i32 to vector<16xi32>
      %lt3A_674 = arith.cmpi slt, %add3A_671, %lt3A_673 : vector<16xi32>
      %and3A_675 = arith.andi %eq3A_668, %lt3A_674 : vector<16xi1>
      %or3A_676 = arith.ori %or3A_651, %and3A_675 : vector<16xi1>
      %add3A_677 = arith.constant 8 : i32
      %add3A_678 = vector.broadcast %add3A_677 : i32 to vector<16xi32>
      %add3A_679 = arith.addi %iota3A, %add3A_678 : vector<16xi32>
      %min3A_680 = arith.constant 15 : i32
      %min3A_681 = vector.broadcast %min3A_680 : i32 to vector<16xi32>
      %min3A_682 = arith.minsi %add3A_679, %min3A_681 : vector<16xi32>
      %lt3A_683 = arith.constant 0 : i32
      %lt3A_684 = vector.broadcast %lt3A_683 : i32 to vector<16xi32>
      %lt3A_685 = arith.cmpi slt, %min3A_682, %lt3A_684 : vector<16xi32>
      %add3A_686 = arith.constant 16 : i32
      %add3A_687 = vector.broadcast %add3A_686 : i32 to vector<16xi32>
      %add3A_688 = arith.addi %min3A_682, %add3A_687 : vector<16xi32>
      %select_n3A_689 = arith.select %lt3A_685, %add3A_688, %min3A_682 : vector<16xi1>, vector<16xi32>
      %broadcast_in_dim3A_690 = vector.shape_cast %select_n3A_689 : vector<16xi32> to vector<16x1xi32>
      %gather3A_691 = vector.shape_cast %broadcast_in_dim3A_690 : vector<16x1xi32> to vector<16xi32>
      %gather3A_692 = tpu.dynamic_gather %select_n3A_502[%gather3A_691] in [0] : vector<16xi32>, vector<16xi32> -> vector<16xi32>
      %eq3A_693 = arith.cmpi eq, %gather3A_692, %select_n3A_502 : vector<16xi32>
      %add3A_694 = arith.constant 8 : i32
      %add3A_695 = vector.broadcast %add3A_694 : i32 to vector<16xi32>
      %add3A_696 = arith.addi %iota3A, %add3A_695 : vector<16xi32>
      %lt3A_697 = arith.constant 16 : i32
      %lt3A_698 = vector.broadcast %lt3A_697 : i32 to vector<16xi32>
      %lt3A_699 = arith.cmpi slt, %add3A_696, %lt3A_698 : vector<16xi32>
      %and3A_700 = arith.andi %eq3A_693, %lt3A_699 : vector<16xi1>
      %or3A_701 = arith.ori %or3A_676, %and3A_700 : vector<16xi1>
      %add3A_702 = arith.constant 9 : i32
      %add3A_703 = vector.broadcast %add3A_702 : i32 to vector<16xi32>
      %add3A_704 = arith.addi %iota3A, %add3A_703 : vector<16xi32>
      %min3A_705 = arith.constant 15 : i32
      %min3A_706 = vector.broadcast %min3A_705 : i32 to vector<16xi32>
      %min3A_707 = arith.minsi %add3A_704, %min3A_706 : vector<16xi32>
      %lt3A_708 = arith.constant 0 : i32
      %lt3A_709 = vector.broadcast %lt3A_708 : i32 to vector<16xi32>
      %lt3A_710 = arith.cmpi slt, %min3A_707, %lt3A_709 : vector<16xi32>
      %add3A_711 = arith.constant 16 : i32
      %add3A_712 = vector.broadcast %add3A_711 : i32 to vector<16xi32>
      %add3A_713 = arith.addi %min3A_707, %add3A_712 : vector<16xi32>
      %select_n3A_714 = arith.select %lt3A_710, %add3A_713, %min3A_707 : vector<16xi1>, vector<16xi32>
      %broadcast_in_dim3A_715 = vector.shape_cast %select_n3A_714 : vector<16xi32> to vector<16x1xi32>
      %gather3A_716 = vector.shape_cast %broadcast_in_dim3A_715 : vector<16x1xi32> to vector<16xi32>
      %gather3A_717 = tpu.dynamic_gather %select_n3A_502[%gather3A_716] in [0] : vector<16xi32>, vector<16xi32> -> vector<16xi32>
      %eq3A_718 = arith.cmpi eq, %gather3A_717, %select_n3A_502 : vector<16xi32>
      %add3A_719 = arith.constant 9 : i32
      %add3A_720 = vector.broadcast %add3A_719 : i32 to vector<16xi32>
      %add3A_721 = arith.addi %iota3A, %add3A_720 : vector<16xi32>
      %lt3A_722 = arith.constant 16 : i32
      %lt3A_723 = vector.broadcast %lt3A_722 : i32 to vector<16xi32>
      %lt3A_724 = arith.cmpi slt, %add3A_721, %lt3A_723 : vector<16xi32>
      %and3A_725 = arith.andi %eq3A_718, %lt3A_724 : vector<16xi1>
      %or3A_726 = arith.ori %or3A_701, %and3A_725 : vector<16xi1>
      %add3A_727 = arith.constant 10 : i32
      %add3A_728 = vector.broadcast %add3A_727 : i32 to vector<16xi32>
      %add3A_729 = arith.addi %iota3A, %add3A_728 : vector<16xi32>
      %min3A_730 = arith.constant 15 : i32
      %min3A_731 = vector.broadcast %min3A_730 : i32 to vector<16xi32>
      %min3A_732 = arith.minsi %add3A_729, %min3A_731 : vector<16xi32>
      %lt3A_733 = arith.constant 0 : i32
      %lt3A_734 = vector.broadcast %lt3A_733 : i32 to vector<16xi32>
      %lt3A_735 = arith.cmpi slt, %min3A_732, %lt3A_734 : vector<16xi32>
      %add3A_736 = arith.constant 16 : i32
      %add3A_737 = vector.broadcast %add3A_736 : i32 to vector<16xi32>
      %add3A_738 = arith.addi %min3A_732, %add3A_737 : vector<16xi32>
      %select_n3A_739 = arith.select %lt3A_735, %add3A_738, %min3A_732 : vector<16xi1>, vector<16xi32>
      %broadcast_in_dim3A_740 = vector.shape_cast %select_n3A_739 : vector<16xi32> to vector<16x1xi32>
      %gather3A_741 = vector.shape_cast %broadcast_in_dim3A_740 : vector<16x1xi32> to vector<16xi32>
      %gather3A_742 = tpu.dynamic_gather %select_n3A_502[%gather3A_741] in [0] : vector<16xi32>, vector<16xi32> -> vector<16xi32>
      %eq3A_743 = arith.cmpi eq, %gather3A_742, %select_n3A_502 : vector<16xi32>
      %add3A_744 = arith.constant 10 : i32
      %add3A_745 = vector.broadcast %add3A_744 : i32 to vector<16xi32>
      %add3A_746 = arith.addi %iota3A, %add3A_745 : vector<16xi32>
      %lt3A_747 = arith.constant 16 : i32
      %lt3A_748 = vector.broadcast %lt3A_747 : i32 to vector<16xi32>
      %lt3A_749 = arith.cmpi slt, %add3A_746, %lt3A_748 : vector<16xi32>
      %and3A_750 = arith.andi %eq3A_743, %lt3A_749 : vector<16xi1>
      %or3A_751 = arith.ori %or3A_726, %and3A_750 : vector<16xi1>
      %add3A_752 = arith.constant 11 : i32
      %add3A_753 = vector.broadcast %add3A_752 : i32 to vector<16xi32>
      %add3A_754 = arith.addi %iota3A, %add3A_753 : vector<16xi32>
      %min3A_755 = arith.constant 15 : i32
      %min3A_756 = vector.broadcast %min3A_755 : i32 to vector<16xi32>
      %min3A_757 = arith.minsi %add3A_754, %min3A_756 : vector<16xi32>
      %lt3A_758 = arith.constant 0 : i32
      %lt3A_759 = vector.broadcast %lt3A_758 : i32 to vector<16xi32>
      %lt3A_760 = arith.cmpi slt, %min3A_757, %lt3A_759 : vector<16xi32>
      %add3A_761 = arith.constant 16 : i32
      %add3A_762 = vector.broadcast %add3A_761 : i32 to vector<16xi32>
      %add3A_763 = arith.addi %min3A_757, %add3A_762 : vector<16xi32>
      %select_n3A_764 = arith.select %lt3A_760, %add3A_763, %min3A_757 : vector<16xi1>, vector<16xi32>
      %broadcast_in_dim3A_765 = vector.shape_cast %select_n3A_764 : vector<16xi32> to vector<16x1xi32>
      %gather3A_766 = vector.shape_cast %broadcast_in_dim3A_765 : vector<16x1xi32> to vector<16xi32>
      %gather3A_767 = tpu.dynamic_gather %select_n3A_502[%gather3A_766] in [0] : vector<16xi32>, vector<16xi32> -> vector<16xi32>
      %eq3A_768 = arith.cmpi eq, %gather3A_767, %select_n3A_502 : vector<16xi32>
      %add3A_769 = arith.constant 11 : i32
      %add3A_770 = vector.broadcast %add3A_769 : i32 to vector<16xi32>
      %add3A_771 = arith.addi %iota3A, %add3A_770 : vector<16xi32>
      %lt3A_772 = arith.constant 16 : i32
      %lt3A_773 = vector.broadcast %lt3A_772 : i32 to vector<16xi32>
      %lt3A_774 = arith.cmpi slt, %add3A_771, %lt3A_773 : vector<16xi32>
      %and3A_775 = arith.andi %eq3A_768, %lt3A_774 : vector<16xi1>
      %or3A_776 = arith.ori %or3A_751, %and3A_775 : vector<16xi1>
      %add3A_777 = arith.constant 12 : i32
      %add3A_778 = vector.broadcast %add3A_777 : i32 to vector<16xi32>
      %add3A_779 = arith.addi %iota3A, %add3A_778 : vector<16xi32>
      %min3A_780 = arith.constant 15 : i32
      %min3A_781 = vector.broadcast %min3A_780 : i32 to vector<16xi32>
      %min3A_782 = arith.minsi %add3A_779, %min3A_781 : vector<16xi32>
      %lt3A_783 = arith.constant 0 : i32
      %lt3A_784 = vector.broadcast %lt3A_783 : i32 to vector<16xi32>
      %lt3A_785 = arith.cmpi slt, %min3A_782, %lt3A_784 : vector<16xi32>
      %add3A_786 = arith.constant 16 : i32
      %add3A_787 = vector.broadcast %add3A_786 : i32 to vector<16xi32>
      %add3A_788 = arith.addi %min3A_782, %add3A_787 : vector<16xi32>
      %select_n3A_789 = arith.select %lt3A_785, %add3A_788, %min3A_782 : vector<16xi1>, vector<16xi32>
      %broadcast_in_dim3A_790 = vector.shape_cast %select_n3A_789 : vector<16xi32> to vector<16x1xi32>
      %gather3A_791 = vector.shape_cast %broadcast_in_dim3A_790 : vector<16x1xi32> to vector<16xi32>
      %gather3A_792 = tpu.dynamic_gather %select_n3A_502[%gather3A_791] in [0] : vector<16xi32>, vector<16xi32> -> vector<16xi32>
      %eq3A_793 = arith.cmpi eq, %gather3A_792, %select_n3A_502 : vector<16xi32>
      %add3A_794 = arith.constant 12 : i32
      %add3A_795 = vector.broadcast %add3A_794 : i32 to vector<16xi32>
      %add3A_796 = arith.addi %iota3A, %add3A_795 : vector<16xi32>
      %lt3A_797 = arith.constant 16 : i32
      %lt3A_798 = vector.broadcast %lt3A_797 : i32 to vector<16xi32>
      %lt3A_799 = arith.cmpi slt, %add3A_796, %lt3A_798 : vector<16xi32>
      %and3A_800 = arith.andi %eq3A_793, %lt3A_799 : vector<16xi1>
      %or3A_801 = arith.ori %or3A_776, %and3A_800 : vector<16xi1>
      %add3A_802 = arith.constant 13 : i32
      %add3A_803 = vector.broadcast %add3A_802 : i32 to vector<16xi32>
      %add3A_804 = arith.addi %iota3A, %add3A_803 : vector<16xi32>
      %min3A_805 = arith.constant 15 : i32
      %min3A_806 = vector.broadcast %min3A_805 : i32 to vector<16xi32>
      %min3A_807 = arith.minsi %add3A_804, %min3A_806 : vector<16xi32>
      %lt3A_808 = arith.constant 0 : i32
      %lt3A_809 = vector.broadcast %lt3A_808 : i32 to vector<16xi32>
      %lt3A_810 = arith.cmpi slt, %min3A_807, %lt3A_809 : vector<16xi32>
      %add3A_811 = arith.constant 16 : i32
      %add3A_812 = vector.broadcast %add3A_811 : i32 to vector<16xi32>
      %add3A_813 = arith.addi %min3A_807, %add3A_812 : vector<16xi32>
      %select_n3A_814 = arith.select %lt3A_810, %add3A_813, %min3A_807 : vector<16xi1>, vector<16xi32>
      %broadcast_in_dim3A_815 = vector.shape_cast %select_n3A_814 : vector<16xi32> to vector<16x1xi32>
      %gather3A_816 = vector.shape_cast %broadcast_in_dim3A_815 : vector<16x1xi32> to vector<16xi32>
      %gather3A_817 = tpu.dynamic_gather %select_n3A_502[%gather3A_816] in [0] : vector<16xi32>, vector<16xi32> -> vector<16xi32>
      %eq3A_818 = arith.cmpi eq, %gather3A_817, %select_n3A_502 : vector<16xi32>
      %add3A_819 = arith.constant 13 : i32
      %add3A_820 = vector.broadcast %add3A_819 : i32 to vector<16xi32>
      %add3A_821 = arith.addi %iota3A, %add3A_820 : vector<16xi32>
      %lt3A_822 = arith.constant 16 : i32
      %lt3A_823 = vector.broadcast %lt3A_822 : i32 to vector<16xi32>
      %lt3A_824 = arith.cmpi slt, %add3A_821, %lt3A_823 : vector<16xi32>
      %and3A_825 = arith.andi %eq3A_818, %lt3A_824 : vector<16xi1>
      %or3A_826 = arith.ori %or3A_801, %and3A_825 : vector<16xi1>
      %add3A_827 = arith.constant 14 : i32
      %add3A_828 = vector.broadcast %add3A_827 : i32 to vector<16xi32>
      %add3A_829 = arith.addi %iota3A, %add3A_828 : vector<16xi32>
      %min3A_830 = arith.constant 15 : i32
      %min3A_831 = vector.broadcast %min3A_830 : i32 to vector<16xi32>
      %min3A_832 = arith.minsi %add3A_829, %min3A_831 : vector<16xi32>
      %lt3A_833 = arith.constant 0 : i32
      %lt3A_834 = vector.broadcast %lt3A_833 : i32 to vector<16xi32>
      %lt3A_835 = arith.cmpi slt, %min3A_832, %lt3A_834 : vector<16xi32>
      %add3A_836 = arith.constant 16 : i32
      %add3A_837 = vector.broadcast %add3A_836 : i32 to vector<16xi32>
      %add3A_838 = arith.addi %min3A_832, %add3A_837 : vector<16xi32>
      %select_n3A_839 = arith.select %lt3A_835, %add3A_838, %min3A_832 : vector<16xi1>, vector<16xi32>
      %broadcast_in_dim3A_840 = vector.shape_cast %select_n3A_839 : vector<16xi32> to vector<16x1xi32>
      %gather3A_841 = vector.shape_cast %broadcast_in_dim3A_840 : vector<16x1xi32> to vector<16xi32>
      %gather3A_842 = tpu.dynamic_gather %select_n3A_502[%gather3A_841] in [0] : vector<16xi32>, vector<16xi32> -> vector<16xi32>
      %eq3A_843 = arith.cmpi eq, %gather3A_842, %select_n3A_502 : vector<16xi32>
      %add3A_844 = arith.constant 14 : i32
      %add3A_845 = vector.broadcast %add3A_844 : i32 to vector<16xi32>
      %add3A_846 = arith.addi %iota3A, %add3A_845 : vector<16xi32>
      %lt3A_847 = arith.constant 16 : i32
      %lt3A_848 = vector.broadcast %lt3A_847 : i32 to vector<16xi32>
      %lt3A_849 = arith.cmpi slt, %add3A_846, %lt3A_848 : vector<16xi32>
      %and3A_850 = arith.andi %eq3A_843, %lt3A_849 : vector<16xi1>
      %or3A_851 = arith.ori %or3A_826, %and3A_850 : vector<16xi1>
      %add3A_852 = arith.constant 15 : i32
      %add3A_853 = vector.broadcast %add3A_852 : i32 to vector<16xi32>
      %add3A_854 = arith.addi %iota3A, %add3A_853 : vector<16xi32>
      %min3A_855 = arith.constant 15 : i32
      %min3A_856 = vector.broadcast %min3A_855 : i32 to vector<16xi32>
      %min3A_857 = arith.minsi %add3A_854, %min3A_856 : vector<16xi32>
      %lt3A_858 = arith.constant 0 : i32
      %lt3A_859 = vector.broadcast %lt3A_858 : i32 to vector<16xi32>
      %lt3A_860 = arith.cmpi slt, %min3A_857, %lt3A_859 : vector<16xi32>
      %add3A_861 = arith.constant 16 : i32
      %add3A_862 = vector.broadcast %add3A_861 : i32 to vector<16xi32>
      %add3A_863 = arith.addi %min3A_857, %add3A_862 : vector<16xi32>
      %select_n3A_864 = arith.select %lt3A_860, %add3A_863, %min3A_857 : vector<16xi1>, vector<16xi32>
      %broadcast_in_dim3A_865 = vector.shape_cast %select_n3A_864 : vector<16xi32> to vector<16x1xi32>
      %gather3A_866 = vector.shape_cast %broadcast_in_dim3A_865 : vector<16x1xi32> to vector<16xi32>
      %gather3A_867 = tpu.dynamic_gather %select_n3A_502[%gather3A_866] in [0] : vector<16xi32>, vector<16xi32> -> vector<16xi32>
      %eq3A_868 = arith.cmpi eq, %gather3A_867, %select_n3A_502 : vector<16xi32>
      %add3A_869 = arith.constant 15 : i32
      %add3A_870 = vector.broadcast %add3A_869 : i32 to vector<16xi32>
      %add3A_871 = arith.addi %iota3A, %add3A_870 : vector<16xi32>
      %lt3A_872 = arith.constant 16 : i32
      %lt3A_873 = vector.broadcast %lt3A_872 : i32 to vector<16xi32>
      %lt3A_874 = arith.cmpi slt, %add3A_871, %lt3A_873 : vector<16xi32>
      %and3A_875 = arith.andi %eq3A_868, %lt3A_874 : vector<16xi1>
      %or3A_876 = arith.ori %or3A_851, %and3A_875 : vector<16xi1>
      %not3A = arith.constant dense<true> : vector<16xi1>
      %not3A_877 = arith.xori %or3A_876, %not3A : vector<16xi1>
      %and3A_878 = arith.andi %lt3A_484, %not3A_877 : vector<16xi1>
      %gather3A_879 = tpu.vector_load_idx %arg12[%shift_right_logical3A_487, %and3A_492] masked %and3A_878 : memref<48x256xf32, #tpu.memory_space<vmem>>[vector<16xi32>, vector<16xi32>], vector<16xf32>, vector<16xi1>
      %gather3A_880 = tpu.vector_load_idx %arg14[%and3A_495] masked %and3A_878 : memref<2048xf32, #tpu.memory_space<vmem>>[vector<16xi32>], vector<16xf32>, vector<16xi1>
      %add3A_881 = arith.addf %gather3A_880, %gather3A_879 : vector<16xf32>
      tpu.vector_store_idx %arg11[%shift_right_logical3A_487, %and3A_492], %add3A_881 masked %and3A_878 : memref<48x256xf32, #tpu.memory_space<vmem>>[vector<16xi32>, vector<16xi32>], vector<16xf32>, vector<16xi1>
      %while3A_882 = arith.constant 0 : i32
      scf.yield %while3A_882 : i32
    }
    %add3A_182 = arith.constant 0 : i32
    %add3A_183 = arith.addi %mul3A_2, %add3A_182 : i32
    %div3A_184 = arith.constant 256 : i32
    %div3A_185 = arith.divsi %add3A_183, %div3A_184 : i32
    %rem3A_186 = arith.constant 256 : i32
    %rem3A_187 = arith.remsi %add3A_183, %rem3A_186 : i32
    %dma_start3A_188 = arith.constant 0 : i32
    %dma_start3A_189 = arith.constant 0 : i32
    %dma_start3A_190 = tpu.memref_slice %arg11[%dma_start3A_188, %dma_start3A_189] : memref<48x256xf32, #tpu.memory_space<vmem>> -> memref<16x256xf32, #tpu.memory_space<vmem>>
    %dma_start3A_191 = arith.constant 0 : i32
    %dma_start3A_192 = tpu.memref_slice %arg8[%div3A_185, %rem3A_187, %dma_start3A_191] : memref<6x256x256xf32, #tpu.memory_space<hbm>> -> memref<1x16x256xf32, #tpu.memory_space<hbm>>
    %dma_start3A_193 = tpu.memref_squeeze %dma_start3A_192 : memref<1x16x256xf32, #tpu.memory_space<hbm>> -> memref<16x256xf32, #tpu.memory_space<hbm>>
    %dma_start3A_194 = arith.constant 0 : i32
    %dma_start3A_195 = tpu.memref_slice %arg8[%div3A_185, %rem3A_187, %dma_start3A_194] : memref<6x256x256xf32, #tpu.memory_space<hbm>> -> memref<1x16x256xf32, #tpu.memory_space<hbm>>
    %dma_start3A_196 = tpu.memref_squeeze %dma_start3A_195 : memref<1x16x256xf32, #tpu.memory_space<hbm>> -> memref<16x256xf32, #tpu.memory_space<hbm>>
    %dma_start3A_197 = arith.constant 0 : i32
    %dma_start3A_198 = arith.constant 0 : i32
    %dma_start3A_199 = tpu.memref_slice %arg11[%dma_start3A_197, %dma_start3A_198] : memref<48x256xf32, #tpu.memory_space<vmem>> -> memref<16x256xf32, #tpu.memory_space<vmem>>
    tpu.enqueue_dma source(%dma_start3A_199 : memref<16x256xf32, #tpu.memory_space<vmem>>) target(%dma_start3A_196 : memref<16x256xf32, #tpu.memory_space<hbm>>) target_semaphore(%arg20 : memref<!tpu.dma_semaphore, #tpu.memory_space<semaphore_mem>>)
    %add3A_200 = arith.constant 16 : i32
    %add3A_201 = arith.addi %mul3A_2, %add3A_200 : i32
    %div3A_202 = arith.constant 256 : i32
    %div3A_203 = arith.divsi %add3A_201, %div3A_202 : i32
    %rem3A_204 = arith.constant 256 : i32
    %rem3A_205 = arith.remsi %add3A_201, %rem3A_204 : i32
    %dma_start3A_206 = arith.constant 16 : i32
    %dma_start3A_207 = arith.constant 0 : i32
    %dma_start3A_208 = tpu.memref_slice %arg11[%dma_start3A_206, %dma_start3A_207] : memref<48x256xf32, #tpu.memory_space<vmem>> -> memref<16x256xf32, #tpu.memory_space<vmem>>
    %dma_start3A_209 = arith.constant 0 : i32
    %dma_start3A_210 = tpu.memref_slice %arg8[%div3A_203, %rem3A_205, %dma_start3A_209] : memref<6x256x256xf32, #tpu.memory_space<hbm>> -> memref<1x16x256xf32, #tpu.memory_space<hbm>>
    %dma_start3A_211 = tpu.memref_squeeze %dma_start3A_210 : memref<1x16x256xf32, #tpu.memory_space<hbm>> -> memref<16x256xf32, #tpu.memory_space<hbm>>
    %dma_start3A_212 = arith.constant 0 : i32
    %dma_start3A_213 = tpu.memref_slice %arg8[%div3A_203, %rem3A_205, %dma_start3A_212] : memref<6x256x256xf32, #tpu.memory_space<hbm>> -> memref<1x16x256xf32, #tpu.memory_space<hbm>>
    %dma_start3A_214 = tpu.memref_squeeze %dma_start3A_213 : memref<1x16x256xf32, #tpu.memory_space<hbm>> -> memref<16x256xf32, #tpu.memory_space<hbm>>
    %dma_start3A_215 = arith.constant 16 : i32
    %dma_start3A_216 = arith.constant 0 : i32
    %dma_start3A_217 = tpu.memref_slice %arg11[%dma_start3A_215, %dma_start3A_216] : memref<48x256xf32, #tpu.memory_space<vmem>> -> memref<16x256xf32, #tpu.memory_space<vmem>>
    tpu.enqueue_dma source(%dma_start3A_217 : memref<16x256xf32, #tpu.memory_space<vmem>>) target(%dma_start3A_214 : memref<16x256xf32, #tpu.memory_space<hbm>>) target_semaphore(%arg20 : memref<!tpu.dma_semaphore, #tpu.memory_space<semaphore_mem>>)
    %add3A_218 = arith.constant 32 : i32
    %add3A_219 = arith.addi %mul3A_2, %add3A_218 : i32
    %div3A_220 = arith.constant 256 : i32
    %div3A_221 = arith.divsi %add3A_219, %div3A_220 : i32
    %rem3A_222 = arith.constant 256 : i32
    %rem3A_223 = arith.remsi %add3A_219, %rem3A_222 : i32
    %dma_start3A_224 = arith.constant 32 : i32
    %dma_start3A_225 = arith.constant 0 : i32
    %dma_start3A_226 = tpu.memref_slice %arg11[%dma_start3A_224, %dma_start3A_225] : memref<48x256xf32, #tpu.memory_space<vmem>> -> memref<16x256xf32, #tpu.memory_space<vmem>>
    %dma_start3A_227 = arith.constant 0 : i32
    %dma_start3A_228 = tpu.memref_slice %arg8[%div3A_221, %rem3A_223, %dma_start3A_227] : memref<6x256x256xf32, #tpu.memory_space<hbm>> -> memref<1x16x256xf32, #tpu.memory_space<hbm>>
    %dma_start3A_229 = tpu.memref_squeeze %dma_start3A_228 : memref<1x16x256xf32, #tpu.memory_space<hbm>> -> memref<16x256xf32, #tpu.memory_space<hbm>>
    %dma_start3A_230 = arith.constant 0 : i32
    %dma_start3A_231 = tpu.memref_slice %arg8[%div3A_221, %rem3A_223, %dma_start3A_230] : memref<6x256x256xf32, #tpu.memory_space<hbm>> -> memref<1x16x256xf32, #tpu.memory_space<hbm>>
    %dma_start3A_232 = tpu.memref_squeeze %dma_start3A_231 : memref<1x16x256xf32, #tpu.memory_space<hbm>> -> memref<16x256xf32, #tpu.memory_space<hbm>>
    %dma_start3A_233 = arith.constant 32 : i32
    %dma_start3A_234 = arith.constant 0 : i32
    %dma_start3A_235 = tpu.memref_slice %arg11[%dma_start3A_233, %dma_start3A_234] : memref<48x256xf32, #tpu.memory_space<vmem>> -> memref<16x256xf32, #tpu.memory_space<vmem>>
    tpu.enqueue_dma source(%dma_start3A_235 : memref<16x256xf32, #tpu.memory_space<vmem>>) target(%dma_start3A_232 : memref<16x256xf32, #tpu.memory_space<hbm>>) target_semaphore(%arg20 : memref<!tpu.dma_semaphore, #tpu.memory_space<semaphore_mem>>)
    %dma_wait3A_236 = arith.constant 0 : i32
    %dma_wait3A_237 = arith.constant 0 : i32
    %dma_wait3A_238 = tpu.memref_slice %arg11[%dma_wait3A_236, %dma_wait3A_237] : memref<48x256xf32, #tpu.memory_space<vmem>> -> memref<16x256xf32, #tpu.memory_space<vmem>>
    %dma_wait3A_239 = arith.constant 0 : i32
    %dma_wait3A_240 = tpu.memref_slice %arg8[%div3A_185, %rem3A_187, %dma_wait3A_239] : memref<6x256x256xf32, #tpu.memory_space<hbm>> -> memref<1x16x256xf32, #tpu.memory_space<hbm>>
    %dma_wait3A_241 = tpu.memref_squeeze %dma_wait3A_240 : memref<1x16x256xf32, #tpu.memory_space<hbm>> -> memref<16x256xf32, #tpu.memory_space<hbm>>
    %dma_wait3A_242 = arith.constant 0 : i32
    %dma_wait3A_243 = tpu.memref_slice %arg8[%div3A_185, %rem3A_187, %dma_wait3A_242] : memref<6x256x256xf32, #tpu.memory_space<hbm>> -> memref<1x16x256xf32, #tpu.memory_space<hbm>>
    %dma_wait3A_244 = tpu.memref_squeeze %dma_wait3A_243 : memref<1x16x256xf32, #tpu.memory_space<hbm>> -> memref<16x256xf32, #tpu.memory_space<hbm>>
    %dma_wait3A_245 = arith.constant 0 : i32
    %dma_wait3A_246 = arith.constant 0 : i32
    %dma_wait3A_247 = tpu.memref_slice %arg11[%dma_wait3A_245, %dma_wait3A_246] : memref<48x256xf32, #tpu.memory_space<vmem>> -> memref<16x256xf32, #tpu.memory_space<vmem>>
    tpu.wait_dma2 semaphore(%arg20 : memref<!tpu.dma_semaphore, #tpu.memory_space<semaphore_mem>>) src(%dma_wait3A_247 : memref<16x256xf32, #tpu.memory_space<vmem>>) dst(%dma_wait3A_244 : memref<16x256xf32, #tpu.memory_space<hbm>>)
    %dma_wait3A_248 = arith.constant 16 : i32
    %dma_wait3A_249 = arith.constant 0 : i32
    %dma_wait3A_250 = tpu.memref_slice %arg11[%dma_wait3A_248, %dma_wait3A_249] : memref<48x256xf32, #tpu.memory_space<vmem>> -> memref<16x256xf32, #tpu.memory_space<vmem>>
    %dma_wait3A_251 = arith.constant 0 : i32
    %dma_wait3A_252 = tpu.memref_slice %arg8[%div3A_203, %rem3A_205, %dma_wait3A_251] : memref<6x256x256xf32, #tpu.memory_space<hbm>> -> memref<1x16x256xf32, #tpu.memory_space<hbm>>
    %dma_wait3A_253 = tpu.memref_squeeze %dma_wait3A_252 : memref<1x16x256xf32, #tpu.memory_space<hbm>> -> memref<16x256xf32, #tpu.memory_space<hbm>>
    %dma_wait3A_254 = arith.constant 0 : i32
    %dma_wait3A_255 = tpu.memref_slice %arg8[%div3A_203, %rem3A_205, %dma_wait3A_254] : memref<6x256x256xf32, #tpu.memory_space<hbm>> -> memref<1x16x256xf32, #tpu.memory_space<hbm>>
    %dma_wait3A_256 = tpu.memref_squeeze %dma_wait3A_255 : memref<1x16x256xf32, #tpu.memory_space<hbm>> -> memref<16x256xf32, #tpu.memory_space<hbm>>
    %dma_wait3A_257 = arith.constant 16 : i32
    %dma_wait3A_258 = arith.constant 0 : i32
    %dma_wait3A_259 = tpu.memref_slice %arg11[%dma_wait3A_257, %dma_wait3A_258] : memref<48x256xf32, #tpu.memory_space<vmem>> -> memref<16x256xf32, #tpu.memory_space<vmem>>
    tpu.wait_dma2 semaphore(%arg20 : memref<!tpu.dma_semaphore, #tpu.memory_space<semaphore_mem>>) src(%dma_wait3A_259 : memref<16x256xf32, #tpu.memory_space<vmem>>) dst(%dma_wait3A_256 : memref<16x256xf32, #tpu.memory_space<hbm>>)
    %dma_wait3A_260 = arith.constant 32 : i32
    %dma_wait3A_261 = arith.constant 0 : i32
    %dma_wait3A_262 = tpu.memref_slice %arg11[%dma_wait3A_260, %dma_wait3A_261] : memref<48x256xf32, #tpu.memory_space<vmem>> -> memref<16x256xf32, #tpu.memory_space<vmem>>
    %dma_wait3A_263 = arith.constant 0 : i32
    %dma_wait3A_264 = tpu.memref_slice %arg8[%div3A_221, %rem3A_223, %dma_wait3A_263] : memref<6x256x256xf32, #tpu.memory_space<hbm>> -> memref<1x16x256xf32, #tpu.memory_space<hbm>>
    %dma_wait3A_265 = tpu.memref_squeeze %dma_wait3A_264 : memref<1x16x256xf32, #tpu.memory_space<hbm>> -> memref<16x256xf32, #tpu.memory_space<hbm>>
    %dma_wait3A_266 = arith.constant 0 : i32
    %dma_wait3A_267 = tpu.memref_slice %arg8[%div3A_221, %rem3A_223, %dma_wait3A_266] : memref<6x256x256xf32, #tpu.memory_space<hbm>> -> memref<1x16x256xf32, #tpu.memory_space<hbm>>
    %dma_wait3A_268 = tpu.memref_squeeze %dma_wait3A_267 : memref<1x16x256xf32, #tpu.memory_space<hbm>> -> memref<16x256xf32, #tpu.memory_space<hbm>>
    %dma_wait3A_269 = arith.constant 32 : i32
    %dma_wait3A_270 = arith.constant 0 : i32
    %dma_wait3A_271 = tpu.memref_slice %arg11[%dma_wait3A_269, %dma_wait3A_270] : memref<48x256xf32, #tpu.memory_space<vmem>> -> memref<16x256xf32, #tpu.memory_space<vmem>>
    tpu.wait_dma2 semaphore(%arg20 : memref<!tpu.dma_semaphore, #tpu.memory_space<semaphore_mem>>) src(%dma_wait3A_271 : memref<16x256xf32, #tpu.memory_space<vmem>>) dst(%dma_wait3A_268 : memref<16x256xf32, #tpu.memory_space<hbm>>)
    %while3A_272 = arith.constant 0 : i32
    %while3A_273 = arith.constant 0 : i32
    %while3A_274 = arith.subi %div3A_99, %while3A_272 : i32
    %while3A_275 = arith.addi %while3A_272, %while3A_274 : i32
    %while3A_276 = arith.constant 1 : i32
    %while3A_277 = arith.divsi %while3A_274, %while3A_276 : i32
    %while3A_278 = arith.muli %while3A_277, %while3A_276 : i32
    %while3A_279 = arith.addi %while3A_272, %while3A_278 : i32
    %while3A_280 = arith.constant 1 : i32
    %while3A_281 = scf.for %while3A_476 = %while3A_272 to %while3A_279 step %while3A_280 iter_args(%while3A_477 = %while3A_273) -> (i32)  : i32 {
      %mul3A_478 = arith.constant 16 : i32
      %mul3A_479 = arith.muli %while3A_476, %mul3A_478 : i32
      %mul3A_480 = arith.constant 16 : i32
      %mul3A_481 = arith.muli %while3A_476, %mul3A_480 : i32
      %add3A_482 = vector.broadcast %mul3A_481 : i32 to vector<16xi32>
      %add3A_483 = arith.addi %add3A_482, %iota3A : vector<16xi32>
      %lt3A = vector.broadcast %scan3A_94 : i32 to vector<16xi32>
      %lt3A_484 = arith.cmpi slt, %add3A_483, %lt3A : vector<16xi32>
      %get3A = arith.index_cast %mul3A_479 : i32 to index
      %get3A_485 = tpu.vector_load %arg17[%get3A] {strides = array<i32>} : memref<2064xi32, #tpu.memory_space<vmem>>, vector<16xi32>,
      %jit3A = arith.constant 0 : i32
      %broadcast_in_dim3A = vector.broadcast %jit3A : i32 to vector<16xi32>
      %select_n3A = arith.select %lt3A_484, %get3A_485, %broadcast_in_dim3A : vector<16xi1>, vector<16xi32>
      %shift_right_logical3A = arith.constant 19 : i32
      %shift_right_logical3A_486 = vector.broadcast %shift_right_logical3A : i32 to vector<16xi32>
      %shift_right_logical3A_487 = arith.shrui %select_n3A, %shift_right_logical3A_486 : vector<16xi32>
      %shift_right_logical3A_488 = arith.constant 11 : i32
      %shift_right_logical3A_489 = vector.broadcast %shift_right_logical3A_488 : i32 to vector<16xi32>
      %shift_right_logical3A_490 = arith.shrui %select_n3A, %shift_right_logical3A_489 : vector<16xi32>
      %and3A = arith.constant 255 : i32
      %and3A_491 = vector.broadcast %and3A : i32 to vector<16xi32>
      %and3A_492 = arith.andi %shift_right_logical3A_490, %and3A_491 : vector<16xi32>
      %and3A_493 = arith.constant 2047 : i32
      %and3A_494 = vector.broadcast %and3A_493 : i32 to vector<16xi32>
      %and3A_495 = arith.andi %select_n3A, %and3A_494 : vector<16xi32>
      %mul3A_496 = arith.constant 256 : i32
      %mul3A_497 = vector.broadcast %mul3A_496 : i32 to vector<16xi32>
      %mul3A_498 = arith.muli %shift_right_logical3A_487, %mul3A_497 : vector<16xi32>
      %add3A_499 = arith.addi %mul3A_498, %and3A_492 : vector<16xi32>
      %jit3A_500 = arith.constant -1 : i32
      %broadcast_in_dim3A_501 = vector.broadcast %jit3A_500 : i32 to vector<16xi32>
      %select_n3A_502 = arith.select %lt3A_484, %add3A_499, %broadcast_in_dim3A_501 : vector<16xi1>, vector<16xi32>
      %lt3A_503 = arith.constant 0 : i32
      %lt3A_504 = vector.broadcast %lt3A_503 : i32 to vector<16xi32>
      %lt3A_505 = arith.cmpi slt, %iota3A, %lt3A_504 : vector<16xi32>
      %add3A_506 = arith.constant 1 : i32
      %add3A_507 = vector.broadcast %add3A_506 : i32 to vector<16xi32>
      %add3A_508 = arith.addi %iota3A, %add3A_507 : vector<16xi32>
      %min3A = arith.constant 15 : i32
      %min3A_509 = vector.broadcast %min3A : i32 to vector<16xi32>
      %min3A_510 = arith.minsi %add3A_508, %min3A_509 : vector<16xi32>
      %lt3A_511 = arith.constant 0 : i32
      %lt3A_512 = vector.broadcast %lt3A_511 : i32 to vector<16xi32>
      %lt3A_513 = arith.cmpi slt, %min3A_510, %lt3A_512 : vector<16xi32>
      %add3A_514 = arith.constant 16 : i32
      %add3A_515 = vector.broadcast %add3A_514 : i32 to vector<16xi32>
      %add3A_516 = arith.addi %min3A_510, %add3A_515 : vector<16xi32>
      %select_n3A_517 = arith.select %lt3A_513, %add3A_516, %min3A_510 : vector<16xi1>, vector<16xi32>
      %broadcast_in_dim3A_518 = vector.shape_cast %select_n3A_517 : vector<16xi32> to vector<16x1xi32>
      %gather3A = vector.shape_cast %broadcast_in_dim3A_518 : vector<16x1xi32> to vector<16xi32>
      %gather3A_519 = tpu.dynamic_gather %select_n3A_502[%gather3A] in [0] : vector<16xi32>, vector<16xi32> -> vector<16xi32>
      %eq3A = arith.cmpi eq, %gather3A_519, %select_n3A_502 : vector<16xi32>
      %add3A_520 = arith.constant 1 : i32
      %add3A_521 = vector.broadcast %add3A_520 : i32 to vector<16xi32>
      %add3A_522 = arith.addi %iota3A, %add3A_521 : vector<16xi32>
      %lt3A_523 = arith.constant 16 : i32
      %lt3A_524 = vector.broadcast %lt3A_523 : i32 to vector<16xi32>
      %lt3A_525 = arith.cmpi slt, %add3A_522, %lt3A_524 : vector<16xi32>
      %and3A_526 = arith.andi %eq3A, %lt3A_525 : vector<16xi1>
      %or3A = arith.ori %lt3A_505, %and3A_526 : vector<16xi1>
      %add3A_527 = arith.constant 2 : i32
      %add3A_528 = vector.broadcast %add3A_527 : i32 to vector<16xi32>
      %add3A_529 = arith.addi %iota3A, %add3A_528 : vector<16xi32>
      %min3A_530 = arith.constant 15 : i32
      %min3A_531 = vector.broadcast %min3A_530 : i32 to vector<16xi32>
      %min3A_532 = arith.minsi %add3A_529, %min3A_531 : vector<16xi32>
      %lt3A_533 = arith.constant 0 : i32
      %lt3A_534 = vector.broadcast %lt3A_533 : i32 to vector<16xi32>
      %lt3A_535 = arith.cmpi slt, %min3A_532, %lt3A_534 : vector<16xi32>
      %add3A_536 = arith.constant 16 : i32
      %add3A_537 = vector.broadcast %add3A_536 : i32 to vector<16xi32>
      %add3A_538 = arith.addi %min3A_532, %add3A_537 : vector<16xi32>
      %select_n3A_539 = arith.select %lt3A_535, %add3A_538, %min3A_532 : vector<16xi1>, vector<16xi32>
      %broadcast_in_dim3A_540 = vector.shape_cast %select_n3A_539 : vector<16xi32> to vector<16x1xi32>
      %gather3A_541 = vector.shape_cast %broadcast_in_dim3A_540 : vector<16x1xi32> to vector<16xi32>
      %gather3A_542 = tpu.dynamic_gather %select_n3A_502[%gather3A_541] in [0] : vector<16xi32>, vector<16xi32> -> vector<16xi32>
      %eq3A_543 = arith.cmpi eq, %gather3A_542, %select_n3A_502 : vector<16xi32>
      %add3A_544 = arith.constant 2 : i32
      %add3A_545 = vector.broadcast %add3A_544 : i32 to vector<16xi32>
      %add3A_546 = arith.addi %iota3A, %add3A_545 : vector<16xi32>
      %lt3A_547 = arith.constant 16 : i32
      %lt3A_548 = vector.broadcast %lt3A_547 : i32 to vector<16xi32>
      %lt3A_549 = arith.cmpi slt, %add3A_546, %lt3A_548 : vector<16xi32>
      %and3A_550 = arith.andi %eq3A_543, %lt3A_549 : vector<16xi1>
      %or3A_551 = arith.ori %or3A, %and3A_550 : vector<16xi1>
      %add3A_552 = arith.constant 3 : i32
      %add3A_553 = vector.broadcast %add3A_552 : i32 to vector<16xi32>
      %add3A_554 = arith.addi %iota3A, %add3A_553 : vector<16xi32>
      %min3A_555 = arith.constant 15 : i32
      %min3A_556 = vector.broadcast %min3A_555 : i32 to vector<16xi32>
      %min3A_557 = arith.minsi %add3A_554, %min3A_556 : vector<16xi32>
      %lt3A_558 = arith.constant 0 : i32
      %lt3A_559 = vector.broadcast %lt3A_558 : i32 to vector<16xi32>
      %lt3A_560 = arith.cmpi slt, %min3A_557, %lt3A_559 : vector<16xi32>
      %add3A_561 = arith.constant 16 : i32
      %add3A_562 = vector.broadcast %add3A_561 : i32 to vector<16xi32>
      %add3A_563 = arith.addi %min3A_557, %add3A_562 : vector<16xi32>
      %select_n3A_564 = arith.select %lt3A_560, %add3A_563, %min3A_557 : vector<16xi1>, vector<16xi32>
      %broadcast_in_dim3A_565 = vector.shape_cast %select_n3A_564 : vector<16xi32> to vector<16x1xi32>
      %gather3A_566 = vector.shape_cast %broadcast_in_dim3A_565 : vector<16x1xi32> to vector<16xi32>
      %gather3A_567 = tpu.dynamic_gather %select_n3A_502[%gather3A_566] in [0] : vector<16xi32>, vector<16xi32> -> vector<16xi32>
      %eq3A_568 = arith.cmpi eq, %gather3A_567, %select_n3A_502 : vector<16xi32>
      %add3A_569 = arith.constant 3 : i32
      %add3A_570 = vector.broadcast %add3A_569 : i32 to vector<16xi32>
      %add3A_571 = arith.addi %iota3A, %add3A_570 : vector<16xi32>
      %lt3A_572 = arith.constant 16 : i32
      %lt3A_573 = vector.broadcast %lt3A_572 : i32 to vector<16xi32>
      %lt3A_574 = arith.cmpi slt, %add3A_571, %lt3A_573 : vector<16xi32>
      %and3A_575 = arith.andi %eq3A_568, %lt3A_574 : vector<16xi1>
      %or3A_576 = arith.ori %or3A_551, %and3A_575 : vector<16xi1>
      %add3A_577 = arith.constant 4 : i32
      %add3A_578 = vector.broadcast %add3A_577 : i32 to vector<16xi32>
      %add3A_579 = arith.addi %iota3A, %add3A_578 : vector<16xi32>
      %min3A_580 = arith.constant 15 : i32
      %min3A_581 = vector.broadcast %min3A_580 : i32 to vector<16xi32>
      %min3A_582 = arith.minsi %add3A_579, %min3A_581 : vector<16xi32>
      %lt3A_583 = arith.constant 0 : i32
      %lt3A_584 = vector.broadcast %lt3A_583 : i32 to vector<16xi32>
      %lt3A_585 = arith.cmpi slt, %min3A_582, %lt3A_584 : vector<16xi32>
      %add3A_586 = arith.constant 16 : i32
      %add3A_587 = vector.broadcast %add3A_586 : i32 to vector<16xi32>
      %add3A_588 = arith.addi %min3A_582, %add3A_587 : vector<16xi32>
      %select_n3A_589 = arith.select %lt3A_585, %add3A_588, %min3A_582 : vector<16xi1>, vector<16xi32>
      %broadcast_in_dim3A_590 = vector.shape_cast %select_n3A_589 : vector<16xi32> to vector<16x1xi32>
      %gather3A_591 = vector.shape_cast %broadcast_in_dim3A_590 : vector<16x1xi32> to vector<16xi32>
      %gather3A_592 = tpu.dynamic_gather %select_n3A_502[%gather3A_591] in [0] : vector<16xi32>, vector<16xi32> -> vector<16xi32>
      %eq3A_593 = arith.cmpi eq, %gather3A_592, %select_n3A_502 : vector<16xi32>
      %add3A_594 = arith.constant 4 : i32
      %add3A_595 = vector.broadcast %add3A_594 : i32 to vector<16xi32>
      %add3A_596 = arith.addi %iota3A, %add3A_595 : vector<16xi32>
      %lt3A_597 = arith.constant 16 : i32
      %lt3A_598 = vector.broadcast %lt3A_597 : i32 to vector<16xi32>
      %lt3A_599 = arith.cmpi slt, %add3A_596, %lt3A_598 : vector<16xi32>
      %and3A_600 = arith.andi %eq3A_593, %lt3A_599 : vector<16xi1>
      %or3A_601 = arith.ori %or3A_576, %and3A_600 : vector<16xi1>
      %add3A_602 = arith.constant 5 : i32
      %add3A_603 = vector.broadcast %add3A_602 : i32 to vector<16xi32>
      %add3A_604 = arith.addi %iota3A, %add3A_603 : vector<16xi32>
      %min3A_605 = arith.constant 15 : i32
      %min3A_606 = vector.broadcast %min3A_605 : i32 to vector<16xi32>
      %min3A_607 = arith.minsi %add3A_604, %min3A_606 : vector<16xi32>
      %lt3A_608 = arith.constant 0 : i32
      %lt3A_609 = vector.broadcast %lt3A_608 : i32 to vector<16xi32>
      %lt3A_610 = arith.cmpi slt, %min3A_607, %lt3A_609 : vector<16xi32>
      %add3A_611 = arith.constant 16 : i32
      %add3A_612 = vector.broadcast %add3A_611 : i32 to vector<16xi32>
      %add3A_613 = arith.addi %min3A_607, %add3A_612 : vector<16xi32>
      %select_n3A_614 = arith.select %lt3A_610, %add3A_613, %min3A_607 : vector<16xi1>, vector<16xi32>
      %broadcast_in_dim3A_615 = vector.shape_cast %select_n3A_614 : vector<16xi32> to vector<16x1xi32>
      %gather3A_616 = vector.shape_cast %broadcast_in_dim3A_615 : vector<16x1xi32> to vector<16xi32>
      %gather3A_617 = tpu.dynamic_gather %select_n3A_502[%gather3A_616] in [0] : vector<16xi32>, vector<16xi32> -> vector<16xi32>
      %eq3A_618 = arith.cmpi eq, %gather3A_617, %select_n3A_502 : vector<16xi32>
      %add3A_619 = arith.constant 5 : i32
      %add3A_620 = vector.broadcast %add3A_619 : i32 to vector<16xi32>
      %add3A_621 = arith.addi %iota3A, %add3A_620 : vector<16xi32>
      %lt3A_622 = arith.constant 16 : i32
      %lt3A_623 = vector.broadcast %lt3A_622 : i32 to vector<16xi32>
      %lt3A_624 = arith.cmpi slt, %add3A_621, %lt3A_623 : vector<16xi32>
      %and3A_625 = arith.andi %eq3A_618, %lt3A_624 : vector<16xi1>
      %or3A_626 = arith.ori %or3A_601, %and3A_625 : vector<16xi1>
      %add3A_627 = arith.constant 6 : i32
      %add3A_628 = vector.broadcast %add3A_627 : i32 to vector<16xi32>
      %add3A_629 = arith.addi %iota3A, %add3A_628 : vector<16xi32>
      %min3A_630 = arith.constant 15 : i32
      %min3A_631 = vector.broadcast %min3A_630 : i32 to vector<16xi32>
      %min3A_632 = arith.minsi %add3A_629, %min3A_631 : vector<16xi32>
      %lt3A_633 = arith.constant 0 : i32
      %lt3A_634 = vector.broadcast %lt3A_633 : i32 to vector<16xi32>
      %lt3A_635 = arith.cmpi slt, %min3A_632, %lt3A_634 : vector<16xi32>
      %add3A_636 = arith.constant 16 : i32
      %add3A_637 = vector.broadcast %add3A_636 : i32 to vector<16xi32>
      %add3A_638 = arith.addi %min3A_632, %add3A_637 : vector<16xi32>
      %select_n3A_639 = arith.select %lt3A_635, %add3A_638, %min3A_632 : vector<16xi1>, vector<16xi32>
      %broadcast_in_dim3A_640 = vector.shape_cast %select_n3A_639 : vector<16xi32> to vector<16x1xi32>
      %gather3A_641 = vector.shape_cast %broadcast_in_dim3A_640 : vector<16x1xi32> to vector<16xi32>
      %gather3A_642 = tpu.dynamic_gather %select_n3A_502[%gather3A_641] in [0] : vector<16xi32>, vector<16xi32> -> vector<16xi32>
      %eq3A_643 = arith.cmpi eq, %gather3A_642, %select_n3A_502 : vector<16xi32>
      %add3A_644 = arith.constant 6 : i32
      %add3A_645 = vector.broadcast %add3A_644 : i32 to vector<16xi32>
      %add3A_646 = arith.addi %iota3A, %add3A_645 : vector<16xi32>
      %lt3A_647 = arith.constant 16 : i32
      %lt3A_648 = vector.broadcast %lt3A_647 : i32 to vector<16xi32>
      %lt3A_649 = arith.cmpi slt, %add3A_646, %lt3A_648 : vector<16xi32>
      %and3A_650 = arith.andi %eq3A_643, %lt3A_649 : vector<16xi1>
      %or3A_651 = arith.ori %or3A_626, %and3A_650 : vector<16xi1>
      %add3A_652 = arith.constant 7 : i32
      %add3A_653 = vector.broadcast %add3A_652 : i32 to vector<16xi32>
      %add3A_654 = arith.addi %iota3A, %add3A_653 : vector<16xi32>
      %min3A_655 = arith.constant 15 : i32
      %min3A_656 = vector.broadcast %min3A_655 : i32 to vector<16xi32>
      %min3A_657 = arith.minsi %add3A_654, %min3A_656 : vector<16xi32>
      %lt3A_658 = arith.constant 0 : i32
      %lt3A_659 = vector.broadcast %lt3A_658 : i32 to vector<16xi32>
      %lt3A_660 = arith.cmpi slt, %min3A_657, %lt3A_659 : vector<16xi32>
      %add3A_661 = arith.constant 16 : i32
      %add3A_662 = vector.broadcast %add3A_661 : i32 to vector<16xi32>
      %add3A_663 = arith.addi %min3A_657, %add3A_662 : vector<16xi32>
      %select_n3A_664 = arith.select %lt3A_660, %add3A_663, %min3A_657 : vector<16xi1>, vector<16xi32>
      %broadcast_in_dim3A_665 = vector.shape_cast %select_n3A_664 : vector<16xi32> to vector<16x1xi32>
      %gather3A_666 = vector.shape_cast %broadcast_in_dim3A_665 : vector<16x1xi32> to vector<16xi32>
      %gather3A_667 = tpu.dynamic_gather %select_n3A_502[%gather3A_666] in [0] : vector<16xi32>, vector<16xi32> -> vector<16xi32>
      %eq3A_668 = arith.cmpi eq, %gather3A_667, %select_n3A_502 : vector<16xi32>
      %add3A_669 = arith.constant 7 : i32
      %add3A_670 = vector.broadcast %add3A_669 : i32 to vector<16xi32>
      %add3A_671 = arith.addi %iota3A, %add3A_670 : vector<16xi32>
      %lt3A_672 = arith.constant 16 : i32
      %lt3A_673 = vector.broadcast %lt3A_672 : i32 to vector<16xi32>
      %lt3A_674 = arith.cmpi slt, %add3A_671, %lt3A_673 : vector<16xi32>
      %and3A_675 = arith.andi %eq3A_668, %lt3A_674 : vector<16xi1>
      %or3A_676 = arith.ori %or3A_651, %and3A_675 : vector<16xi1>
      %add3A_677 = arith.constant 8 : i32
      %add3A_678 = vector.broadcast %add3A_677 : i32 to vector<16xi32>
      %add3A_679 = arith.addi %iota3A, %add3A_678 : vector<16xi32>
      %min3A_680 = arith.constant 15 : i32
      %min3A_681 = vector.broadcast %min3A_680 : i32 to vector<16xi32>
      %min3A_682 = arith.minsi %add3A_679, %min3A_681 : vector<16xi32>
      %lt3A_683 = arith.constant 0 : i32
      %lt3A_684 = vector.broadcast %lt3A_683 : i32 to vector<16xi32>
      %lt3A_685 = arith.cmpi slt, %min3A_682, %lt3A_684 : vector<16xi32>
      %add3A_686 = arith.constant 16 : i32
      %add3A_687 = vector.broadcast %add3A_686 : i32 to vector<16xi32>
      %add3A_688 = arith.addi %min3A_682, %add3A_687 : vector<16xi32>
      %select_n3A_689 = arith.select %lt3A_685, %add3A_688, %min3A_682 : vector<16xi1>, vector<16xi32>
      %broadcast_in_dim3A_690 = vector.shape_cast %select_n3A_689 : vector<16xi32> to vector<16x1xi32>
      %gather3A_691 = vector.shape_cast %broadcast_in_dim3A_690 : vector<16x1xi32> to vector<16xi32>
      %gather3A_692 = tpu.dynamic_gather %select_n3A_502[%gather3A_691] in [0] : vector<16xi32>, vector<16xi32> -> vector<16xi32>
      %eq3A_693 = arith.cmpi eq, %gather3A_692, %select_n3A_502 : vector<16xi32>
      %add3A_694 = arith.constant 8 : i32
      %add3A_695 = vector.broadcast %add3A_694 : i32 to vector<16xi32>
      %add3A_696 = arith.addi %iota3A, %add3A_695 : vector<16xi32>
      %lt3A_697 = arith.constant 16 : i32
      %lt3A_698 = vector.broadcast %lt3A_697 : i32 to vector<16xi32>
      %lt3A_699 = arith.cmpi slt, %add3A_696, %lt3A_698 : vector<16xi32>
      %and3A_700 = arith.andi %eq3A_693, %lt3A_699 : vector<16xi1>
      %or3A_701 = arith.ori %or3A_676, %and3A_700 : vector<16xi1>
      %add3A_702 = arith.constant 9 : i32
      %add3A_703 = vector.broadcast %add3A_702 : i32 to vector<16xi32>
      %add3A_704 = arith.addi %iota3A, %add3A_703 : vector<16xi32>
      %min3A_705 = arith.constant 15 : i32
      %min3A_706 = vector.broadcast %min3A_705 : i32 to vector<16xi32>
      %min3A_707 = arith.minsi %add3A_704, %min3A_706 : vector<16xi32>
      %lt3A_708 = arith.constant 0 : i32
      %lt3A_709 = vector.broadcast %lt3A_708 : i32 to vector<16xi32>
      %lt3A_710 = arith.cmpi slt, %min3A_707, %lt3A_709 : vector<16xi32>
      %add3A_711 = arith.constant 16 : i32
      %add3A_712 = vector.broadcast %add3A_711 : i32 to vector<16xi32>
      %add3A_713 = arith.addi %min3A_707, %add3A_712 : vector<16xi32>
      %select_n3A_714 = arith.select %lt3A_710, %add3A_713, %min3A_707 : vector<16xi1>, vector<16xi32>
      %broadcast_in_dim3A_715 = vector.shape_cast %select_n3A_714 : vector<16xi32> to vector<16x1xi32>
      %gather3A_716 = vector.shape_cast %broadcast_in_dim3A_715 : vector<16x1xi32> to vector<16xi32>
      %gather3A_717 = tpu.dynamic_gather %select_n3A_502[%gather3A_716] in [0] : vector<16xi32>, vector<16xi32> -> vector<16xi32>
      %eq3A_718 = arith.cmpi eq, %gather3A_717, %select_n3A_502 : vector<16xi32>
      %add3A_719 = arith.constant 9 : i32
      %add3A_720 = vector.broadcast %add3A_719 : i32 to vector<16xi32>
      %add3A_721 = arith.addi %iota3A, %add3A_720 : vector<16xi32>
      %lt3A_722 = arith.constant 16 : i32
      %lt3A_723 = vector.broadcast %lt3A_722 : i32 to vector<16xi32>
      %lt3A_724 = arith.cmpi slt, %add3A_721, %lt3A_723 : vector<16xi32>
      %and3A_725 = arith.andi %eq3A_718, %lt3A_724 : vector<16xi1>
      %or3A_726 = arith.ori %or3A_701, %and3A_725 : vector<16xi1>
      %add3A_727 = arith.constant 10 : i32
      %add3A_728 = vector.broadcast %add3A_727 : i32 to vector<16xi32>
      %add3A_729 = arith.addi %iota3A, %add3A_728 : vector<16xi32>
      %min3A_730 = arith.constant 15 : i32
      %min3A_731 = vector.broadcast %min3A_730 : i32 to vector<16xi32>
      %min3A_732 = arith.minsi %add3A_729, %min3A_731 : vector<16xi32>
      %lt3A_733 = arith.constant 0 : i32
      %lt3A_734 = vector.broadcast %lt3A_733 : i32 to vector<16xi32>
      %lt3A_735 = arith.cmpi slt, %min3A_732, %lt3A_734 : vector<16xi32>
      %add3A_736 = arith.constant 16 : i32
      %add3A_737 = vector.broadcast %add3A_736 : i32 to vector<16xi32>
      %add3A_738 = arith.addi %min3A_732, %add3A_737 : vector<16xi32>
      %select_n3A_739 = arith.select %lt3A_735, %add3A_738, %min3A_732 : vector<16xi1>, vector<16xi32>
      %broadcast_in_dim3A_740 = vector.shape_cast %select_n3A_739 : vector<16xi32> to vector<16x1xi32>
      %gather3A_741 = vector.shape_cast %broadcast_in_dim3A_740 : vector<16x1xi32> to vector<16xi32>
      %gather3A_742 = tpu.dynamic_gather %select_n3A_502[%gather3A_741] in [0] : vector<16xi32>, vector<16xi32> -> vector<16xi32>
      %eq3A_743 = arith.cmpi eq, %gather3A_742, %select_n3A_502 : vector<16xi32>
      %add3A_744 = arith.constant 10 : i32
      %add3A_745 = vector.broadcast %add3A_744 : i32 to vector<16xi32>
      %add3A_746 = arith.addi %iota3A, %add3A_745 : vector<16xi32>
      %lt3A_747 = arith.constant 16 : i32
      %lt3A_748 = vector.broadcast %lt3A_747 : i32 to vector<16xi32>
      %lt3A_749 = arith.cmpi slt, %add3A_746, %lt3A_748 : vector<16xi32>
      %and3A_750 = arith.andi %eq3A_743, %lt3A_749 : vector<16xi1>
      %or3A_751 = arith.ori %or3A_726, %and3A_750 : vector<16xi1>
      %add3A_752 = arith.constant 11 : i32
      %add3A_753 = vector.broadcast %add3A_752 : i32 to vector<16xi32>
      %add3A_754 = arith.addi %iota3A, %add3A_753 : vector<16xi32>
      %min3A_755 = arith.constant 15 : i32
      %min3A_756 = vector.broadcast %min3A_755 : i32 to vector<16xi32>
      %min3A_757 = arith.minsi %add3A_754, %min3A_756 : vector<16xi32>
      %lt3A_758 = arith.constant 0 : i32
      %lt3A_759 = vector.broadcast %lt3A_758 : i32 to vector<16xi32>
      %lt3A_760 = arith.cmpi slt, %min3A_757, %lt3A_759 : vector<16xi32>
      %add3A_761 = arith.constant 16 : i32
      %add3A_762 = vector.broadcast %add3A_761 : i32 to vector<16xi32>
      %add3A_763 = arith.addi %min3A_757, %add3A_762 : vector<16xi32>
      %select_n3A_764 = arith.select %lt3A_760, %add3A_763, %min3A_757 : vector<16xi1>, vector<16xi32>
      %broadcast_in_dim3A_765 = vector.shape_cast %select_n3A_764 : vector<16xi32> to vector<16x1xi32>
      %gather3A_766 = vector.shape_cast %broadcast_in_dim3A_765 : vector<16x1xi32> to vector<16xi32>
      %gather3A_767 = tpu.dynamic_gather %select_n3A_502[%gather3A_766] in [0] : vector<16xi32>, vector<16xi32> -> vector<16xi32>
      %eq3A_768 = arith.cmpi eq, %gather3A_767, %select_n3A_502 : vector<16xi32>
      %add3A_769 = arith.constant 11 : i32
      %add3A_770 = vector.broadcast %add3A_769 : i32 to vector<16xi32>
      %add3A_771 = arith.addi %iota3A, %add3A_770 : vector<16xi32>
      %lt3A_772 = arith.constant 16 : i32
      %lt3A_773 = vector.broadcast %lt3A_772 : i32 to vector<16xi32>
      %lt3A_774 = arith.cmpi slt, %add3A_771, %lt3A_773 : vector<16xi32>
      %and3A_775 = arith.andi %eq3A_768, %lt3A_774 : vector<16xi1>
      %or3A_776 = arith.ori %or3A_751, %and3A_775 : vector<16xi1>
      %add3A_777 = arith.constant 12 : i32
      %add3A_778 = vector.broadcast %add3A_777 : i32 to vector<16xi32>
      %add3A_779 = arith.addi %iota3A, %add3A_778 : vector<16xi32>
      %min3A_780 = arith.constant 15 : i32
      %min3A_781 = vector.broadcast %min3A_780 : i32 to vector<16xi32>
      %min3A_782 = arith.minsi %add3A_779, %min3A_781 : vector<16xi32>
      %lt3A_783 = arith.constant 0 : i32
      %lt3A_784 = vector.broadcast %lt3A_783 : i32 to vector<16xi32>
      %lt3A_785 = arith.cmpi slt, %min3A_782, %lt3A_784 : vector<16xi32>
      %add3A_786 = arith.constant 16 : i32
      %add3A_787 = vector.broadcast %add3A_786 : i32 to vector<16xi32>
      %add3A_788 = arith.addi %min3A_782, %add3A_787 : vector<16xi32>
      %select_n3A_789 = arith.select %lt3A_785, %add3A_788, %min3A_782 : vector<16xi1>, vector<16xi32>
      %broadcast_in_dim3A_790 = vector.shape_cast %select_n3A_789 : vector<16xi32> to vector<16x1xi32>
      %gather3A_791 = vector.shape_cast %broadcast_in_dim3A_790 : vector<16x1xi32> to vector<16xi32>
      %gather3A_792 = tpu.dynamic_gather %select_n3A_502[%gather3A_791] in [0] : vector<16xi32>, vector<16xi32> -> vector<16xi32>
      %eq3A_793 = arith.cmpi eq, %gather3A_792, %select_n3A_502 : vector<16xi32>
      %add3A_794 = arith.constant 12 : i32
      %add3A_795 = vector.broadcast %add3A_794 : i32 to vector<16xi32>
      %add3A_796 = arith.addi %iota3A, %add3A_795 : vector<16xi32>
      %lt3A_797 = arith.constant 16 : i32
      %lt3A_798 = vector.broadcast %lt3A_797 : i32 to vector<16xi32>
      %lt3A_799 = arith.cmpi slt, %add3A_796, %lt3A_798 : vector<16xi32>
      %and3A_800 = arith.andi %eq3A_793, %lt3A_799 : vector<16xi1>
      %or3A_801 = arith.ori %or3A_776, %and3A_800 : vector<16xi1>
      %add3A_802 = arith.constant 13 : i32
      %add3A_803 = vector.broadcast %add3A_802 : i32 to vector<16xi32>
      %add3A_804 = arith.addi %iota3A, %add3A_803 : vector<16xi32>
      %min3A_805 = arith.constant 15 : i32
      %min3A_806 = vector.broadcast %min3A_805 : i32 to vector<16xi32>
      %min3A_807 = arith.minsi %add3A_804, %min3A_806 : vector<16xi32>
      %lt3A_808 = arith.constant 0 : i32
      %lt3A_809 = vector.broadcast %lt3A_808 : i32 to vector<16xi32>
      %lt3A_810 = arith.cmpi slt, %min3A_807, %lt3A_809 : vector<16xi32>
      %add3A_811 = arith.constant 16 : i32
      %add3A_812 = vector.broadcast %add3A_811 : i32 to vector<16xi32>
      %add3A_813 = arith.addi %min3A_807, %add3A_812 : vector<16xi32>
      %select_n3A_814 = arith.select %lt3A_810, %add3A_813, %min3A_807 : vector<16xi1>, vector<16xi32>
      %broadcast_in_dim3A_815 = vector.shape_cast %select_n3A_814 : vector<16xi32> to vector<16x1xi32>
      %gather3A_816 = vector.shape_cast %broadcast_in_dim3A_815 : vector<16x1xi32> to vector<16xi32>
      %gather3A_817 = tpu.dynamic_gather %select_n3A_502[%gather3A_816] in [0] : vector<16xi32>, vector<16xi32> -> vector<16xi32>
      %eq3A_818 = arith.cmpi eq, %gather3A_817, %select_n3A_502 : vector<16xi32>
      %add3A_819 = arith.constant 13 : i32
      %add3A_820 = vector.broadcast %add3A_819 : i32 to vector<16xi32>
      %add3A_821 = arith.addi %iota3A, %add3A_820 : vector<16xi32>
      %lt3A_822 = arith.constant 16 : i32
      %lt3A_823 = vector.broadcast %lt3A_822 : i32 to vector<16xi32>
      %lt3A_824 = arith.cmpi slt, %add3A_821, %lt3A_823 : vector<16xi32>
      %and3A_825 = arith.andi %eq3A_818, %lt3A_824 : vector<16xi1>
      %or3A_826 = arith.ori %or3A_801, %and3A_825 : vector<16xi1>
      %add3A_827 = arith.constant 14 : i32
      %add3A_828 = vector.broadcast %add3A_827 : i32 to vector<16xi32>
      %add3A_829 = arith.addi %iota3A, %add3A_828 : vector<16xi32>
      %min3A_830 = arith.constant 15 : i32
      %min3A_831 = vector.broadcast %min3A_830 : i32 to vector<16xi32>
      %min3A_832 = arith.minsi %add3A_829, %min3A_831 : vector<16xi32>
      %lt3A_833 = arith.constant 0 : i32
      %lt3A_834 = vector.broadcast %lt3A_833 : i32 to vector<16xi32>
      %lt3A_835 = arith.cmpi slt, %min3A_832, %lt3A_834 : vector<16xi32>
      %add3A_836 = arith.constant 16 : i32
      %add3A_837 = vector.broadcast %add3A_836 : i32 to vector<16xi32>
      %add3A_838 = arith.addi %min3A_832, %add3A_837 : vector<16xi32>
      %select_n3A_839 = arith.select %lt3A_835, %add3A_838, %min3A_832 : vector<16xi1>, vector<16xi32>
      %broadcast_in_dim3A_840 = vector.shape_cast %select_n3A_839 : vector<16xi32> to vector<16x1xi32>
      %gather3A_841 = vector.shape_cast %broadcast_in_dim3A_840 : vector<16x1xi32> to vector<16xi32>
      %gather3A_842 = tpu.dynamic_gather %select_n3A_502[%gather3A_841] in [0] : vector<16xi32>, vector<16xi32> -> vector<16xi32>
      %eq3A_843 = arith.cmpi eq, %gather3A_842, %select_n3A_502 : vector<16xi32>
      %add3A_844 = arith.constant 14 : i32
      %add3A_845 = vector.broadcast %add3A_844 : i32 to vector<16xi32>
      %add3A_846 = arith.addi %iota3A, %add3A_845 : vector<16xi32>
      %lt3A_847 = arith.constant 16 : i32
      %lt3A_848 = vector.broadcast %lt3A_847 : i32 to vector<16xi32>
      %lt3A_849 = arith.cmpi slt, %add3A_846, %lt3A_848 : vector<16xi32>
      %and3A_850 = arith.andi %eq3A_843, %lt3A_849 : vector<16xi1>
      %or3A_851 = arith.ori %or3A_826, %and3A_850 : vector<16xi1>
      %add3A_852 = arith.constant 15 : i32
      %add3A_853 = vector.broadcast %add3A_852 : i32 to vector<16xi32>
      %add3A_854 = arith.addi %iota3A, %add3A_853 : vector<16xi32>
      %min3A_855 = arith.constant 15 : i32
      %min3A_856 = vector.broadcast %min3A_855 : i32 to vector<16xi32>
      %min3A_857 = arith.minsi %add3A_854, %min3A_856 : vector<16xi32>
      %lt3A_858 = arith.constant 0 : i32
      %lt3A_859 = vector.broadcast %lt3A_858 : i32 to vector<16xi32>
      %lt3A_860 = arith.cmpi slt, %min3A_857, %lt3A_859 : vector<16xi32>
      %add3A_861 = arith.constant 16 : i32
      %add3A_862 = vector.broadcast %add3A_861 : i32 to vector<16xi32>
      %add3A_863 = arith.addi %min3A_857, %add3A_862 : vector<16xi32>
      %select_n3A_864 = arith.select %lt3A_860, %add3A_863, %min3A_857 : vector<16xi1>, vector<16xi32>
      %broadcast_in_dim3A_865 = vector.shape_cast %select_n3A_864 : vector<16xi32> to vector<16x1xi32>
      %gather3A_866 = vector.shape_cast %broadcast_in_dim3A_865 : vector<16x1xi32> to vector<16xi32>
      %gather3A_867 = tpu.dynamic_gather %select_n3A_502[%gather3A_866] in [0] : vector<16xi32>, vector<16xi32> -> vector<16xi32>
      %eq3A_868 = arith.cmpi eq, %gather3A_867, %select_n3A_502 : vector<16xi32>
      %add3A_869 = arith.constant 15 : i32
      %add3A_870 = vector.broadcast %add3A_869 : i32 to vector<16xi32>
      %add3A_871 = arith.addi %iota3A, %add3A_870 : vector<16xi32>
      %lt3A_872 = arith.constant 16 : i32
      %lt3A_873 = vector.broadcast %lt3A_872 : i32 to vector<16xi32>
      %lt3A_874 = arith.cmpi slt, %add3A_871, %lt3A_873 : vector<16xi32>
      %and3A_875 = arith.andi %eq3A_868, %lt3A_874 : vector<16xi1>
      %or3A_876 = arith.ori %or3A_851, %and3A_875 : vector<16xi1>
      %not3A = arith.constant dense<true> : vector<16xi1>
      %not3A_877 = arith.xori %or3A_876, %not3A : vector<16xi1>
      %and3A_878 = arith.andi %lt3A_484, %not3A_877 : vector<16xi1>
      %gather3A_879 = tpu.vector_load_idx %arg12[%shift_right_logical3A_487, %and3A_492] masked %and3A_878 : memref<48x256xf32, #tpu.memory_space<vmem>>[vector<16xi32>, vector<16xi32>], vector<16xf32>, vector<16xi1>
      %gather3A_880 = tpu.vector_load_idx %arg15[%and3A_495] masked %and3A_878 : memref<2048xf32, #tpu.memory_space<vmem>>[vector<16xi32>], vector<16xf32>, vector<16xi1>
      %add3A_881 = arith.addf %gather3A_880, %gather3A_879 : vector<16xf32>
      tpu.vector_store_idx %arg11[%shift_right_logical3A_487, %and3A_492], %add3A_881 masked %and3A_878 : memref<48x256xf32, #tpu.memory_space<vmem>>[vector<16xi32>, vector<16xi32>], vector<16xf32>, vector<16xi1>
      %while3A_882 = arith.constant 0 : i32
      scf.yield %while3A_882 : i32
    }
    %while3A_282 = arith.constant 1 : i32
    %while3A_283 = scf.for %while3A_476 = %while3A_279 to %while3A_275 step %while3A_282 iter_args(%while3A_477 = %while3A_281) -> (i32)  : i32 {
      %mul3A_478 = arith.constant 16 : i32
      %mul3A_479 = arith.muli %while3A_476, %mul3A_478 : i32
      %mul3A_480 = arith.constant 16 : i32
      %mul3A_481 = arith.muli %while3A_476, %mul3A_480 : i32
      %add3A_482 = vector.broadcast %mul3A_481 : i32 to vector<16xi32>
      %add3A_483 = arith.addi %add3A_482, %iota3A : vector<16xi32>
      %lt3A = vector.broadcast %scan3A_94 : i32 to vector<16xi32>
      %lt3A_484 = arith.cmpi slt, %add3A_483, %lt3A : vector<16xi32>
      %get3A = arith.index_cast %mul3A_479 : i32 to index
      %get3A_485 = tpu.vector_load %arg17[%get3A] {strides = array<i32>} : memref<2064xi32, #tpu.memory_space<vmem>>, vector<16xi32>,
      %jit3A = arith.constant 0 : i32
      %broadcast_in_dim3A = vector.broadcast %jit3A : i32 to vector<16xi32>
      %select_n3A = arith.select %lt3A_484, %get3A_485, %broadcast_in_dim3A : vector<16xi1>, vector<16xi32>
      %shift_right_logical3A = arith.constant 19 : i32
      %shift_right_logical3A_486 = vector.broadcast %shift_right_logical3A : i32 to vector<16xi32>
      %shift_right_logical3A_487 = arith.shrui %select_n3A, %shift_right_logical3A_486 : vector<16xi32>
      %shift_right_logical3A_488 = arith.constant 11 : i32
      %shift_right_logical3A_489 = vector.broadcast %shift_right_logical3A_488 : i32 to vector<16xi32>
      %shift_right_logical3A_490 = arith.shrui %select_n3A, %shift_right_logical3A_489 : vector<16xi32>
      %and3A = arith.constant 255 : i32
      %and3A_491 = vector.broadcast %and3A : i32 to vector<16xi32>
      %and3A_492 = arith.andi %shift_right_logical3A_490, %and3A_491 : vector<16xi32>
      %and3A_493 = arith.constant 2047 : i32
      %and3A_494 = vector.broadcast %and3A_493 : i32 to vector<16xi32>
      %and3A_495 = arith.andi %select_n3A, %and3A_494 : vector<16xi32>
      %mul3A_496 = arith.constant 256 : i32
      %mul3A_497 = vector.broadcast %mul3A_496 : i32 to vector<16xi32>
      %mul3A_498 = arith.muli %shift_right_logical3A_487, %mul3A_497 : vector<16xi32>
      %add3A_499 = arith.addi %mul3A_498, %and3A_492 : vector<16xi32>
      %jit3A_500 = arith.constant -1 : i32
      %broadcast_in_dim3A_501 = vector.broadcast %jit3A_500 : i32 to vector<16xi32>
      %select_n3A_502 = arith.select %lt3A_484, %add3A_499, %broadcast_in_dim3A_501 : vector<16xi1>, vector<16xi32>
      %lt3A_503 = arith.constant 0 : i32
      %lt3A_504 = vector.broadcast %lt3A_503 : i32 to vector<16xi32>
      %lt3A_505 = arith.cmpi slt, %iota3A, %lt3A_504 : vector<16xi32>
      %add3A_506 = arith.constant 1 : i32
      %add3A_507 = vector.broadcast %add3A_506 : i32 to vector<16xi32>
      %add3A_508 = arith.addi %iota3A, %add3A_507 : vector<16xi32>
      %min3A = arith.constant 15 : i32
      %min3A_509 = vector.broadcast %min3A : i32 to vector<16xi32>
      %min3A_510 = arith.minsi %add3A_508, %min3A_509 : vector<16xi32>
      %lt3A_511 = arith.constant 0 : i32
      %lt3A_512 = vector.broadcast %lt3A_511 : i32 to vector<16xi32>
      %lt3A_513 = arith.cmpi slt, %min3A_510, %lt3A_512 : vector<16xi32>
      %add3A_514 = arith.constant 16 : i32
      %add3A_515 = vector.broadcast %add3A_514 : i32 to vector<16xi32>
      %add3A_516 = arith.addi %min3A_510, %add3A_515 : vector<16xi32>
      %select_n3A_517 = arith.select %lt3A_513, %add3A_516, %min3A_510 : vector<16xi1>, vector<16xi32>
      %broadcast_in_dim3A_518 = vector.shape_cast %select_n3A_517 : vector<16xi32> to vector<16x1xi32>
      %gather3A = vector.shape_cast %broadcast_in_dim3A_518 : vector<16x1xi32> to vector<16xi32>
      %gather3A_519 = tpu.dynamic_gather %select_n3A_502[%gather3A] in [0] : vector<16xi32>, vector<16xi32> -> vector<16xi32>
      %eq3A = arith.cmpi eq, %gather3A_519, %select_n3A_502 : vector<16xi32>
      %add3A_520 = arith.constant 1 : i32
      %add3A_521 = vector.broadcast %add3A_520 : i32 to vector<16xi32>
      %add3A_522 = arith.addi %iota3A, %add3A_521 : vector<16xi32>
      %lt3A_523 = arith.constant 16 : i32
      %lt3A_524 = vector.broadcast %lt3A_523 : i32 to vector<16xi32>
      %lt3A_525 = arith.cmpi slt, %add3A_522, %lt3A_524 : vector<16xi32>
      %and3A_526 = arith.andi %eq3A, %lt3A_525 : vector<16xi1>
      %or3A = arith.ori %lt3A_505, %and3A_526 : vector<16xi1>
      %add3A_527 = arith.constant 2 : i32
      %add3A_528 = vector.broadcast %add3A_527 : i32 to vector<16xi32>
      %add3A_529 = arith.addi %iota3A, %add3A_528 : vector<16xi32>
      %min3A_530 = arith.constant 15 : i32
      %min3A_531 = vector.broadcast %min3A_530 : i32 to vector<16xi32>
      %min3A_532 = arith.minsi %add3A_529, %min3A_531 : vector<16xi32>
      %lt3A_533 = arith.constant 0 : i32
      %lt3A_534 = vector.broadcast %lt3A_533 : i32 to vector<16xi32>
      %lt3A_535 = arith.cmpi slt, %min3A_532, %lt3A_534 : vector<16xi32>
      %add3A_536 = arith.constant 16 : i32
      %add3A_537 = vector.broadcast %add3A_536 : i32 to vector<16xi32>
      %add3A_538 = arith.addi %min3A_532, %add3A_537 : vector<16xi32>
      %select_n3A_539 = arith.select %lt3A_535, %add3A_538, %min3A_532 : vector<16xi1>, vector<16xi32>
      %broadcast_in_dim3A_540 = vector.shape_cast %select_n3A_539 : vector<16xi32> to vector<16x1xi32>
      %gather3A_541 = vector.shape_cast %broadcast_in_dim3A_540 : vector<16x1xi32> to vector<16xi32>
      %gather3A_542 = tpu.dynamic_gather %select_n3A_502[%gather3A_541] in [0] : vector<16xi32>, vector<16xi32> -> vector<16xi32>
      %eq3A_543 = arith.cmpi eq, %gather3A_542, %select_n3A_502 : vector<16xi32>
      %add3A_544 = arith.constant 2 : i32
      %add3A_545 = vector.broadcast %add3A_544 : i32 to vector<16xi32>
      %add3A_546 = arith.addi %iota3A, %add3A_545 : vector<16xi32>
      %lt3A_547 = arith.constant 16 : i32
      %lt3A_548 = vector.broadcast %lt3A_547 : i32 to vector<16xi32>
      %lt3A_549 = arith.cmpi slt, %add3A_546, %lt3A_548 : vector<16xi32>
      %and3A_550 = arith.andi %eq3A_543, %lt3A_549 : vector<16xi1>
      %or3A_551 = arith.ori %or3A, %and3A_550 : vector<16xi1>
      %add3A_552 = arith.constant 3 : i32
      %add3A_553 = vector.broadcast %add3A_552 : i32 to vector<16xi32>
      %add3A_554 = arith.addi %iota3A, %add3A_553 : vector<16xi32>
      %min3A_555 = arith.constant 15 : i32
      %min3A_556 = vector.broadcast %min3A_555 : i32 to vector<16xi32>
      %min3A_557 = arith.minsi %add3A_554, %min3A_556 : vector<16xi32>
      %lt3A_558 = arith.constant 0 : i32
      %lt3A_559 = vector.broadcast %lt3A_558 : i32 to vector<16xi32>
      %lt3A_560 = arith.cmpi slt, %min3A_557, %lt3A_559 : vector<16xi32>
      %add3A_561 = arith.constant 16 : i32
      %add3A_562 = vector.broadcast %add3A_561 : i32 to vector<16xi32>
      %add3A_563 = arith.addi %min3A_557, %add3A_562 : vector<16xi32>
      %select_n3A_564 = arith.select %lt3A_560, %add3A_563, %min3A_557 : vector<16xi1>, vector<16xi32>
      %broadcast_in_dim3A_565 = vector.shape_cast %select_n3A_564 : vector<16xi32> to vector<16x1xi32>
      %gather3A_566 = vector.shape_cast %broadcast_in_dim3A_565 : vector<16x1xi32> to vector<16xi32>
      %gather3A_567 = tpu.dynamic_gather %select_n3A_502[%gather3A_566] in [0] : vector<16xi32>, vector<16xi32> -> vector<16xi32>
      %eq3A_568 = arith.cmpi eq, %gather3A_567, %select_n3A_502 : vector<16xi32>
      %add3A_569 = arith.constant 3 : i32
      %add3A_570 = vector.broadcast %add3A_569 : i32 to vector<16xi32>
      %add3A_571 = arith.addi %iota3A, %add3A_570 : vector<16xi32>
      %lt3A_572 = arith.constant 16 : i32
      %lt3A_573 = vector.broadcast %lt3A_572 : i32 to vector<16xi32>
      %lt3A_574 = arith.cmpi slt, %add3A_571, %lt3A_573 : vector<16xi32>
      %and3A_575 = arith.andi %eq3A_568, %lt3A_574 : vector<16xi1>
      %or3A_576 = arith.ori %or3A_551, %and3A_575 : vector<16xi1>
      %add3A_577 = arith.constant 4 : i32
      %add3A_578 = vector.broadcast %add3A_577 : i32 to vector<16xi32>
      %add3A_579 = arith.addi %iota3A, %add3A_578 : vector<16xi32>
      %min3A_580 = arith.constant 15 : i32
      %min3A_581 = vector.broadcast %min3A_580 : i32 to vector<16xi32>
      %min3A_582 = arith.minsi %add3A_579, %min3A_581 : vector<16xi32>
      %lt3A_583 = arith.constant 0 : i32
      %lt3A_584 = vector.broadcast %lt3A_583 : i32 to vector<16xi32>
      %lt3A_585 = arith.cmpi slt, %min3A_582, %lt3A_584 : vector<16xi32>
      %add3A_586 = arith.constant 16 : i32
      %add3A_587 = vector.broadcast %add3A_586 : i32 to vector<16xi32>
      %add3A_588 = arith.addi %min3A_582, %add3A_587 : vector<16xi32>
      %select_n3A_589 = arith.select %lt3A_585, %add3A_588, %min3A_582 : vector<16xi1>, vector<16xi32>
      %broadcast_in_dim3A_590 = vector.shape_cast %select_n3A_589 : vector<16xi32> to vector<16x1xi32>
      %gather3A_591 = vector.shape_cast %broadcast_in_dim3A_590 : vector<16x1xi32> to vector<16xi32>
      %gather3A_592 = tpu.dynamic_gather %select_n3A_502[%gather3A_591] in [0] : vector<16xi32>, vector<16xi32> -> vector<16xi32>
      %eq3A_593 = arith.cmpi eq, %gather3A_592, %select_n3A_502 : vector<16xi32>
      %add3A_594 = arith.constant 4 : i32
      %add3A_595 = vector.broadcast %add3A_594 : i32 to vector<16xi32>
      %add3A_596 = arith.addi %iota3A, %add3A_595 : vector<16xi32>
      %lt3A_597 = arith.constant 16 : i32
      %lt3A_598 = vector.broadcast %lt3A_597 : i32 to vector<16xi32>
      %lt3A_599 = arith.cmpi slt, %add3A_596, %lt3A_598 : vector<16xi32>
      %and3A_600 = arith.andi %eq3A_593, %lt3A_599 : vector<16xi1>
      %or3A_601 = arith.ori %or3A_576, %and3A_600 : vector<16xi1>
      %add3A_602 = arith.constant 5 : i32
      %add3A_603 = vector.broadcast %add3A_602 : i32 to vector<16xi32>
      %add3A_604 = arith.addi %iota3A, %add3A_603 : vector<16xi32>
      %min3A_605 = arith.constant 15 : i32
      %min3A_606 = vector.broadcast %min3A_605 : i32 to vector<16xi32>
      %min3A_607 = arith.minsi %add3A_604, %min3A_606 : vector<16xi32>
      %lt3A_608 = arith.constant 0 : i32
      %lt3A_609 = vector.broadcast %lt3A_608 : i32 to vector<16xi32>
      %lt3A_610 = arith.cmpi slt, %min3A_607, %lt3A_609 : vector<16xi32>
      %add3A_611 = arith.constant 16 : i32
      %add3A_612 = vector.broadcast %add3A_611 : i32 to vector<16xi32>
      %add3A_613 = arith.addi %min3A_607, %add3A_612 : vector<16xi32>
      %select_n3A_614 = arith.select %lt3A_610, %add3A_613, %min3A_607 : vector<16xi1>, vector<16xi32>
      %broadcast_in_dim3A_615 = vector.shape_cast %select_n3A_614 : vector<16xi32> to vector<16x1xi32>
      %gather3A_616 = vector.shape_cast %broadcast_in_dim3A_615 : vector<16x1xi32> to vector<16xi32>
      %gather3A_617 = tpu.dynamic_gather %select_n3A_502[%gather3A_616] in [0] : vector<16xi32>, vector<16xi32> -> vector<16xi32>
      %eq3A_618 = arith.cmpi eq, %gather3A_617, %select_n3A_502 : vector<16xi32>
      %add3A_619 = arith.constant 5 : i32
      %add3A_620 = vector.broadcast %add3A_619 : i32 to vector<16xi32>
      %add3A_621 = arith.addi %iota3A, %add3A_620 : vector<16xi32>
      %lt3A_622 = arith.constant 16 : i32
      %lt3A_623 = vector.broadcast %lt3A_622 : i32 to vector<16xi32>
      %lt3A_624 = arith.cmpi slt, %add3A_621, %lt3A_623 : vector<16xi32>
      %and3A_625 = arith.andi %eq3A_618, %lt3A_624 : vector<16xi1>
      %or3A_626 = arith.ori %or3A_601, %and3A_625 : vector<16xi1>
      %add3A_627 = arith.constant 6 : i32
      %add3A_628 = vector.broadcast %add3A_627 : i32 to vector<16xi32>
      %add3A_629 = arith.addi %iota3A, %add3A_628 : vector<16xi32>
      %min3A_630 = arith.constant 15 : i32
      %min3A_631 = vector.broadcast %min3A_630 : i32 to vector<16xi32>
      %min3A_632 = arith.minsi %add3A_629, %min3A_631 : vector<16xi32>
      %lt3A_633 = arith.constant 0 : i32
      %lt3A_634 = vector.broadcast %lt3A_633 : i32 to vector<16xi32>
      %lt3A_635 = arith.cmpi slt, %min3A_632, %lt3A_634 : vector<16xi32>
      %add3A_636 = arith.constant 16 : i32
      %add3A_637 = vector.broadcast %add3A_636 : i32 to vector<16xi32>
      %add3A_638 = arith.addi %min3A_632, %add3A_637 : vector<16xi32>
      %select_n3A_639 = arith.select %lt3A_635, %add3A_638, %min3A_632 : vector<16xi1>, vector<16xi32>
      %broadcast_in_dim3A_640 = vector.shape_cast %select_n3A_639 : vector<16xi32> to vector<16x1xi32>
      %gather3A_641 = vector.shape_cast %broadcast_in_dim3A_640 : vector<16x1xi32> to vector<16xi32>
      %gather3A_642 = tpu.dynamic_gather %select_n3A_502[%gather3A_641] in [0] : vector<16xi32>, vector<16xi32> -> vector<16xi32>
      %eq3A_643 = arith.cmpi eq, %gather3A_642, %select_n3A_502 : vector<16xi32>
      %add3A_644 = arith.constant 6 : i32
      %add3A_645 = vector.broadcast %add3A_644 : i32 to vector<16xi32>
      %add3A_646 = arith.addi %iota3A, %add3A_645 : vector<16xi32>
      %lt3A_647 = arith.constant 16 : i32
      %lt3A_648 = vector.broadcast %lt3A_647 : i32 to vector<16xi32>
      %lt3A_649 = arith.cmpi slt, %add3A_646, %lt3A_648 : vector<16xi32>
      %and3A_650 = arith.andi %eq3A_643, %lt3A_649 : vector<16xi1>
      %or3A_651 = arith.ori %or3A_626, %and3A_650 : vector<16xi1>
      %add3A_652 = arith.constant 7 : i32
      %add3A_653 = vector.broadcast %add3A_652 : i32 to vector<16xi32>
      %add3A_654 = arith.addi %iota3A, %add3A_653 : vector<16xi32>
      %min3A_655 = arith.constant 15 : i32
      %min3A_656 = vector.broadcast %min3A_655 : i32 to vector<16xi32>
      %min3A_657 = arith.minsi %add3A_654, %min3A_656 : vector<16xi32>
      %lt3A_658 = arith.constant 0 : i32
      %lt3A_659 = vector.broadcast %lt3A_658 : i32 to vector<16xi32>
      %lt3A_660 = arith.cmpi slt, %min3A_657, %lt3A_659 : vector<16xi32>
      %add3A_661 = arith.constant 16 : i32
      %add3A_662 = vector.broadcast %add3A_661 : i32 to vector<16xi32>
      %add3A_663 = arith.addi %min3A_657, %add3A_662 : vector<16xi32>
      %select_n3A_664 = arith.select %lt3A_660, %add3A_663, %min3A_657 : vector<16xi1>, vector<16xi32>
      %broadcast_in_dim3A_665 = vector.shape_cast %select_n3A_664 : vector<16xi32> to vector<16x1xi32>
      %gather3A_666 = vector.shape_cast %broadcast_in_dim3A_665 : vector<16x1xi32> to vector<16xi32>
      %gather3A_667 = tpu.dynamic_gather %select_n3A_502[%gather3A_666] in [0] : vector<16xi32>, vector<16xi32> -> vector<16xi32>
      %eq3A_668 = arith.cmpi eq, %gather3A_667, %select_n3A_502 : vector<16xi32>
      %add3A_669 = arith.constant 7 : i32
      %add3A_670 = vector.broadcast %add3A_669 : i32 to vector<16xi32>
      %add3A_671 = arith.addi %iota3A, %add3A_670 : vector<16xi32>
      %lt3A_672 = arith.constant 16 : i32
      %lt3A_673 = vector.broadcast %lt3A_672 : i32 to vector<16xi32>
      %lt3A_674 = arith.cmpi slt, %add3A_671, %lt3A_673 : vector<16xi32>
      %and3A_675 = arith.andi %eq3A_668, %lt3A_674 : vector<16xi1>
      %or3A_676 = arith.ori %or3A_651, %and3A_675 : vector<16xi1>
      %add3A_677 = arith.constant 8 : i32
      %add3A_678 = vector.broadcast %add3A_677 : i32 to vector<16xi32>
      %add3A_679 = arith.addi %iota3A, %add3A_678 : vector<16xi32>
      %min3A_680 = arith.constant 15 : i32
      %min3A_681 = vector.broadcast %min3A_680 : i32 to vector<16xi32>
      %min3A_682 = arith.minsi %add3A_679, %min3A_681 : vector<16xi32>
      %lt3A_683 = arith.constant 0 : i32
      %lt3A_684 = vector.broadcast %lt3A_683 : i32 to vector<16xi32>
      %lt3A_685 = arith.cmpi slt, %min3A_682, %lt3A_684 : vector<16xi32>
      %add3A_686 = arith.constant 16 : i32
      %add3A_687 = vector.broadcast %add3A_686 : i32 to vector<16xi32>
      %add3A_688 = arith.addi %min3A_682, %add3A_687 : vector<16xi32>
      %select_n3A_689 = arith.select %lt3A_685, %add3A_688, %min3A_682 : vector<16xi1>, vector<16xi32>
      %broadcast_in_dim3A_690 = vector.shape_cast %select_n3A_689 : vector<16xi32> to vector<16x1xi32>
      %gather3A_691 = vector.shape_cast %broadcast_in_dim3A_690 : vector<16x1xi32> to vector<16xi32>
      %gather3A_692 = tpu.dynamic_gather %select_n3A_502[%gather3A_691] in [0] : vector<16xi32>, vector<16xi32> -> vector<16xi32>
      %eq3A_693 = arith.cmpi eq, %gather3A_692, %select_n3A_502 : vector<16xi32>
      %add3A_694 = arith.constant 8 : i32
      %add3A_695 = vector.broadcast %add3A_694 : i32 to vector<16xi32>
      %add3A_696 = arith.addi %iota3A, %add3A_695 : vector<16xi32>
      %lt3A_697 = arith.constant 16 : i32
      %lt3A_698 = vector.broadcast %lt3A_697 : i32 to vector<16xi32>
      %lt3A_699 = arith.cmpi slt, %add3A_696, %lt3A_698 : vector<16xi32>
      %and3A_700 = arith.andi %eq3A_693, %lt3A_699 : vector<16xi1>
      %or3A_701 = arith.ori %or3A_676, %and3A_700 : vector<16xi1>
      %add3A_702 = arith.constant 9 : i32
      %add3A_703 = vector.broadcast %add3A_702 : i32 to vector<16xi32>
      %add3A_704 = arith.addi %iota3A, %add3A_703 : vector<16xi32>
      %min3A_705 = arith.constant 15 : i32
      %min3A_706 = vector.broadcast %min3A_705 : i32 to vector<16xi32>
      %min3A_707 = arith.minsi %add3A_704, %min3A_706 : vector<16xi32>
      %lt3A_708 = arith.constant 0 : i32
      %lt3A_709 = vector.broadcast %lt3A_708 : i32 to vector<16xi32>
      %lt3A_710 = arith.cmpi slt, %min3A_707, %lt3A_709 : vector<16xi32>
      %add3A_711 = arith.constant 16 : i32
      %add3A_712 = vector.broadcast %add3A_711 : i32 to vector<16xi32>
      %add3A_713 = arith.addi %min3A_707, %add3A_712 : vector<16xi32>
      %select_n3A_714 = arith.select %lt3A_710, %add3A_713, %min3A_707 : vector<16xi1>, vector<16xi32>
      %broadcast_in_dim3A_715 = vector.shape_cast %select_n3A_714 : vector<16xi32> to vector<16x1xi32>
      %gather3A_716 = vector.shape_cast %broadcast_in_dim3A_715 : vector<16x1xi32> to vector<16xi32>
      %gather3A_717 = tpu.dynamic_gather %select_n3A_502[%gather3A_716] in [0] : vector<16xi32>, vector<16xi32> -> vector<16xi32>
      %eq3A_718 = arith.cmpi eq, %gather3A_717, %select_n3A_502 : vector<16xi32>
      %add3A_719 = arith.constant 9 : i32
      %add3A_720 = vector.broadcast %add3A_719 : i32 to vector<16xi32>
      %add3A_721 = arith.addi %iota3A, %add3A_720 : vector<16xi32>
      %lt3A_722 = arith.constant 16 : i32
      %lt3A_723 = vector.broadcast %lt3A_722 : i32 to vector<16xi32>
      %lt3A_724 = arith.cmpi slt, %add3A_721, %lt3A_723 : vector<16xi32>
      %and3A_725 = arith.andi %eq3A_718, %lt3A_724 : vector<16xi1>
      %or3A_726 = arith.ori %or3A_701, %and3A_725 : vector<16xi1>
      %add3A_727 = arith.constant 10 : i32
      %add3A_728 = vector.broadcast %add3A_727 : i32 to vector<16xi32>
      %add3A_729 = arith.addi %iota3A, %add3A_728 : vector<16xi32>
      %min3A_730 = arith.constant 15 : i32
      %min3A_731 = vector.broadcast %min3A_730 : i32 to vector<16xi32>
      %min3A_732 = arith.minsi %add3A_729, %min3A_731 : vector<16xi32>
      %lt3A_733 = arith.constant 0 : i32
      %lt3A_734 = vector.broadcast %lt3A_733 : i32 to vector<16xi32>
      %lt3A_735 = arith.cmpi slt, %min3A_732, %lt3A_734 : vector<16xi32>
      %add3A_736 = arith.constant 16 : i32
      %add3A_737 = vector.broadcast %add3A_736 : i32 to vector<16xi32>
      %add3A_738 = arith.addi %min3A_732, %add3A_737 : vector<16xi32>
      %select_n3A_739 = arith.select %lt3A_735, %add3A_738, %min3A_732 : vector<16xi1>, vector<16xi32>
      %broadcast_in_dim3A_740 = vector.shape_cast %select_n3A_739 : vector<16xi32> to vector<16x1xi32>
      %gather3A_741 = vector.shape_cast %broadcast_in_dim3A_740 : vector<16x1xi32> to vector<16xi32>
      %gather3A_742 = tpu.dynamic_gather %select_n3A_502[%gather3A_741] in [0] : vector<16xi32>, vector<16xi32> -> vector<16xi32>
      %eq3A_743 = arith.cmpi eq, %gather3A_742, %select_n3A_502 : vector<16xi32>
      %add3A_744 = arith.constant 10 : i32
      %add3A_745 = vector.broadcast %add3A_744 : i32 to vector<16xi32>
      %add3A_746 = arith.addi %iota3A, %add3A_745 : vector<16xi32>
      %lt3A_747 = arith.constant 16 : i32
      %lt3A_748 = vector.broadcast %lt3A_747 : i32 to vector<16xi32>
      %lt3A_749 = arith.cmpi slt, %add3A_746, %lt3A_748 : vector<16xi32>
      %and3A_750 = arith.andi %eq3A_743, %lt3A_749 : vector<16xi1>
      %or3A_751 = arith.ori %or3A_726, %and3A_750 : vector<16xi1>
      %add3A_752 = arith.constant 11 : i32
      %add3A_753 = vector.broadcast %add3A_752 : i32 to vector<16xi32>
      %add3A_754 = arith.addi %iota3A, %add3A_753 : vector<16xi32>
      %min3A_755 = arith.constant 15 : i32
      %min3A_756 = vector.broadcast %min3A_755 : i32 to vector<16xi32>
      %min3A_757 = arith.minsi %add3A_754, %min3A_756 : vector<16xi32>
      %lt3A_758 = arith.constant 0 : i32
      %lt3A_759 = vector.broadcast %lt3A_758 : i32 to vector<16xi32>
      %lt3A_760 = arith.cmpi slt, %min3A_757, %lt3A_759 : vector<16xi32>
      %add3A_761 = arith.constant 16 : i32
      %add3A_762 = vector.broadcast %add3A_761 : i32 to vector<16xi32>
      %add3A_763 = arith.addi %min3A_757, %add3A_762 : vector<16xi32>
      %select_n3A_764 = arith.select %lt3A_760, %add3A_763, %min3A_757 : vector<16xi1>, vector<16xi32>
      %broadcast_in_dim3A_765 = vector.shape_cast %select_n3A_764 : vector<16xi32> to vector<16x1xi32>
      %gather3A_766 = vector.shape_cast %broadcast_in_dim3A_765 : vector<16x1xi32> to vector<16xi32>
      %gather3A_767 = tpu.dynamic_gather %select_n3A_502[%gather3A_766] in [0] : vector<16xi32>, vector<16xi32> -> vector<16xi32>
      %eq3A_768 = arith.cmpi eq, %gather3A_767, %select_n3A_502 : vector<16xi32>
      %add3A_769 = arith.constant 11 : i32
      %add3A_770 = vector.broadcast %add3A_769 : i32 to vector<16xi32>
      %add3A_771 = arith.addi %iota3A, %add3A_770 : vector<16xi32>
      %lt3A_772 = arith.constant 16 : i32
      %lt3A_773 = vector.broadcast %lt3A_772 : i32 to vector<16xi32>
      %lt3A_774 = arith.cmpi slt, %add3A_771, %lt3A_773 : vector<16xi32>
      %and3A_775 = arith.andi %eq3A_768, %lt3A_774 : vector<16xi1>
      %or3A_776 = arith.ori %or3A_751, %and3A_775 : vector<16xi1>
      %add3A_777 = arith.constant 12 : i32
      %add3A_778 = vector.broadcast %add3A_777 : i32 to vector<16xi32>
      %add3A_779 = arith.addi %iota3A, %add3A_778 : vector<16xi32>
      %min3A_780 = arith.constant 15 : i32
      %min3A_781 = vector.broadcast %min3A_780 : i32 to vector<16xi32>
      %min3A_782 = arith.minsi %add3A_779, %min3A_781 : vector<16xi32>
      %lt3A_783 = arith.constant 0 : i32
      %lt3A_784 = vector.broadcast %lt3A_783 : i32 to vector<16xi32>
      %lt3A_785 = arith.cmpi slt, %min3A_782, %lt3A_784 : vector<16xi32>
      %add3A_786 = arith.constant 16 : i32
      %add3A_787 = vector.broadcast %add3A_786 : i32 to vector<16xi32>
      %add3A_788 = arith.addi %min3A_782, %add3A_787 : vector<16xi32>
      %select_n3A_789 = arith.select %lt3A_785, %add3A_788, %min3A_782 : vector<16xi1>, vector<16xi32>
      %broadcast_in_dim3A_790 = vector.shape_cast %select_n3A_789 : vector<16xi32> to vector<16x1xi32>
      %gather3A_791 = vector.shape_cast %broadcast_in_dim3A_790 : vector<16x1xi32> to vector<16xi32>
      %gather3A_792 = tpu.dynamic_gather %select_n3A_502[%gather3A_791] in [0] : vector<16xi32>, vector<16xi32> -> vector<16xi32>
      %eq3A_793 = arith.cmpi eq, %gather3A_792, %select_n3A_502 : vector<16xi32>
      %add3A_794 = arith.constant 12 : i32
      %add3A_795 = vector.broadcast %add3A_794 : i32 to vector<16xi32>
      %add3A_796 = arith.addi %iota3A, %add3A_795 : vector<16xi32>
      %lt3A_797 = arith.constant 16 : i32
      %lt3A_798 = vector.broadcast %lt3A_797 : i32 to vector<16xi32>
      %lt3A_799 = arith.cmpi slt, %add3A_796, %lt3A_798 : vector<16xi32>
      %and3A_800 = arith.andi %eq3A_793, %lt3A_799 : vector<16xi1>
      %or3A_801 = arith.ori %or3A_776, %and3A_800 : vector<16xi1>
      %add3A_802 = arith.constant 13 : i32
      %add3A_803 = vector.broadcast %add3A_802 : i32 to vector<16xi32>
      %add3A_804 = arith.addi %iota3A, %add3A_803 : vector<16xi32>
      %min3A_805 = arith.constant 15 : i32
      %min3A_806 = vector.broadcast %min3A_805 : i32 to vector<16xi32>
      %min3A_807 = arith.minsi %add3A_804, %min3A_806 : vector<16xi32>
      %lt3A_808 = arith.constant 0 : i32
      %lt3A_809 = vector.broadcast %lt3A_808 : i32 to vector<16xi32>
      %lt3A_810 = arith.cmpi slt, %min3A_807, %lt3A_809 : vector<16xi32>
      %add3A_811 = arith.constant 16 : i32
      %add3A_812 = vector.broadcast %add3A_811 : i32 to vector<16xi32>
      %add3A_813 = arith.addi %min3A_807, %add3A_812 : vector<16xi32>
      %select_n3A_814 = arith.select %lt3A_810, %add3A_813, %min3A_807 : vector<16xi1>, vector<16xi32>
      %broadcast_in_dim3A_815 = vector.shape_cast %select_n3A_814 : vector<16xi32> to vector<16x1xi32>
      %gather3A_816 = vector.shape_cast %broadcast_in_dim3A_815 : vector<16x1xi32> to vector<16xi32>
      %gather3A_817 = tpu.dynamic_gather %select_n3A_502[%gather3A_816] in [0] : vector<16xi32>, vector<16xi32> -> vector<16xi32>
      %eq3A_818 = arith.cmpi eq, %gather3A_817, %select_n3A_502 : vector<16xi32>
      %add3A_819 = arith.constant 13 : i32
      %add3A_820 = vector.broadcast %add3A_819 : i32 to vector<16xi32>
      %add3A_821 = arith.addi %iota3A, %add3A_820 : vector<16xi32>
      %lt3A_822 = arith.constant 16 : i32
      %lt3A_823 = vector.broadcast %lt3A_822 : i32 to vector<16xi32>
      %lt3A_824 = arith.cmpi slt, %add3A_821, %lt3A_823 : vector<16xi32>
      %and3A_825 = arith.andi %eq3A_818, %lt3A_824 : vector<16xi1>
      %or3A_826 = arith.ori %or3A_801, %and3A_825 : vector<16xi1>
      %add3A_827 = arith.constant 14 : i32
      %add3A_828 = vector.broadcast %add3A_827 : i32 to vector<16xi32>
      %add3A_829 = arith.addi %iota3A, %add3A_828 : vector<16xi32>
      %min3A_830 = arith.constant 15 : i32
      %min3A_831 = vector.broadcast %min3A_830 : i32 to vector<16xi32>
      %min3A_832 = arith.minsi %add3A_829, %min3A_831 : vector<16xi32>
      %lt3A_833 = arith.constant 0 : i32
      %lt3A_834 = vector.broadcast %lt3A_833 : i32 to vector<16xi32>
      %lt3A_835 = arith.cmpi slt, %min3A_832, %lt3A_834 : vector<16xi32>
      %add3A_836 = arith.constant 16 : i32
      %add3A_837 = vector.broadcast %add3A_836 : i32 to vector<16xi32>
      %add3A_838 = arith.addi %min3A_832, %add3A_837 : vector<16xi32>
      %select_n3A_839 = arith.select %lt3A_835, %add3A_838, %min3A_832 : vector<16xi1>, vector<16xi32>
      %broadcast_in_dim3A_840 = vector.shape_cast %select_n3A_839 : vector<16xi32> to vector<16x1xi32>
      %gather3A_841 = vector.shape_cast %broadcast_in_dim3A_840 : vector<16x1xi32> to vector<16xi32>
      %gather3A_842 = tpu.dynamic_gather %select_n3A_502[%gather3A_841] in [0] : vector<16xi32>, vector<16xi32> -> vector<16xi32>
      %eq3A_843 = arith.cmpi eq, %gather3A_842, %select_n3A_502 : vector<16xi32>
      %add3A_844 = arith.constant 14 : i32
      %add3A_845 = vector.broadcast %add3A_844 : i32 to vector<16xi32>
      %add3A_846 = arith.addi %iota3A, %add3A_845 : vector<16xi32>
      %lt3A_847 = arith.constant 16 : i32
      %lt3A_848 = vector.broadcast %lt3A_847 : i32 to vector<16xi32>
      %lt3A_849 = arith.cmpi slt, %add3A_846, %lt3A_848 : vector<16xi32>
      %and3A_850 = arith.andi %eq3A_843, %lt3A_849 : vector<16xi1>
      %or3A_851 = arith.ori %or3A_826, %and3A_850 : vector<16xi1>
      %add3A_852 = arith.constant 15 : i32
      %add3A_853 = vector.broadcast %add3A_852 : i32 to vector<16xi32>
      %add3A_854 = arith.addi %iota3A, %add3A_853 : vector<16xi32>
      %min3A_855 = arith.constant 15 : i32
      %min3A_856 = vector.broadcast %min3A_855 : i32 to vector<16xi32>
      %min3A_857 = arith.minsi %add3A_854, %min3A_856 : vector<16xi32>
      %lt3A_858 = arith.constant 0 : i32
      %lt3A_859 = vector.broadcast %lt3A_858 : i32 to vector<16xi32>
      %lt3A_860 = arith.cmpi slt, %min3A_857, %lt3A_859 : vector<16xi32>
      %add3A_861 = arith.constant 16 : i32
      %add3A_862 = vector.broadcast %add3A_861 : i32 to vector<16xi32>
      %add3A_863 = arith.addi %min3A_857, %add3A_862 : vector<16xi32>
      %select_n3A_864 = arith.select %lt3A_860, %add3A_863, %min3A_857 : vector<16xi1>, vector<16xi32>
      %broadcast_in_dim3A_865 = vector.shape_cast %select_n3A_864 : vector<16xi32> to vector<16x1xi32>
      %gather3A_866 = vector.shape_cast %broadcast_in_dim3A_865 : vector<16x1xi32> to vector<16xi32>
      %gather3A_867 = tpu.dynamic_gather %select_n3A_502[%gather3A_866] in [0] : vector<16xi32>, vector<16xi32> -> vector<16xi32>
      %eq3A_868 = arith.cmpi eq, %gather3A_867, %select_n3A_502 : vector<16xi32>
      %add3A_869 = arith.constant 15 : i32
      %add3A_870 = vector.broadcast %add3A_869 : i32 to vector<16xi32>
      %add3A_871 = arith.addi %iota3A, %add3A_870 : vector<16xi32>
      %lt3A_872 = arith.constant 16 : i32
      %lt3A_873 = vector.broadcast %lt3A_872 : i32 to vector<16xi32>
      %lt3A_874 = arith.cmpi slt, %add3A_871, %lt3A_873 : vector<16xi32>
      %and3A_875 = arith.andi %eq3A_868, %lt3A_874 : vector<16xi1>
      %or3A_876 = arith.ori %or3A_851, %and3A_875 : vector<16xi1>
      %not3A = arith.constant dense<true> : vector<16xi1>
      %not3A_877 = arith.xori %or3A_876, %not3A : vector<16xi1>
      %and3A_878 = arith.andi %lt3A_484, %not3A_877 : vector<16xi1>
      %gather3A_879 = tpu.vector_load_idx %arg12[%shift_right_logical3A_487, %and3A_492] masked %and3A_878 : memref<48x256xf32, #tpu.memory_space<vmem>>[vector<16xi32>, vector<16xi32>], vector<16xf32>, vector<16xi1>
      %gather3A_880 = tpu.vector_load_idx %arg15[%and3A_495] masked %and3A_878 : memref<2048xf32, #tpu.memory_space<vmem>>[vector<16xi32>], vector<16xf32>, vector<16xi1>
      %add3A_881 = arith.addf %gather3A_880, %gather3A_879 : vector<16xf32>
      tpu.vector_store_idx %arg11[%shift_right_logical3A_487, %and3A_492], %add3A_881 masked %and3A_878 : memref<48x256xf32, #tpu.memory_space<vmem>>[vector<16xi32>, vector<16xi32>], vector<16xf32>, vector<16xi1>
      %while3A_882 = arith.constant 0 : i32
      scf.yield %while3A_882 : i32
    }
    %add3A_284 = arith.constant 0 : i32
    %add3A_285 = arith.addi %mul3A_2, %add3A_284 : i32
    %div3A_286 = arith.constant 256 : i32
    %div3A_287 = arith.divsi %add3A_285, %div3A_286 : i32
    %rem3A_288 = arith.constant 256 : i32
    %rem3A_289 = arith.remsi %add3A_285, %rem3A_288 : i32
    %dma_start3A_290 = arith.constant 0 : i32
    %dma_start3A_291 = arith.constant 0 : i32
    %dma_start3A_292 = tpu.memref_slice %arg11[%dma_start3A_290, %dma_start3A_291] : memref<48x256xf32, #tpu.memory_space<vmem>> -> memref<16x256xf32, #tpu.memory_space<vmem>>
    %dma_start3A_293 = arith.constant 0 : i32
    %dma_start3A_294 = tpu.memref_slice %arg9[%div3A_287, %rem3A_289, %dma_start3A_293] : memref<6x256x256xf32, #tpu.memory_space<hbm>> -> memref<1x16x256xf32, #tpu.memory_space<hbm>>
    %dma_start3A_295 = tpu.memref_squeeze %dma_start3A_294 : memref<1x16x256xf32, #tpu.memory_space<hbm>> -> memref<16x256xf32, #tpu.memory_space<hbm>>
    %dma_start3A_296 = arith.constant 0 : i32
    %dma_start3A_297 = tpu.memref_slice %arg9[%div3A_287, %rem3A_289, %dma_start3A_296] : memref<6x256x256xf32, #tpu.memory_space<hbm>> -> memref<1x16x256xf32, #tpu.memory_space<hbm>>
    %dma_start3A_298 = tpu.memref_squeeze %dma_start3A_297 : memref<1x16x256xf32, #tpu.memory_space<hbm>> -> memref<16x256xf32, #tpu.memory_space<hbm>>
    %dma_start3A_299 = arith.constant 0 : i32
    %dma_start3A_300 = arith.constant 0 : i32
    %dma_start3A_301 = tpu.memref_slice %arg11[%dma_start3A_299, %dma_start3A_300] : memref<48x256xf32, #tpu.memory_space<vmem>> -> memref<16x256xf32, #tpu.memory_space<vmem>>
    tpu.enqueue_dma source(%dma_start3A_301 : memref<16x256xf32, #tpu.memory_space<vmem>>) target(%dma_start3A_298 : memref<16x256xf32, #tpu.memory_space<hbm>>) target_semaphore(%arg20 : memref<!tpu.dma_semaphore, #tpu.memory_space<semaphore_mem>>)
    %add3A_302 = arith.constant 16 : i32
    %add3A_303 = arith.addi %mul3A_2, %add3A_302 : i32
    %div3A_304 = arith.constant 256 : i32
    %div3A_305 = arith.divsi %add3A_303, %div3A_304 : i32
    %rem3A_306 = arith.constant 256 : i32
    %rem3A_307 = arith.remsi %add3A_303, %rem3A_306 : i32
    %dma_start3A_308 = arith.constant 16 : i32
    %dma_start3A_309 = arith.constant 0 : i32
    %dma_start3A_310 = tpu.memref_slice %arg11[%dma_start3A_308, %dma_start3A_309] : memref<48x256xf32, #tpu.memory_space<vmem>> -> memref<16x256xf32, #tpu.memory_space<vmem>>
    %dma_start3A_311 = arith.constant 0 : i32
    %dma_start3A_312 = tpu.memref_slice %arg9[%div3A_305, %rem3A_307, %dma_start3A_311] : memref<6x256x256xf32, #tpu.memory_space<hbm>> -> memref<1x16x256xf32, #tpu.memory_space<hbm>>
    %dma_start3A_313 = tpu.memref_squeeze %dma_start3A_312 : memref<1x16x256xf32, #tpu.memory_space<hbm>> -> memref<16x256xf32, #tpu.memory_space<hbm>>
    %dma_start3A_314 = arith.constant 0 : i32
    %dma_start3A_315 = tpu.memref_slice %arg9[%div3A_305, %rem3A_307, %dma_start3A_314] : memref<6x256x256xf32, #tpu.memory_space<hbm>> -> memref<1x16x256xf32, #tpu.memory_space<hbm>>
    %dma_start3A_316 = tpu.memref_squeeze %dma_start3A_315 : memref<1x16x256xf32, #tpu.memory_space<hbm>> -> memref<16x256xf32, #tpu.memory_space<hbm>>
    %dma_start3A_317 = arith.constant 16 : i32
    %dma_start3A_318 = arith.constant 0 : i32
    %dma_start3A_319 = tpu.memref_slice %arg11[%dma_start3A_317, %dma_start3A_318] : memref<48x256xf32, #tpu.memory_space<vmem>> -> memref<16x256xf32, #tpu.memory_space<vmem>>
    tpu.enqueue_dma source(%dma_start3A_319 : memref<16x256xf32, #tpu.memory_space<vmem>>) target(%dma_start3A_316 : memref<16x256xf32, #tpu.memory_space<hbm>>) target_semaphore(%arg20 : memref<!tpu.dma_semaphore, #tpu.memory_space<semaphore_mem>>)
    %add3A_320 = arith.constant 32 : i32
    %add3A_321 = arith.addi %mul3A_2, %add3A_320 : i32
    %div3A_322 = arith.constant 256 : i32
    %div3A_323 = arith.divsi %add3A_321, %div3A_322 : i32
    %rem3A_324 = arith.constant 256 : i32
    %rem3A_325 = arith.remsi %add3A_321, %rem3A_324 : i32
    %dma_start3A_326 = arith.constant 32 : i32
    %dma_start3A_327 = arith.constant 0 : i32
    %dma_start3A_328 = tpu.memref_slice %arg11[%dma_start3A_326, %dma_start3A_327] : memref<48x256xf32, #tpu.memory_space<vmem>> -> memref<16x256xf32, #tpu.memory_space<vmem>>
    %dma_start3A_329 = arith.constant 0 : i32
    %dma_start3A_330 = tpu.memref_slice %arg9[%div3A_323, %rem3A_325, %dma_start3A_329] : memref<6x256x256xf32, #tpu.memory_space<hbm>> -> memref<1x16x256xf32, #tpu.memory_space<hbm>>
    %dma_start3A_331 = tpu.memref_squeeze %dma_start3A_330 : memref<1x16x256xf32, #tpu.memory_space<hbm>> -> memref<16x256xf32, #tpu.memory_space<hbm>>
    %dma_start3A_332 = arith.constant 0 : i32
    %dma_start3A_333 = tpu.memref_slice %arg9[%div3A_323, %rem3A_325, %dma_start3A_332] : memref<6x256x256xf32, #tpu.memory_space<hbm>> -> memref<1x16x256xf32, #tpu.memory_space<hbm>>
    %dma_start3A_334 = tpu.memref_squeeze %dma_start3A_333 : memref<1x16x256xf32, #tpu.memory_space<hbm>> -> memref<16x256xf32, #tpu.memory_space<hbm>>
    %dma_start3A_335 = arith.constant 32 : i32
    %dma_start3A_336 = arith.constant 0 : i32
    %dma_start3A_337 = tpu.memref_slice %arg11[%dma_start3A_335, %dma_start3A_336] : memref<48x256xf32, #tpu.memory_space<vmem>> -> memref<16x256xf32, #tpu.memory_space<vmem>>
    tpu.enqueue_dma source(%dma_start3A_337 : memref<16x256xf32, #tpu.memory_space<vmem>>) target(%dma_start3A_334 : memref<16x256xf32, #tpu.memory_space<hbm>>) target_semaphore(%arg20 : memref<!tpu.dma_semaphore, #tpu.memory_space<semaphore_mem>>)
    %dma_wait3A_338 = arith.constant 0 : i32
    %dma_wait3A_339 = arith.constant 0 : i32
    %dma_wait3A_340 = tpu.memref_slice %arg11[%dma_wait3A_338, %dma_wait3A_339] : memref<48x256xf32, #tpu.memory_space<vmem>> -> memref<16x256xf32, #tpu.memory_space<vmem>>
    %dma_wait3A_341 = arith.constant 0 : i32
    %dma_wait3A_342 = tpu.memref_slice %arg9[%div3A_287, %rem3A_289, %dma_wait3A_341] : memref<6x256x256xf32, #tpu.memory_space<hbm>> -> memref<1x16x256xf32, #tpu.memory_space<hbm>>
    %dma_wait3A_343 = tpu.memref_squeeze %dma_wait3A_342 : memref<1x16x256xf32, #tpu.memory_space<hbm>> -> memref<16x256xf32, #tpu.memory_space<hbm>>
    %dma_wait3A_344 = arith.constant 0 : i32
    %dma_wait3A_345 = tpu.memref_slice %arg9[%div3A_287, %rem3A_289, %dma_wait3A_344] : memref<6x256x256xf32, #tpu.memory_space<hbm>> -> memref<1x16x256xf32, #tpu.memory_space<hbm>>
    %dma_wait3A_346 = tpu.memref_squeeze %dma_wait3A_345 : memref<1x16x256xf32, #tpu.memory_space<hbm>> -> memref<16x256xf32, #tpu.memory_space<hbm>>
    %dma_wait3A_347 = arith.constant 0 : i32
    %dma_wait3A_348 = arith.constant 0 : i32
    %dma_wait3A_349 = tpu.memref_slice %arg11[%dma_wait3A_347, %dma_wait3A_348] : memref<48x256xf32, #tpu.memory_space<vmem>> -> memref<16x256xf32, #tpu.memory_space<vmem>>
    tpu.wait_dma2 semaphore(%arg20 : memref<!tpu.dma_semaphore, #tpu.memory_space<semaphore_mem>>) src(%dma_wait3A_349 : memref<16x256xf32, #tpu.memory_space<vmem>>) dst(%dma_wait3A_346 : memref<16x256xf32, #tpu.memory_space<hbm>>)
    %dma_wait3A_350 = arith.constant 16 : i32
    %dma_wait3A_351 = arith.constant 0 : i32
    %dma_wait3A_352 = tpu.memref_slice %arg11[%dma_wait3A_350, %dma_wait3A_351] : memref<48x256xf32, #tpu.memory_space<vmem>> -> memref<16x256xf32, #tpu.memory_space<vmem>>
    %dma_wait3A_353 = arith.constant 0 : i32
    %dma_wait3A_354 = tpu.memref_slice %arg9[%div3A_305, %rem3A_307, %dma_wait3A_353] : memref<6x256x256xf32, #tpu.memory_space<hbm>> -> memref<1x16x256xf32, #tpu.memory_space<hbm>>
    %dma_wait3A_355 = tpu.memref_squeeze %dma_wait3A_354 : memref<1x16x256xf32, #tpu.memory_space<hbm>> -> memref<16x256xf32, #tpu.memory_space<hbm>>
    %dma_wait3A_356 = arith.constant 0 : i32
    %dma_wait3A_357 = tpu.memref_slice %arg9[%div3A_305, %rem3A_307, %dma_wait3A_356] : memref<6x256x256xf32, #tpu.memory_space<hbm>> -> memref<1x16x256xf32, #tpu.memory_space<hbm>>
    %dma_wait3A_358 = tpu.memref_squeeze %dma_wait3A_357 : memref<1x16x256xf32, #tpu.memory_space<hbm>> -> memref<16x256xf32, #tpu.memory_space<hbm>>
    %dma_wait3A_359 = arith.constant 16 : i32
    %dma_wait3A_360 = arith.constant 0 : i32
    %dma_wait3A_361 = tpu.memref_slice %arg11[%dma_wait3A_359, %dma_wait3A_360] : memref<48x256xf32, #tpu.memory_space<vmem>> -> memref<16x256xf32, #tpu.memory_space<vmem>>
    tpu.wait_dma2 semaphore(%arg20 : memref<!tpu.dma_semaphore, #tpu.memory_space<semaphore_mem>>) src(%dma_wait3A_361 : memref<16x256xf32, #tpu.memory_space<vmem>>) dst(%dma_wait3A_358 : memref<16x256xf32, #tpu.memory_space<hbm>>)
    %dma_wait3A_362 = arith.constant 32 : i32
    %dma_wait3A_363 = arith.constant 0 : i32
    %dma_wait3A_364 = tpu.memref_slice %arg11[%dma_wait3A_362, %dma_wait3A_363] : memref<48x256xf32, #tpu.memory_space<vmem>> -> memref<16x256xf32, #tpu.memory_space<vmem>>
    %dma_wait3A_365 = arith.constant 0 : i32
    %dma_wait3A_366 = tpu.memref_slice %arg9[%div3A_323, %rem3A_325, %dma_wait3A_365] : memref<6x256x256xf32, #tpu.memory_space<hbm>> -> memref<1x16x256xf32, #tpu.memory_space<hbm>>
    %dma_wait3A_367 = tpu.memref_squeeze %dma_wait3A_366 : memref<1x16x256xf32, #tpu.memory_space<hbm>> -> memref<16x256xf32, #tpu.memory_space<hbm>>
    %dma_wait3A_368 = arith.constant 0 : i32
    %dma_wait3A_369 = tpu.memref_slice %arg9[%div3A_323, %rem3A_325, %dma_wait3A_368] : memref<6x256x256xf32, #tpu.memory_space<hbm>> -> memref<1x16x256xf32, #tpu.memory_space<hbm>>
    %dma_wait3A_370 = tpu.memref_squeeze %dma_wait3A_369 : memref<1x16x256xf32, #tpu.memory_space<hbm>> -> memref<16x256xf32, #tpu.memory_space<hbm>>
    %dma_wait3A_371 = arith.constant 32 : i32
    %dma_wait3A_372 = arith.constant 0 : i32
    %dma_wait3A_373 = tpu.memref_slice %arg11[%dma_wait3A_371, %dma_wait3A_372] : memref<48x256xf32, #tpu.memory_space<vmem>> -> memref<16x256xf32, #tpu.memory_space<vmem>>
    tpu.wait_dma2 semaphore(%arg20 : memref<!tpu.dma_semaphore, #tpu.memory_space<semaphore_mem>>) src(%dma_wait3A_373 : memref<16x256xf32, #tpu.memory_space<vmem>>) dst(%dma_wait3A_370 : memref<16x256xf32, #tpu.memory_space<hbm>>)
    %while3A_374 = arith.constant 0 : i32
    %while3A_375 = arith.constant 0 : i32
    %while3A_376 = arith.subi %div3A_99, %while3A_374 : i32
    %while3A_377 = arith.addi %while3A_374, %while3A_376 : i32
    %while3A_378 = arith.constant 1 : i32
    %while3A_379 = arith.divsi %while3A_376, %while3A_378 : i32
    %while3A_380 = arith.muli %while3A_379, %while3A_378 : i32
    %while3A_381 = arith.addi %while3A_374, %while3A_380 : i32
    %while3A_382 = arith.constant 1 : i32
    %while3A_383 = scf.for %while3A_476 = %while3A_374 to %while3A_381 step %while3A_382 iter_args(%while3A_477 = %while3A_375) -> (i32)  : i32 {
      %mul3A_478 = arith.constant 16 : i32
      %mul3A_479 = arith.muli %while3A_476, %mul3A_478 : i32
      %mul3A_480 = arith.constant 16 : i32
      %mul3A_481 = arith.muli %while3A_476, %mul3A_480 : i32
      %add3A_482 = vector.broadcast %mul3A_481 : i32 to vector<16xi32>
      %add3A_483 = arith.addi %add3A_482, %iota3A : vector<16xi32>
      %lt3A = vector.broadcast %scan3A_94 : i32 to vector<16xi32>
      %lt3A_484 = arith.cmpi slt, %add3A_483, %lt3A : vector<16xi32>
      %get3A = arith.index_cast %mul3A_479 : i32 to index
      %get3A_485 = tpu.vector_load %arg17[%get3A] {strides = array<i32>} : memref<2064xi32, #tpu.memory_space<vmem>>, vector<16xi32>,
      %jit3A = arith.constant 0 : i32
      %broadcast_in_dim3A = vector.broadcast %jit3A : i32 to vector<16xi32>
      %select_n3A = arith.select %lt3A_484, %get3A_485, %broadcast_in_dim3A : vector<16xi1>, vector<16xi32>
      %shift_right_logical3A = arith.constant 19 : i32
      %shift_right_logical3A_486 = vector.broadcast %shift_right_logical3A : i32 to vector<16xi32>
      %shift_right_logical3A_487 = arith.shrui %select_n3A, %shift_right_logical3A_486 : vector<16xi32>
      %shift_right_logical3A_488 = arith.constant 11 : i32
      %shift_right_logical3A_489 = vector.broadcast %shift_right_logical3A_488 : i32 to vector<16xi32>
      %shift_right_logical3A_490 = arith.shrui %select_n3A, %shift_right_logical3A_489 : vector<16xi32>
      %and3A = arith.constant 255 : i32
      %and3A_491 = vector.broadcast %and3A : i32 to vector<16xi32>
      %and3A_492 = arith.andi %shift_right_logical3A_490, %and3A_491 : vector<16xi32>
      %and3A_493 = arith.constant 2047 : i32
      %and3A_494 = vector.broadcast %and3A_493 : i32 to vector<16xi32>
      %and3A_495 = arith.andi %select_n3A, %and3A_494 : vector<16xi32>
      %mul3A_496 = arith.constant 256 : i32
      %mul3A_497 = vector.broadcast %mul3A_496 : i32 to vector<16xi32>
      %mul3A_498 = arith.muli %shift_right_logical3A_487, %mul3A_497 : vector<16xi32>
      %add3A_499 = arith.addi %mul3A_498, %and3A_492 : vector<16xi32>
      %jit3A_500 = arith.constant -1 : i32
      %broadcast_in_dim3A_501 = vector.broadcast %jit3A_500 : i32 to vector<16xi32>
      %select_n3A_502 = arith.select %lt3A_484, %add3A_499, %broadcast_in_dim3A_501 : vector<16xi1>, vector<16xi32>
      %lt3A_503 = arith.constant 0 : i32
      %lt3A_504 = vector.broadcast %lt3A_503 : i32 to vector<16xi32>
      %lt3A_505 = arith.cmpi slt, %iota3A, %lt3A_504 : vector<16xi32>
      %add3A_506 = arith.constant 1 : i32
      %add3A_507 = vector.broadcast %add3A_506 : i32 to vector<16xi32>
      %add3A_508 = arith.addi %iota3A, %add3A_507 : vector<16xi32>
      %min3A = arith.constant 15 : i32
      %min3A_509 = vector.broadcast %min3A : i32 to vector<16xi32>
      %min3A_510 = arith.minsi %add3A_508, %min3A_509 : vector<16xi32>
      %lt3A_511 = arith.constant 0 : i32
      %lt3A_512 = vector.broadcast %lt3A_511 : i32 to vector<16xi32>
      %lt3A_513 = arith.cmpi slt, %min3A_510, %lt3A_512 : vector<16xi32>
      %add3A_514 = arith.constant 16 : i32
      %add3A_515 = vector.broadcast %add3A_514 : i32 to vector<16xi32>
      %add3A_516 = arith.addi %min3A_510, %add3A_515 : vector<16xi32>
      %select_n3A_517 = arith.select %lt3A_513, %add3A_516, %min3A_510 : vector<16xi1>, vector<16xi32>
      %broadcast_in_dim3A_518 = vector.shape_cast %select_n3A_517 : vector<16xi32> to vector<16x1xi32>
      %gather3A = vector.shape_cast %broadcast_in_dim3A_518 : vector<16x1xi32> to vector<16xi32>
      %gather3A_519 = tpu.dynamic_gather %select_n3A_502[%gather3A] in [0] : vector<16xi32>, vector<16xi32> -> vector<16xi32>
      %eq3A = arith.cmpi eq, %gather3A_519, %select_n3A_502 : vector<16xi32>
      %add3A_520 = arith.constant 1 : i32
      %add3A_521 = vector.broadcast %add3A_520 : i32 to vector<16xi32>
      %add3A_522 = arith.addi %iota3A, %add3A_521 : vector<16xi32>
      %lt3A_523 = arith.constant 16 : i32
      %lt3A_524 = vector.broadcast %lt3A_523 : i32 to vector<16xi32>
      %lt3A_525 = arith.cmpi slt, %add3A_522, %lt3A_524 : vector<16xi32>
      %and3A_526 = arith.andi %eq3A, %lt3A_525 : vector<16xi1>
      %or3A = arith.ori %lt3A_505, %and3A_526 : vector<16xi1>
      %add3A_527 = arith.constant 2 : i32
      %add3A_528 = vector.broadcast %add3A_527 : i32 to vector<16xi32>
      %add3A_529 = arith.addi %iota3A, %add3A_528 : vector<16xi32>
      %min3A_530 = arith.constant 15 : i32
      %min3A_531 = vector.broadcast %min3A_530 : i32 to vector<16xi32>
      %min3A_532 = arith.minsi %add3A_529, %min3A_531 : vector<16xi32>
      %lt3A_533 = arith.constant 0 : i32
      %lt3A_534 = vector.broadcast %lt3A_533 : i32 to vector<16xi32>
      %lt3A_535 = arith.cmpi slt, %min3A_532, %lt3A_534 : vector<16xi32>
      %add3A_536 = arith.constant 16 : i32
      %add3A_537 = vector.broadcast %add3A_536 : i32 to vector<16xi32>
      %add3A_538 = arith.addi %min3A_532, %add3A_537 : vector<16xi32>
      %select_n3A_539 = arith.select %lt3A_535, %add3A_538, %min3A_532 : vector<16xi1>, vector<16xi32>
      %broadcast_in_dim3A_540 = vector.shape_cast %select_n3A_539 : vector<16xi32> to vector<16x1xi32>
      %gather3A_541 = vector.shape_cast %broadcast_in_dim3A_540 : vector<16x1xi32> to vector<16xi32>
      %gather3A_542 = tpu.dynamic_gather %select_n3A_502[%gather3A_541] in [0] : vector<16xi32>, vector<16xi32> -> vector<16xi32>
      %eq3A_543 = arith.cmpi eq, %gather3A_542, %select_n3A_502 : vector<16xi32>
      %add3A_544 = arith.constant 2 : i32
      %add3A_545 = vector.broadcast %add3A_544 : i32 to vector<16xi32>
      %add3A_546 = arith.addi %iota3A, %add3A_545 : vector<16xi32>
      %lt3A_547 = arith.constant 16 : i32
      %lt3A_548 = vector.broadcast %lt3A_547 : i32 to vector<16xi32>
      %lt3A_549 = arith.cmpi slt, %add3A_546, %lt3A_548 : vector<16xi32>
      %and3A_550 = arith.andi %eq3A_543, %lt3A_549 : vector<16xi1>
      %or3A_551 = arith.ori %or3A, %and3A_550 : vector<16xi1>
      %add3A_552 = arith.constant 3 : i32
      %add3A_553 = vector.broadcast %add3A_552 : i32 to vector<16xi32>
      %add3A_554 = arith.addi %iota3A, %add3A_553 : vector<16xi32>
      %min3A_555 = arith.constant 15 : i32
      %min3A_556 = vector.broadcast %min3A_555 : i32 to vector<16xi32>
      %min3A_557 = arith.minsi %add3A_554, %min3A_556 : vector<16xi32>
      %lt3A_558 = arith.constant 0 : i32
      %lt3A_559 = vector.broadcast %lt3A_558 : i32 to vector<16xi32>
      %lt3A_560 = arith.cmpi slt, %min3A_557, %lt3A_559 : vector<16xi32>
      %add3A_561 = arith.constant 16 : i32
      %add3A_562 = vector.broadcast %add3A_561 : i32 to vector<16xi32>
      %add3A_563 = arith.addi %min3A_557, %add3A_562 : vector<16xi32>
      %select_n3A_564 = arith.select %lt3A_560, %add3A_563, %min3A_557 : vector<16xi1>, vector<16xi32>
      %broadcast_in_dim3A_565 = vector.shape_cast %select_n3A_564 : vector<16xi32> to vector<16x1xi32>
      %gather3A_566 = vector.shape_cast %broadcast_in_dim3A_565 : vector<16x1xi32> to vector<16xi32>
      %gather3A_567 = tpu.dynamic_gather %select_n3A_502[%gather3A_566] in [0] : vector<16xi32>, vector<16xi32> -> vector<16xi32>
      %eq3A_568 = arith.cmpi eq, %gather3A_567, %select_n3A_502 : vector<16xi32>
      %add3A_569 = arith.constant 3 : i32
      %add3A_570 = vector.broadcast %add3A_569 : i32 to vector<16xi32>
      %add3A_571 = arith.addi %iota3A, %add3A_570 : vector<16xi32>
      %lt3A_572 = arith.constant 16 : i32
      %lt3A_573 = vector.broadcast %lt3A_572 : i32 to vector<16xi32>
      %lt3A_574 = arith.cmpi slt, %add3A_571, %lt3A_573 : vector<16xi32>
      %and3A_575 = arith.andi %eq3A_568, %lt3A_574 : vector<16xi1>
      %or3A_576 = arith.ori %or3A_551, %and3A_575 : vector<16xi1>
      %add3A_577 = arith.constant 4 : i32
      %add3A_578 = vector.broadcast %add3A_577 : i32 to vector<16xi32>
      %add3A_579 = arith.addi %iota3A, %add3A_578 : vector<16xi32>
      %min3A_580 = arith.constant 15 : i32
      %min3A_581 = vector.broadcast %min3A_580 : i32 to vector<16xi32>
      %min3A_582 = arith.minsi %add3A_579, %min3A_581 : vector<16xi32>
      %lt3A_583 = arith.constant 0 : i32
      %lt3A_584 = vector.broadcast %lt3A_583 : i32 to vector<16xi32>
      %lt3A_585 = arith.cmpi slt, %min3A_582, %lt3A_584 : vector<16xi32>
      %add3A_586 = arith.constant 16 : i32
      %add3A_587 = vector.broadcast %add3A_586 : i32 to vector<16xi32>
      %add3A_588 = arith.addi %min3A_582, %add3A_587 : vector<16xi32>
      %select_n3A_589 = arith.select %lt3A_585, %add3A_588, %min3A_582 : vector<16xi1>, vector<16xi32>
      %broadcast_in_dim3A_590 = vector.shape_cast %select_n3A_589 : vector<16xi32> to vector<16x1xi32>
      %gather3A_591 = vector.shape_cast %broadcast_in_dim3A_590 : vector<16x1xi32> to vector<16xi32>
      %gather3A_592 = tpu.dynamic_gather %select_n3A_502[%gather3A_591] in [0] : vector<16xi32>, vector<16xi32> -> vector<16xi32>
      %eq3A_593 = arith.cmpi eq, %gather3A_592, %select_n3A_502 : vector<16xi32>
      %add3A_594 = arith.constant 4 : i32
      %add3A_595 = vector.broadcast %add3A_594 : i32 to vector<16xi32>
      %add3A_596 = arith.addi %iota3A, %add3A_595 : vector<16xi32>
      %lt3A_597 = arith.constant 16 : i32
      %lt3A_598 = vector.broadcast %lt3A_597 : i32 to vector<16xi32>
      %lt3A_599 = arith.cmpi slt, %add3A_596, %lt3A_598 : vector<16xi32>
      %and3A_600 = arith.andi %eq3A_593, %lt3A_599 : vector<16xi1>
      %or3A_601 = arith.ori %or3A_576, %and3A_600 : vector<16xi1>
      %add3A_602 = arith.constant 5 : i32
      %add3A_603 = vector.broadcast %add3A_602 : i32 to vector<16xi32>
      %add3A_604 = arith.addi %iota3A, %add3A_603 : vector<16xi32>
      %min3A_605 = arith.constant 15 : i32
      %min3A_606 = vector.broadcast %min3A_605 : i32 to vector<16xi32>
      %min3A_607 = arith.minsi %add3A_604, %min3A_606 : vector<16xi32>
      %lt3A_608 = arith.constant 0 : i32
      %lt3A_609 = vector.broadcast %lt3A_608 : i32 to vector<16xi32>
      %lt3A_610 = arith.cmpi slt, %min3A_607, %lt3A_609 : vector<16xi32>
      %add3A_611 = arith.constant 16 : i32
      %add3A_612 = vector.broadcast %add3A_611 : i32 to vector<16xi32>
      %add3A_613 = arith.addi %min3A_607, %add3A_612 : vector<16xi32>
      %select_n3A_614 = arith.select %lt3A_610, %add3A_613, %min3A_607 : vector<16xi1>, vector<16xi32>
      %broadcast_in_dim3A_615 = vector.shape_cast %select_n3A_614 : vector<16xi32> to vector<16x1xi32>
      %gather3A_616 = vector.shape_cast %broadcast_in_dim3A_615 : vector<16x1xi32> to vector<16xi32>
      %gather3A_617 = tpu.dynamic_gather %select_n3A_502[%gather3A_616] in [0] : vector<16xi32>, vector<16xi32> -> vector<16xi32>
      %eq3A_618 = arith.cmpi eq, %gather3A_617, %select_n3A_502 : vector<16xi32>
      %add3A_619 = arith.constant 5 : i32
      %add3A_620 = vector.broadcast %add3A_619 : i32 to vector<16xi32>
      %add3A_621 = arith.addi %iota3A, %add3A_620 : vector<16xi32>
      %lt3A_622 = arith.constant 16 : i32
      %lt3A_623 = vector.broadcast %lt3A_622 : i32 to vector<16xi32>
      %lt3A_624 = arith.cmpi slt, %add3A_621, %lt3A_623 : vector<16xi32>
      %and3A_625 = arith.andi %eq3A_618, %lt3A_624 : vector<16xi1>
      %or3A_626 = arith.ori %or3A_601, %and3A_625 : vector<16xi1>
      %add3A_627 = arith.constant 6 : i32
      %add3A_628 = vector.broadcast %add3A_627 : i32 to vector<16xi32>
      %add3A_629 = arith.addi %iota3A, %add3A_628 : vector<16xi32>
      %min3A_630 = arith.constant 15 : i32
      %min3A_631 = vector.broadcast %min3A_630 : i32 to vector<16xi32>
      %min3A_632 = arith.minsi %add3A_629, %min3A_631 : vector<16xi32>
      %lt3A_633 = arith.constant 0 : i32
      %lt3A_634 = vector.broadcast %lt3A_633 : i32 to vector<16xi32>
      %lt3A_635 = arith.cmpi slt, %min3A_632, %lt3A_634 : vector<16xi32>
      %add3A_636 = arith.constant 16 : i32
      %add3A_637 = vector.broadcast %add3A_636 : i32 to vector<16xi32>
      %add3A_638 = arith.addi %min3A_632, %add3A_637 : vector<16xi32>
      %select_n3A_639 = arith.select %lt3A_635, %add3A_638, %min3A_632 : vector<16xi1>, vector<16xi32>
      %broadcast_in_dim3A_640 = vector.shape_cast %select_n3A_639 : vector<16xi32> to vector<16x1xi32>
      %gather3A_641 = vector.shape_cast %broadcast_in_dim3A_640 : vector<16x1xi32> to vector<16xi32>
      %gather3A_642 = tpu.dynamic_gather %select_n3A_502[%gather3A_641] in [0] : vector<16xi32>, vector<16xi32> -> vector<16xi32>
      %eq3A_643 = arith.cmpi eq, %gather3A_642, %select_n3A_502 : vector<16xi32>
      %add3A_644 = arith.constant 6 : i32
      %add3A_645 = vector.broadcast %add3A_644 : i32 to vector<16xi32>
      %add3A_646 = arith.addi %iota3A, %add3A_645 : vector<16xi32>
      %lt3A_647 = arith.constant 16 : i32
      %lt3A_648 = vector.broadcast %lt3A_647 : i32 to vector<16xi32>
      %lt3A_649 = arith.cmpi slt, %add3A_646, %lt3A_648 : vector<16xi32>
      %and3A_650 = arith.andi %eq3A_643, %lt3A_649 : vector<16xi1>
      %or3A_651 = arith.ori %or3A_626, %and3A_650 : vector<16xi1>
      %add3A_652 = arith.constant 7 : i32
      %add3A_653 = vector.broadcast %add3A_652 : i32 to vector<16xi32>
      %add3A_654 = arith.addi %iota3A, %add3A_653 : vector<16xi32>
      %min3A_655 = arith.constant 15 : i32
      %min3A_656 = vector.broadcast %min3A_655 : i32 to vector<16xi32>
      %min3A_657 = arith.minsi %add3A_654, %min3A_656 : vector<16xi32>
      %lt3A_658 = arith.constant 0 : i32
      %lt3A_659 = vector.broadcast %lt3A_658 : i32 to vector<16xi32>
      %lt3A_660 = arith.cmpi slt, %min3A_657, %lt3A_659 : vector<16xi32>
      %add3A_661 = arith.constant 16 : i32
      %add3A_662 = vector.broadcast %add3A_661 : i32 to vector<16xi32>
      %add3A_663 = arith.addi %min3A_657, %add3A_662 : vector<16xi32>
      %select_n3A_664 = arith.select %lt3A_660, %add3A_663, %min3A_657 : vector<16xi1>, vector<16xi32>
      %broadcast_in_dim3A_665 = vector.shape_cast %select_n3A_664 : vector<16xi32> to vector<16x1xi32>
      %gather3A_666 = vector.shape_cast %broadcast_in_dim3A_665 : vector<16x1xi32> to vector<16xi32>
      %gather3A_667 = tpu.dynamic_gather %select_n3A_502[%gather3A_666] in [0] : vector<16xi32>, vector<16xi32> -> vector<16xi32>
      %eq3A_668 = arith.cmpi eq, %gather3A_667, %select_n3A_502 : vector<16xi32>
      %add3A_669 = arith.constant 7 : i32
      %add3A_670 = vector.broadcast %add3A_669 : i32 to vector<16xi32>
      %add3A_671 = arith.addi %iota3A, %add3A_670 : vector<16xi32>
      %lt3A_672 = arith.constant 16 : i32
      %lt3A_673 = vector.broadcast %lt3A_672 : i32 to vector<16xi32>
      %lt3A_674 = arith.cmpi slt, %add3A_671, %lt3A_673 : vector<16xi32>
      %and3A_675 = arith.andi %eq3A_668, %lt3A_674 : vector<16xi1>
      %or3A_676 = arith.ori %or3A_651, %and3A_675 : vector<16xi1>
      %add3A_677 = arith.constant 8 : i32
      %add3A_678 = vector.broadcast %add3A_677 : i32 to vector<16xi32>
      %add3A_679 = arith.addi %iota3A, %add3A_678 : vector<16xi32>
      %min3A_680 = arith.constant 15 : i32
      %min3A_681 = vector.broadcast %min3A_680 : i32 to vector<16xi32>
      %min3A_682 = arith.minsi %add3A_679, %min3A_681 : vector<16xi32>
      %lt3A_683 = arith.constant 0 : i32
      %lt3A_684 = vector.broadcast %lt3A_683 : i32 to vector<16xi32>
      %lt3A_685 = arith.cmpi slt, %min3A_682, %lt3A_684 : vector<16xi32>
      %add3A_686 = arith.constant 16 : i32
      %add3A_687 = vector.broadcast %add3A_686 : i32 to vector<16xi32>
      %add3A_688 = arith.addi %min3A_682, %add3A_687 : vector<16xi32>
      %select_n3A_689 = arith.select %lt3A_685, %add3A_688, %min3A_682 : vector<16xi1>, vector<16xi32>
      %broadcast_in_dim3A_690 = vector.shape_cast %select_n3A_689 : vector<16xi32> to vector<16x1xi32>
      %gather3A_691 = vector.shape_cast %broadcast_in_dim3A_690 : vector<16x1xi32> to vector<16xi32>
      %gather3A_692 = tpu.dynamic_gather %select_n3A_502[%gather3A_691] in [0] : vector<16xi32>, vector<16xi32> -> vector<16xi32>
      %eq3A_693 = arith.cmpi eq, %gather3A_692, %select_n3A_502 : vector<16xi32>
      %add3A_694 = arith.constant 8 : i32
      %add3A_695 = vector.broadcast %add3A_694 : i32 to vector<16xi32>
      %add3A_696 = arith.addi %iota3A, %add3A_695 : vector<16xi32>
      %lt3A_697 = arith.constant 16 : i32
      %lt3A_698 = vector.broadcast %lt3A_697 : i32 to vector<16xi32>
      %lt3A_699 = arith.cmpi slt, %add3A_696, %lt3A_698 : vector<16xi32>
      %and3A_700 = arith.andi %eq3A_693, %lt3A_699 : vector<16xi1>
      %or3A_701 = arith.ori %or3A_676, %and3A_700 : vector<16xi1>
      %add3A_702 = arith.constant 9 : i32
      %add3A_703 = vector.broadcast %add3A_702 : i32 to vector<16xi32>
      %add3A_704 = arith.addi %iota3A, %add3A_703 : vector<16xi32>
      %min3A_705 = arith.constant 15 : i32
      %min3A_706 = vector.broadcast %min3A_705 : i32 to vector<16xi32>
      %min3A_707 = arith.minsi %add3A_704, %min3A_706 : vector<16xi32>
      %lt3A_708 = arith.constant 0 : i32
      %lt3A_709 = vector.broadcast %lt3A_708 : i32 to vector<16xi32>
      %lt3A_710 = arith.cmpi slt, %min3A_707, %lt3A_709 : vector<16xi32>
      %add3A_711 = arith.constant 16 : i32
      %add3A_712 = vector.broadcast %add3A_711 : i32 to vector<16xi32>
      %add3A_713 = arith.addi %min3A_707, %add3A_712 : vector<16xi32>
      %select_n3A_714 = arith.select %lt3A_710, %add3A_713, %min3A_707 : vector<16xi1>, vector<16xi32>
      %broadcast_in_dim3A_715 = vector.shape_cast %select_n3A_714 : vector<16xi32> to vector<16x1xi32>
      %gather3A_716 = vector.shape_cast %broadcast_in_dim3A_715 : vector<16x1xi32> to vector<16xi32>
      %gather3A_717 = tpu.dynamic_gather %select_n3A_502[%gather3A_716] in [0] : vector<16xi32>, vector<16xi32> -> vector<16xi32>
      %eq3A_718 = arith.cmpi eq, %gather3A_717, %select_n3A_502 : vector<16xi32>
      %add3A_719 = arith.constant 9 : i32
      %add3A_720 = vector.broadcast %add3A_719 : i32 to vector<16xi32>
      %add3A_721 = arith.addi %iota3A, %add3A_720 : vector<16xi32>
      %lt3A_722 = arith.constant 16 : i32
      %lt3A_723 = vector.broadcast %lt3A_722 : i32 to vector<16xi32>
      %lt3A_724 = arith.cmpi slt, %add3A_721, %lt3A_723 : vector<16xi32>
      %and3A_725 = arith.andi %eq3A_718, %lt3A_724 : vector<16xi1>
      %or3A_726 = arith.ori %or3A_701, %and3A_725 : vector<16xi1>
      %add3A_727 = arith.constant 10 : i32
      %add3A_728 = vector.broadcast %add3A_727 : i32 to vector<16xi32>
      %add3A_729 = arith.addi %iota3A, %add3A_728 : vector<16xi32>
      %min3A_730 = arith.constant 15 : i32
      %min3A_731 = vector.broadcast %min3A_730 : i32 to vector<16xi32>
      %min3A_732 = arith.minsi %add3A_729, %min3A_731 : vector<16xi32>
      %lt3A_733 = arith.constant 0 : i32
      %lt3A_734 = vector.broadcast %lt3A_733 : i32 to vector<16xi32>
      %lt3A_735 = arith.cmpi slt, %min3A_732, %lt3A_734 : vector<16xi32>
      %add3A_736 = arith.constant 16 : i32
      %add3A_737 = vector.broadcast %add3A_736 : i32 to vector<16xi32>
      %add3A_738 = arith.addi %min3A_732, %add3A_737 : vector<16xi32>
      %select_n3A_739 = arith.select %lt3A_735, %add3A_738, %min3A_732 : vector<16xi1>, vector<16xi32>
      %broadcast_in_dim3A_740 = vector.shape_cast %select_n3A_739 : vector<16xi32> to vector<16x1xi32>
      %gather3A_741 = vector.shape_cast %broadcast_in_dim3A_740 : vector<16x1xi32> to vector<16xi32>
      %gather3A_742 = tpu.dynamic_gather %select_n3A_502[%gather3A_741] in [0] : vector<16xi32>, vector<16xi32> -> vector<16xi32>
      %eq3A_743 = arith.cmpi eq, %gather3A_742, %select_n3A_502 : vector<16xi32>
      %add3A_744 = arith.constant 10 : i32
      %add3A_745 = vector.broadcast %add3A_744 : i32 to vector<16xi32>
      %add3A_746 = arith.addi %iota3A, %add3A_745 : vector<16xi32>
      %lt3A_747 = arith.constant 16 : i32
      %lt3A_748 = vector.broadcast %lt3A_747 : i32 to vector<16xi32>
      %lt3A_749 = arith.cmpi slt, %add3A_746, %lt3A_748 : vector<16xi32>
      %and3A_750 = arith.andi %eq3A_743, %lt3A_749 : vector<16xi1>
      %or3A_751 = arith.ori %or3A_726, %and3A_750 : vector<16xi1>
      %add3A_752 = arith.constant 11 : i32
      %add3A_753 = vector.broadcast %add3A_752 : i32 to vector<16xi32>
      %add3A_754 = arith.addi %iota3A, %add3A_753 : vector<16xi32>
      %min3A_755 = arith.constant 15 : i32
      %min3A_756 = vector.broadcast %min3A_755 : i32 to vector<16xi32>
      %min3A_757 = arith.minsi %add3A_754, %min3A_756 : vector<16xi32>
      %lt3A_758 = arith.constant 0 : i32
      %lt3A_759 = vector.broadcast %lt3A_758 : i32 to vector<16xi32>
      %lt3A_760 = arith.cmpi slt, %min3A_757, %lt3A_759 : vector<16xi32>
      %add3A_761 = arith.constant 16 : i32
      %add3A_762 = vector.broadcast %add3A_761 : i32 to vector<16xi32>
      %add3A_763 = arith.addi %min3A_757, %add3A_762 : vector<16xi32>
      %select_n3A_764 = arith.select %lt3A_760, %add3A_763, %min3A_757 : vector<16xi1>, vector<16xi32>
      %broadcast_in_dim3A_765 = vector.shape_cast %select_n3A_764 : vector<16xi32> to vector<16x1xi32>
      %gather3A_766 = vector.shape_cast %broadcast_in_dim3A_765 : vector<16x1xi32> to vector<16xi32>
      %gather3A_767 = tpu.dynamic_gather %select_n3A_502[%gather3A_766] in [0] : vector<16xi32>, vector<16xi32> -> vector<16xi32>
      %eq3A_768 = arith.cmpi eq, %gather3A_767, %select_n3A_502 : vector<16xi32>
      %add3A_769 = arith.constant 11 : i32
      %add3A_770 = vector.broadcast %add3A_769 : i32 to vector<16xi32>
      %add3A_771 = arith.addi %iota3A, %add3A_770 : vector<16xi32>
      %lt3A_772 = arith.constant 16 : i32
      %lt3A_773 = vector.broadcast %lt3A_772 : i32 to vector<16xi32>
      %lt3A_774 = arith.cmpi slt, %add3A_771, %lt3A_773 : vector<16xi32>
      %and3A_775 = arith.andi %eq3A_768, %lt3A_774 : vector<16xi1>
      %or3A_776 = arith.ori %or3A_751, %and3A_775 : vector<16xi1>
      %add3A_777 = arith.constant 12 : i32
      %add3A_778 = vector.broadcast %add3A_777 : i32 to vector<16xi32>
      %add3A_779 = arith.addi %iota3A, %add3A_778 : vector<16xi32>
      %min3A_780 = arith.constant 15 : i32
      %min3A_781 = vector.broadcast %min3A_780 : i32 to vector<16xi32>
      %min3A_782 = arith.minsi %add3A_779, %min3A_781 : vector<16xi32>
      %lt3A_783 = arith.constant 0 : i32
      %lt3A_784 = vector.broadcast %lt3A_783 : i32 to vector<16xi32>
      %lt3A_785 = arith.cmpi slt, %min3A_782, %lt3A_784 : vector<16xi32>
      %add3A_786 = arith.constant 16 : i32
      %add3A_787 = vector.broadcast %add3A_786 : i32 to vector<16xi32>
      %add3A_788 = arith.addi %min3A_782, %add3A_787 : vector<16xi32>
      %select_n3A_789 = arith.select %lt3A_785, %add3A_788, %min3A_782 : vector<16xi1>, vector<16xi32>
      %broadcast_in_dim3A_790 = vector.shape_cast %select_n3A_789 : vector<16xi32> to vector<16x1xi32>
      %gather3A_791 = vector.shape_cast %broadcast_in_dim3A_790 : vector<16x1xi32> to vector<16xi32>
      %gather3A_792 = tpu.dynamic_gather %select_n3A_502[%gather3A_791] in [0] : vector<16xi32>, vector<16xi32> -> vector<16xi32>
      %eq3A_793 = arith.cmpi eq, %gather3A_792, %select_n3A_502 : vector<16xi32>
      %add3A_794 = arith.constant 12 : i32
      %add3A_795 = vector.broadcast %add3A_794 : i32 to vector<16xi32>
      %add3A_796 = arith.addi %iota3A, %add3A_795 : vector<16xi32>
      %lt3A_797 = arith.constant 16 : i32
      %lt3A_798 = vector.broadcast %lt3A_797 : i32 to vector<16xi32>
      %lt3A_799 = arith.cmpi slt, %add3A_796, %lt3A_798 : vector<16xi32>
      %and3A_800 = arith.andi %eq3A_793, %lt3A_799 : vector<16xi1>
      %or3A_801 = arith.ori %or3A_776, %and3A_800 : vector<16xi1>
      %add3A_802 = arith.constant 13 : i32
      %add3A_803 = vector.broadcast %add3A_802 : i32 to vector<16xi32>
      %add3A_804 = arith.addi %iota3A, %add3A_803 : vector<16xi32>
      %min3A_805 = arith.constant 15 : i32
      %min3A_806 = vector.broadcast %min3A_805 : i32 to vector<16xi32>
      %min3A_807 = arith.minsi %add3A_804, %min3A_806 : vector<16xi32>
      %lt3A_808 = arith.constant 0 : i32
      %lt3A_809 = vector.broadcast %lt3A_808 : i32 to vector<16xi32>
      %lt3A_810 = arith.cmpi slt, %min3A_807, %lt3A_809 : vector<16xi32>
      %add3A_811 = arith.constant 16 : i32
      %add3A_812 = vector.broadcast %add3A_811 : i32 to vector<16xi32>
      %add3A_813 = arith.addi %min3A_807, %add3A_812 : vector<16xi32>
      %select_n3A_814 = arith.select %lt3A_810, %add3A_813, %min3A_807 : vector<16xi1>, vector<16xi32>
      %broadcast_in_dim3A_815 = vector.shape_cast %select_n3A_814 : vector<16xi32> to vector<16x1xi32>
      %gather3A_816 = vector.shape_cast %broadcast_in_dim3A_815 : vector<16x1xi32> to vector<16xi32>
      %gather3A_817 = tpu.dynamic_gather %select_n3A_502[%gather3A_816] in [0] : vector<16xi32>, vector<16xi32> -> vector<16xi32>
      %eq3A_818 = arith.cmpi eq, %gather3A_817, %select_n3A_502 : vector<16xi32>
      %add3A_819 = arith.constant 13 : i32
      %add3A_820 = vector.broadcast %add3A_819 : i32 to vector<16xi32>
      %add3A_821 = arith.addi %iota3A, %add3A_820 : vector<16xi32>
      %lt3A_822 = arith.constant 16 : i32
      %lt3A_823 = vector.broadcast %lt3A_822 : i32 to vector<16xi32>
      %lt3A_824 = arith.cmpi slt, %add3A_821, %lt3A_823 : vector<16xi32>
      %and3A_825 = arith.andi %eq3A_818, %lt3A_824 : vector<16xi1>
      %or3A_826 = arith.ori %or3A_801, %and3A_825 : vector<16xi1>
      %add3A_827 = arith.constant 14 : i32
      %add3A_828 = vector.broadcast %add3A_827 : i32 to vector<16xi32>
      %add3A_829 = arith.addi %iota3A, %add3A_828 : vector<16xi32>
      %min3A_830 = arith.constant 15 : i32
      %min3A_831 = vector.broadcast %min3A_830 : i32 to vector<16xi32>
      %min3A_832 = arith.minsi %add3A_829, %min3A_831 : vector<16xi32>
      %lt3A_833 = arith.constant 0 : i32
      %lt3A_834 = vector.broadcast %lt3A_833 : i32 to vector<16xi32>
      %lt3A_835 = arith.cmpi slt, %min3A_832, %lt3A_834 : vector<16xi32>
      %add3A_836 = arith.constant 16 : i32
      %add3A_837 = vector.broadcast %add3A_836 : i32 to vector<16xi32>
      %add3A_838 = arith.addi %min3A_832, %add3A_837 : vector<16xi32>
      %select_n3A_839 = arith.select %lt3A_835, %add3A_838, %min3A_832 : vector<16xi1>, vector<16xi32>
      %broadcast_in_dim3A_840 = vector.shape_cast %select_n3A_839 : vector<16xi32> to vector<16x1xi32>
      %gather3A_841 = vector.shape_cast %broadcast_in_dim3A_840 : vector<16x1xi32> to vector<16xi32>
      %gather3A_842 = tpu.dynamic_gather %select_n3A_502[%gather3A_841] in [0] : vector<16xi32>, vector<16xi32> -> vector<16xi32>
      %eq3A_843 = arith.cmpi eq, %gather3A_842, %select_n3A_502 : vector<16xi32>
      %add3A_844 = arith.constant 14 : i32
      %add3A_845 = vector.broadcast %add3A_844 : i32 to vector<16xi32>
      %add3A_846 = arith.addi %iota3A, %add3A_845 : vector<16xi32>
      %lt3A_847 = arith.constant 16 : i32
      %lt3A_848 = vector.broadcast %lt3A_847 : i32 to vector<16xi32>
      %lt3A_849 = arith.cmpi slt, %add3A_846, %lt3A_848 : vector<16xi32>
      %and3A_850 = arith.andi %eq3A_843, %lt3A_849 : vector<16xi1>
      %or3A_851 = arith.ori %or3A_826, %and3A_850 : vector<16xi1>
      %add3A_852 = arith.constant 15 : i32
      %add3A_853 = vector.broadcast %add3A_852 : i32 to vector<16xi32>
      %add3A_854 = arith.addi %iota3A, %add3A_853 : vector<16xi32>
      %min3A_855 = arith.constant 15 : i32
      %min3A_856 = vector.broadcast %min3A_855 : i32 to vector<16xi32>
      %min3A_857 = arith.minsi %add3A_854, %min3A_856 : vector<16xi32>
      %lt3A_858 = arith.constant 0 : i32
      %lt3A_859 = vector.broadcast %lt3A_858 : i32 to vector<16xi32>
      %lt3A_860 = arith.cmpi slt, %min3A_857, %lt3A_859 : vector<16xi32>
      %add3A_861 = arith.constant 16 : i32
      %add3A_862 = vector.broadcast %add3A_861 : i32 to vector<16xi32>
      %add3A_863 = arith.addi %min3A_857, %add3A_862 : vector<16xi32>
      %select_n3A_864 = arith.select %lt3A_860, %add3A_863, %min3A_857 : vector<16xi1>, vector<16xi32>
      %broadcast_in_dim3A_865 = vector.shape_cast %select_n3A_864 : vector<16xi32> to vector<16x1xi32>
      %gather3A_866 = vector.shape_cast %broadcast_in_dim3A_865 : vector<16x1xi32> to vector<16xi32>
      %gather3A_867 = tpu.dynamic_gather %select_n3A_502[%gather3A_866] in [0] : vector<16xi32>, vector<16xi32> -> vector<16xi32>
      %eq3A_868 = arith.cmpi eq, %gather3A_867, %select_n3A_502 : vector<16xi32>
      %add3A_869 = arith.constant 15 : i32
      %add3A_870 = vector.broadcast %add3A_869 : i32 to vector<16xi32>
      %add3A_871 = arith.addi %iota3A, %add3A_870 : vector<16xi32>
      %lt3A_872 = arith.constant 16 : i32
      %lt3A_873 = vector.broadcast %lt3A_872 : i32 to vector<16xi32>
      %lt3A_874 = arith.cmpi slt, %add3A_871, %lt3A_873 : vector<16xi32>
      %and3A_875 = arith.andi %eq3A_868, %lt3A_874 : vector<16xi1>
      %or3A_876 = arith.ori %or3A_851, %and3A_875 : vector<16xi1>
      %not3A = arith.constant dense<true> : vector<16xi1>
      %not3A_877 = arith.xori %or3A_876, %not3A : vector<16xi1>
      %and3A_878 = arith.andi %lt3A_484, %not3A_877 : vector<16xi1>
      %gather3A_879 = tpu.vector_load_idx %arg12[%shift_right_logical3A_487, %and3A_492] masked %and3A_878 : memref<48x256xf32, #tpu.memory_space<vmem>>[vector<16xi32>, vector<16xi32>], vector<16xf32>, vector<16xi1>
      %gather3A_880 = tpu.vector_load_idx %arg16[%and3A_495] masked %and3A_878 : memref<2048xf32, #tpu.memory_space<vmem>>[vector<16xi32>], vector<16xf32>, vector<16xi1>
      %add3A_881 = arith.addf %gather3A_880, %gather3A_879 : vector<16xf32>
      tpu.vector_store_idx %arg11[%shift_right_logical3A_487, %and3A_492], %add3A_881 masked %and3A_878 : memref<48x256xf32, #tpu.memory_space<vmem>>[vector<16xi32>, vector<16xi32>], vector<16xf32>, vector<16xi1>
      %while3A_882 = arith.constant 0 : i32
      scf.yield %while3A_882 : i32
    }
    %while3A_384 = arith.constant 1 : i32
    %while3A_385 = scf.for %while3A_476 = %while3A_381 to %while3A_377 step %while3A_384 iter_args(%while3A_477 = %while3A_383) -> (i32)  : i32 {
      %mul3A_478 = arith.constant 16 : i32
      %mul3A_479 = arith.muli %while3A_476, %mul3A_478 : i32
      %mul3A_480 = arith.constant 16 : i32
      %mul3A_481 = arith.muli %while3A_476, %mul3A_480 : i32
      %add3A_482 = vector.broadcast %mul3A_481 : i32 to vector<16xi32>
      %add3A_483 = arith.addi %add3A_482, %iota3A : vector<16xi32>
      %lt3A = vector.broadcast %scan3A_94 : i32 to vector<16xi32>
      %lt3A_484 = arith.cmpi slt, %add3A_483, %lt3A : vector<16xi32>
      %get3A = arith.index_cast %mul3A_479 : i32 to index
      %get3A_485 = tpu.vector_load %arg17[%get3A] {strides = array<i32>} : memref<2064xi32, #tpu.memory_space<vmem>>, vector<16xi32>,
      %jit3A = arith.constant 0 : i32
      %broadcast_in_dim3A = vector.broadcast %jit3A : i32 to vector<16xi32>
      %select_n3A = arith.select %lt3A_484, %get3A_485, %broadcast_in_dim3A : vector<16xi1>, vector<16xi32>
      %shift_right_logical3A = arith.constant 19 : i32
      %shift_right_logical3A_486 = vector.broadcast %shift_right_logical3A : i32 to vector<16xi32>
      %shift_right_logical3A_487 = arith.shrui %select_n3A, %shift_right_logical3A_486 : vector<16xi32>
      %shift_right_logical3A_488 = arith.constant 11 : i32
      %shift_right_logical3A_489 = vector.broadcast %shift_right_logical3A_488 : i32 to vector<16xi32>
      %shift_right_logical3A_490 = arith.shrui %select_n3A, %shift_right_logical3A_489 : vector<16xi32>
      %and3A = arith.constant 255 : i32
      %and3A_491 = vector.broadcast %and3A : i32 to vector<16xi32>
      %and3A_492 = arith.andi %shift_right_logical3A_490, %and3A_491 : vector<16xi32>
      %and3A_493 = arith.constant 2047 : i32
      %and3A_494 = vector.broadcast %and3A_493 : i32 to vector<16xi32>
      %and3A_495 = arith.andi %select_n3A, %and3A_494 : vector<16xi32>
      %mul3A_496 = arith.constant 256 : i32
      %mul3A_497 = vector.broadcast %mul3A_496 : i32 to vector<16xi32>
      %mul3A_498 = arith.muli %shift_right_logical3A_487, %mul3A_497 : vector<16xi32>
      %add3A_499 = arith.addi %mul3A_498, %and3A_492 : vector<16xi32>
      %jit3A_500 = arith.constant -1 : i32
      %broadcast_in_dim3A_501 = vector.broadcast %jit3A_500 : i32 to vector<16xi32>
      %select_n3A_502 = arith.select %lt3A_484, %add3A_499, %broadcast_in_dim3A_501 : vector<16xi1>, vector<16xi32>
      %lt3A_503 = arith.constant 0 : i32
      %lt3A_504 = vector.broadcast %lt3A_503 : i32 to vector<16xi32>
      %lt3A_505 = arith.cmpi slt, %iota3A, %lt3A_504 : vector<16xi32>
      %add3A_506 = arith.constant 1 : i32
      %add3A_507 = vector.broadcast %add3A_506 : i32 to vector<16xi32>
      %add3A_508 = arith.addi %iota3A, %add3A_507 : vector<16xi32>
      %min3A = arith.constant 15 : i32
      %min3A_509 = vector.broadcast %min3A : i32 to vector<16xi32>
      %min3A_510 = arith.minsi %add3A_508, %min3A_509 : vector<16xi32>
      %lt3A_511 = arith.constant 0 : i32
      %lt3A_512 = vector.broadcast %lt3A_511 : i32 to vector<16xi32>
      %lt3A_513 = arith.cmpi slt, %min3A_510, %lt3A_512 : vector<16xi32>
      %add3A_514 = arith.constant 16 : i32
      %add3A_515 = vector.broadcast %add3A_514 : i32 to vector<16xi32>
      %add3A_516 = arith.addi %min3A_510, %add3A_515 : vector<16xi32>
      %select_n3A_517 = arith.select %lt3A_513, %add3A_516, %min3A_510 : vector<16xi1>, vector<16xi32>
      %broadcast_in_dim3A_518 = vector.shape_cast %select_n3A_517 : vector<16xi32> to vector<16x1xi32>
      %gather3A = vector.shape_cast %broadcast_in_dim3A_518 : vector<16x1xi32> to vector<16xi32>
      %gather3A_519 = tpu.dynamic_gather %select_n3A_502[%gather3A] in [0] : vector<16xi32>, vector<16xi32> -> vector<16xi32>
      %eq3A = arith.cmpi eq, %gather3A_519, %select_n3A_502 : vector<16xi32>
      %add3A_520 = arith.constant 1 : i32
      %add3A_521 = vector.broadcast %add3A_520 : i32 to vector<16xi32>
      %add3A_522 = arith.addi %iota3A, %add3A_521 : vector<16xi32>
      %lt3A_523 = arith.constant 16 : i32
      %lt3A_524 = vector.broadcast %lt3A_523 : i32 to vector<16xi32>
      %lt3A_525 = arith.cmpi slt, %add3A_522, %lt3A_524 : vector<16xi32>
      %and3A_526 = arith.andi %eq3A, %lt3A_525 : vector<16xi1>
      %or3A = arith.ori %lt3A_505, %and3A_526 : vector<16xi1>
      %add3A_527 = arith.constant 2 : i32
      %add3A_528 = vector.broadcast %add3A_527 : i32 to vector<16xi32>
      %add3A_529 = arith.addi %iota3A, %add3A_528 : vector<16xi32>
      %min3A_530 = arith.constant 15 : i32
      %min3A_531 = vector.broadcast %min3A_530 : i32 to vector<16xi32>
      %min3A_532 = arith.minsi %add3A_529, %min3A_531 : vector<16xi32>
      %lt3A_533 = arith.constant 0 : i32
      %lt3A_534 = vector.broadcast %lt3A_533 : i32 to vector<16xi32>
      %lt3A_535 = arith.cmpi slt, %min3A_532, %lt3A_534 : vector<16xi32>
      %add3A_536 = arith.constant 16 : i32
      %add3A_537 = vector.broadcast %add3A_536 : i32 to vector<16xi32>
      %add3A_538 = arith.addi %min3A_532, %add3A_537 : vector<16xi32>
      %select_n3A_539 = arith.select %lt3A_535, %add3A_538, %min3A_532 : vector<16xi1>, vector<16xi32>
      %broadcast_in_dim3A_540 = vector.shape_cast %select_n3A_539 : vector<16xi32> to vector<16x1xi32>
      %gather3A_541 = vector.shape_cast %broadcast_in_dim3A_540 : vector<16x1xi32> to vector<16xi32>
      %gather3A_542 = tpu.dynamic_gather %select_n3A_502[%gather3A_541] in [0] : vector<16xi32>, vector<16xi32> -> vector<16xi32>
      %eq3A_543 = arith.cmpi eq, %gather3A_542, %select_n3A_502 : vector<16xi32>
      %add3A_544 = arith.constant 2 : i32
      %add3A_545 = vector.broadcast %add3A_544 : i32 to vector<16xi32>
      %add3A_546 = arith.addi %iota3A, %add3A_545 : vector<16xi32>
      %lt3A_547 = arith.constant 16 : i32
      %lt3A_548 = vector.broadcast %lt3A_547 : i32 to vector<16xi32>
      %lt3A_549 = arith.cmpi slt, %add3A_546, %lt3A_548 : vector<16xi32>
      %and3A_550 = arith.andi %eq3A_543, %lt3A_549 : vector<16xi1>
      %or3A_551 = arith.ori %or3A, %and3A_550 : vector<16xi1>
      %add3A_552 = arith.constant 3 : i32
      %add3A_553 = vector.broadcast %add3A_552 : i32 to vector<16xi32>
      %add3A_554 = arith.addi %iota3A, %add3A_553 : vector<16xi32>
      %min3A_555 = arith.constant 15 : i32
      %min3A_556 = vector.broadcast %min3A_555 : i32 to vector<16xi32>
      %min3A_557 = arith.minsi %add3A_554, %min3A_556 : vector<16xi32>
      %lt3A_558 = arith.constant 0 : i32
      %lt3A_559 = vector.broadcast %lt3A_558 : i32 to vector<16xi32>
      %lt3A_560 = arith.cmpi slt, %min3A_557, %lt3A_559 : vector<16xi32>
      %add3A_561 = arith.constant 16 : i32
      %add3A_562 = vector.broadcast %add3A_561 : i32 to vector<16xi32>
      %add3A_563 = arith.addi %min3A_557, %add3A_562 : vector<16xi32>
      %select_n3A_564 = arith.select %lt3A_560, %add3A_563, %min3A_557 : vector<16xi1>, vector<16xi32>
      %broadcast_in_dim3A_565 = vector.shape_cast %select_n3A_564 : vector<16xi32> to vector<16x1xi32>
      %gather3A_566 = vector.shape_cast %broadcast_in_dim3A_565 : vector<16x1xi32> to vector<16xi32>
      %gather3A_567 = tpu.dynamic_gather %select_n3A_502[%gather3A_566] in [0] : vector<16xi32>, vector<16xi32> -> vector<16xi32>
      %eq3A_568 = arith.cmpi eq, %gather3A_567, %select_n3A_502 : vector<16xi32>
      %add3A_569 = arith.constant 3 : i32
      %add3A_570 = vector.broadcast %add3A_569 : i32 to vector<16xi32>
      %add3A_571 = arith.addi %iota3A, %add3A_570 : vector<16xi32>
      %lt3A_572 = arith.constant 16 : i32
      %lt3A_573 = vector.broadcast %lt3A_572 : i32 to vector<16xi32>
      %lt3A_574 = arith.cmpi slt, %add3A_571, %lt3A_573 : vector<16xi32>
      %and3A_575 = arith.andi %eq3A_568, %lt3A_574 : vector<16xi1>
      %or3A_576 = arith.ori %or3A_551, %and3A_575 : vector<16xi1>
      %add3A_577 = arith.constant 4 : i32
      %add3A_578 = vector.broadcast %add3A_577 : i32 to vector<16xi32>
      %add3A_579 = arith.addi %iota3A, %add3A_578 : vector<16xi32>
      %min3A_580 = arith.constant 15 : i32
      %min3A_581 = vector.broadcast %min3A_580 : i32 to vector<16xi32>
      %min3A_582 = arith.minsi %add3A_579, %min3A_581 : vector<16xi32>
      %lt3A_583 = arith.constant 0 : i32
      %lt3A_584 = vector.broadcast %lt3A_583 : i32 to vector<16xi32>
      %lt3A_585 = arith.cmpi slt, %min3A_582, %lt3A_584 : vector<16xi32>
      %add3A_586 = arith.constant 16 : i32
      %add3A_587 = vector.broadcast %add3A_586 : i32 to vector<16xi32>
      %add3A_588 = arith.addi %min3A_582, %add3A_587 : vector<16xi32>
      %select_n3A_589 = arith.select %lt3A_585, %add3A_588, %min3A_582 : vector<16xi1>, vector<16xi32>
      %broadcast_in_dim3A_590 = vector.shape_cast %select_n3A_589 : vector<16xi32> to vector<16x1xi32>
      %gather3A_591 = vector.shape_cast %broadcast_in_dim3A_590 : vector<16x1xi32> to vector<16xi32>
      %gather3A_592 = tpu.dynamic_gather %select_n3A_502[%gather3A_591] in [0] : vector<16xi32>, vector<16xi32> -> vector<16xi32>
      %eq3A_593 = arith.cmpi eq, %gather3A_592, %select_n3A_502 : vector<16xi32>
      %add3A_594 = arith.constant 4 : i32
      %add3A_595 = vector.broadcast %add3A_594 : i32 to vector<16xi32>
      %add3A_596 = arith.addi %iota3A, %add3A_595 : vector<16xi32>
      %lt3A_597 = arith.constant 16 : i32
      %lt3A_598 = vector.broadcast %lt3A_597 : i32 to vector<16xi32>
      %lt3A_599 = arith.cmpi slt, %add3A_596, %lt3A_598 : vector<16xi32>
      %and3A_600 = arith.andi %eq3A_593, %lt3A_599 : vector<16xi1>
      %or3A_601 = arith.ori %or3A_576, %and3A_600 : vector<16xi1>
      %add3A_602 = arith.constant 5 : i32
      %add3A_603 = vector.broadcast %add3A_602 : i32 to vector<16xi32>
      %add3A_604 = arith.addi %iota3A, %add3A_603 : vector<16xi32>
      %min3A_605 = arith.constant 15 : i32
      %min3A_606 = vector.broadcast %min3A_605 : i32 to vector<16xi32>
      %min3A_607 = arith.minsi %add3A_604, %min3A_606 : vector<16xi32>
      %lt3A_608 = arith.constant 0 : i32
      %lt3A_609 = vector.broadcast %lt3A_608 : i32 to vector<16xi32>
      %lt3A_610 = arith.cmpi slt, %min3A_607, %lt3A_609 : vector<16xi32>
      %add3A_611 = arith.constant 16 : i32
      %add3A_612 = vector.broadcast %add3A_611 : i32 to vector<16xi32>
      %add3A_613 = arith.addi %min3A_607, %add3A_612 : vector<16xi32>
      %select_n3A_614 = arith.select %lt3A_610, %add3A_613, %min3A_607 : vector<16xi1>, vector<16xi32>
      %broadcast_in_dim3A_615 = vector.shape_cast %select_n3A_614 : vector<16xi32> to vector<16x1xi32>
      %gather3A_616 = vector.shape_cast %broadcast_in_dim3A_615 : vector<16x1xi32> to vector<16xi32>
      %gather3A_617 = tpu.dynamic_gather %select_n3A_502[%gather3A_616] in [0] : vector<16xi32>, vector<16xi32> -> vector<16xi32>
      %eq3A_618 = arith.cmpi eq, %gather3A_617, %select_n3A_502 : vector<16xi32>
      %add3A_619 = arith.constant 5 : i32
      %add3A_620 = vector.broadcast %add3A_619 : i32 to vector<16xi32>
      %add3A_621 = arith.addi %iota3A, %add3A_620 : vector<16xi32>
      %lt3A_622 = arith.constant 16 : i32
      %lt3A_623 = vector.broadcast %lt3A_622 : i32 to vector<16xi32>
      %lt3A_624 = arith.cmpi slt, %add3A_621, %lt3A_623 : vector<16xi32>
      %and3A_625 = arith.andi %eq3A_618, %lt3A_624 : vector<16xi1>
      %or3A_626 = arith.ori %or3A_601, %and3A_625 : vector<16xi1>
      %add3A_627 = arith.constant 6 : i32
      %add3A_628 = vector.broadcast %add3A_627 : i32 to vector<16xi32>
      %add3A_629 = arith.addi %iota3A, %add3A_628 : vector<16xi32>
      %min3A_630 = arith.constant 15 : i32
      %min3A_631 = vector.broadcast %min3A_630 : i32 to vector<16xi32>
      %min3A_632 = arith.minsi %add3A_629, %min3A_631 : vector<16xi32>
      %lt3A_633 = arith.constant 0 : i32
      %lt3A_634 = vector.broadcast %lt3A_633 : i32 to vector<16xi32>
      %lt3A_635 = arith.cmpi slt, %min3A_632, %lt3A_634 : vector<16xi32>
      %add3A_636 = arith.constant 16 : i32
      %add3A_637 = vector.broadcast %add3A_636 : i32 to vector<16xi32>
      %add3A_638 = arith.addi %min3A_632, %add3A_637 : vector<16xi32>
      %select_n3A_639 = arith.select %lt3A_635, %add3A_638, %min3A_632 : vector<16xi1>, vector<16xi32>
      %broadcast_in_dim3A_640 = vector.shape_cast %select_n3A_639 : vector<16xi32> to vector<16x1xi32>
      %gather3A_641 = vector.shape_cast %broadcast_in_dim3A_640 : vector<16x1xi32> to vector<16xi32>
      %gather3A_642 = tpu.dynamic_gather %select_n3A_502[%gather3A_641] in [0] : vector<16xi32>, vector<16xi32> -> vector<16xi32>
      %eq3A_643 = arith.cmpi eq, %gather3A_642, %select_n3A_502 : vector<16xi32>
      %add3A_644 = arith.constant 6 : i32
      %add3A_645 = vector.broadcast %add3A_644 : i32 to vector<16xi32>
      %add3A_646 = arith.addi %iota3A, %add3A_645 : vector<16xi32>
      %lt3A_647 = arith.constant 16 : i32
      %lt3A_648 = vector.broadcast %lt3A_647 : i32 to vector<16xi32>
      %lt3A_649 = arith.cmpi slt, %add3A_646, %lt3A_648 : vector<16xi32>
      %and3A_650 = arith.andi %eq3A_643, %lt3A_649 : vector<16xi1>
      %or3A_651 = arith.ori %or3A_626, %and3A_650 : vector<16xi1>
      %add3A_652 = arith.constant 7 : i32
      %add3A_653 = vector.broadcast %add3A_652 : i32 to vector<16xi32>
      %add3A_654 = arith.addi %iota3A, %add3A_653 : vector<16xi32>
      %min3A_655 = arith.constant 15 : i32
      %min3A_656 = vector.broadcast %min3A_655 : i32 to vector<16xi32>
      %min3A_657 = arith.minsi %add3A_654, %min3A_656 : vector<16xi32>
      %lt3A_658 = arith.constant 0 : i32
      %lt3A_659 = vector.broadcast %lt3A_658 : i32 to vector<16xi32>
      %lt3A_660 = arith.cmpi slt, %min3A_657, %lt3A_659 : vector<16xi32>
      %add3A_661 = arith.constant 16 : i32
      %add3A_662 = vector.broadcast %add3A_661 : i32 to vector<16xi32>
      %add3A_663 = arith.addi %min3A_657, %add3A_662 : vector<16xi32>
      %select_n3A_664 = arith.select %lt3A_660, %add3A_663, %min3A_657 : vector<16xi1>, vector<16xi32>
      %broadcast_in_dim3A_665 = vector.shape_cast %select_n3A_664 : vector<16xi32> to vector<16x1xi32>
      %gather3A_666 = vector.shape_cast %broadcast_in_dim3A_665 : vector<16x1xi32> to vector<16xi32>
      %gather3A_667 = tpu.dynamic_gather %select_n3A_502[%gather3A_666] in [0] : vector<16xi32>, vector<16xi32> -> vector<16xi32>
      %eq3A_668 = arith.cmpi eq, %gather3A_667, %select_n3A_502 : vector<16xi32>
      %add3A_669 = arith.constant 7 : i32
      %add3A_670 = vector.broadcast %add3A_669 : i32 to vector<16xi32>
      %add3A_671 = arith.addi %iota3A, %add3A_670 : vector<16xi32>
      %lt3A_672 = arith.constant 16 : i32
      %lt3A_673 = vector.broadcast %lt3A_672 : i32 to vector<16xi32>
      %lt3A_674 = arith.cmpi slt, %add3A_671, %lt3A_673 : vector<16xi32>
      %and3A_675 = arith.andi %eq3A_668, %lt3A_674 : vector<16xi1>
      %or3A_676 = arith.ori %or3A_651, %and3A_675 : vector<16xi1>
      %add3A_677 = arith.constant 8 : i32
      %add3A_678 = vector.broadcast %add3A_677 : i32 to vector<16xi32>
      %add3A_679 = arith.addi %iota3A, %add3A_678 : vector<16xi32>
      %min3A_680 = arith.constant 15 : i32
      %min3A_681 = vector.broadcast %min3A_680 : i32 to vector<16xi32>
      %min3A_682 = arith.minsi %add3A_679, %min3A_681 : vector<16xi32>
      %lt3A_683 = arith.constant 0 : i32
      %lt3A_684 = vector.broadcast %lt3A_683 : i32 to vector<16xi32>
      %lt3A_685 = arith.cmpi slt, %min3A_682, %lt3A_684 : vector<16xi32>
      %add3A_686 = arith.constant 16 : i32
      %add3A_687 = vector.broadcast %add3A_686 : i32 to vector<16xi32>
      %add3A_688 = arith.addi %min3A_682, %add3A_687 : vector<16xi32>
      %select_n3A_689 = arith.select %lt3A_685, %add3A_688, %min3A_682 : vector<16xi1>, vector<16xi32>
      %broadcast_in_dim3A_690 = vector.shape_cast %select_n3A_689 : vector<16xi32> to vector<16x1xi32>
      %gather3A_691 = vector.shape_cast %broadcast_in_dim3A_690 : vector<16x1xi32> to vector<16xi32>
      %gather3A_692 = tpu.dynamic_gather %select_n3A_502[%gather3A_691] in [0] : vector<16xi32>, vector<16xi32> -> vector<16xi32>
      %eq3A_693 = arith.cmpi eq, %gather3A_692, %select_n3A_502 : vector<16xi32>
      %add3A_694 = arith.constant 8 : i32
      %add3A_695 = vector.broadcast %add3A_694 : i32 to vector<16xi32>
      %add3A_696 = arith.addi %iota3A, %add3A_695 : vector<16xi32>
      %lt3A_697 = arith.constant 16 : i32
      %lt3A_698 = vector.broadcast %lt3A_697 : i32 to vector<16xi32>
      %lt3A_699 = arith.cmpi slt, %add3A_696, %lt3A_698 : vector<16xi32>
      %and3A_700 = arith.andi %eq3A_693, %lt3A_699 : vector<16xi1>
      %or3A_701 = arith.ori %or3A_676, %and3A_700 : vector<16xi1>
      %add3A_702 = arith.constant 9 : i32
      %add3A_703 = vector.broadcast %add3A_702 : i32 to vector<16xi32>
      %add3A_704 = arith.addi %iota3A, %add3A_703 : vector<16xi32>
      %min3A_705 = arith.constant 15 : i32
      %min3A_706 = vector.broadcast %min3A_705 : i32 to vector<16xi32>
      %min3A_707 = arith.minsi %add3A_704, %min3A_706 : vector<16xi32>
      %lt3A_708 = arith.constant 0 : i32
      %lt3A_709 = vector.broadcast %lt3A_708 : i32 to vector<16xi32>
      %lt3A_710 = arith.cmpi slt, %min3A_707, %lt3A_709 : vector<16xi32>
      %add3A_711 = arith.constant 16 : i32
      %add3A_712 = vector.broadcast %add3A_711 : i32 to vector<16xi32>
      %add3A_713 = arith.addi %min3A_707, %add3A_712 : vector<16xi32>
      %select_n3A_714 = arith.select %lt3A_710, %add3A_713, %min3A_707 : vector<16xi1>, vector<16xi32>
      %broadcast_in_dim3A_715 = vector.shape_cast %select_n3A_714 : vector<16xi32> to vector<16x1xi32>
      %gather3A_716 = vector.shape_cast %broadcast_in_dim3A_715 : vector<16x1xi32> to vector<16xi32>
      %gather3A_717 = tpu.dynamic_gather %select_n3A_502[%gather3A_716] in [0] : vector<16xi32>, vector<16xi32> -> vector<16xi32>
      %eq3A_718 = arith.cmpi eq, %gather3A_717, %select_n3A_502 : vector<16xi32>
      %add3A_719 = arith.constant 9 : i32
      %add3A_720 = vector.broadcast %add3A_719 : i32 to vector<16xi32>
      %add3A_721 = arith.addi %iota3A, %add3A_720 : vector<16xi32>
      %lt3A_722 = arith.constant 16 : i32
      %lt3A_723 = vector.broadcast %lt3A_722 : i32 to vector<16xi32>
      %lt3A_724 = arith.cmpi slt, %add3A_721, %lt3A_723 : vector<16xi32>
      %and3A_725 = arith.andi %eq3A_718, %lt3A_724 : vector<16xi1>
      %or3A_726 = arith.ori %or3A_701, %and3A_725 : vector<16xi1>
      %add3A_727 = arith.constant 10 : i32
      %add3A_728 = vector.broadcast %add3A_727 : i32 to vector<16xi32>
      %add3A_729 = arith.addi %iota3A, %add3A_728 : vector<16xi32>
      %min3A_730 = arith.constant 15 : i32
      %min3A_731 = vector.broadcast %min3A_730 : i32 to vector<16xi32>
      %min3A_732 = arith.minsi %add3A_729, %min3A_731 : vector<16xi32>
      %lt3A_733 = arith.constant 0 : i32
      %lt3A_734 = vector.broadcast %lt3A_733 : i32 to vector<16xi32>
      %lt3A_735 = arith.cmpi slt, %min3A_732, %lt3A_734 : vector<16xi32>
      %add3A_736 = arith.constant 16 : i32
      %add3A_737 = vector.broadcast %add3A_736 : i32 to vector<16xi32>
      %add3A_738 = arith.addi %min3A_732, %add3A_737 : vector<16xi32>
      %select_n3A_739 = arith.select %lt3A_735, %add3A_738, %min3A_732 : vector<16xi1>, vector<16xi32>
      %broadcast_in_dim3A_740 = vector.shape_cast %select_n3A_739 : vector<16xi32> to vector<16x1xi32>
      %gather3A_741 = vector.shape_cast %broadcast_in_dim3A_740 : vector<16x1xi32> to vector<16xi32>
      %gather3A_742 = tpu.dynamic_gather %select_n3A_502[%gather3A_741] in [0] : vector<16xi32>, vector<16xi32> -> vector<16xi32>
      %eq3A_743 = arith.cmpi eq, %gather3A_742, %select_n3A_502 : vector<16xi32>
      %add3A_744 = arith.constant 10 : i32
      %add3A_745 = vector.broadcast %add3A_744 : i32 to vector<16xi32>
      %add3A_746 = arith.addi %iota3A, %add3A_745 : vector<16xi32>
      %lt3A_747 = arith.constant 16 : i32
      %lt3A_748 = vector.broadcast %lt3A_747 : i32 to vector<16xi32>
      %lt3A_749 = arith.cmpi slt, %add3A_746, %lt3A_748 : vector<16xi32>
      %and3A_750 = arith.andi %eq3A_743, %lt3A_749 : vector<16xi1>
      %or3A_751 = arith.ori %or3A_726, %and3A_750 : vector<16xi1>
      %add3A_752 = arith.constant 11 : i32
      %add3A_753 = vector.broadcast %add3A_752 : i32 to vector<16xi32>
      %add3A_754 = arith.addi %iota3A, %add3A_753 : vector<16xi32>
      %min3A_755 = arith.constant 15 : i32
      %min3A_756 = vector.broadcast %min3A_755 : i32 to vector<16xi32>
      %min3A_757 = arith.minsi %add3A_754, %min3A_756 : vector<16xi32>
      %lt3A_758 = arith.constant 0 : i32
      %lt3A_759 = vector.broadcast %lt3A_758 : i32 to vector<16xi32>
      %lt3A_760 = arith.cmpi slt, %min3A_757, %lt3A_759 : vector<16xi32>
      %add3A_761 = arith.constant 16 : i32
      %add3A_762 = vector.broadcast %add3A_761 : i32 to vector<16xi32>
      %add3A_763 = arith.addi %min3A_757, %add3A_762 : vector<16xi32>
      %select_n3A_764 = arith.select %lt3A_760, %add3A_763, %min3A_757 : vector<16xi1>, vector<16xi32>
      %broadcast_in_dim3A_765 = vector.shape_cast %select_n3A_764 : vector<16xi32> to vector<16x1xi32>
      %gather3A_766 = vector.shape_cast %broadcast_in_dim3A_765 : vector<16x1xi32> to vector<16xi32>
      %gather3A_767 = tpu.dynamic_gather %select_n3A_502[%gather3A_766] in [0] : vector<16xi32>, vector<16xi32> -> vector<16xi32>
      %eq3A_768 = arith.cmpi eq, %gather3A_767, %select_n3A_502 : vector<16xi32>
      %add3A_769 = arith.constant 11 : i32
      %add3A_770 = vector.broadcast %add3A_769 : i32 to vector<16xi32>
      %add3A_771 = arith.addi %iota3A, %add3A_770 : vector<16xi32>
      %lt3A_772 = arith.constant 16 : i32
      %lt3A_773 = vector.broadcast %lt3A_772 : i32 to vector<16xi32>
      %lt3A_774 = arith.cmpi slt, %add3A_771, %lt3A_773 : vector<16xi32>
      %and3A_775 = arith.andi %eq3A_768, %lt3A_774 : vector<16xi1>
      %or3A_776 = arith.ori %or3A_751, %and3A_775 : vector<16xi1>
      %add3A_777 = arith.constant 12 : i32
      %add3A_778 = vector.broadcast %add3A_777 : i32 to vector<16xi32>
      %add3A_779 = arith.addi %iota3A, %add3A_778 : vector<16xi32>
      %min3A_780 = arith.constant 15 : i32
      %min3A_781 = vector.broadcast %min3A_780 : i32 to vector<16xi32>
      %min3A_782 = arith.minsi %add3A_779, %min3A_781 : vector<16xi32>
      %lt3A_783 = arith.constant 0 : i32
      %lt3A_784 = vector.broadcast %lt3A_783 : i32 to vector<16xi32>
      %lt3A_785 = arith.cmpi slt, %min3A_782, %lt3A_784 : vector<16xi32>
      %add3A_786 = arith.constant 16 : i32
      %add3A_787 = vector.broadcast %add3A_786 : i32 to vector<16xi32>
      %add3A_788 = arith.addi %min3A_782, %add3A_787 : vector<16xi32>
      %select_n3A_789 = arith.select %lt3A_785, %add3A_788, %min3A_782 : vector<16xi1>, vector<16xi32>
      %broadcast_in_dim3A_790 = vector.shape_cast %select_n3A_789 : vector<16xi32> to vector<16x1xi32>
      %gather3A_791 = vector.shape_cast %broadcast_in_dim3A_790 : vector<16x1xi32> to vector<16xi32>
      %gather3A_792 = tpu.dynamic_gather %select_n3A_502[%gather3A_791] in [0] : vector<16xi32>, vector<16xi32> -> vector<16xi32>
      %eq3A_793 = arith.cmpi eq, %gather3A_792, %select_n3A_502 : vector<16xi32>
      %add3A_794 = arith.constant 12 : i32
      %add3A_795 = vector.broadcast %add3A_794 : i32 to vector<16xi32>
      %add3A_796 = arith.addi %iota3A, %add3A_795 : vector<16xi32>
      %lt3A_797 = arith.constant 16 : i32
      %lt3A_798 = vector.broadcast %lt3A_797 : i32 to vector<16xi32>
      %lt3A_799 = arith.cmpi slt, %add3A_796, %lt3A_798 : vector<16xi32>
      %and3A_800 = arith.andi %eq3A_793, %lt3A_799 : vector<16xi1>
      %or3A_801 = arith.ori %or3A_776, %and3A_800 : vector<16xi1>
      %add3A_802 = arith.constant 13 : i32
      %add3A_803 = vector.broadcast %add3A_802 : i32 to vector<16xi32>
      %add3A_804 = arith.addi %iota3A, %add3A_803 : vector<16xi32>
      %min3A_805 = arith.constant 15 : i32
      %min3A_806 = vector.broadcast %min3A_805 : i32 to vector<16xi32>
      %min3A_807 = arith.minsi %add3A_804, %min3A_806 : vector<16xi32>
      %lt3A_808 = arith.constant 0 : i32
      %lt3A_809 = vector.broadcast %lt3A_808 : i32 to vector<16xi32>
      %lt3A_810 = arith.cmpi slt, %min3A_807, %lt3A_809 : vector<16xi32>
      %add3A_811 = arith.constant 16 : i32
      %add3A_812 = vector.broadcast %add3A_811 : i32 to vector<16xi32>
      %add3A_813 = arith.addi %min3A_807, %add3A_812 : vector<16xi32>
      %select_n3A_814 = arith.select %lt3A_810, %add3A_813, %min3A_807 : vector<16xi1>, vector<16xi32>
      %broadcast_in_dim3A_815 = vector.shape_cast %select_n3A_814 : vector<16xi32> to vector<16x1xi32>
      %gather3A_816 = vector.shape_cast %broadcast_in_dim3A_815 : vector<16x1xi32> to vector<16xi32>
      %gather3A_817 = tpu.dynamic_gather %select_n3A_502[%gather3A_816] in [0] : vector<16xi32>, vector<16xi32> -> vector<16xi32>
      %eq3A_818 = arith.cmpi eq, %gather3A_817, %select_n3A_502 : vector<16xi32>
      %add3A_819 = arith.constant 13 : i32
      %add3A_820 = vector.broadcast %add3A_819 : i32 to vector<16xi32>
      %add3A_821 = arith.addi %iota3A, %add3A_820 : vector<16xi32>
      %lt3A_822 = arith.constant 16 : i32
      %lt3A_823 = vector.broadcast %lt3A_822 : i32 to vector<16xi32>
      %lt3A_824 = arith.cmpi slt, %add3A_821, %lt3A_823 : vector<16xi32>
      %and3A_825 = arith.andi %eq3A_818, %lt3A_824 : vector<16xi1>
      %or3A_826 = arith.ori %or3A_801, %and3A_825 : vector<16xi1>
      %add3A_827 = arith.constant 14 : i32
      %add3A_828 = vector.broadcast %add3A_827 : i32 to vector<16xi32>
      %add3A_829 = arith.addi %iota3A, %add3A_828 : vector<16xi32>
      %min3A_830 = arith.constant 15 : i32
      %min3A_831 = vector.broadcast %min3A_830 : i32 to vector<16xi32>
      %min3A_832 = arith.minsi %add3A_829, %min3A_831 : vector<16xi32>
      %lt3A_833 = arith.constant 0 : i32
      %lt3A_834 = vector.broadcast %lt3A_833 : i32 to vector<16xi32>
      %lt3A_835 = arith.cmpi slt, %min3A_832, %lt3A_834 : vector<16xi32>
      %add3A_836 = arith.constant 16 : i32
      %add3A_837 = vector.broadcast %add3A_836 : i32 to vector<16xi32>
      %add3A_838 = arith.addi %min3A_832, %add3A_837 : vector<16xi32>
      %select_n3A_839 = arith.select %lt3A_835, %add3A_838, %min3A_832 : vector<16xi1>, vector<16xi32>
      %broadcast_in_dim3A_840 = vector.shape_cast %select_n3A_839 : vector<16xi32> to vector<16x1xi32>
      %gather3A_841 = vector.shape_cast %broadcast_in_dim3A_840 : vector<16x1xi32> to vector<16xi32>
      %gather3A_842 = tpu.dynamic_gather %select_n3A_502[%gather3A_841] in [0] : vector<16xi32>, vector<16xi32> -> vector<16xi32>
      %eq3A_843 = arith.cmpi eq, %gather3A_842, %select_n3A_502 : vector<16xi32>
      %add3A_844 = arith.constant 14 : i32
      %add3A_845 = vector.broadcast %add3A_844 : i32 to vector<16xi32>
      %add3A_846 = arith.addi %iota3A, %add3A_845 : vector<16xi32>
      %lt3A_847 = arith.constant 16 : i32
      %lt3A_848 = vector.broadcast %lt3A_847 : i32 to vector<16xi32>
      %lt3A_849 = arith.cmpi slt, %add3A_846, %lt3A_848 : vector<16xi32>
      %and3A_850 = arith.andi %eq3A_843, %lt3A_849 : vector<16xi1>
      %or3A_851 = arith.ori %or3A_826, %and3A_850 : vector<16xi1>
      %add3A_852 = arith.constant 15 : i32
      %add3A_853 = vector.broadcast %add3A_852 : i32 to vector<16xi32>
      %add3A_854 = arith.addi %iota3A, %add3A_853 : vector<16xi32>
      %min3A_855 = arith.constant 15 : i32
      %min3A_856 = vector.broadcast %min3A_855 : i32 to vector<16xi32>
      %min3A_857 = arith.minsi %add3A_854, %min3A_856 : vector<16xi32>
      %lt3A_858 = arith.constant 0 : i32
      %lt3A_859 = vector.broadcast %lt3A_858 : i32 to vector<16xi32>
      %lt3A_860 = arith.cmpi slt, %min3A_857, %lt3A_859 : vector<16xi32>
      %add3A_861 = arith.constant 16 : i32
      %add3A_862 = vector.broadcast %add3A_861 : i32 to vector<16xi32>
      %add3A_863 = arith.addi %min3A_857, %add3A_862 : vector<16xi32>
      %select_n3A_864 = arith.select %lt3A_860, %add3A_863, %min3A_857 : vector<16xi1>, vector<16xi32>
      %broadcast_in_dim3A_865 = vector.shape_cast %select_n3A_864 : vector<16xi32> to vector<16x1xi32>
      %gather3A_866 = vector.shape_cast %broadcast_in_dim3A_865 : vector<16x1xi32> to vector<16xi32>
      %gather3A_867 = tpu.dynamic_gather %select_n3A_502[%gather3A_866] in [0] : vector<16xi32>, vector<16xi32> -> vector<16xi32>
      %eq3A_868 = arith.cmpi eq, %gather3A_867, %select_n3A_502 : vector<16xi32>
      %add3A_869 = arith.constant 15 : i32
      %add3A_870 = vector.broadcast %add3A_869 : i32 to vector<16xi32>
      %add3A_871 = arith.addi %iota3A, %add3A_870 : vector<16xi32>
      %lt3A_872 = arith.constant 16 : i32
      %lt3A_873 = vector.broadcast %lt3A_872 : i32 to vector<16xi32>
      %lt3A_874 = arith.cmpi slt, %add3A_871, %lt3A_873 : vector<16xi32>
      %and3A_875 = arith.andi %eq3A_868, %lt3A_874 : vector<16xi1>
      %or3A_876 = arith.ori %or3A_851, %and3A_875 : vector<16xi1>
      %not3A = arith.constant dense<true> : vector<16xi1>
      %not3A_877 = arith.xori %or3A_876, %not3A : vector<16xi1>
      %and3A_878 = arith.andi %lt3A_484, %not3A_877 : vector<16xi1>
      %gather3A_879 = tpu.vector_load_idx %arg12[%shift_right_logical3A_487, %and3A_492] masked %and3A_878 : memref<48x256xf32, #tpu.memory_space<vmem>>[vector<16xi32>, vector<16xi32>], vector<16xf32>, vector<16xi1>
      %gather3A_880 = tpu.vector_load_idx %arg16[%and3A_495] masked %and3A_878 : memref<2048xf32, #tpu.memory_space<vmem>>[vector<16xi32>], vector<16xf32>, vector<16xi1>
      %add3A_881 = arith.addf %gather3A_880, %gather3A_879 : vector<16xf32>
      tpu.vector_store_idx %arg11[%shift_right_logical3A_487, %and3A_492], %add3A_881 masked %and3A_878 : memref<48x256xf32, #tpu.memory_space<vmem>>[vector<16xi32>, vector<16xi32>], vector<16xf32>, vector<16xi1>
      %while3A_882 = arith.constant 0 : i32
      scf.yield %while3A_882 : i32
    }
    %add3A_386 = arith.constant 0 : i32
    %add3A_387 = arith.addi %mul3A_2, %add3A_386 : i32
    %div3A_388 = arith.constant 256 : i32
    %div3A_389 = arith.divsi %add3A_387, %div3A_388 : i32
    %rem3A_390 = arith.constant 256 : i32
    %rem3A_391 = arith.remsi %add3A_387, %rem3A_390 : i32
    %dma_start3A_392 = arith.constant 0 : i32
    %dma_start3A_393 = arith.constant 0 : i32
    %dma_start3A_394 = tpu.memref_slice %arg11[%dma_start3A_392, %dma_start3A_393] : memref<48x256xf32, #tpu.memory_space<vmem>> -> memref<16x256xf32, #tpu.memory_space<vmem>>
    %dma_start3A_395 = arith.constant 0 : i32
    %dma_start3A_396 = tpu.memref_slice %arg10[%div3A_389, %rem3A_391, %dma_start3A_395] : memref<6x256x256xf32, #tpu.memory_space<hbm>> -> memref<1x16x256xf32, #tpu.memory_space<hbm>>
    %dma_start3A_397 = tpu.memref_squeeze %dma_start3A_396 : memref<1x16x256xf32, #tpu.memory_space<hbm>> -> memref<16x256xf32, #tpu.memory_space<hbm>>
    %dma_start3A_398 = arith.constant 0 : i32
    %dma_start3A_399 = tpu.memref_slice %arg10[%div3A_389, %rem3A_391, %dma_start3A_398] : memref<6x256x256xf32, #tpu.memory_space<hbm>> -> memref<1x16x256xf32, #tpu.memory_space<hbm>>
    %dma_start3A_400 = tpu.memref_squeeze %dma_start3A_399 : memref<1x16x256xf32, #tpu.memory_space<hbm>> -> memref<16x256xf32, #tpu.memory_space<hbm>>
    %dma_start3A_401 = arith.constant 0 : i32
    %dma_start3A_402 = arith.constant 0 : i32
    %dma_start3A_403 = tpu.memref_slice %arg11[%dma_start3A_401, %dma_start3A_402] : memref<48x256xf32, #tpu.memory_space<vmem>> -> memref<16x256xf32, #tpu.memory_space<vmem>>
    tpu.enqueue_dma source(%dma_start3A_403 : memref<16x256xf32, #tpu.memory_space<vmem>>) target(%dma_start3A_400 : memref<16x256xf32, #tpu.memory_space<hbm>>) target_semaphore(%arg20 : memref<!tpu.dma_semaphore, #tpu.memory_space<semaphore_mem>>)
    %add3A_404 = arith.constant 16 : i32
    %add3A_405 = arith.addi %mul3A_2, %add3A_404 : i32
    %div3A_406 = arith.constant 256 : i32
    %div3A_407 = arith.divsi %add3A_405, %div3A_406 : i32
    %rem3A_408 = arith.constant 256 : i32
    %rem3A_409 = arith.remsi %add3A_405, %rem3A_408 : i32
    %dma_start3A_410 = arith.constant 16 : i32
    %dma_start3A_411 = arith.constant 0 : i32
    %dma_start3A_412 = tpu.memref_slice %arg11[%dma_start3A_410, %dma_start3A_411] : memref<48x256xf32, #tpu.memory_space<vmem>> -> memref<16x256xf32, #tpu.memory_space<vmem>>
    %dma_start3A_413 = arith.constant 0 : i32
    %dma_start3A_414 = tpu.memref_slice %arg10[%div3A_407, %rem3A_409, %dma_start3A_413] : memref<6x256x256xf32, #tpu.memory_space<hbm>> -> memref<1x16x256xf32, #tpu.memory_space<hbm>>
    %dma_start3A_415 = tpu.memref_squeeze %dma_start3A_414 : memref<1x16x256xf32, #tpu.memory_space<hbm>> -> memref<16x256xf32, #tpu.memory_space<hbm>>
    %dma_start3A_416 = arith.constant 0 : i32
    %dma_start3A_417 = tpu.memref_slice %arg10[%div3A_407, %rem3A_409, %dma_start3A_416] : memref<6x256x256xf32, #tpu.memory_space<hbm>> -> memref<1x16x256xf32, #tpu.memory_space<hbm>>
    %dma_start3A_418 = tpu.memref_squeeze %dma_start3A_417 : memref<1x16x256xf32, #tpu.memory_space<hbm>> -> memref<16x256xf32, #tpu.memory_space<hbm>>
    %dma_start3A_419 = arith.constant 16 : i32
    %dma_start3A_420 = arith.constant 0 : i32
    %dma_start3A_421 = tpu.memref_slice %arg11[%dma_start3A_419, %dma_start3A_420] : memref<48x256xf32, #tpu.memory_space<vmem>> -> memref<16x256xf32, #tpu.memory_space<vmem>>
    tpu.enqueue_dma source(%dma_start3A_421 : memref<16x256xf32, #tpu.memory_space<vmem>>) target(%dma_start3A_418 : memref<16x256xf32, #tpu.memory_space<hbm>>) target_semaphore(%arg20 : memref<!tpu.dma_semaphore, #tpu.memory_space<semaphore_mem>>)
    %add3A_422 = arith.constant 32 : i32
    %add3A_423 = arith.addi %mul3A_2, %add3A_422 : i32
    %div3A_424 = arith.constant 256 : i32
    %div3A_425 = arith.divsi %add3A_423, %div3A_424 : i32
    %rem3A_426 = arith.constant 256 : i32
    %rem3A_427 = arith.remsi %add3A_423, %rem3A_426 : i32
    %dma_start3A_428 = arith.constant 32 : i32
    %dma_start3A_429 = arith.constant 0 : i32
    %dma_start3A_430 = tpu.memref_slice %arg11[%dma_start3A_428, %dma_start3A_429] : memref<48x256xf32, #tpu.memory_space<vmem>> -> memref<16x256xf32, #tpu.memory_space<vmem>>
    %dma_start3A_431 = arith.constant 0 : i32
    %dma_start3A_432 = tpu.memref_slice %arg10[%div3A_425, %rem3A_427, %dma_start3A_431] : memref<6x256x256xf32, #tpu.memory_space<hbm>> -> memref<1x16x256xf32, #tpu.memory_space<hbm>>
    %dma_start3A_433 = tpu.memref_squeeze %dma_start3A_432 : memref<1x16x256xf32, #tpu.memory_space<hbm>> -> memref<16x256xf32, #tpu.memory_space<hbm>>
    %dma_start3A_434 = arith.constant 0 : i32
    %dma_start3A_435 = tpu.memref_slice %arg10[%div3A_425, %rem3A_427, %dma_start3A_434] : memref<6x256x256xf32, #tpu.memory_space<hbm>> -> memref<1x16x256xf32, #tpu.memory_space<hbm>>
    %dma_start3A_436 = tpu.memref_squeeze %dma_start3A_435 : memref<1x16x256xf32, #tpu.memory_space<hbm>> -> memref<16x256xf32, #tpu.memory_space<hbm>>
    %dma_start3A_437 = arith.constant 32 : i32
    %dma_start3A_438 = arith.constant 0 : i32
    %dma_start3A_439 = tpu.memref_slice %arg11[%dma_start3A_437, %dma_start3A_438] : memref<48x256xf32, #tpu.memory_space<vmem>> -> memref<16x256xf32, #tpu.memory_space<vmem>>
    tpu.enqueue_dma source(%dma_start3A_439 : memref<16x256xf32, #tpu.memory_space<vmem>>) target(%dma_start3A_436 : memref<16x256xf32, #tpu.memory_space<hbm>>) target_semaphore(%arg20 : memref<!tpu.dma_semaphore, #tpu.memory_space<semaphore_mem>>)
    %dma_wait3A_440 = arith.constant 0 : i32
    %dma_wait3A_441 = arith.constant 0 : i32
    %dma_wait3A_442 = tpu.memref_slice %arg11[%dma_wait3A_440, %dma_wait3A_441] : memref<48x256xf32, #tpu.memory_space<vmem>> -> memref<16x256xf32, #tpu.memory_space<vmem>>
    %dma_wait3A_443 = arith.constant 0 : i32
    %dma_wait3A_444 = tpu.memref_slice %arg10[%div3A_389, %rem3A_391, %dma_wait3A_443] : memref<6x256x256xf32, #tpu.memory_space<hbm>> -> memref<1x16x256xf32, #tpu.memory_space<hbm>>
    %dma_wait3A_445 = tpu.memref_squeeze %dma_wait3A_444 : memref<1x16x256xf32, #tpu.memory_space<hbm>> -> memref<16x256xf32, #tpu.memory_space<hbm>>
    %dma_wait3A_446 = arith.constant 0 : i32
    %dma_wait3A_447 = tpu.memref_slice %arg10[%div3A_389, %rem3A_391, %dma_wait3A_446] : memref<6x256x256xf32, #tpu.memory_space<hbm>> -> memref<1x16x256xf32, #tpu.memory_space<hbm>>
    %dma_wait3A_448 = tpu.memref_squeeze %dma_wait3A_447 : memref<1x16x256xf32, #tpu.memory_space<hbm>> -> memref<16x256xf32, #tpu.memory_space<hbm>>
    %dma_wait3A_449 = arith.constant 0 : i32
    %dma_wait3A_450 = arith.constant 0 : i32
    %dma_wait3A_451 = tpu.memref_slice %arg11[%dma_wait3A_449, %dma_wait3A_450] : memref<48x256xf32, #tpu.memory_space<vmem>> -> memref<16x256xf32, #tpu.memory_space<vmem>>
    tpu.wait_dma2 semaphore(%arg20 : memref<!tpu.dma_semaphore, #tpu.memory_space<semaphore_mem>>) src(%dma_wait3A_451 : memref<16x256xf32, #tpu.memory_space<vmem>>) dst(%dma_wait3A_448 : memref<16x256xf32, #tpu.memory_space<hbm>>)
    %dma_wait3A_452 = arith.constant 16 : i32
    %dma_wait3A_453 = arith.constant 0 : i32
    %dma_wait3A_454 = tpu.memref_slice %arg11[%dma_wait3A_452, %dma_wait3A_453] : memref<48x256xf32, #tpu.memory_space<vmem>> -> memref<16x256xf32, #tpu.memory_space<vmem>>
    %dma_wait3A_455 = arith.constant 0 : i32
    %dma_wait3A_456 = tpu.memref_slice %arg10[%div3A_407, %rem3A_409, %dma_wait3A_455] : memref<6x256x256xf32, #tpu.memory_space<hbm>> -> memref<1x16x256xf32, #tpu.memory_space<hbm>>
    %dma_wait3A_457 = tpu.memref_squeeze %dma_wait3A_456 : memref<1x16x256xf32, #tpu.memory_space<hbm>> -> memref<16x256xf32, #tpu.memory_space<hbm>>
    %dma_wait3A_458 = arith.constant 0 : i32
    %dma_wait3A_459 = tpu.memref_slice %arg10[%div3A_407, %rem3A_409, %dma_wait3A_458] : memref<6x256x256xf32, #tpu.memory_space<hbm>> -> memref<1x16x256xf32, #tpu.memory_space<hbm>>
    %dma_wait3A_460 = tpu.memref_squeeze %dma_wait3A_459 : memref<1x16x256xf32, #tpu.memory_space<hbm>> -> memref<16x256xf32, #tpu.memory_space<hbm>>
    %dma_wait3A_461 = arith.constant 16 : i32
    %dma_wait3A_462 = arith.constant 0 : i32
    %dma_wait3A_463 = tpu.memref_slice %arg11[%dma_wait3A_461, %dma_wait3A_462] : memref<48x256xf32, #tpu.memory_space<vmem>> -> memref<16x256xf32, #tpu.memory_space<vmem>>
    tpu.wait_dma2 semaphore(%arg20 : memref<!tpu.dma_semaphore, #tpu.memory_space<semaphore_mem>>) src(%dma_wait3A_463 : memref<16x256xf32, #tpu.memory_space<vmem>>) dst(%dma_wait3A_460 : memref<16x256xf32, #tpu.memory_space<hbm>>)
    %dma_wait3A_464 = arith.constant 32 : i32
    %dma_wait3A_465 = arith.constant 0 : i32
    %dma_wait3A_466 = tpu.memref_slice %arg11[%dma_wait3A_464, %dma_wait3A_465] : memref<48x256xf32, #tpu.memory_space<vmem>> -> memref<16x256xf32, #tpu.memory_space<vmem>>
    %dma_wait3A_467 = arith.constant 0 : i32
    %dma_wait3A_468 = tpu.memref_slice %arg10[%div3A_425, %rem3A_427, %dma_wait3A_467] : memref<6x256x256xf32, #tpu.memory_space<hbm>> -> memref<1x16x256xf32, #tpu.memory_space<hbm>>
    %dma_wait3A_469 = tpu.memref_squeeze %dma_wait3A_468 : memref<1x16x256xf32, #tpu.memory_space<hbm>> -> memref<16x256xf32, #tpu.memory_space<hbm>>
    %dma_wait3A_470 = arith.constant 0 : i32
    %dma_wait3A_471 = tpu.memref_slice %arg10[%div3A_425, %rem3A_427, %dma_wait3A_470] : memref<6x256x256xf32, #tpu.memory_space<hbm>> -> memref<1x16x256xf32, #tpu.memory_space<hbm>>
    %dma_wait3A_472 = tpu.memref_squeeze %dma_wait3A_471 : memref<1x16x256xf32, #tpu.memory_space<hbm>> -> memref<16x256xf32, #tpu.memory_space<hbm>>
    %dma_wait3A_473 = arith.constant 32 : i32
    %dma_wait3A_474 = arith.constant 0 : i32
    %dma_wait3A_475 = tpu.memref_slice %arg11[%dma_wait3A_473, %dma_wait3A_474] : memref<48x256xf32, #tpu.memory_space<vmem>> -> memref<16x256xf32, #tpu.memory_space<vmem>>
    tpu.wait_dma2 semaphore(%arg20 : memref<!tpu.dma_semaphore, #tpu.memory_space<semaphore_mem>>) src(%dma_wait3A_475 : memref<16x256xf32, #tpu.memory_space<vmem>>) dst(%dma_wait3A_472 : memref<16x256xf32, #tpu.memory_space<hbm>>)
    return
  }
}

module attributes {stable_mosaic.version = 14 : i64} {
  func.func @_copy_body(%arg0: i32, %arg1: memref<1x256x256xf32, #tpu.memory_space<vmem>>, %arg2: memref<1x256x256xf32, #tpu.memory_space<vmem>>, %arg3: memref<1x256x256xf32, #tpu.memory_space<vmem>>, %arg4: memref<1x256x256xf32, #tpu.memory_space<vmem>>) attributes {dimension_semantics = [#tpu.dimension_semantics<arbitrary>], iteration_bounds = array<i64: 6>, scalar_prefetch = 0 : i64, scratch_operands = 0 : i64, tpu.core_type = #tpu.core_type<tc>, window_params = [{transform_indices = @transform_0, window_bounds = array<i64: 1, 256, 256>}, {transform_indices = @transform_1, window_bounds = array<i64: 1, 256, 256>}, {transform_indices = @transform_2, window_bounds = array<i64: 1, 256, 256>}, {transform_indices = @transform_3, window_bounds = array<i64: 1, 256, 256>}]} {
    %get3A = arith.constant 0 : index
    %get3A_0 = arith.constant 0 : index
    %get3A_1 = arith.constant 0 : index
    %get3A_2 = vector.load %arg1[%get3A, %get3A_0, %get3A_1] : memref<1x256x256xf32, #tpu.memory_space<vmem>>, vector<1x256x256xf32>
    %get3A_3 = vector.shape_cast %get3A_2 : vector<1x256x256xf32> to vector<256x256xf32>
    %swap3A = arith.constant 0 : index
    %swap3A_4 = arith.constant 0 : index
    %swap3A_5 = arith.constant 0 : index
    %swap3A_6 = vector.load %arg3[%swap3A, %swap3A_4, %swap3A_5] : memref<1x256x256xf32, #tpu.memory_space<vmem>>, vector<1x256x256xf32>
    %swap3A_7 = vector.shape_cast %swap3A_6 : vector<1x256x256xf32> to vector<256x256xf32>
    %swap3A_8 = vector.shape_cast %get3A_3 : vector<256x256xf32> to vector<1x256x256xf32>
    tpu.vector_store %arg3[%swap3A, %swap3A_4, %swap3A_5], %swap3A_8 {strides = array<i32>} : memref<1x256x256xf32, #tpu.memory_space<vmem>>, vector<1x256x256xf32>,
    %get3A_9 = arith.constant 0 : index
    %get3A_10 = arith.constant 0 : index
    %get3A_11 = arith.constant 0 : index
    %get3A_12 = vector.load %arg2[%get3A_9, %get3A_10, %get3A_11] : memref<1x256x256xf32, #tpu.memory_space<vmem>>, vector<1x256x256xf32>
    %get3A_13 = vector.shape_cast %get3A_12 : vector<1x256x256xf32> to vector<256x256xf32>
    %swap3A_14 = arith.constant 0 : index
    %swap3A_15 = arith.constant 0 : index
    %swap3A_16 = arith.constant 0 : index
    %swap3A_17 = vector.load %arg4[%swap3A_14, %swap3A_15, %swap3A_16] : memref<1x256x256xf32, #tpu.memory_space<vmem>>, vector<1x256x256xf32>
    %swap3A_18 = vector.shape_cast %swap3A_17 : vector<1x256x256xf32> to vector<256x256xf32>
    %swap3A_19 = vector.shape_cast %get3A_13 : vector<256x256xf32> to vector<1x256x256xf32>
    tpu.vector_store %arg4[%swap3A_14, %swap3A_15, %swap3A_16], %swap3A_19 {strides = array<i32>} : memref<1x256x256xf32, #tpu.memory_space<vmem>>, vector<1x256x256xf32>,
    return
  }
  func.func @transform_0(%arg0: i32) -> (i32, i32, i32) {
    %c0_i32 = arith.constant 0 : i32
    %c0_i32_0 = arith.constant 0 : i32
    %c0_i32_1 = arith.constant 0 : i32
    return %arg0, %c0_i32, %c0_i32_0 : i32, i32, i32
  }
  func.func @transform_1(%arg0: i32) -> (i32, i32, i32) {
    %c0_i32 = arith.constant 0 : i32
    %c0_i32_0 = arith.constant 0 : i32
    %c0_i32_1 = arith.constant 0 : i32
    return %arg0, %c0_i32, %c0_i32_0 : i32, i32, i32
  }
  func.func @transform_2(%arg0: i32) -> (i32, i32, i32) {
    %c0_i32 = arith.constant 0 : i32
    %c0_i32_0 = arith.constant 0 : i32
    %c0_i32_1 = arith.constant 0 : i32
    return %arg0, %c0_i32, %c0_i32_0 : i32, i32, i32
  }
  func.func @transform_3(%arg0: i32) -> (i32, i32, i32) {
    %c0_i32 = arith.constant 0 : i32
    %c0_i32_0 = arith.constant 0 : i32
    %c0_i32_1 = arith.constant 0 : i32
    return %arg0, %c0_i32, %c0_i32_0 : i32, i32, i32
  }
}

module attributes {stable_mosaic.version = 14 : i64} {
  func.func @_base_body(%arg0: i32, %arg1: memref<1x256x256xf32, #tpu.memory_space<vmem>>, %arg2: memref<1x256x256xf32, #tpu.memory_space<vmem>>, %arg3: memref<1x256x256xf32, #tpu.memory_space<vmem>>, %arg4: memref<1x256x256xf32, #tpu.memory_space<vmem>>) attributes {dimension_semantics = [#tpu.dimension_semantics<arbitrary>], iteration_bounds = array<i64: 6>, scalar_prefetch = 0 : i64, scratch_operands = 0 : i64, tpu.core_type = #tpu.core_type<tc>, window_params = [{transform_indices = @transform_0, window_bounds = array<i64: 1, 256, 256>}, {transform_indices = @transform_1, window_bounds = array<i64: 1, 256, 256>}, {transform_indices = @transform_2, window_bounds = array<i64: 1, 256, 256>}, {transform_indices = @transform_3, window_bounds = array<i64: 1, 256, 256>}]} {
    %get3A = arith.constant 0 : index
    %get3A_0 = arith.constant 0 : index
    %get3A_1 = arith.constant 0 : index
    %get3A_2 = vector.load %arg2[%get3A, %get3A_0, %get3A_1] : memref<1x256x256xf32, #tpu.memory_space<vmem>>, vector<1x256x256xf32>
    %get3A_3 = vector.shape_cast %get3A_2 : vector<1x256x256xf32> to vector<256x256xf32>
    %mul3A = arith.constant 9.750000e-01 : f32
    %mul3A_4 = vector.broadcast %mul3A : f32 to vector<256x256xf32>
    %mul3A_5 = arith.mulf %mul3A_4, %get3A_3 : vector<256x256xf32>
    %transpose3A = tpu.transpose %mul3A_5, [1, 0] : vector<256x256xf32> -> vector<256x256xf32>
    %swap3A = arith.constant 0 : index
    %swap3A_6 = arith.constant 0 : index
    %swap3A_7 = arith.constant 0 : index
    %swap3A_8 = vector.load %arg4[%swap3A, %swap3A_6, %swap3A_7] : memref<1x256x256xf32, #tpu.memory_space<vmem>>, vector<1x256x256xf32>
    %swap3A_9 = vector.shape_cast %swap3A_8 : vector<1x256x256xf32> to vector<256x256xf32>
    %swap3A_10 = vector.shape_cast %transpose3A : vector<256x256xf32> to vector<1x256x256xf32>
    tpu.vector_store %arg4[%swap3A, %swap3A_6, %swap3A_7], %swap3A_10 {strides = array<i32>} : memref<1x256x256xf32, #tpu.memory_space<vmem>>, vector<1x256x256xf32>,
    %get3A_11 = arith.constant 0 : index
    %get3A_12 = arith.constant 0 : index
    %get3A_13 = arith.constant 0 : index
    %get3A_14 = vector.load %arg1[%get3A_11, %get3A_12, %get3A_13] : memref<1x256x256xf32, #tpu.memory_space<vmem>>, vector<1x256x256xf32>
    %get3A_15 = vector.shape_cast %get3A_14 : vector<1x256x256xf32> to vector<256x256xf32>
    %transpose3A_16 = tpu.transpose %get3A_15, [1, 0] : vector<256x256xf32> -> vector<256x256xf32>
    %add3A = arith.addf %transpose3A_16, %transpose3A : vector<256x256xf32>
    %swap3A_17 = arith.constant 0 : index
    %swap3A_18 = arith.constant 0 : index
    %swap3A_19 = arith.constant 0 : index
    %swap3A_20 = vector.load %arg3[%swap3A_17, %swap3A_18, %swap3A_19] : memref<1x256x256xf32, #tpu.memory_space<vmem>>, vector<1x256x256xf32>
    %swap3A_21 = vector.shape_cast %swap3A_20 : vector<1x256x256xf32> to vector<256x256xf32>
    %swap3A_22 = vector.shape_cast %add3A : vector<256x256xf32> to vector<1x256x256xf32>
    tpu.vector_store %arg3[%swap3A_17, %swap3A_18, %swap3A_19], %swap3A_22 {strides = array<i32>} : memref<1x256x256xf32, #tpu.memory_space<vmem>>, vector<1x256x256xf32>,
    return
  }
  func.func @transform_0(%arg0: i32) -> (i32, i32, i32) {
    %c0_i32 = arith.constant 0 : i32
    %c0_i32_0 = arith.constant 0 : i32
    %c0_i32_1 = arith.constant 0 : i32
    return %arg0, %c0_i32, %c0_i32_0 : i32, i32, i32
  }
  func.func @transform_1(%arg0: i32) -> (i32, i32, i32) {
    %c0_i32 = arith.constant 0 : i32
    %c0_i32_0 = arith.constant 0 : i32
    %c0_i32_1 = arith.constant 0 : i32
    return %arg0, %c0_i32, %c0_i32_0 : i32, i32, i32
  }
  func.func @transform_2(%arg0: i32) -> (i32, i32, i32) {
    %c0_i32 = arith.constant 0 : i32
    %c0_i32_0 = arith.constant 0 : i32
    %c0_i32_1 = arith.constant 0 : i32
    return %arg0, %c0_i32, %c0_i32_0 : i32, i32, i32
  }
  func.func @transform_3(%arg0: i32) -> (i32, i32, i32) {
    %c0_i32 = arith.constant 0 : i32
    %c0_i32_0 = arith.constant 0 : i32
    %c0_i32_1 = arith.constant 0 : i32
    return %arg0, %c0_i32, %c0_i32_0 : i32, i32, i32
  }
}

module attributes {stable_mosaic.version = 14 : i64} {
  func.func @_bmm_body(%arg0: memref<12x6x256xf32, #tpu.memory_space<vmem>>, %arg1: memref<6x256x256xf32, #tpu.memory_space<vmem>>, %arg2: memref<6x256x256xf32, #tpu.memory_space<vmem>>, %arg3: memref<6x256x256xf32, #tpu.memory_space<vmem>>, %arg4: memref<1x1xf32, #tpu.memory_space<vmem>>, %arg5: memref<1x1xf32, #tpu.memory_space<vmem>>, %arg6: memref<1x1xf32, #tpu.memory_space<vmem>>, %arg7: memref<1x1xf32, #tpu.memory_space<vmem>>, %arg8: memref<1x1xf32, #tpu.memory_space<vmem>>, %arg9: memref<1x1xf32, #tpu.memory_space<vmem>>, %arg10: memref<12x6x256xf32, #tpu.memory_space<vmem>>, %arg11: memref<1x256xf32, #tpu.memory_space<vmem>>, %arg12: memref<1x256xf32, #tpu.memory_space<vmem>>) attributes {dimension_semantics = [], scalar_prefetch = 0 : i64, scratch_operands = 0 : i64, tpu.core_type = #tpu.core_type<tc>} {
    %iota3A = tpu.iota {dimensions = array<i32: 0>} : vector<256x1xi32>
    %convert_element_type3A = arith.sitofp %iota3A : vector<256x1xi32> to vector<256x1xf32>
    %mul3A = arith.constant 6.28318548 : f32
    %mul3A_0 = vector.broadcast %mul3A : f32 to vector<256x1xf32>
    %mul3A_1 = arith.mulf %convert_element_type3A, %mul3A_0 : vector<256x1xf32>
    %get3A = arith.constant 0 : index
    %get3A_2 = arith.constant 0 : index
    %get3A_3 = vector.load %arg4[%get3A, %get3A_2] : memref<1x1xf32, #tpu.memory_space<vmem>>, vector<1x1xf32>
    %get3A_4 = vector.extract %get3A_3[0, 0] : f32 from vector<1x1xf32>
    %mul3A_5 = vector.broadcast %get3A_4 : f32 to vector<256x1xf32>
    %mul3A_6 = arith.mulf %mul3A_1, %mul3A_5 : vector<256x1xf32>
    %get3A_7 = arith.constant 0 : index
    %get3A_8 = arith.constant 0 : index
    %get3A_9 = vector.load %arg5[%get3A_7, %get3A_8] : memref<1x1xf32, #tpu.memory_space<vmem>>, vector<1x1xf32>
    %get3A_10 = vector.extract %get3A_9[0, 0] : f32 from vector<1x1xf32>
    %add3A = vector.broadcast %get3A_10 : f32 to vector<256x1xf32>
    %add3A_11 = arith.addf %mul3A_6, %add3A : vector<256x1xf32>
    %sin3A = math.sin %add3A_11 : vector<256x1xf32>
    %integer_pow3A = arith.mulf %sin3A, %sin3A : vector<256x1xf32>
    %mul3A_12 = arith.constant 1.000000e-01 : f32
    %mul3A_13 = vector.broadcast %mul3A_12 : f32 to vector<256x1xf32>
    %mul3A_14 = arith.mulf %integer_pow3A, %mul3A_13 : vector<256x1xf32>
    %add3A_15 = arith.constant 1.000000e+00 : f32
    %add3A_16 = vector.broadcast %add3A_15 : f32 to vector<256x1xf32>
    %add3A_17 = arith.addf %mul3A_14, %add3A_16 : vector<256x1xf32>
    %sub3A = arith.constant 5.000000e-02 : f32
    %sub3A_18 = vector.broadcast %sub3A : f32 to vector<256x1xf32>
    %sub3A_19 = arith.subf %add3A_17, %sub3A_18 : vector<256x1xf32>
    %get3A_20 = arith.constant 0 : index
    %get3A_21 = arith.constant 0 : index
    %get3A_22 = vector.load %arg6[%get3A_20, %get3A_21] : memref<1x1xf32, #tpu.memory_space<vmem>>, vector<1x1xf32>
    %get3A_23 = vector.extract %get3A_22[0, 0] : f32 from vector<1x1xf32>
    %mul3A_24 = vector.broadcast %get3A_23 : f32 to vector<256x1xf32>
    %mul3A_25 = arith.mulf %mul3A_1, %mul3A_24 : vector<256x1xf32>
    %get3A_26 = arith.constant 0 : index
    %get3A_27 = arith.constant 0 : index
    %get3A_28 = vector.load %arg7[%get3A_26, %get3A_27] : memref<1x1xf32, #tpu.memory_space<vmem>>, vector<1x1xf32>
    %get3A_29 = vector.extract %get3A_28[0, 0] : f32 from vector<1x1xf32>
    %add3A_30 = vector.broadcast %get3A_29 : f32 to vector<256x1xf32>
    %add3A_31 = arith.addf %mul3A_25, %add3A_30 : vector<256x1xf32>
    %sin3A_32 = math.sin %add3A_31 : vector<256x1xf32>
    %integer_pow3A_33 = arith.mulf %sin3A_32, %sin3A_32 : vector<256x1xf32>
    %mul3A_34 = arith.constant 1.000000e-01 : f32
    %mul3A_35 = vector.broadcast %mul3A_34 : f32 to vector<256x1xf32>
    %mul3A_36 = arith.mulf %integer_pow3A_33, %mul3A_35 : vector<256x1xf32>
    %add3A_37 = arith.constant 1.000000e+00 : f32
    %add3A_38 = vector.broadcast %add3A_37 : f32 to vector<256x1xf32>
    %add3A_39 = arith.addf %mul3A_36, %add3A_38 : vector<256x1xf32>
    %sub3A_40 = arith.constant 5.000000e-02 : f32
    %sub3A_41 = vector.broadcast %sub3A_40 : f32 to vector<256x1xf32>
    %sub3A_42 = arith.subf %add3A_39, %sub3A_41 : vector<256x1xf32>
    %iota3A_43 = tpu.iota {dimensions = array<i32: 1>} : vector<1x256xi32>
    %convert_element_type3A_44 = arith.sitofp %iota3A_43 : vector<1x256xi32> to vector<1x256xf32>
    %mul3A_45 = arith.constant 6.28318548 : f32
    %mul3A_46 = vector.broadcast %mul3A_45 : f32 to vector<1x256xf32>
    %mul3A_47 = arith.mulf %convert_element_type3A_44, %mul3A_46 : vector<1x256xf32>
    %get3A_48 = arith.constant 0 : index
    %get3A_49 = arith.constant 0 : index
    %get3A_50 = vector.load %arg6[%get3A_48, %get3A_49] : memref<1x1xf32, #tpu.memory_space<vmem>>, vector<1x1xf32>
    %get3A_51 = vector.extract %get3A_50[0, 0] : f32 from vector<1x1xf32>
    %mul3A_52 = vector.broadcast %get3A_51 : f32 to vector<1x256xf32>
    %mul3A_53 = arith.mulf %mul3A_47, %mul3A_52 : vector<1x256xf32>
    %get3A_54 = arith.constant 0 : index
    %get3A_55 = arith.constant 0 : index
    %get3A_56 = vector.load %arg7[%get3A_54, %get3A_55] : memref<1x1xf32, #tpu.memory_space<vmem>>, vector<1x1xf32>
    %get3A_57 = vector.extract %get3A_56[0, 0] : f32 from vector<1x1xf32>
    %add3A_58 = vector.broadcast %get3A_57 : f32 to vector<1x256xf32>
    %add3A_59 = arith.addf %mul3A_53, %add3A_58 : vector<1x256xf32>
    %sin3A_60 = math.sin %add3A_59 : vector<1x256xf32>
    %integer_pow3A_61 = arith.mulf %sin3A_60, %sin3A_60 : vector<1x256xf32>
    %mul3A_62 = arith.constant 1.000000e-01 : f32
    %mul3A_63 = vector.broadcast %mul3A_62 : f32 to vector<1x256xf32>
    %mul3A_64 = arith.mulf %integer_pow3A_61, %mul3A_63 : vector<1x256xf32>
    %add3A_65 = arith.constant 1.000000e+00 : f32
    %add3A_66 = vector.broadcast %add3A_65 : f32 to vector<1x256xf32>
    %add3A_67 = arith.addf %mul3A_64, %add3A_66 : vector<1x256xf32>
    %sub3A_68 = arith.constant 5.000000e-02 : f32
    %sub3A_69 = vector.broadcast %sub3A_68 : f32 to vector<1x256xf32>
    %sub3A_70 = arith.subf %add3A_67, %sub3A_69 : vector<1x256xf32>
    %get3A_71 = arith.constant 0 : index
    %get3A_72 = arith.constant 0 : index
    %get3A_73 = vector.load %arg8[%get3A_71, %get3A_72] : memref<1x1xf32, #tpu.memory_space<vmem>>, vector<1x1xf32>
    %get3A_74 = vector.extract %get3A_73[0, 0] : f32 from vector<1x1xf32>
    %mul3A_75 = vector.broadcast %get3A_74 : f32 to vector<1x256xf32>
    %mul3A_76 = arith.mulf %mul3A_47, %mul3A_75 : vector<1x256xf32>
    %get3A_77 = arith.constant 0 : index
    %get3A_78 = arith.constant 0 : index
    %get3A_79 = vector.load %arg9[%get3A_77, %get3A_78] : memref<1x1xf32, #tpu.memory_space<vmem>>, vector<1x1xf32>
    %get3A_80 = vector.extract %get3A_79[0, 0] : f32 from vector<1x1xf32>
    %add3A_81 = vector.broadcast %get3A_80 : f32 to vector<1x256xf32>
    %add3A_82 = arith.addf %mul3A_76, %add3A_81 : vector<1x256xf32>
    %sin3A_83 = math.sin %add3A_82 : vector<1x256xf32>
    %integer_pow3A_84 = arith.mulf %sin3A_83, %sin3A_83 : vector<1x256xf32>
    %mul3A_85 = arith.constant 1.000000e-01 : f32
    %mul3A_86 = vector.broadcast %mul3A_85 : f32 to vector<1x256xf32>
    %mul3A_87 = arith.mulf %integer_pow3A_84, %mul3A_86 : vector<1x256xf32>
    %add3A_88 = arith.constant 1.000000e+00 : f32
    %add3A_89 = vector.broadcast %add3A_88 : f32 to vector<1x256xf32>
    %add3A_90 = arith.addf %mul3A_87, %add3A_89 : vector<1x256xf32>
    %sub3A_91 = arith.constant 5.000000e-02 : f32
    %sub3A_92 = vector.broadcast %sub3A_91 : f32 to vector<1x256xf32>
    %sub3A_93 = arith.subf %add3A_90, %sub3A_92 : vector<1x256xf32>
    %div3A = arith.constant 1.000000e+00 : f32
    %div3A_94 = vector.broadcast %div3A : f32 to vector<256x1xf32>
    %div3A_95 = arith.divf %div3A_94, %sub3A_19 : vector<256x1xf32>
    %div3A_96 = arith.constant 1.000000e+00 : f32
    %div3A_97 = vector.broadcast %div3A_96 : f32 to vector<1x256xf32>
    %div3A_98 = arith.divf %div3A_97, %sub3A_93 : vector<1x256xf32>
    %get3A_99 = arith.constant 0 : index
    %get3A_100 = arith.constant 0 : index
    %get3A_101 = arith.constant 0 : index
    %get3A_102 = vector.load %arg0[%get3A_99, %get3A_100, %get3A_101] : memref<12x6x256xf32, #tpu.memory_space<vmem>>, vector<12x1x256xf32>
    %get3A_103 = vector.shape_cast %get3A_102 : vector<12x1x256xf32> to vector<12x256xf32>
    %get3A_104 = arith.constant 0 : index
    %get3A_105 = arith.constant 0 : index
    %get3A_106 = arith.constant 0 : index
    %get3A_107 = vector.load %arg1[%get3A_104, %get3A_105, %get3A_106] : memref<6x256x256xf32, #tpu.memory_space<vmem>>, vector<1x256x256xf32>
    %get3A_108 = vector.shape_cast %get3A_107 : vector<1x256x256xf32> to vector<256x256xf32>
    %get3A_109 = arith.constant 0 : index
    %get3A_110 = arith.constant 0 : index
    %get3A_111 = arith.constant 0 : index
    %get3A_112 = vector.load %arg2[%get3A_109, %get3A_110, %get3A_111] : memref<6x256x256xf32, #tpu.memory_space<vmem>>, vector<1x256x256xf32>
    %get3A_113 = vector.shape_cast %get3A_112 : vector<1x256x256xf32> to vector<256x256xf32>
    %get3A_114 = arith.constant 0 : index
    %get3A_115 = arith.constant 0 : index
    %get3A_116 = arith.constant 0 : index
    %get3A_117 = vector.load %arg3[%get3A_114, %get3A_115, %get3A_116] : memref<6x256x256xf32, #tpu.memory_space<vmem>>, vector<1x256x256xf32>
    %get3A_118 = vector.shape_cast %get3A_117 : vector<1x256x256xf32> to vector<256x256xf32>
    %dot_general3A = arith.constant dense<0.000000e+00> : vector<256x12xf32>
    %dot_general3A_119 = tpu.matmul %get3A_108, %get3A_103, %dot_general3A {dimension_numbers = #tpu.dot_dimension_numbers<[1], [1], [0], [0], [0, 0, 1, 0], [], []>, transpose_lhs_hint = false} : vector<256x256xf32>, vector<12x256xf32>, vector<256x12xf32> -> vector<256x12xf32>
    %mul3A_120 = vector.broadcast %div3A_95 : vector<256x1xf32> to vector<256x12xf32>
    %mul3A_121 = arith.mulf %dot_general3A_119, %mul3A_120 : vector<256x12xf32>
    %dot_general3A_122 = arith.constant dense<0.000000e+00> : vector<256x12xf32>
    %dot_general3A_123 = tpu.matmul %get3A_113, %mul3A_121, %dot_general3A_122 {dimension_numbers = #tpu.dot_dimension_numbers<[1], [0], [0], [1], [0, 0, 1, 1], [], []>, transpose_lhs_hint = false} : vector<256x256xf32>, vector<256x12xf32>, vector<256x12xf32> -> vector<256x12xf32>
    %mul3A_124 = vector.broadcast %sub3A_42 : vector<256x1xf32> to vector<256x12xf32>
    %mul3A_125 = arith.mulf %dot_general3A_123, %mul3A_124 : vector<256x12xf32>
    %dot_general3A_126 = arith.constant dense<0.000000e+00> : vector<12x256xf32>
    %dot_general3A_127 = tpu.matmul %mul3A_125, %get3A_118, %dot_general3A_126 {dimension_numbers = #tpu.dot_dimension_numbers<[0], [1], [1], [0], [0, 1, 1, 0], [], []>, transpose_lhs_hint = false} : vector<256x12xf32>, vector<256x256xf32>, vector<12x256xf32> -> vector<12x256xf32>
    %mul3A_128 = vector.broadcast %div3A_98 : vector<1x256xf32> to vector<12x256xf32>
    %mul3A_129 = arith.mulf %dot_general3A_127, %mul3A_128 : vector<12x256xf32>
    %swap3A = arith.constant 0 : index
    %swap3A_130 = arith.constant 0 : index
    %swap3A_131 = arith.constant 0 : index
    %swap3A_132 = vector.load %arg10[%swap3A, %swap3A_130, %swap3A_131] : memref<12x6x256xf32, #tpu.memory_space<vmem>>, vector<12x1x256xf32>
    %swap3A_133 = vector.shape_cast %swap3A_132 : vector<12x1x256xf32> to vector<12x256xf32>
    %swap3A_134 = vector.shape_cast %mul3A_129 : vector<12x256xf32> to vector<12x1x256xf32>
    tpu.vector_store %arg10[%swap3A, %swap3A_130, %swap3A_131], %swap3A_134 {strides = array<i32>} : memref<12x6x256xf32, #tpu.memory_space<vmem>>, vector<12x1x256xf32>,
    %get3A_135 = arith.constant 0 : index
    %get3A_136 = arith.constant 1 : index
    %get3A_137 = arith.constant 0 : index
    %get3A_138 = vector.load %arg0[%get3A_135, %get3A_136, %get3A_137] : memref<12x6x256xf32, #tpu.memory_space<vmem>>, vector<12x1x256xf32>
    %get3A_139 = vector.shape_cast %get3A_138 : vector<12x1x256xf32> to vector<12x256xf32>
    %get3A_140 = arith.constant 1 : index
    %get3A_141 = arith.constant 0 : index
    %get3A_142 = arith.constant 0 : index
    %get3A_143 = vector.load %arg1[%get3A_140, %get3A_141, %get3A_142] : memref<6x256x256xf32, #tpu.memory_space<vmem>>, vector<1x256x256xf32>
    %get3A_144 = vector.shape_cast %get3A_143 : vector<1x256x256xf32> to vector<256x256xf32>
    %get3A_145 = arith.constant 1 : index
    %get3A_146 = arith.constant 0 : index
    %get3A_147 = arith.constant 0 : index
    %get3A_148 = vector.load %arg2[%get3A_145, %get3A_146, %get3A_147] : memref<6x256x256xf32, #tpu.memory_space<vmem>>, vector<1x256x256xf32>
    %get3A_149 = vector.shape_cast %get3A_148 : vector<1x256x256xf32> to vector<256x256xf32>
    %get3A_150 = arith.constant 1 : index
    %get3A_151 = arith.constant 0 : index
    %get3A_152 = arith.constant 0 : index
    %get3A_153 = vector.load %arg3[%get3A_150, %get3A_151, %get3A_152] : memref<6x256x256xf32, #tpu.memory_space<vmem>>, vector<1x256x256xf32>
    %get3A_154 = vector.shape_cast %get3A_153 : vector<1x256x256xf32> to vector<256x256xf32>
    %dot_general3A_155 = arith.constant dense<0.000000e+00> : vector<256x12xf32>
    %dot_general3A_156 = tpu.matmul %get3A_144, %get3A_139, %dot_general3A_155 {dimension_numbers = #tpu.dot_dimension_numbers<[1], [1], [0], [0], [0, 0, 1, 0], [], []>, transpose_lhs_hint = false} : vector<256x256xf32>, vector<12x256xf32>, vector<256x12xf32> -> vector<256x12xf32>
    %mul3A_157 = vector.broadcast %div3A_95 : vector<256x1xf32> to vector<256x12xf32>
    %mul3A_158 = arith.mulf %dot_general3A_156, %mul3A_157 : vector<256x12xf32>
    %dot_general3A_159 = arith.constant dense<0.000000e+00> : vector<256x12xf32>
    %dot_general3A_160 = tpu.matmul %get3A_149, %mul3A_158, %dot_general3A_159 {dimension_numbers = #tpu.dot_dimension_numbers<[1], [0], [0], [1], [0, 0, 1, 1], [], []>, transpose_lhs_hint = false} : vector<256x256xf32>, vector<256x12xf32>, vector<256x12xf32> -> vector<256x12xf32>
    %mul3A_161 = vector.broadcast %sub3A_42 : vector<256x1xf32> to vector<256x12xf32>
    %mul3A_162 = arith.mulf %dot_general3A_160, %mul3A_161 : vector<256x12xf32>
    %dot_general3A_163 = arith.constant dense<0.000000e+00> : vector<12x256xf32>
    %dot_general3A_164 = tpu.matmul %mul3A_162, %get3A_154, %dot_general3A_163 {dimension_numbers = #tpu.dot_dimension_numbers<[0], [1], [1], [0], [0, 1, 1, 0], [], []>, transpose_lhs_hint = false} : vector<256x12xf32>, vector<256x256xf32>, vector<12x256xf32> -> vector<12x256xf32>
    %mul3A_165 = vector.broadcast %div3A_98 : vector<1x256xf32> to vector<12x256xf32>
    %mul3A_166 = arith.mulf %dot_general3A_164, %mul3A_165 : vector<12x256xf32>
    %swap3A_167 = arith.constant 0 : index
    %swap3A_168 = arith.constant 1 : index
    %swap3A_169 = arith.constant 0 : index
    %swap3A_170 = vector.load %arg10[%swap3A_167, %swap3A_168, %swap3A_169] : memref<12x6x256xf32, #tpu.memory_space<vmem>>, vector<12x1x256xf32>
    %swap3A_171 = vector.shape_cast %swap3A_170 : vector<12x1x256xf32> to vector<12x256xf32>
    %swap3A_172 = vector.shape_cast %mul3A_166 : vector<12x256xf32> to vector<12x1x256xf32>
    tpu.vector_store %arg10[%swap3A_167, %swap3A_168, %swap3A_169], %swap3A_172 {strides = array<i32>} : memref<12x6x256xf32, #tpu.memory_space<vmem>>, vector<12x1x256xf32>,
    %get3A_173 = arith.constant 0 : index
    %get3A_174 = arith.constant 2 : index
    %get3A_175 = arith.constant 0 : index
    %get3A_176 = vector.load %arg0[%get3A_173, %get3A_174, %get3A_175] : memref<12x6x256xf32, #tpu.memory_space<vmem>>, vector<12x1x256xf32>
    %get3A_177 = vector.shape_cast %get3A_176 : vector<12x1x256xf32> to vector<12x256xf32>
    %get3A_178 = arith.constant 2 : index
    %get3A_179 = arith.constant 0 : index
    %get3A_180 = arith.constant 0 : index
    %get3A_181 = vector.load %arg1[%get3A_178, %get3A_179, %get3A_180] : memref<6x256x256xf32, #tpu.memory_space<vmem>>, vector<1x256x256xf32>
    %get3A_182 = vector.shape_cast %get3A_181 : vector<1x256x256xf32> to vector<256x256xf32>
    %get3A_183 = arith.constant 2 : index
    %get3A_184 = arith.constant 0 : index
    %get3A_185 = arith.constant 0 : index
    %get3A_186 = vector.load %arg2[%get3A_183, %get3A_184, %get3A_185] : memref<6x256x256xf32, #tpu.memory_space<vmem>>, vector<1x256x256xf32>
    %get3A_187 = vector.shape_cast %get3A_186 : vector<1x256x256xf32> to vector<256x256xf32>
    %get3A_188 = arith.constant 2 : index
    %get3A_189 = arith.constant 0 : index
    %get3A_190 = arith.constant 0 : index
    %get3A_191 = vector.load %arg3[%get3A_188, %get3A_189, %get3A_190] : memref<6x256x256xf32, #tpu.memory_space<vmem>>, vector<1x256x256xf32>
    %get3A_192 = vector.shape_cast %get3A_191 : vector<1x256x256xf32> to vector<256x256xf32>
    %dot_general3A_193 = arith.constant dense<0.000000e+00> : vector<256x12xf32>
    %dot_general3A_194 = tpu.matmul %get3A_182, %get3A_177, %dot_general3A_193 {dimension_numbers = #tpu.dot_dimension_numbers<[1], [1], [0], [0], [0, 0, 1, 0], [], []>, transpose_lhs_hint = false} : vector<256x256xf32>, vector<12x256xf32>, vector<256x12xf32> -> vector<256x12xf32>
    %mul3A_195 = vector.broadcast %div3A_95 : vector<256x1xf32> to vector<256x12xf32>
    %mul3A_196 = arith.mulf %dot_general3A_194, %mul3A_195 : vector<256x12xf32>
    %dot_general3A_197 = arith.constant dense<0.000000e+00> : vector<256x12xf32>
    %dot_general3A_198 = tpu.matmul %get3A_187, %mul3A_196, %dot_general3A_197 {dimension_numbers = #tpu.dot_dimension_numbers<[1], [0], [0], [1], [0, 0, 1, 1], [], []>, transpose_lhs_hint = false} : vector<256x256xf32>, vector<256x12xf32>, vector<256x12xf32> -> vector<256x12xf32>
    %mul3A_199 = vector.broadcast %sub3A_42 : vector<256x1xf32> to vector<256x12xf32>
    %mul3A_200 = arith.mulf %dot_general3A_198, %mul3A_199 : vector<256x12xf32>
    %dot_general3A_201 = arith.constant dense<0.000000e+00> : vector<12x256xf32>
    %dot_general3A_202 = tpu.matmul %mul3A_200, %get3A_192, %dot_general3A_201 {dimension_numbers = #tpu.dot_dimension_numbers<[0], [1], [1], [0], [0, 1, 1, 0], [], []>, transpose_lhs_hint = false} : vector<256x12xf32>, vector<256x256xf32>, vector<12x256xf32> -> vector<12x256xf32>
    %mul3A_203 = vector.broadcast %div3A_98 : vector<1x256xf32> to vector<12x256xf32>
    %mul3A_204 = arith.mulf %dot_general3A_202, %mul3A_203 : vector<12x256xf32>
    %swap3A_205 = arith.constant 0 : index
    %swap3A_206 = arith.constant 2 : index
    %swap3A_207 = arith.constant 0 : index
    %swap3A_208 = vector.load %arg10[%swap3A_205, %swap3A_206, %swap3A_207] : memref<12x6x256xf32, #tpu.memory_space<vmem>>, vector<12x1x256xf32>
    %swap3A_209 = vector.shape_cast %swap3A_208 : vector<12x1x256xf32> to vector<12x256xf32>
    %swap3A_210 = vector.shape_cast %mul3A_204 : vector<12x256xf32> to vector<12x1x256xf32>
    tpu.vector_store %arg10[%swap3A_205, %swap3A_206, %swap3A_207], %swap3A_210 {strides = array<i32>} : memref<12x6x256xf32, #tpu.memory_space<vmem>>, vector<12x1x256xf32>,
    %get3A_211 = arith.constant 0 : index
    %get3A_212 = arith.constant 3 : index
    %get3A_213 = arith.constant 0 : index
    %get3A_214 = vector.load %arg0[%get3A_211, %get3A_212, %get3A_213] : memref<12x6x256xf32, #tpu.memory_space<vmem>>, vector<12x1x256xf32>
    %get3A_215 = vector.shape_cast %get3A_214 : vector<12x1x256xf32> to vector<12x256xf32>
    %get3A_216 = arith.constant 3 : index
    %get3A_217 = arith.constant 0 : index
    %get3A_218 = arith.constant 0 : index
    %get3A_219 = vector.load %arg1[%get3A_216, %get3A_217, %get3A_218] : memref<6x256x256xf32, #tpu.memory_space<vmem>>, vector<1x256x256xf32>
    %get3A_220 = vector.shape_cast %get3A_219 : vector<1x256x256xf32> to vector<256x256xf32>
    %get3A_221 = arith.constant 3 : index
    %get3A_222 = arith.constant 0 : index
    %get3A_223 = arith.constant 0 : index
    %get3A_224 = vector.load %arg2[%get3A_221, %get3A_222, %get3A_223] : memref<6x256x256xf32, #tpu.memory_space<vmem>>, vector<1x256x256xf32>
    %get3A_225 = vector.shape_cast %get3A_224 : vector<1x256x256xf32> to vector<256x256xf32>
    %get3A_226 = arith.constant 3 : index
    %get3A_227 = arith.constant 0 : index
    %get3A_228 = arith.constant 0 : index
    %get3A_229 = vector.load %arg3[%get3A_226, %get3A_227, %get3A_228] : memref<6x256x256xf32, #tpu.memory_space<vmem>>, vector<1x256x256xf32>
    %get3A_230 = vector.shape_cast %get3A_229 : vector<1x256x256xf32> to vector<256x256xf32>
    %dot_general3A_231 = arith.constant dense<0.000000e+00> : vector<256x12xf32>
    %dot_general3A_232 = tpu.matmul %get3A_220, %get3A_215, %dot_general3A_231 {dimension_numbers = #tpu.dot_dimension_numbers<[1], [1], [0], [0], [0, 0, 1, 0], [], []>, transpose_lhs_hint = false} : vector<256x256xf32>, vector<12x256xf32>, vector<256x12xf32> -> vector<256x12xf32>
    %mul3A_233 = vector.broadcast %div3A_95 : vector<256x1xf32> to vector<256x12xf32>
    %mul3A_234 = arith.mulf %dot_general3A_232, %mul3A_233 : vector<256x12xf32>
    %dot_general3A_235 = arith.constant dense<0.000000e+00> : vector<256x12xf32>
    %dot_general3A_236 = tpu.matmul %get3A_225, %mul3A_234, %dot_general3A_235 {dimension_numbers = #tpu.dot_dimension_numbers<[1], [0], [0], [1], [0, 0, 1, 1], [], []>, transpose_lhs_hint = false} : vector<256x256xf32>, vector<256x12xf32>, vector<256x12xf32> -> vector<256x12xf32>
    %mul3A_237 = vector.broadcast %sub3A_42 : vector<256x1xf32> to vector<256x12xf32>
    %mul3A_238 = arith.mulf %dot_general3A_236, %mul3A_237 : vector<256x12xf32>
    %dot_general3A_239 = arith.constant dense<0.000000e+00> : vector<12x256xf32>
    %dot_general3A_240 = tpu.matmul %mul3A_238, %get3A_230, %dot_general3A_239 {dimension_numbers = #tpu.dot_dimension_numbers<[0], [1], [1], [0], [0, 1, 1, 0], [], []>, transpose_lhs_hint = false} : vector<256x12xf32>, vector<256x256xf32>, vector<12x256xf32> -> vector<12x256xf32>
    %mul3A_241 = vector.broadcast %div3A_98 : vector<1x256xf32> to vector<12x256xf32>
    %mul3A_242 = arith.mulf %dot_general3A_240, %mul3A_241 : vector<12x256xf32>
    %swap3A_243 = arith.constant 0 : index
    %swap3A_244 = arith.constant 3 : index
    %swap3A_245 = arith.constant 0 : index
    %swap3A_246 = vector.load %arg10[%swap3A_243, %swap3A_244, %swap3A_245] : memref<12x6x256xf32, #tpu.memory_space<vmem>>, vector<12x1x256xf32>
    %swap3A_247 = vector.shape_cast %swap3A_246 : vector<12x1x256xf32> to vector<12x256xf32>
    %swap3A_248 = vector.shape_cast %mul3A_242 : vector<12x256xf32> to vector<12x1x256xf32>
    tpu.vector_store %arg10[%swap3A_243, %swap3A_244, %swap3A_245], %swap3A_248 {strides = array<i32>} : memref<12x6x256xf32, #tpu.memory_space<vmem>>, vector<12x1x256xf32>,
    %get3A_249 = arith.constant 0 : index
    %get3A_250 = arith.constant 4 : index
    %get3A_251 = arith.constant 0 : index
    %get3A_252 = vector.load %arg0[%get3A_249, %get3A_250, %get3A_251] : memref<12x6x256xf32, #tpu.memory_space<vmem>>, vector<12x1x256xf32>
    %get3A_253 = vector.shape_cast %get3A_252 : vector<12x1x256xf32> to vector<12x256xf32>
    %get3A_254 = arith.constant 4 : index
    %get3A_255 = arith.constant 0 : index
    %get3A_256 = arith.constant 0 : index
    %get3A_257 = vector.load %arg1[%get3A_254, %get3A_255, %get3A_256] : memref<6x256x256xf32, #tpu.memory_space<vmem>>, vector<1x256x256xf32>
    %get3A_258 = vector.shape_cast %get3A_257 : vector<1x256x256xf32> to vector<256x256xf32>
    %get3A_259 = arith.constant 4 : index
    %get3A_260 = arith.constant 0 : index
    %get3A_261 = arith.constant 0 : index
    %get3A_262 = vector.load %arg2[%get3A_259, %get3A_260, %get3A_261] : memref<6x256x256xf32, #tpu.memory_space<vmem>>, vector<1x256x256xf32>
    %get3A_263 = vector.shape_cast %get3A_262 : vector<1x256x256xf32> to vector<256x256xf32>
    %get3A_264 = arith.constant 4 : index
    %get3A_265 = arith.constant 0 : index
    %get3A_266 = arith.constant 0 : index
    %get3A_267 = vector.load %arg3[%get3A_264, %get3A_265, %get3A_266] : memref<6x256x256xf32, #tpu.memory_space<vmem>>, vector<1x256x256xf32>
    %get3A_268 = vector.shape_cast %get3A_267 : vector<1x256x256xf32> to vector<256x256xf32>
    %dot_general3A_269 = arith.constant dense<0.000000e+00> : vector<256x12xf32>
    %dot_general3A_270 = tpu.matmul %get3A_258, %get3A_253, %dot_general3A_269 {dimension_numbers = #tpu.dot_dimension_numbers<[1], [1], [0], [0], [0, 0, 1, 0], [], []>, transpose_lhs_hint = false} : vector<256x256xf32>, vector<12x256xf32>, vector<256x12xf32> -> vector<256x12xf32>
    %mul3A_271 = vector.broadcast %div3A_95 : vector<256x1xf32> to vector<256x12xf32>
    %mul3A_272 = arith.mulf %dot_general3A_270, %mul3A_271 : vector<256x12xf32>
    %dot_general3A_273 = arith.constant dense<0.000000e+00> : vector<256x12xf32>
    %dot_general3A_274 = tpu.matmul %get3A_263, %mul3A_272, %dot_general3A_273 {dimension_numbers = #tpu.dot_dimension_numbers<[1], [0], [0], [1], [0, 0, 1, 1], [], []>, transpose_lhs_hint = false} : vector<256x256xf32>, vector<256x12xf32>, vector<256x12xf32> -> vector<256x12xf32>
    %mul3A_275 = vector.broadcast %sub3A_42 : vector<256x1xf32> to vector<256x12xf32>
    %mul3A_276 = arith.mulf %dot_general3A_274, %mul3A_275 : vector<256x12xf32>
    %dot_general3A_277 = arith.constant dense<0.000000e+00> : vector<12x256xf32>
    %dot_general3A_278 = tpu.matmul %mul3A_276, %get3A_268, %dot_general3A_277 {dimension_numbers = #tpu.dot_dimension_numbers<[0], [1], [1], [0], [0, 1, 1, 0], [], []>, transpose_lhs_hint = false} : vector<256x12xf32>, vector<256x256xf32>, vector<12x256xf32> -> vector<12x256xf32>
    %mul3A_279 = vector.broadcast %div3A_98 : vector<1x256xf32> to vector<12x256xf32>
    %mul3A_280 = arith.mulf %dot_general3A_278, %mul3A_279 : vector<12x256xf32>
    %swap3A_281 = arith.constant 0 : index
    %swap3A_282 = arith.constant 4 : index
    %swap3A_283 = arith.constant 0 : index
    %swap3A_284 = vector.load %arg10[%swap3A_281, %swap3A_282, %swap3A_283] : memref<12x6x256xf32, #tpu.memory_space<vmem>>, vector<12x1x256xf32>
    %swap3A_285 = vector.shape_cast %swap3A_284 : vector<12x1x256xf32> to vector<12x256xf32>
    %swap3A_286 = vector.shape_cast %mul3A_280 : vector<12x256xf32> to vector<12x1x256xf32>
    tpu.vector_store %arg10[%swap3A_281, %swap3A_282, %swap3A_283], %swap3A_286 {strides = array<i32>} : memref<12x6x256xf32, #tpu.memory_space<vmem>>, vector<12x1x256xf32>,
    %get3A_287 = arith.constant 0 : index
    %get3A_288 = arith.constant 5 : index
    %get3A_289 = arith.constant 0 : index
    %get3A_290 = vector.load %arg0[%get3A_287, %get3A_288, %get3A_289] : memref<12x6x256xf32, #tpu.memory_space<vmem>>, vector<12x1x256xf32>
    %get3A_291 = vector.shape_cast %get3A_290 : vector<12x1x256xf32> to vector<12x256xf32>
    %get3A_292 = arith.constant 5 : index
    %get3A_293 = arith.constant 0 : index
    %get3A_294 = arith.constant 0 : index
    %get3A_295 = vector.load %arg1[%get3A_292, %get3A_293, %get3A_294] : memref<6x256x256xf32, #tpu.memory_space<vmem>>, vector<1x256x256xf32>
    %get3A_296 = vector.shape_cast %get3A_295 : vector<1x256x256xf32> to vector<256x256xf32>
    %get3A_297 = arith.constant 5 : index
    %get3A_298 = arith.constant 0 : index
    %get3A_299 = arith.constant 0 : index
    %get3A_300 = vector.load %arg2[%get3A_297, %get3A_298, %get3A_299] : memref<6x256x256xf32, #tpu.memory_space<vmem>>, vector<1x256x256xf32>
    %get3A_301 = vector.shape_cast %get3A_300 : vector<1x256x256xf32> to vector<256x256xf32>
    %get3A_302 = arith.constant 5 : index
    %get3A_303 = arith.constant 0 : index
    %get3A_304 = arith.constant 0 : index
    %get3A_305 = vector.load %arg3[%get3A_302, %get3A_303, %get3A_304] : memref<6x256x256xf32, #tpu.memory_space<vmem>>, vector<1x256x256xf32>
    %get3A_306 = vector.shape_cast %get3A_305 : vector<1x256x256xf32> to vector<256x256xf32>
    %dot_general3A_307 = arith.constant dense<0.000000e+00> : vector<256x12xf32>
    %dot_general3A_308 = tpu.matmul %get3A_296, %get3A_291, %dot_general3A_307 {dimension_numbers = #tpu.dot_dimension_numbers<[1], [1], [0], [0], [0, 0, 1, 0], [], []>, transpose_lhs_hint = false} : vector<256x256xf32>, vector<12x256xf32>, vector<256x12xf32> -> vector<256x12xf32>
    %mul3A_309 = vector.broadcast %div3A_95 : vector<256x1xf32> to vector<256x12xf32>
    %mul3A_310 = arith.mulf %dot_general3A_308, %mul3A_309 : vector<256x12xf32>
    %dot_general3A_311 = arith.constant dense<0.000000e+00> : vector<256x12xf32>
    %dot_general3A_312 = tpu.matmul %get3A_301, %mul3A_310, %dot_general3A_311 {dimension_numbers = #tpu.dot_dimension_numbers<[1], [0], [0], [1], [0, 0, 1, 1], [], []>, transpose_lhs_hint = false} : vector<256x256xf32>, vector<256x12xf32>, vector<256x12xf32> -> vector<256x12xf32>
    %mul3A_313 = vector.broadcast %sub3A_42 : vector<256x1xf32> to vector<256x12xf32>
    %mul3A_314 = arith.mulf %dot_general3A_312, %mul3A_313 : vector<256x12xf32>
    %dot_general3A_315 = arith.constant dense<0.000000e+00> : vector<12x256xf32>
    %dot_general3A_316 = tpu.matmul %mul3A_314, %get3A_306, %dot_general3A_315 {dimension_numbers = #tpu.dot_dimension_numbers<[0], [1], [1], [0], [0, 1, 1, 0], [], []>, transpose_lhs_hint = false} : vector<256x12xf32>, vector<256x256xf32>, vector<12x256xf32> -> vector<12x256xf32>
    %mul3A_317 = vector.broadcast %div3A_98 : vector<1x256xf32> to vector<12x256xf32>
    %mul3A_318 = arith.mulf %dot_general3A_316, %mul3A_317 : vector<12x256xf32>
    %swap3A_319 = arith.constant 0 : index
    %swap3A_320 = arith.constant 5 : index
    %swap3A_321 = arith.constant 0 : index
    %swap3A_322 = vector.load %arg10[%swap3A_319, %swap3A_320, %swap3A_321] : memref<12x6x256xf32, #tpu.memory_space<vmem>>, vector<12x1x256xf32>
    %swap3A_323 = vector.shape_cast %swap3A_322 : vector<12x1x256xf32> to vector<12x256xf32>
    %swap3A_324 = vector.shape_cast %mul3A_318 : vector<12x256xf32> to vector<12x1x256xf32>
    tpu.vector_store %arg10[%swap3A_319, %swap3A_320, %swap3A_321], %swap3A_324 {strides = array<i32>} : memref<12x6x256xf32, #tpu.memory_space<vmem>>, vector<12x1x256xf32>,
    %swap3A_325 = arith.constant 0 : index
    %swap3A_326 = arith.constant 0 : index
    %swap3A_327 = vector.load %arg11[%swap3A_325, %swap3A_326] : memref<1x256xf32, #tpu.memory_space<vmem>>, vector<1x256xf32>
    tpu.vector_store %arg11[%swap3A_325, %swap3A_326], %sub3A_70 {strides = array<i32>} : memref<1x256xf32, #tpu.memory_space<vmem>>, vector<1x256xf32>,
    %swap3A_328 = arith.constant 0 : index
    %swap3A_329 = arith.constant 0 : index
    %swap3A_330 = vector.load %arg12[%swap3A_328, %swap3A_329] : memref<1x256xf32, #tpu.memory_space<vmem>>, vector<1x256xf32>
    tpu.vector_store %arg12[%swap3A_328, %swap3A_329], %sub3A_93 {strides = array<i32>} : memref<1x256xf32, #tpu.memory_space<vmem>>, vector<1x256xf32>,
    return
  }
}

</mosaic_0001>

<sc_bundles>
// kernel: kernel.10.cloned.1.call-start
scs
__scs_entry_jumppad:
0x0: {  	(pc) =	sbr.rel $0x88, $3  }
0x1: {  	(tag) =	ssettag $0x0;
	lr =	simm.s32 $0x1  }
0x2: {  	[smem:$0x3F91] =	sst lr;
	_ =	strace $0xD0000000  }
0x3: {  	_ = 	snop  }
0x4: {  	_ = 	snop  }
0x5: {  	_ = 	snop  }
0x6: {  	_ = 	snop  }
0x7: {  	_ = 	snop  }
__scs_overlays_trampoline_lowered:
0x8: {  	[smem:$0x3FA0] =	sst s0  }
0x9: {  	[smem:$0x3FA1] =	sst s1  }
0xa: {  	[smem:$0x3FA2] =	sst s2  }
0xb: {  	[smem:$0x3FA3] =	sst s3  }
0xc: {  	[smem:$0x3FA4] =	sst s4  }
0xd: {  	[smem:$0x3FA5] =	sst s5  }
0xe: {  	[smem:$0x3FA6] =	sst s6  }
0xf: {  	[smem:$0x3FA7] =	sst s7  }
0x10: {  	[smem:$0x3FA8] =	sst s8  }
0x11: {  	[smem:$0x3FA9] =	sst s9;
	s0 =	simm.s32 @!p0 $0x0  }
0x12: {  	s1 =	sld [smem:$0x3F8F];
	s0 =	simm.s32 @p0 $0x1  }
0x13: {  	[smem:$0x3FAA] =	sst s0;
	s0 =	simm.s32 @!p1 $0x0  }
0x14: {  	s2 =	sld [smem:$0x3F8E];
	s0 =	simm.s32 @p1 $0x1  }
0x15: {  	[smem:$0x3FAB] =	sst s0;
	s0 =	simm.s32 @!p2 $0x0  }
0x16: {  	s3 =	sld [smem:$0x3FDB];
	s0 =	simm.s32 @p2 $0x1  }
0x17: {  	s4 =	simm.s32 $0x1BF5;
	[smem:$0x3FAD] =	sst s0  }
0x18: {  	s0 =	sld [smem:$0x3F90];
	_ =	swait.ge [sflag:s4], $0x0  }
0x19: {  	s7 =	sld [smem:$0x3F91]  }
0x1a: {  	s8 =	sadd.s32 $0xFFFFE003, lr  }
0x1b: {  	s9 =	sadd.s32 $0xFFFFFEF7, lr;
	s5 =	simm.s32 $0xFFFFFFFF;
	p2 =	slt.u32 s8, $0xFFFFF086  }
0x1c: {  	p1 =	slt.u32 s9, $0xF7A;
	s5 =	simm.s32 @!p2 $0x0  }
0x1d: {  	s5 =	simm.s32 @p1 $0x1;
	p0 =	seq.s32 s7, s2  }
0x1e: {  	s7 =	smul.u32 @!p0 $0xF7A, s2;
	p2 =	seq.s32 @!p0 s5, $0x0  }
0x1f: {  	s9 =	smul.u32 $0xF7A, s1;
	s8 =	simm.s32 @!p0 $0x1BF5;
	p2 =	por !p2, p0  }
0x20: {  	[sflag:s8] =	ssyncset.s32 @!p0 $0xFFFFF086;
	s6 =	sadd.s32 @!p0 s3, s7;
	s7 =	simm.s32 @!p0 $0x108  }
0x21: {  	s3 =	sadd.s32 s3, s9;
	s6 =	sadd.s32 @!p0 $0x88, s6;
	s7 =	simm.s32 @p2 $0x1082  }
0x22: {  	[simem:s7], [sflag:s8] =	dma.local @!p0 [hbm:s6], $0xF7A  }
0x23: {  	s9 =	sor.u32 $0xD0000000, s2;
	s6 =	simm.s32 $0x108;
	_ =	swait.ge @!p0 [sflag:s8], $0x0  }
0x24: {  	s3 =	sadd.s32 $0x88, s3;
	s6 =	simm.s32 @!p1 $0x1082;
	[sflag:s4] =	ssyncset.s32 $0xFFFFF086  }
0x25: {  	[simem:s6], [sflag:s4] =	dma.local [hbm:s3], $0xF7A  }
0x26: {  	[smem:$0x3F91] =	sst s1;
	(tag) =	ssettag s2;
	_ =	strace s9  }
0x27: {  	s1 =	sld [smem:$0x3FA1]  }
0x28: {  	s2 =	sld [smem:$0x3FA2]  }
0x29: {  	s4 =	sld [smem:$0x3FA4]  }
0x2a: {  	p0 =	seq.s32 s5, $0x0;
	s5 =	sld [smem:$0x3FA5]  }
0x2b: {  	s6 =	sld [smem:$0x3FA6]  }
0x2c: {  	s7 =	sld [smem:$0x3FA7]  }
0x2d: {  	s3 =	simm.s32 $0x108;
	s8 =	sld [smem:$0x3FA8]  }
0x2e: {  	s3 =	simm.s32 @!p0 $0x1082;
	s9 =	sld [smem:$0x3FA9]  }
0x2f: {  	lr =	sadd.s32 s0, s3;
	s0 =	sld [smem:$0x3FA0]  }
0x30: {  	s3 =	sld [smem:$0x3FA3]  }
0x31: {  	[smem:$0x3FAC] =	sst s10  }
0x32: {  	s10 =	sld [smem:$0x3FAA];
	_ =	sdelay $0x3  }
0x33: {  	p0 =	seq.s32 s10, $0x1;
	s10 =	sld [smem:$0x3FAC];
	_ =	sdelay $0x3  }
0x34: {  	[smem:$0x3FAC] =	sst s10  }
0x35: {  	s10 =	sld [smem:$0x3FAB];
	_ =	sdelay $0x3  }
0x36: {  	p1 =	seq.s32 s10, $0x1;
	s10 =	sld [smem:$0x3FAC];
	_ =	sdelay $0x3  }
0x37: {  	[smem:$0x3FAC] =	sst s10  }
0x38: {  	s10 =	sld [smem:$0x3FAD]  }
0x39: {  	_ = 	snop;
	(pc) =	sbr.ind lr, $3  }
0x3a: {  	_ = 	snop  }
0x3b: {  	_ = 	snop  }
0x3c: {  	p2 =	seq.s32 s10, $0x1;
	s10 =	sld [smem:$0x3FAC]  }
0x3d: {  	_ =	shalt  }
0x3e: {  	_ =	shalt  }
0x3f: {  	_ =	shalt  }
0x40: {  	_ =	shalt  }
0x41: {  	_ =	shalt  }
0x42: {  	_ =	shalt  }
0x43: {  	_ =	shalt  }
0x44: {  	_ =	shalt  }
0x45: {  	_ =	shalt  }
0x46: {  	_ =	shalt  }
0x47: {  	_ =	shalt  }
0x48: {  	_ =	shalt  }
0x49: {  	_ =	shalt  }
0x4a: {  	_ =	shalt  }
0x4b: {  	_ =	shalt  }
0x4c: {  	_ =	shalt  }
0x4d: {  	_ =	shalt  }
0x4e: {  	_ =	shalt  }
0x4f: {  	_ =	shalt  }
0x50: {  	_ =	shalt  }
0x51: {  	_ =	shalt  }
0x52: {  	_ =	shalt  }
0x53: {  	_ =	shalt  }
0x54: {  	_ =	shalt  }
0x55: {  	_ =	shalt  }
0x56: {  	_ =	shalt  }
0x57: {  	_ =	shalt  }
0x58: {  	_ =	shalt  }
0x59: {  	_ =	shalt  }
0x5a: {  	_ =	shalt  }
0x5b: {  	_ =	shalt  }
0x5c: {  	_ =	shalt  }
0x5d: {  	_ =	shalt  }
0x5e: {  	_ =	shalt  }
0x5f: {  	_ =	shalt  }
0x60: {  	_ =	shalt  }
0x61: {  	_ =	shalt  }
0x62: {  	_ =	shalt  }
0x63: {  	_ =	shalt  }
0x64: {  	_ =	shalt  }
0x65: {  	_ =	shalt  }
0x66: {  	_ =	shalt  }
0x67: {  	_ =	shalt  }
0x68: {  	_ =	shalt  }
0x69: {  	_ =	shalt  }
0x6a: {  	_ =	shalt  }
0x6b: {  	_ =	shalt  }
0x6c: {  	_ =	shalt  }
0x6d: {  	_ =	shalt  }
0x6e: {  	_ =	shalt  }
0x6f: {  	_ =	shalt  }
0x70: {  	_ =	shalt  }
0x71: {  	_ =	shalt  }
0x72: {  	_ =	shalt  }
0x73: {  	_ =	shalt  }
0x74: {  	_ =	shalt  }
0x75: {  	_ =	shalt  }
0x76: {  	_ =	shalt  }
0x77: {  	_ =	shalt  }
0x78: {  	_ =	shalt  }
0x79: {  	_ =	shalt  }
0x7a: {  	_ =	shalt  }
0x7b: {  	_ =	shalt  }
0x7c: {  	_ =	shalt  }
0x7d: {  	_ =	shalt  }
0x7e: {  	_ =	shalt  }
0x7f: {  	_ =	shalt  }
0x80: {  	_ =	shalt  }
0x81: {  	_ =	shalt  }
0x82: {  	_ =	shalt  }
0x83: {  	_ =	shalt  }
0x84: {  	_ =	shalt  }
0x85: {  	_ =	shalt  }
0x86: {  	_ =	shalt  }
0x87: {  	_ =	shalt  }
.Lfunc_end0:
.L_simem_size_0:
called_computation.1_lowered:
.L_overlay_start_0:
0x88: {  	s2 =	sld [smem:$0x3FD9]  }
0x89: {  	s3 =	sld [smem:$0x3FFE];
	_ =	sdelay $0x1  }
0x8a: {  	s1 =	srdreg.scid  }
0x8b: {  	s0 =	sand.u32 $0x1, s1  }
0x8c: {  	s13 =	sshll.u32 s0, $0xA;
	s2 =	sadd.s32 s3, s2  }
0x8d: {  	s2 =	sadd.s32 s2, s13  }
0x8e: {  	[smem:$0x3FB8] =	sst s2  }
0x8f: {  	_ = 	snop  }
0x90: {  	s2 =	sld [smem:$0x3FD0];
	_ =	sdelay $0x3  }
0x91: {  	s4 =	simm.s32 $0xA;
	s5 =	simm.s32 $0x10;
	s14 =	sadd.s32 $0x1, s2  }
0x92: {  	[smem:s5], [sflag:s4] =	dma.local [hbm:s14], $0x1  }
0x93: {  	_ =	swait.eq [sflag:s4], $0x1  }
0x94: {  	[sflag:s4] =	ssyncset.done $0x0  }
0x95: {  	s15 =	sld [smem:$0x10];
	[sflag:s4] =	ssyncadd.s32 $0xFFFFFFFF  }
0x96: {  	s6 =	sld [smem:$0x11]  }
0x97: {  	[smem:s5], [sflag:s4] =	dma.local [hbm:s2], $0x1  }
0x98: {  	_ =	swait.eq [sflag:s4], $0x1  }
0x99: {  	[sflag:s4] =	ssyncset.done $0x0  }
0x9a: {  	s16 =	sld [smem:$0x10];
	[sflag:s4] =	ssyncadd.s32 $0xFFFFFFFF  }
0x9b: {  	s17 =	sld [smem:$0x17];
	(tm) =	ssettm $0x1  }
0x9c: {  	s18 =	sld [smem:$0x3FFB];
	_ =	sdelay $0x3  }
0x9d: {  	_ =	strace s18  }
0x9e: {  	s5 =	sld [smem:$0x3FFC];
	_ =	sdelay $0x3  }
0x9f: {  	_ =	strace s5  }
0xa0: {  	s5 =	sld [smem:$0x3FFD];
	_ =	sdelay $0x3  }
0xa1: {  	_ =	strace s5  }
0xa2: {  	_ =	strace $0x8FFFFFFF  }
0xa3: {  	s19 =	sld [smem:$0x3FDB];
	_ =	sdelay $0x1  }
0xa4: {  	s7 =	simm.s32 $_scs_section_size  }
0xa5: {  	s8 =	simm.s32 $_size__tile_overlayer_lowered;
	s9 =	simm.s32 $_tile_overlayer_lowered  }
0xa6: {  	s22 =	simm.s32 $0x1BFF;
	s21 =	sshll.u32 s9, $0x1;
	s5 =	sadd.s32 s7, s19  }
0xa7: {  	s10 =	simm.s32 $0x0;
	s20 =	sshll.u32 s8, $0x1;
	s8 =	sadd.s32 s21, s5  }
0xa8: {  	[timem:s10], [sflag:s22] =	dma.local [hbm:s8], s20  }
0xa9: {  	_ =	swait.ge [sflag:s22], s20  }
0xaa: {  	s7 =	ssub.s32 $0x0, s20;
	[sflag:s22] =	ssyncset.done $0x0  }
0xab: {  	[sflag:s22] =	ssyncadd.s32 s7;
	_ =	sdelay $0x1  }
0xac: {  	s23 =	simm.s32 $0x1B8B  }
0xad: {  	_ =	swait.ge [sflag:s23], $0x1  }
0xae: {  	[sflag:s23] =	ssyncset.done $0x0  }
0xaf: {  	s25 =	simm.s32 $0x1B8E;
	s24 =	sld [smem:$0x3FFE];
	[sflag:s23] =	ssyncadd.s32 $0xFFFFFFFF  }
0xb0: {  	s26 =	simm.s32 $execute0_lowered;
	[smem:$0x3FD2] =	sst s25  }
0xb1: {  	s8 =	sshll.u32 s26, $0x1;
	_ =	strace $0x80000049;
	[dreg:$0x1] =	wrdreg $0xFFFFFFFF  }
0xb2: {  	s28 =	simm.s32 $_size_execute0_lowered;
	s5 =	sadd.s32 s5, s8;
	[dreg:$0x0] =	wrdreg $0x0  }
0xb3: {  	s8 =	sshll.u32 s28, $0x1;
	[dreg:$0x2] =	wrdreg s5  }
0xb4: {  	[dreg:$0x3] =	wrdreg s8  }
0xb5: {  	[dreg:$0x4] =	wrdreg $0xC0  }
0xb6: {  	_ =	task [dreg:s10], $0x5FFFF  }
0xb7: {  	[dreg:$0x1] =	wrdreg $0xFFFFFFFF  }
0xb8: {  	[dreg:$0x0] =	wrdreg $0x60  }
0xb9: {  	[dreg:$0x2] =	wrdreg s24  }
0xba: {  	[dreg:$0x3] =	wrdreg s16  }
0xbb: {  	[dreg:$0x4] =	wrdreg s6  }
0xbc: {  	[dreg:$0x5] =	wrdreg s15  }
0xbd: {  	[dreg:$0x6] =	wrdreg s17  }
0xbe: {  	[dreg:$0x7] =	wrdreg $0x9  }
0xbf: {  	_ =	task.clear_ibuf [dreg:s10], $0x8FFFF;
	_ =	strace $0x90000049  }
0xc0: {  	s29 =	simm.s32 $0x9;
	_ =	strace $0x8000004B  }
0xc1: {  	_ =	swait.ge [sflag:s29], $0x1  }
0xc2: {  	[sflag:s29] =	ssyncadd.s32 $0xFFFFFFFF  }
0xc3: {  	_ =	strace $0x9000004B  }
0xc4: {  	_ =	sfence  }
0xc5: {  	s30 =	sld [smem:$0x0];
	_ =	sdelay $0x2  }
0xc6: {  	s31 =	sshll.u32 s1, $0xD;
	s1 =	sshrl.u32 s1, $0x2  }
0xc7: {  	s3 =	sand.u32 $0x4000, s31;
	s1 =	sadd.s32 s1, s30  }
0xc8: {  	s0 =	sor.u32 s3, s0;
	s1 =	sshll.u32 s1, $0x11  }
0xc9: {  	s0 =	sor.u32 s1, s0  }
0xca: {  	s0 =	sadd.s32 $0x8F2B, s0  }
0xcb: {  	[sflag:s0] =	ssyncadd.remote.s32 $0x1  }
0xcc: {  	_ =	sfence.sel $0xFFFF  }
0xcd: {  	[dreg:$0x0] =	wrdreg $0xFFFFFFFF;
	(pc) =	sbr.abs _section_cstart, $3  }
0xce: {  	[dreg:$0x1] =	wrdreg $0xFFFFFFFF  }
0xcf: {  	_ =	task.clear_ibuf [dreg:s10], $0x2FFFF;
	_ =	strace $0x9FFFFFFF  }
0xd0: {  	(tm) =	ssettm $0x7FFFFFFF  }
0xd1: {  	_ =	shalt  }
tec
execute0_lowered:
.L_overlay_start_1:
0x0: {  	(tag) =	ssettag $0x1  }
0x1: {  	v0 =	vimm.s32 $0x87654321;
	v3 =	vimm.s32 $0x98765432;
	v4 =	vimm.s32 $0xFFFEDCBA  }
0x2: {  	vm0 =	vmmov $0x7fff;
	vm9 =	vcmask $0x1F00;
	v8 =	vimm.s32 $0xF0E0D0C  }
0x3: {  	v9 =	vimm.s32 $0xF0F0E0D;
	v1 =	vunpack.c.l.s4.s8 v0;
	v0 =	vimm.s32 $0xFFEDCBA9  }
0x4: {  	v3 =	vunpack.c.l.s4.s8 v3;
	v14 =	vunpack.c.0.s8.s32 v8;
	v8 =	vimm.s32 $0xDCBA9876  }
0x5: {  	v4 =	vunpack.c.l.s4.s8 v4;
	v2 =	vunpack.c.l.s4.s8 v0;
	v8 =	vunpack.c.l.s4.s8 v8  }
0x6: {  	v5 =	vunpack.c.0.s8.s32 v1;
	v1 =	vimm.s32 $0xA9876543;
	v6 =	vunpack.c.0.s8.s32 v3  }
0x7: {  	v12 =	vunpack.c.0.s8.s32 v4;
	v4 =	vimm.s32 $0x0;
	v11 =	vunpack.c.0.s8.s32 v2  }
0x8: {  	v7 =	vunpack.c.l.s4.s8 v1;
	v4 =	vsel vm0, $0xFFFFFFFF, v4;
	vm0 =	vmmov $0x3fff  }
0x9: {  	[tilespmem:$0x1FF60] =	vst v4;
	v4 =	vcombine.low v6, v12;
	v6 =	vimm.s32 $0x0;
	v3 =	vcombine.low v5, v11  }
0xa: {  	v5 =	vunpack.c.0.s8.s32 v7;
	v6 =	vsel vm0, $0xFFFFFFFF, v6;
	v7 =	vimm.s32 $0xE0D0C0B  }
0xb: {  	[tilespmem:$0x1FF70] =	vst v6;
	v6 =	vimm.s32 $0xBA987654;
	v13 =	vunpack.c.0.s8.s32 v7;
	v7 =	vimm.s32 $0xCBA98765  }
0xc: {  	s6 =	rddreg [dreg:$0x0];
	vm1 =	vmmov $0xfff;
	v6 =	vunpack.c.l.s4.s8 v6;
	v7 =	vunpack.c.l.s4.s8 v7  }
0xd: {  	s2 =	rddreg [dreg:$0x2];
	v16 =	vimm.s32 $0x0;
	v15 =	vunpack.c.0.s8.s32 v9;
	v8 =	vunpack.c.0.s8.s32 v8  }
0xe: {  	s0 =	srdreg.scid;
	s20 =	rddreg [dreg:$0x3];
	v16 =	vsel vm1, $0xFFFFFFFF, v16;
	v6 =	vunpack.c.0.s8.s32 v6;
	v7 =	vunpack.c.0.s8.s32 v7  }
0xf: {  	s1 =	stileid.u32;
	s21 =	rddreg [dreg:$0x4];
	s3 =	simm.s32 $0x0;
	vm0 =	vcmask $0x2F20;
	v8 =	vnsel vm9, $0xF, v8;
	v5 =	vnsel vm9, $0xF, v5  }
0x10: {  	s29 =	simm.s32 $0x4;
	s30 =	simm.s32 $0x6800;
	s31 =	simm.s32 $0x7000;
	v5 =	vsel vm0, v13, v5;
	v6 =	vnsel vm9, $0xF, v6;
	v7 =	vnsel vm9, $0xF, v7  }
0x11: {  	s28 =	simm.s32 $0x0;
	s4 =	sand.u32 $0x1, s0;
	[smem:$0x7FF] =	sst s3;
	v6 =	vsel vm0, v14, v6;
	v7 =	vsel vm0, v15, v7;
	vm0 =	vcmask $0x2320  }
0x12: {  	s19 =	sshll.u32 s1, $0x1;
	s7 =	sadd.s32 $0x2C00, s6;
	_ =	strace $0x8000004A;
	[tilespmem:$0x1FF80] =	vst v16;
	v16 =	vimm.s32 $0x0;
	v8 =	vsel vm0, $0xE, v8;
	vm0 =	vmmov $0x3ff  }
0x13: {  	vm15 =	vmmov $0x1fff;
	s8 =	sadd.s32 $0xEC00, s6;
	s9 =	sadd.s32 $0x2A00, s6;
	s5 =	sor.u32 s4, s19;
	v16 =	vsel vm0, $0xFFFFFFFF, v16  }
0x14: {  	v10 =	vimm.s32 $0xFEDCBA98;
	s22 =	sadd.s32 $0x2600, s6;
	s4 =	ssub.s32 $0x2, s4;
	s0 =	smul.u32 $0x30, s5;
	vm0 =	vmmov $0x7f;
	[tilespmem:$0x1FF90] =	vst v16;
	v16 =	vimm.s32 $0x0  }
0x15: {  	vm7 =	vmmov $0x7ff;
	s6 =	sadd.s32 $0x2800, s6;
	vm1 =	vmmov $0xf;
	s19 =	smul.u32 $0x600, s5;
	s23 =	sshrl.u32 s4, $0x1;
	v16 =	vsel vm0, $0xFFFFFFFF, v16  }
0x16: {  	s1 =	simm.s32 $0x2;
	s5 =	smul.u32 $0x3000, s5;
	s4 =	ssub.s32 s4, s23;
	v0 =	vmov s0;
	vm0 =	vcmask $0xF00;
	[tilespmem:$0x1FFA0] =	vst v16;
	v16 =	vimm.s32 $0x0  }
0x17: {  	s23 =	simm.s32 $0x3000;
	s0 =	sadd.s32 $0x30, s0;
	s24 =	sadd.s32 s7, s19;
	v13 =	vnsel vm0, $0xF, v13;
	v14 =	vnsel vm0, $0xF, v14;
	v16 =	vsel vm1, $0xFFFFFFFF, v16  }
0x18: {  	s5 =	sshrl.u32 s5, $0x3;
	s25 =	sadd.s32 s8, s19;
	s13 =	sadd.s32 s2, s19;
	v15 =	vnsel vm0, $0xF, v15;
	vm0 =	vmmov $0x7;
	[tilespmem:$0x1FFB0] =	vst v16;
	v16 =	vimm.s32 $0x0  }
0x19: {  	vm2 =	vmmov $0x1ff;
	vm6 =	vmmov $0xff;
	s16 =	sadd.s32 s20, s19;
	s19 =	sadd.s32 s21, s19;
	s26 =	sadd.s32 $0x200, s5;
	v16 =	vsel vm0, $0xFFFFFFFF, v16  }
0x1a: {  	v1 =	vmov s0;
	s5 =	sadd.s32 $0x400, s5;
	s0 =	simm.s32 $0x1;
	s10 =	sadd.s32 s8, s26;
	vm0 =	vcmask $0x300;
	[tilespmem:$0x1FFC0] =	vst v16;
	v16 =	vimm.s32 $0xF  }
0x1b: {  	v18 =	vimm.s32 $0x0;
	s11 =	sadd.s32 s7, s5;
	s12 =	sadd.s32 s8, s5;
	s14 =	sadd.s32 s2, s26;
	v17 =	vsel vm0, $0xE, v16;
	vm0 =	vmmov $0x3  }
0x1c: {  	v9 =	vimm.s32 $0xEDCBA987;
	v10 =	vunpack.c.l.s4.s8 v10;
	s15 =	sadd.s32 s2, s5;
	s17 =	sadd.s32 s20, s26;
	[dreg:$0x6] =	wrdreg s9;
	v18 =	vsel vm0, $0xFFFFFFFF, v18  }
.Ltmp0:
0x1d: {  	v9 =	vunpack.c.l.s4.s8 v9;
	s18 =	sadd.s32 s20, s5;
	[dreg:$0x7] =	wrdreg s22;
	vm0 =	vmmov $0x1;
	[tilespmem:$0x1FFD0] =	vst v18;
	v18 =	vimm.s32 $0x0;
	(pc) =	sbr.rel .LBB2_1-.Ltmp0, $4  }
0x1e: {  	vm11 =	vmmov $0x3f;
	v10 =	vunpack.c.0.s8.s32 v10;
	s20 =	sadd.s32 s21, s26;
	s21 =	sadd.s32 s21, s5;
	[dreg:$0x8] =	wrdreg s6;
	v18 =	vsel vm0, $0xFFFFFFFF, v18  }
0x1f: {  	vm12 =	vmmov $0x1f;
	v9 =	vunpack.c.0.s8.s32 v9;
	s8 =	simm.s32 $0x4000;
	s2 =	simm.s32 $0x7800;
	[dreg:$0x9] =	wrdreg s24;
	[tilespmem:$0x1FFE0] =	vst v18;
	v18 =	vimm.s32 $0x0  }
0x20: {  	v2 =	vlaneseq.u32;
	v10 =	vnsel vm9, $0xF, v10;
	[dreg:$0xa] =	wrdreg s25;
	s9 =	sadd.s32 s7, s26;
	s22 =	smax.u32 s4, $0x1;
	v18 =	vsel vm15, $0xFFFFFFFF, v18  }
0x21: {  	v12 =	vnsel vm9, $0xF, v12;
	v9 =	vnsel vm9, $0xF, v9;
	v11 =	vnsel vm9, $0xF, v11;
	s24 =	simm.s32 $0x1000;
	s26 =	simm.s32 $0x2000;
	s25 =	simm.s32 $0x3;
	[tilespmem:$0x1FFF0] =	vst v18  }
.LBB2_14:
0x22: {  	vm0 =	vmor vm0, vm4;
	vm3 =	vmand vm3, vm12  }
0x23: {  	v18 =	vperm.xlane v22, v14;
	vm1 =	vmand vm1, vm9;
	vm0 =	vmor vm3, vm0  }
0x24: {  	vm0 =	vmor vm1, vm0;
	vm1 =	vmand vm2, vm13;
	vm2 =	veq.s32 v25, v22  }
0x25: {  	v62 =	vld [tilespmem:$0x1FFC0];
	vm0 =	vmor vm1, vm0;
	vm1 =	vmand vm2, vm6;
	vm2 =	veq.s32 v24, v22  }
0x26: {  	vm0 =	vmor vm1, vm0;
	vm1 =	veq.s32 v27, v22;
	vm2 =	vmand vm2, vm14  }
0x27: {  	vm0 =	vmor vm2, vm0;
	vm2 =	veq.s32 v26, v22;
	vm1 =	vmand vm1, vm11  }
0x28: {  	v61 =	vperm.xlane v22, v15;
	vm0 =	vmor vm1, vm0;
	vm1 =	vmand vm2, vm7  }
0x29: {  	vm2 =	veq.s32 v18, v22;
	v18 =	vperm.xlane v22, v16;
	vm0 =	vmor vm1, vm0  }
0x2a: {  	vm1 =	veq.s32 v61, v22;
	vm2 =	vmand vm2, vm8;
	vm8 =	vnez.u8 v62  }
0x2b: {  	vm1 =	vmand vm1, vm8;
	vm0 =	vmor vm2, vm0  }
0x2c: {  	vm0 =	vmor vm1, vm0;
	vm1 =	veq.s32 v18, v22;
	v18 =	vld [tilespmem:$0x1FFD0];
	_ =	sdelay $0x4  }
0x2d: {  	vm10 =	vnez.u8 v18;
	v18 =	vld [tilespmem:$0x1FFE0];
	_ =	sdelay $0x3  }
0x2e: {  	vm2 =	veq.s32 v23, v22  }
0x2f: {  	vm3 =	vmmov vm13;
	vm2 =	vmand vm2, vm10;
	vm13 =	vnez.u8 v18  }
0x30: {  	vm0 =	vmor vm2, vm0;
	vm1 =	vmand vm1, vm13  }
0x31: {  	vm0 =	vmor vm1, vm0  }
0x32: {  	vm0 =	vmneg vm0  }
0x33: {  	v18 =	vand.u32 $0x380, v20;
	vm0 =	vmand vm15, vm0  }
0x34: {  	v18 =	vor.u32 v18, v21  }
0x35: {  	v19 =	vand.u32 $0x7FF, v19;
	_ =	sdelay $0x3  }
0x36: {  	v63 =	vld.idx.msk [tilespmem:v18+s23+$0x0], vm0  }
0x37: {  	v19 =	vld.idx.msk [tilespmem:v19+s2+$0x0], vm0;
	_ =	sdelay $0x4  }
0x38: {  	v19 =	vadd.f32 v19, v63;
	_ =	sdelay $0x1  }
0x39: {  	[tilespmem:v18+s3+$0x0] =	vst.idx.msk vm0, v19;
	v18 =	vld [tilespmem:$0x1FFF0];
	_ =	sdelay $0x3  }
0x3a: {  	vm4 =	vmmov vm12;
	vm12 =	vmmov vm7  }
0x3b: {  	vm7 =	vmmov vm4;
	vm2 =	vmmov vm3;
	vm15 =	vnez.u8 v18  }
.LBB2_15:
0x3c: {  	[hbm4b:s19+s3] =	stream.linear.scatter [tilespmem:s3], [sflag:$0x3], $0x1000, $0x38;
	[tilespmem:$0x8880] =	vst v63  }
0x3d: {  	_ = 	snop  }
0x3e: {  	[hbm4b:s20+s3] =	stream.linear.scatter [tilespmem:s24], [sflag:$0x3], $0x1000, $0x38;
	[tilespmem:$0x8880] =	vst v63  }
0x3f: {  	_ = 	snop  }
0x40: {  	[hbm4b:s21+s3] =	stream.linear.scatter [tilespmem:s26], [sflag:$0x3], $0x1000, $0x38;
	[tilespmem:$0x8880] =	vst v63  }
0x41: {  	_ =	swait.ge [sflag:s25], $0x1000  }
0x42: {  	[sflag:s25] =	ssyncset.done $0x0  }
0x43: {  	s28 =	sadd.s32 $0x1, s28;
	[sflag:s25] =	ssyncadd.s32 $0xFFFFF000  }
0x44: {  	p0 =	sne.s32 s28, s22;
	_ =	swait.ge [sflag:s25], $0x1000  }
.Ltmp1:
0x45: {  	[sflag:s25] =	ssyncset.done $0x0;
	(pc) =	sbr.rel @!p0 .LBB2_16-.Ltmp1, $4  }
0x46: {  	[sflag:s25] =	ssyncadd.s32 $0xFFFFF000  }
0x47: {  	_ =	swait.ge [sflag:s25], $0x1000  }
0x48: {  	[sflag:s25] =	ssyncset.done $0x0  }
0x49: {  	[sflag:s25] =	ssyncadd.s32 $0xFFFFF000  }
.LBB2_1:
0x4a: {  	s4 =	rddreg [dreg:$0x9]  }
0x4b: {  	[tilespmem:s3], [sflag:$0x1] =	stream.linear.gather [hbm4b:s4+s3], $0x1000, $0x38;
	[tilespmem:$0x8880] =	vst v63  }
0x4c: {  	s7 =	rddreg [dreg:$0xa]  }
0x4d: {  	[tilespmem:s23], [sflag:$0x2] =	stream.linear.gather [hbm4b:s7+s3], $0x1000, $0x38;
	[tilespmem:$0x8880] =	vst v63  }
0x4e: {  	_ = 	snop  }
0x4f: {  	[tilespmem:s24], [sflag:$0x1] =	stream.linear.gather [hbm4b:s9+s3], $0x1000, $0x38;
	[tilespmem:$0x8880] =	vst v63  }
0x50: {  	_ = 	snop  }
0x51: {  	[tilespmem:s8], [sflag:$0x2] =	stream.linear.gather [hbm4b:s10+s3], $0x1000, $0x38;
	[tilespmem:$0x8880] =	vst v63  }
0x52: {  	_ = 	snop  }
0x53: {  	[tilespmem:s26], [sflag:$0x1] =	stream.linear.gather [hbm4b:s11+s3], $0x1000, $0x38;
	[tilespmem:$0x8880] =	vst v63  }
0x54: {  	s5 =	simm.s32 $0x5000  }
0x55: {  	[tilespmem:s5], [sflag:$0x2] =	stream.linear.gather [hbm4b:s12+s3], $0x1000, $0x38;
	[tilespmem:$0x8880] =	vst v63  }
0x56: {  	s4 =	simm.s32 $0x6000;
	s5 =	rddreg [dreg:$0x6]  }
0x57: {  	[tilespmem:s4], [sflag:$0x4] =	stream.linear.gather [hbm4b:s5+s3], $0x800, $0x38;
	[tilespmem:$0x8880] =	vst v63  }
0x58: {  	_ =	swait.ge [sflag:s29], $0x800  }
0x59: {  	[sflag:s29] =	ssyncset.done $0x0  }
0x5a: {  	[sflag:s29] =	ssyncadd.s32 $0xFFFFF800  }
0x5b: {  	s6 =	rddreg [dreg:$0x1]  }
0x5c: {  	[tilespmem:s30], [sflag:$0x4] =	stream.linear.gather [hbm4b:s6+s3], $0x800, $0x38;
	[tilespmem:$0x8880] =	vst v63  }
0x5d: {  	_ =	swait.ge [sflag:s29], $0x800  }
0x5e: {  	[sflag:s29] =	ssyncset.done $0x0  }
0x5f: {  	s7 =	rddreg [dreg:$0x7];
	[sflag:s29] =	ssyncadd.s32 $0xFFFFF800  }
0x60: {  	[tilespmem:s31], [sflag:$0x4] =	stream.linear.gather [hbm4b:s7+s3], $0x800, $0x38;
	[tilespmem:$0x8880] =	vst v63  }
0x61: {  	_ =	swait.ge [sflag:s29], $0x800  }
0x62: {  	[sflag:s29] =	ssyncset.done $0x0  }
0x63: {  	s6 =	rddreg [dreg:$0x8];
	[sflag:s29] =	ssyncadd.s32 $0xFFFFF800  }
0x64: {  	[tilespmem:s2], [sflag:$0x4] =	stream.linear.gather [hbm4b:s6+s3], $0x800, $0x38;
	[tilespmem:$0x8880] =	vst v63  }
0x65: {  	_ =	swait.ge [sflag:s29], $0x800  }
0x66: {  	[sflag:s29] =	ssyncset.done $0x0  }
0x67: {  	[sflag:s29] =	ssyncadd.s32 $0xFFFFF800  }
0x68: {  	v18 =	vld [tilespmem:s4+$0x0];
	_ =	sdelay $0x4  }
0x69: {  	v19 =	vshra.s32 v18, $0x8  }
0x6a: {  	vm0 =	vge.s32 v19, v0;
	vm1 =	vlt.s32 v19, v1  }
0x6b: {  	vm0 =	vmand vm0, vm1  }
0x6c: {  	v20 =	vmpcnt.ones.xlane vm0;
	_ =	sdelay $0x1  }
0x6d: {  	v20 =	vxor.u32 $0x80000000, v20  }
0x6e: {  	(xrf0) =	vmax.scan.msk.u32 $0xffff, v20;
	_ =	sdelay $0x2  }
0x6f: {  	v18 =	vshll.u32 v18, $0xB;
	v19 =	vsub.s32 v19, v0  }
0x70: {  	v18 =	vand.u32 $0x7F800, v18;
	v19 =	vshll.u32 v19, $0x13  }
0x71: {  	v18 =	vor.u32 v18, v19  }
0x72: {  	v18 =	vadd.s32 s3, v18;
	v20, _, _ =	vpop (xrf0)  }
0x73: {  	v18 =	vor.u32 v2, v18;
	(v2sf) =	vpush v20, $0xF  }
0x74: {  	s4 =	simm.s32 $0x6010;
	[tilespmem:s3+$0x8000] =	vst.msk vm0, v18  }
0x75: {  	v18 =	vld [tilespmem:s4+$0x0];
	_ =	sdelay $0x4  }
0x76: {  	v19 =	vshra.s32 v18, $0x8  }
0x77: {  	vm0 =	vge.s32 v19, v0;
	vm1 =	vlt.s32 v19, v1  }
0x78: {  	vm0 =	vmand vm0, vm1  }
0x79: {  	v18 =	vshll.u32 v18, $0xB;
	v19 =	vsub.s32 v19, v0;
	v20 =	vmpcnt.ones.xlane vm0  }
0x7a: {  	v18 =	vand.u32 $0x7F800, v18;
	v19 =	vshll.u32 v19, $0x13  }
0x7b: {  	v18 =	vor.u32 v18, v19;
	v19 =	vxor.u32 $0x80000000, v20  }
0x7c: {  	(xrf0) =	vmax.scan.msk.u32 $0xffff, v19  }
0x7d: {  	s7 =	simm.s32 $0x10  }
0x7e: {  	v18 =	vadd.s32 s7, v18;
	s6 =	spop (v2sf)  }
0x7f: {  	s5 =	simm.s32 $0x20;
	v18 =	vor.u32 v2, v18;
	s6 =	sadd.s32 $0x0, s6  }
.LBB2_2:
0x80: {  	p0 =	sne.s32 s5, $0x7F0  }
0x81: {  	s6 =	sadd.s32 $0x80000000, s6;
	s7 =	smov.u32 s5;
	s5 =	sadd.s32 $0x10, s5  }
0x82: {  	[tilespmem:s6+$0x8000] =	vst.msk vm0, v18;
	v18, _, _ =	vpop (xrf0)  }
0x83: {  	s4 =	sadd.s32 $0x10, s4;
	(v2sf) =	vpush v18, $0xF  }
0x84: {  	v18 =	vld [tilespmem:s4+$0x0];
	_ =	sdelay $0x4  }
0x85: {  	v19 =	vshra.s32 v18, $0x8;
	v18 =	vshll.u32 v18, $0xB  }
0x86: {  	vm0 =	vge.s32 v19, v0;
	vm1 =	vlt.s32 v19, v1;
	v19 =	vsub.s32 v19, v0  }
0x87: {  	v18 =	vand.u32 $0x7F800, v18;
	vm0 =	vmand vm0, vm1;
	v19 =	vshll.u32 v19, $0x13  }
0x88: {  	v18 =	vor.u32 v18, v19;
	v19 =	vmpcnt.ones.xlane vm0  }
0x89: {  	v18 =	vadd.s32 s7, v18  }
0x8a: {  	v18 =	vor.u32 v2, v18;
	v19 =	vxor.u32 $0x80000000, v19  }
.Ltmp2:
0x8b: {  	(xrf0) =	vmax.scan.msk.u32 $0xffff, v19;
	(pc) =	sbr.rel @p0 .LBB2_2-.Ltmp2, $3  }
0x8c: {  	_ =	sdelay $0x1  }
0x8d: {  	s7 =	spop (v2sf)  }
0x8e: {  	s6 =	sadd.s32 s7, s6  }
0x8f: {  	_ = 	snop  }
0x90: {  	v19, _, _ =	vpop (xrf0)  }
0x91: {  	(v2sf) =	vpush v19, $0xF;
	_ =	sdelay $0xd  }
0x92: {  	s4 =	sadd.s32 $0x80000000, s6  }
0x93: {  	[tilespmem:s4+$0x8000] =	vst.msk vm0, v18;
	s5 =	spop (v2sf)  }
0x94: {  	_ =	swait.ge [sflag:s0], $0x1000  }
0x95: {  	[sflag:s0] =	ssyncset.done $0x0  }
0x96: {  	[sflag:s0] =	ssyncadd.s32 $0xFFFFF000  }
0x97: {  	_ =	swait.ge [sflag:s1], $0x1000  }
0x98: {  	[sflag:s1] =	ssyncset.done $0x0  }
0x99: {  	[sflag:s1] =	ssyncadd.s32 $0xFFFFF000  }
0x9a: {  	_ =	swait.ge [sflag:s0], $0x1000  }
0x9b: {  	[sflag:s0] =	ssyncset.done $0x0  }
0x9c: {  	[sflag:s0] =	ssyncadd.s32 $0xFFFFF000  }
0x9d: {  	s4 =	sadd.s32 s5, s4;
	_ =	swait.ge [sflag:s1], $0x1000  }
0x9e: {  	s4 =	sadd.s32 $0x80000000, s4;
	[sflag:s1] =	ssyncset.done $0x0  }
0x9f: {  	s6 =	sadd.s32 $0xF, s4;
	[sflag:s1] =	ssyncadd.s32 $0xFFFFF000  }
0xa0: {  	p1 =	slt.s32 s6, $0x10;
	_ =	swait.ge [sflag:s0], $0x1000  }
.Ltmp3:
0xa1: {  	s7 =	sshra.s32 s6, $0x1F;
	[sflag:s0] =	ssyncset.done $0x0;
	(pc) =	sbr.rel @p1 .LBB2_7-.Ltmp3, $4  }
0xa2: {  	s5 =	sshrl.u32 s7, $0x1C;
	[sflag:s0] =	ssyncadd.s32 $0xFFFFF000  }
0xa3: {  	s5 =	sadd.s32 s5, s6;
	_ =	swait.ge [sflag:s1], $0x1000  }
0xa4: {  	s5 =	sshra.s32 s5, $0x4;
	[sflag:s1] =	ssyncset.done $0x0  }
0xa5: {  	v18 =	vmov s4;
	p0 =	sne.s32 s5, $0x1;
	s4 =	sadd.s32 $0xFFFFFFFF, s5;
	[sflag:s1] =	ssyncadd.s32 $0xFFFFF000  }
0xa6: {  	s6 =	simm.s32 $0x8000  }
0xa7: {  	v19 =	vld [tilespmem:s6+$0x0]  }
0xa8: {  	s7 =	simm.s32 $0x0  }
0xa9: {  	v20 =	vor.u32 s7, v2  }
0xaa: {  	vm0 =	vlt.s32 v20, v18  }
0xab: {  	vm5 =	vmmov vm15;
	vm15 =	vmmov vm0  }
0xac: {  	v19 =	vnsel vm15, $0x0, v19  }
0xad: {  	v21 =	vshrl.u32 v19, $0xB  }
0xae: {  	v22 =	vnsel vm15, $0xFFFFFFFF, v21  }
0xaf: {  	v27 =	vperm.xlane v22, v3;
	_ =	sdelay $0x1  }
0xb0: {  	vm14 =	vmmov vm2;
	vm2 =	veq.s32 v27, v22;
	v27 =	vld [tilespmem:$0x1FF80]  }
0xb1: {  	v23 =	vshrl.u32 v19, $0x8  }
0xb2: {  	v23 =	vand.u32 $0x400, v23;
	v21 =	vand.u32 $0x1FF87F, v21;
	v24 =	vperm.xlane v22, v4  }
0xb3: {  	v21 =	vor.u32 v23, v21;
	v23 =	vperm.xlane v22, v6  }
0xb4: {  	vm1 =	veq.s32 v24, v22;
	v24 =	vperm.xlane v22, v7  }
0xb5: {  	vm0 =	veq.s32 v23, v22;
	vm3 =	vnez.u8 v27  }
0xb6: {  	vm0 =	vmand vm0, vm3;
	vm3 =	veq.s32 v24, v22;
	v24 =	vld [tilespmem:$0x1FF60];
	_ =	sdelay $0x1  }
0xb7: {  	v20 =	vld [tilespmem:$0x1FF70];
	_ =	sdelay $0x2  }
0xb8: {  	vm4 =	vnez.u8 v24;
	v24 =	vld [tilespmem:$0x1FFA0];
	_ =	sdelay $0x1  }
0xb9: {  	vm13 =	vmmov vm7;
	vm7 =	vnez.u8 v20;
	v28 =	vperm.xlane v22, v5  }
0xba: {  	vm2 =	vmand vm2, vm4;
	vm4 =	vmand vm1, vm7  }
0xbb: {  	vm7 =	vmor vm2, vm4;
	vm4 =	veq.s32 v28, v22;
	v28 =	vld [tilespmem:$0x1FFC0]  }
0xbc: {  	vm8 =	vmmov vm12;
	vm12 =	vnez.u8 v24;
	v24 =	vld [tilespmem:$0x1FF90]  }
.Ltmp4:
0xbd: {  	v25 =	vperm.xlane v22, v9;
	v26 =	vperm.xlane v22, v8;
	(pc) =	sbr.rel @!p0 .LBB2_6-.Ltmp4, $4  }
0xbe: {  	v20 =	vshrl.u32 v19, $0xC;
	v23 =	vperm.xlane v22, v17;
	v27 =	vperm.xlane v22, v12  }
0xbf: {  	vm1 =	veq.s32 v26, v22;
	v26 =	vperm.xlane v22, v13;
	vm4 =	vmand vm4, vm5  }
0xc0: {  	vm2 =	veq.s32 v25, v22;
	v25 =	vperm.xlane v22, v10;
	vm4 =	vmor vm4, vm7  }
0xc1: {  	s8 =	sadd.s32 $0xFFFFFFFF, s5;
	vm9 =	vnez.u8 v28;
	vm10 =	vnez.u8 v24;
	v24 =	vperm.xlane v22, v11  }
.LBB2_5:
0xc2: {  	vm3 =	vmand vm3, vm13;
	v28 =	vperm.xlane v22, v14;
	vm0 =	vmor vm0, vm4  }
0xc3: {  	v29 =	vperm.xlane v22, v15;
	vm1 =	vmand vm1, vm10;
	vm0 =	vmor vm3, vm0  }
0xc4: {  	vm0 =	vmor vm1, vm0;
	vm1 =	vmand vm2, vm14;
	vm2 =	veq.s32 v25, v22;
	v25 =	vld [tilespmem:$0x1FFB0]  }
0xc5: {  	vm0 =	vmor vm1, vm0;
	vm1 =	vmand vm2, vm6;
	vm2 =	veq.s32 v24, v22  }
0xc6: {  	vm4 =	veq.s32 v27, v22;
	vm0 =	vmor vm1, vm0;
	vm1 =	vmand vm2, vm12  }
0xc7: {  	vm5 =	veq.s32 v26, v22;
	vm0 =	vmor vm1, vm0;
	vm1 =	vmand vm4, vm11  }
0xc8: {  	vm3 =	veq.s32 v28, v22;
	vm0 =	vmor vm1, vm0;
	vm1 =	vmand vm5, vm8  }
0xc9: {  	v24 =	vperm.xlane v22, v16;
	vm0 =	vmor vm1, vm0;
	vm1 =	vnez.u8 v25  }
0xca: {  	vm2 =	veq.s32 v29, v22;
	vm1 =	vmand vm3, vm1  }
0xcb: {  	vm3 =	veq.s32 v23, v22;
	vm0 =	vmor vm1, vm0;
	vm1 =	veq.s32 v24, v22;
	v22 =	vld [tilespmem:$0x1FFD0];
	_ =	sdelay $0x3  }
0xcc: {  	vm2 =	vmand vm2, vm9  }
0xcd: {  	vm0 =	vmor vm2, vm0;
	vm2 =	vnez.u8 v22;
	v22 =	vld [tilespmem:$0x1FFE0];
	_ =	sdelay $0x3  }
0xce: {  	vm2 =	vmand vm3, vm2  }
0xcf: {  	vm0 =	vmor vm2, vm0;
	vm2 =	vnez.u8 v22  }
0xd0: {  	vm1 =	vmand vm1, vm2  }
0xd1: {  	vm0 =	vmor vm1, vm0  }
0xd2: {  	vm0 =	vmneg vm0  }
0xd3: {  	v20 =	vand.u32 $0x380, v20;
	vm0 =	vmand vm15, vm0  }
0xd4: {  	v20 =	vor.u32 v20, v21  }
0xd5: {  	v19 =	vand.u32 $0x7FF, v19;
	_ =	sdelay $0x3  }
0xd6: {  	v21 =	vld.idx.msk [tilespmem:v20+s23+$0x0], vm0  }
0xd7: {  	v19 =	vld.idx.msk [tilespmem:v19+s30+$0x0], vm0;
	_ =	sdelay $0x4  }
0xd8: {  	v19 =	vadd.f32 v19, v21;
	_ =	sdelay $0x1  }
0xd9: {  	s6 =	sadd.s32 $0x10, s6;
	[tilespmem:v20+s3+$0x0] =	vst.idx.msk vm0, v19  }
0xda: {  	v19 =	vld [tilespmem:s6+$0x0]  }
0xdb: {  	s7 =	sadd.s32 $0x10, s7  }
0xdc: {  	v23 =	vor.u32 s7, v2  }
0xdd: {  	vm4 =	vlt.s32 v23, v18  }
0xde: {  	vm15 =	vmmov vm4  }
0xdf: {  	v19 =	vnsel vm15, $0x0, v19  }
0xe0: {  	v21 =	vshrl.u32 v19, $0xB  }
0xe1: {  	v22 =	vnsel vm15, $0xFFFFFFFF, v21  }
0xe2: {  	v27 =	vperm.xlane v22, v3;
	_ =	sdelay $0x1  }
0xe3: {  	vm2 =	veq.s32 v27, v22;
	v27 =	vld [tilespmem:$0x1FF80]  }
0xe4: {  	v23 =	vshrl.u32 v19, $0x8  }
0xe5: {  	v23 =	vand.u32 $0x400, v23;
	v21 =	vand.u32 $0x1FF87F, v21;
	v24 =	vperm.xlane v22, v4  }
0xe6: {  	v21 =	vor.u32 v23, v21;
	v23 =	vperm.xlane v22, v6  }
0xe7: {  	vm1 =	veq.s32 v24, v22;
	v24 =	vperm.xlane v22, v7  }
0xe8: {  	vm0 =	veq.s32 v23, v22;
	vm3 =	vnez.u8 v27  }
0xe9: {  	vm0 =	vmand vm0, vm3;
	vm3 =	veq.s32 v24, v22;
	v24 =	vld [tilespmem:$0x1FF60];
	_ =	sdelay $0x4  }
0xea: {  	vm4 =	vnez.u8 v24;
	v24 =	vld [tilespmem:$0x1FF70];
	_ =	sdelay $0x4  }
0xeb: {  	vm2 =	vmand vm2, vm4;
	vm4 =	vnez.u8 v24;
	v24 =	vld [tilespmem:$0x1FFF0];
	_ =	sdelay $0x1  }
0xec: {  	p2 =	sne.s32 s8, $0x1;
	v25 =	vperm.xlane v22, v9;
	v28 =	vperm.xlane v22, v5  }
.Ltmp5:
0xed: {  	v20 =	vshrl.u32 v19, $0xC;
	v26 =	vperm.xlane v22, v8;
	v23 =	vperm.xlane v22, v17;
	(pc) =	sbr.rel @p2 .LBB2_5-.Ltmp5, $4  }
0xee: {  	vm5 =	veq.s32 v28, v22;
	v27 =	vperm.xlane v22, v12;
	vm4 =	vmand vm1, vm4  }
0xef: {  	vm1 =	veq.s32 v26, v22;
	v26 =	vperm.xlane v22, v13;
	vm7 =	vnez.u8 v24  }
0xf0: {  	vm4 =	vmor vm2, vm4;
	vm2 =	veq.s32 v25, v22;
	vm5 =	vmand vm5, vm7  }
0xf1: {  	s8 =	sadd.s32 $0xFFFFFFFF, s8;
	v25 =	vperm.xlane v22, v10;
	v24 =	vperm.xlane v22, v11;
	vm4 =	vmor vm5, vm4  }
.LBB2_6:
0xf2: {  	vm0 =	vmor vm0, vm4;
	vm3 =	vmand vm3, vm13;
	v28 =	vperm.xlane v22, v14  }
0xf3: {  	vm1 =	vmand vm1, vm10;
	vm5 =	vmmov vm14;
	v59 =	vperm.xlane v22, v15;
	v62 =	vld [tilespmem:$0x1FFD0]  }
0xf4: {  	vm4 =	vmmov vm8;
	v60 =	vperm.xlane v22, v16;
	v63 =	vld [tilespmem:$0x1FFE0];
	vm0 =	vmor vm3, vm0  }
0xf5: {  	v61 =	vld [tilespmem:$0x1FFB0];
	vm0 =	vmor vm1, vm0;
	vm1 =	vmand vm2, vm14;
	vm2 =	veq.s32 v25, v22  }
0xf6: {  	vm0 =	vmor vm1, vm0;
	vm1 =	vmand vm2, vm6;
	vm2 =	veq.s32 v24, v22  }
0xf7: {  	vm0 =	vmor vm1, vm0;
	vm1 =	veq.s32 v27, v22;
	vm2 =	vmand vm2, vm12  }
0xf8: {  	vm0 =	vmor vm2, vm0;
	vm2 =	veq.s32 v26, v22;
	vm1 =	vmand vm1, vm11  }
0xf9: {  	vm14 =	vnez.u8 v62;
	vm10 =	vnez.u8 v63;
	vm0 =	vmor vm1, vm0  }
0xfa: {  	vm1 =	vmand vm2, vm8;
	vm2 =	veq.s32 v28, v22;
	vm8 =	vnez.u8 v61  }
0xfb: {  	vm0 =	vmor vm1, vm0;
	vm1 =	veq.s32 v59, v22;
	vm2 =	vmand vm2, vm8  }
0xfc: {  	vm1 =	vmand vm1, vm9;
	vm0 =	vmor vm2, vm0;
	vm2 =	veq.s32 v23, v22  }
0xfd: {  	vm0 =	vmor vm1, vm0;
	vm1 =	veq.s32 v60, v22;
	vm2 =	vmand vm2, vm14  }
0xfe: {  	vm0 =	vmor vm2, vm0;
	vm1 =	vmand vm1, vm10  }
0xff: {  	vm0 =	vmor vm1, vm0  }
0x100: {  	vm0 =	vmneg vm0  }
0x101: {  	v20 =	vand.u32 $0x380, v20;
	vm0 =	vmand vm15, vm0  }
0x102: {  	v20 =	vor.u32 v20, v21  }
0x103: {  	v19 =	vand.u32 $0x7FF, v19;
	_ =	sdelay $0x3  }
0x104: {  	v21 =	vld.idx.msk [tilespmem:v20+s23+$0x0], vm0  }
0x105: {  	v19 =	vld.idx.msk [tilespmem:v19+s30+$0x0], vm0;
	_ =	sdelay $0x4  }
0x106: {  	v19 =	vadd.f32 v19, v21;
	_ =	sdelay $0x1  }
0x107: {  	[tilespmem:v20+s3+$0x0] =	vst.idx.msk vm0, v19;
	v19 =	vld [tilespmem:$0x1FFF0];
	_ =	sdelay $0x3  }
0x108: {  	vm7 =	vmmov vm13  }
0x109: {  	s8 =	simm.s32 $0x4000;
	vm12 =	vmmov vm4;
	vm2 =	vmmov vm5;
	vm15 =	vnez.u8 v19  }
.LBB2_7:
0x10a: {  	[hbm4b:s13+s3] =	stream.linear.scatter [tilespmem:s3], [sflag:$0x3], $0x1000, $0x38;
	[tilespmem:$0x8880] =	vst v63  }
0x10b: {  	_ = 	snop  }
0x10c: {  	[hbm4b:s14+s3] =	stream.linear.scatter [tilespmem:s24], [sflag:$0x3], $0x1000, $0x38;
	[tilespmem:$0x8880] =	vst v63  }
0x10d: {  	_ = 	snop  }
0x10e: {  	[hbm4b:s15+s3] =	stream.linear.scatter [tilespmem:s26], [sflag:$0x3], $0x1000, $0x38;
	[tilespmem:$0x8880] =	vst v63  }
0x10f: {  	_ =	swait.ge [sflag:s25], $0x1000  }
0x110: {  	[sflag:s25] =	ssyncset.done $0x0  }
0x111: {  	[sflag:s25] =	ssyncadd.s32 $0xFFFFF000  }
0x112: {  	_ =	swait.ge [sflag:s25], $0x1000  }
.Ltmp6:
0x113: {  	[sflag:s25] =	ssyncset.done $0x0;
	(pc) =	sbr.rel @p1 .LBB2_11-.Ltmp6, $4  }
0x114: {  	[sflag:s25] =	ssyncadd.s32 $0xFFFFF000  }
0x115: {  	_ =	swait.ge [sflag:s25], $0x1000  }
0x116: {  	[sflag:s25] =	ssyncset.done $0x0  }
0x117: {  	[sflag:s25] =	ssyncadd.s32 $0xFFFFF000  }
0x118: {  	s6 =	simm.s32 $0x8000  }
0x119: {  	v19 =	vld [tilespmem:s6+$0x0]  }
0x11a: {  	s7 =	simm.s32 $0x0  }
0x11b: {  	v20 =	vor.u32 s7, v2  }
0x11c: {  	vm0 =	vlt.s32 v20, v18  }
0x11d: {  	vm10 =	vmmov vm15;
	vm15 =	vmmov vm0  }
0x11e: {  	v19 =	vnsel vm15, $0x0, v19  }
0x11f: {  	v21 =	vshrl.u32 v19, $0xB  }
0x120: {  	v22 =	vnsel vm15, $0xFFFFFFFF, v21  }
0x121: {  	v27 =	vperm.xlane v22, v3;
	_ =	sdelay $0x1  }
0x122: {  	vm13 =	vmmov vm2;
	vm2 =	veq.s32 v27, v22;
	v27 =	vld [tilespmem:$0x1FF80]  }
0x123: {  	v23 =	vshrl.u32 v19, $0x8  }
0x124: {  	v23 =	vand.u32 $0x400, v23;
	v21 =	vand.u32 $0x1FF87F, v21;
	v24 =	vperm.xlane v22, v4  }
0x125: {  	v21 =	vor.u32 v23, v21;
	v23 =	vperm.xlane v22, v6  }
0x126: {  	vm1 =	veq.s32 v24, v22;
	v24 =	vperm.xlane v22, v7  }
0x127: {  	vm0 =	veq.s32 v23, v22;
	vm3 =	vnez.u8 v27  }
0x128: {  	vm0 =	vmand vm0, vm3;
	vm3 =	veq.s32 v24, v22;
	v24 =	vld [tilespmem:$0x1FF60];
	_ =	sdelay $0x4  }
0x129: {  	vm4 =	vnez.u8 v24;
	v24 =	vld [tilespmem:$0x1FFA0];
	_ =	sdelay $0x4  }
0x12a: {  	vm14 =	vnez.u8 v24;
	v24 =	vld [tilespmem:$0x1FF90];
	_ =	sdelay $0x4  }
0x12b: {  	vm5 =	vmmov vm12;
	vm12 =	vnez.u8 v24;
	v24 =	vld [tilespmem:$0x1FF70];
	_ =	sdelay $0x3  }
0x12c: {  	vm9 =	vmmov vm7;
	v25 =	vperm.xlane v22, v9;
	v26 =	vperm.xlane v22, v8  }
0x12d: {  	v28 =	vperm.xlane v22, v5;
	vm7 =	vmand vm2, vm4;
	vm2 =	vnez.u8 v24;
	v24 =	vld [tilespmem:$0x1FFB0]  }
.Ltmp7:
0x12e: {  	v20 =	vshrl.u32 v19, $0xC;
	v23 =	vperm.xlane v22, v17;
	v27 =	vperm.xlane v22, v12;
	(pc) =	sbr.rel @!p0 .LBB2_10-.Ltmp7, $4  }
0x12f: {  	vm4 =	vmand vm1, vm2;
	vm1 =	veq.s32 v26, v22;
	vm2 =	veq.s32 v25, v22  }
0x130: {  	vm4 =	vmor vm7, vm4;
	vm7 =	vmmov vm5;
	vm5 =	veq.s32 v28, v22  }
0x131: {  	v25 =	vperm.xlane v22, v10;
	v26 =	vperm.xlane v22, v13;
	vm5 =	vmand vm5, vm10  }
0x132: {  	s5 =	sadd.s32 $0xFFFFFFFF, s5;
	vm4 =	vmor vm5, vm4;
	vm8 =	vnez.u8 v24;
	v24 =	vperm.xlane v22, v11  }
.LBB2_9:
0x133: {  	vm3 =	vmand vm3, vm9;
	vm0 =	vmor vm0, vm4  }
0x134: {  	vm1 =	vmand vm1, vm12;
	vm0 =	vmor vm3, vm0  }
0x135: {  	vm0 =	vmor vm1, vm0;
	vm1 =	vmand vm2, vm13;
	vm2 =	veq.s32 v25, v22  }
0x136: {  	vm0 =	vmor vm1, vm0;
	vm1 =	vmand vm2, vm6;
	vm2 =	veq.s32 v24, v22;
	v24 =	vld [tilespmem:$0x1FFC0]  }
0x137: {  	v28 =	vperm.xlane v22, v14  }
0x138: {  	vm4 =	veq.s32 v27, v22;
	vm0 =	vmor vm1, vm0;
	vm1 =	vmand vm2, vm14  }
0x139: {  	v29 =	vperm.xlane v22, v15;
	vm0 =	vmor vm1, vm0;
	vm1 =	vmand vm4, vm11  }
0x13a: {  	vm5 =	veq.s32 v26, v22;
	vm3 =	veq.s32 v28, v22;
	vm0 =	vmor vm1, vm0  }
0x13b: {  	vm1 =	vmand vm5, vm7;
	vm4 =	vnez.u8 v24;
	v24 =	vperm.xlane v22, v16  }
0x13c: {  	vm2 =	veq.s32 v29, v22;
	vm0 =	vmor vm1, vm0;
	vm1 =	vmand vm3, vm8  }
0x13d: {  	vm3 =	veq.s32 v23, v22;
	vm0 =	vmor vm1, vm0;
	vm1 =	veq.s32 v24, v22;
	v22 =	vld [tilespmem:$0x1FFD0];
	_ =	sdelay $0x3  }
0x13e: {  	vm2 =	vmand vm2, vm4  }
0x13f: {  	vm0 =	vmor vm2, vm0;
	vm2 =	vnez.u8 v22;
	v22 =	vld [tilespmem:$0x1FFE0];
	_ =	sdelay $0x3  }
0x140: {  	vm2 =	vmand vm3, vm2  }
0x141: {  	vm0 =	vmor vm2, vm0;
	vm2 =	vnez.u8 v22  }
0x142: {  	vm1 =	vmand vm1, vm2  }
0x143: {  	vm0 =	vmor vm1, vm0  }
0x144: {  	vm0 =	vmneg vm0  }
0x145: {  	v20 =	vand.u32 $0x380, v20;
	vm0 =	vmand vm15, vm0  }
0x146: {  	v20 =	vor.u32 v20, v21  }
0x147: {  	v19 =	vand.u32 $0x7FF, v19;
	_ =	sdelay $0x3  }
0x148: {  	v21 =	vld.idx.msk [tilespmem:v20+s23+$0x0], vm0  }
0x149: {  	v19 =	vld.idx.msk [tilespmem:v19+s31+$0x0], vm0;
	_ =	sdelay $0x4  }
0x14a: {  	v19 =	vadd.f32 v19, v21;
	_ =	sdelay $0x1  }
0x14b: {  	s6 =	sadd.s32 $0x10, s6;
	[tilespmem:v20+s3+$0x0] =	vst.idx.msk vm0, v19  }
0x14c: {  	v19 =	vld [tilespmem:s6+$0x0]  }
0x14d: {  	s7 =	sadd.s32 $0x10, s7  }
0x14e: {  	v23 =	vor.u32 s7, v2  }
0x14f: {  	vm4 =	vlt.s32 v23, v18  }
0x150: {  	vm15 =	vmmov vm4  }
0x151: {  	v19 =	vnsel vm15, $0x0, v19  }
0x152: {  	v21 =	vshrl.u32 v19, $0xB  }
0x153: {  	v22 =	vnsel vm15, $0xFFFFFFFF, v21  }
0x154: {  	v27 =	vperm.xlane v22, v3;
	_ =	sdelay $0x1  }
0x155: {  	vm2 =	veq.s32 v27, v22;
	v27 =	vld [tilespmem:$0x1FF80]  }
0x156: {  	v23 =	vshrl.u32 v19, $0x8  }
0x157: {  	v23 =	vand.u32 $0x400, v23;
	v21 =	vand.u32 $0x1FF87F, v21;
	v24 =	vperm.xlane v22, v4  }
0x158: {  	v21 =	vor.u32 v23, v21;
	v23 =	vperm.xlane v22, v6  }
0x159: {  	vm1 =	veq.s32 v24, v22;
	v24 =	vperm.xlane v22, v7  }
0x15a: {  	vm0 =	veq.s32 v23, v22;
	vm3 =	vnez.u8 v27  }
0x15b: {  	vm0 =	vmand vm0, vm3;
	vm3 =	veq.s32 v24, v22;
	v24 =	vld [tilespmem:$0x1FF60];
	_ =	sdelay $0x4  }
0x15c: {  	vm4 =	vnez.u8 v24;
	v24 =	vld [tilespmem:$0x1FF70];
	_ =	sdelay $0x4  }
0x15d: {  	vm2 =	vmand vm2, vm4;
	vm4 =	vnez.u8 v24;
	v24 =	vld [tilespmem:$0x1FFF0];
	_ =	sdelay $0x1  }
0x15e: {  	p2 =	sne.s32 s5, $0x1;
	v25 =	vperm.xlane v22, v9;
	v28 =	vperm.xlane v22, v5  }
.Ltmp8:
0x15f: {  	v20 =	vshrl.u32 v19, $0xC;
	v26 =	vperm.xlane v22, v8;
	v23 =	vperm.xlane v22, v17;
	(pc) =	sbr.rel @p2 .LBB2_9-.Ltmp8, $4  }
0x160: {  	vm5 =	veq.s32 v28, v22;
	v27 =	vperm.xlane v22, v12;
	vm4 =	vmand vm1, vm4  }
0x161: {  	vm1 =	veq.s32 v26, v22;
	v26 =	vperm.xlane v22, v13;
	vm10 =	vnez.u8 v24  }
0x162: {  	vm4 =	vmor vm2, vm4;
	vm2 =	veq.s32 v25, v22;
	vm5 =	vmand vm5, vm10  }
0x163: {  	s5 =	sadd.s32 $0xFFFFFFFF, s5;
	v25 =	vperm.xlane v22, v10;
	v24 =	vperm.xlane v22, v11;
	vm4 =	vmor vm5, vm4  }
.LBB2_10:
0x164: {  	vm0 =	vmor vm0, vm4;
	vm3 =	vmand vm3, vm9;
	v61 =	vld [tilespmem:$0x1FFC0]  }
0x165: {  	v28 =	vperm.xlane v22, v14;
	vm1 =	vmand vm1, vm12;
	v59 =	vperm.xlane v22, v15;
	v62 =	vld [tilespmem:$0x1FFD0]  }
0x166: {  	v60 =	vperm.xlane v22, v16;
	v63 =	vld [tilespmem:$0x1FFE0];
	vm0 =	vmor vm3, vm0;
	vm3 =	vmmov vm13  }
0x167: {  	vm0 =	vmor vm1, vm0;
	vm1 =	vmand vm2, vm13;
	vm2 =	veq.s32 v25, v22  }
0x168: {  	vm0 =	vmor vm1, vm0;
	vm1 =	vmand vm2, vm6;
	vm2 =	veq.s32 v24, v22  }
0x169: {  	vm0 =	vmor vm1, vm0;
	vm1 =	veq.s32 v27, v22;
	vm2 =	vmand vm2, vm14  }
0x16a: {  	vm0 =	vmor vm2, vm0;
	vm2 =	veq.s32 v26, v22;
	vm1 =	vmand vm1, vm11  }
0x16b: {  	vm5 =	vnez.u8 v61;
	vm10 =	vnez.u8 v62;
	vm13 =	vnez.u8 v63  }
0x16c: {  	vm0 =	vmor vm1, vm0;
	vm1 =	vmand vm2, vm7;
	vm2 =	veq.s32 v28, v22  }
0x16d: {  	vm0 =	vmor vm1, vm0;
	vm1 =	veq.s32 v59, v22;
	vm2 =	vmand vm2, vm8  }
0x16e: {  	vm1 =	vmand vm1, vm5;
	vm0 =	vmor vm2, vm0;
	vm2 =	veq.s32 v23, v22  }
0x16f: {  	vm0 =	vmor vm1, vm0;
	vm1 =	veq.s32 v60, v22;
	vm2 =	vmand vm2, vm10  }
0x170: {  	vm0 =	vmor vm2, vm0;
	vm1 =	vmand vm1, vm13  }
0x171: {  	vm0 =	vmor vm1, vm0  }
0x172: {  	vm0 =	vmneg vm0  }
0x173: {  	v20 =	vand.u32 $0x380, v20;
	vm0 =	vmand vm15, vm0  }
0x174: {  	v20 =	vor.u32 v20, v21  }
0x175: {  	v19 =	vand.u32 $0x7FF, v19;
	_ =	sdelay $0x3  }
0x176: {  	v21 =	vld.idx.msk [tilespmem:v20+s23+$0x0], vm0  }
0x177: {  	v19 =	vld.idx.msk [tilespmem:v19+s31+$0x0], vm0;
	_ =	sdelay $0x4  }
0x178: {  	v19 =	vadd.f32 v19, v21;
	_ =	sdelay $0x1  }
0x179: {  	[tilespmem:v20+s3+$0x0] =	vst.idx.msk vm0, v19;
	v19 =	vld [tilespmem:$0x1FFF0];
	_ =	sdelay $0x3  }
0x17a: {  	vm12 =	vmmov vm7  }
0x17b: {  	vm7 =	vmmov vm9;
	vm2 =	vmmov vm3;
	vm15 =	vnez.u8 v19  }
.LBB2_11:
0x17c: {  	[hbm4b:s16+s3] =	stream.linear.scatter [tilespmem:s3], [sflag:$0x3], $0x1000, $0x38;
	[tilespmem:$0x8880] =	vst v63  }
0x17d: {  	_ = 	snop  }
0x17e: {  	[hbm4b:s17+s3] =	stream.linear.scatter [tilespmem:s24], [sflag:$0x3], $0x1000, $0x38;
	[tilespmem:$0x8880] =	vst v63  }
0x17f: {  	_ = 	snop  }
0x180: {  	[hbm4b:s18+s3] =	stream.linear.scatter [tilespmem:s26], [sflag:$0x3], $0x1000, $0x38;
	[tilespmem:$0x8880] =	vst v63  }
0x181: {  	_ =	swait.ge [sflag:s25], $0x1000  }
0x182: {  	[sflag:s25] =	ssyncset.done $0x0  }
0x183: {  	[sflag:s25] =	ssyncadd.s32 $0xFFFFF000  }
0x184: {  	_ =	swait.ge [sflag:s25], $0x1000  }
.Ltmp9:
0x185: {  	[sflag:s25] =	ssyncset.done $0x0;
	(pc) =	sbr.rel @p1 .LBB2_15-.Ltmp9, $4  }
0x186: {  	[sflag:s25] =	ssyncadd.s32 $0xFFFFF000  }
0x187: {  	_ =	swait.ge [sflag:s25], $0x1000  }
0x188: {  	[sflag:s25] =	ssyncset.done $0x0  }
0x189: {  	[sflag:s25] =	ssyncadd.s32 $0xFFFFF000  }
0x18a: {  	s5 =	simm.s32 $0x8000  }
0x18b: {  	v19 =	vld [tilespmem:s5+$0x0]  }
0x18c: {  	s6 =	simm.s32 $0x0  }
0x18d: {  	v20 =	vor.u32 s6, v2  }
0x18e: {  	vm0 =	vlt.s32 v20, v18  }
0x18f: {  	vm10 =	vmmov vm15;
	vm15 =	vmmov vm0  }
0x190: {  	v19 =	vnsel vm15, $0x0, v19  }
0x191: {  	v21 =	vshrl.u32 v19, $0xB  }
0x192: {  	v22 =	vnsel vm15, $0xFFFFFFFF, v21  }
0x193: {  	v27 =	vperm.xlane v22, v3;
	_ =	sdelay $0x1  }
0x194: {  	vm13 =	vmmov vm2;
	vm2 =	veq.s32 v27, v22;
	v27 =	vld [tilespmem:$0x1FF80]  }
0x195: {  	v23 =	vshrl.u32 v19, $0x8  }
0x196: {  	v23 =	vand.u32 $0x400, v23;
	v21 =	vand.u32 $0x1FF87F, v21;
	v24 =	vperm.xlane v22, v4  }
0x197: {  	v21 =	vor.u32 v23, v21;
	v23 =	vperm.xlane v22, v6  }
0x198: {  	vm1 =	veq.s32 v24, v22;
	v24 =	vperm.xlane v22, v7  }
0x199: {  	vm0 =	veq.s32 v23, v22;
	vm3 =	vnez.u8 v27  }
0x19a: {  	vm0 =	vmand vm0, vm3;
	vm3 =	veq.s32 v24, v22;
	v24 =	vld [tilespmem:$0x1FF60];
	_ =	sdelay $0x4  }
0x19b: {  	vm4 =	vnez.u8 v24;
	v24 =	vld [tilespmem:$0x1FFA0];
	_ =	sdelay $0x4  }
0x19c: {  	vm14 =	vnez.u8 v24;
	v24 =	vld [tilespmem:$0x1FF90];
	_ =	sdelay $0x4  }
0x19d: {  	vm9 =	vnez.u8 v24;
	v24 =	vld [tilespmem:$0x1FF70];
	_ =	sdelay $0x2  }
0x19e: {  	vm5 =	vmmov vm12  }
0x19f: {  	vm12 =	vmmov vm7;
	v25 =	vperm.xlane v22, v9;
	v26 =	vperm.xlane v22, v8  }
0x1a0: {  	v28 =	vperm.xlane v22, v5;
	vm7 =	vmand vm2, vm4;
	vm2 =	vnez.u8 v24;
	v24 =	vld [tilespmem:$0x1FFB0]  }
.Ltmp10:
0x1a1: {  	v20 =	vshrl.u32 v19, $0xC;
	v23 =	vperm.xlane v22, v17;
	v27 =	vperm.xlane v22, v12;
	(pc) =	sbr.rel @!p0 .LBB2_14-.Ltmp10, $4  }
0x1a2: {  	vm4 =	vmand vm1, vm2;
	vm1 =	veq.s32 v26, v22;
	vm2 =	veq.s32 v25, v22  }
0x1a3: {  	vm4 =	vmor vm7, vm4;
	vm7 =	vmmov vm5;
	vm5 =	veq.s32 v28, v22  }
0x1a4: {  	v25 =	vperm.xlane v22, v10;
	v26 =	vperm.xlane v22, v13;
	vm5 =	vmand vm5, vm10  }
0x1a5: {  	vm4 =	vmor vm5, vm4;
	vm8 =	vnez.u8 v24;
	v24 =	vperm.xlane v22, v11  }
.LBB2_13:
0x1a6: {  	vm3 =	vmand vm3, vm12;
	vm0 =	vmor vm0, vm4  }
0x1a7: {  	vm1 =	vmand vm1, vm9;
	vm0 =	vmor vm3, vm0  }
0x1a8: {  	vm0 =	vmor vm1, vm0;
	vm1 =	vmand vm2, vm13;
	vm2 =	veq.s32 v25, v22  }
0x1a9: {  	vm0 =	vmor vm1, vm0;
	vm1 =	vmand vm2, vm6;
	vm2 =	veq.s32 v24, v22;
	v24 =	vld [tilespmem:$0x1FFC0]  }
0x1aa: {  	v28 =	vperm.xlane v22, v14  }
0x1ab: {  	vm4 =	veq.s32 v27, v22;
	vm0 =	vmor vm1, vm0;
	vm1 =	vmand vm2, vm14  }
0x1ac: {  	v29 =	vperm.xlane v22, v15;
	vm0 =	vmor vm1, vm0;
	vm1 =	vmand vm4, vm11  }
0x1ad: {  	vm5 =	veq.s32 v26, v22;
	vm3 =	veq.s32 v28, v22;
	vm0 =	vmor vm1, vm0  }
0x1ae: {  	vm1 =	vmand vm5, vm7;
	vm4 =	vnez.u8 v24;
	v24 =	vperm.xlane v22, v16  }
0x1af: {  	vm2 =	veq.s32 v29, v22;
	vm0 =	vmor vm1, vm0;
	vm1 =	vmand vm3, vm8  }
0x1b0: {  	vm3 =	veq.s32 v23, v22;
	vm0 =	vmor vm1, vm0;
	vm1 =	veq.s32 v24, v22;
	v22 =	vld [tilespmem:$0x1FFD0];
	_ =	sdelay $0x3  }
0x1b1: {  	vm2 =	vmand vm2, vm4  }
0x1b2: {  	vm0 =	vmor vm2, vm0;
	vm2 =	vnez.u8 v22;
	v22 =	vld [tilespmem:$0x1FFE0];
	_ =	sdelay $0x3  }
0x1b3: {  	vm2 =	vmand vm3, vm2  }
0x1b4: {  	vm0 =	vmor vm2, vm0;
	vm2 =	vnez.u8 v22  }
0x1b5: {  	vm1 =	vmand vm1, vm2  }
0x1b6: {  	vm0 =	vmor vm1, vm0  }
0x1b7: {  	vm0 =	vmneg vm0  }
0x1b8: {  	v20 =	vand.u32 $0x380, v20;
	vm0 =	vmand vm15, vm0  }
0x1b9: {  	v20 =	vor.u32 v20, v21  }
0x1ba: {  	v19 =	vand.u32 $0x7FF, v19;
	_ =	sdelay $0x3  }
0x1bb: {  	v21 =	vld.idx.msk [tilespmem:v20+s23+$0x0], vm0  }
0x1bc: {  	v19 =	vld.idx.msk [tilespmem:v19+s2+$0x0], vm0;
	_ =	sdelay $0x4  }
0x1bd: {  	v19 =	vadd.f32 v19, v21;
	_ =	sdelay $0x1  }
0x1be: {  	s5 =	sadd.s32 $0x10, s5;
	[tilespmem:v20+s3+$0x0] =	vst.idx.msk vm0, v19  }
0x1bf: {  	v19 =	vld [tilespmem:s5+$0x0]  }
0x1c0: {  	s6 =	sadd.s32 $0x10, s6  }
0x1c1: {  	v23 =	vor.u32 s6, v2  }
0x1c2: {  	vm4 =	vlt.s32 v23, v18  }
0x1c3: {  	vm15 =	vmmov vm4  }
0x1c4: {  	v19 =	vnsel vm15, $0x0, v19  }
0x1c5: {  	v21 =	vshrl.u32 v19, $0xB  }
0x1c6: {  	v22 =	vnsel vm15, $0xFFFFFFFF, v21  }
0x1c7: {  	v27 =	vperm.xlane v22, v3;
	_ =	sdelay $0x1  }
0x1c8: {  	vm2 =	veq.s32 v27, v22;
	v27 =	vld [tilespmem:$0x1FF80]  }
0x1c9: {  	v23 =	vshrl.u32 v19, $0x8  }
0x1ca: {  	v23 =	vand.u32 $0x400, v23;
	v21 =	vand.u32 $0x1FF87F, v21;
	v24 =	vperm.xlane v22, v4  }
0x1cb: {  	v21 =	vor.u32 v23, v21;
	v23 =	vperm.xlane v22, v6  }
0x1cc: {  	vm1 =	veq.s32 v24, v22;
	v24 =	vperm.xlane v22, v7  }
0x1cd: {  	vm0 =	veq.s32 v23, v22;
	vm3 =	vnez.u8 v27  }
0x1ce: {  	vm0 =	vmand vm0, vm3;
	vm3 =	veq.s32 v24, v22;
	v24 =	vld [tilespmem:$0x1FF60];
	_ =	sdelay $0x4  }
0x1cf: {  	vm4 =	vnez.u8 v24;
	v24 =	vld [tilespmem:$0x1FF70];
	_ =	sdelay $0x4  }
0x1d0: {  	vm2 =	vmand vm2, vm4;
	vm4 =	vnez.u8 v24;
	v24 =	vld [tilespmem:$0x1FFF0];
	_ =	sdelay $0x1  }
0x1d1: {  	p0 =	sne.s32 s4, $0x1;
	v25 =	vperm.xlane v22, v9;
	v28 =	vperm.xlane v22, v5  }
.Ltmp11:
0x1d2: {  	v20 =	vshrl.u32 v19, $0xC;
	v26 =	vperm.xlane v22, v8;
	v23 =	vperm.xlane v22, v17;
	(pc) =	sbr.rel @p0 .LBB2_13-.Ltmp11, $4  }
0x1d3: {  	vm5 =	veq.s32 v28, v22;
	v27 =	vperm.xlane v22, v12;
	vm4 =	vmand vm1, vm4  }
0x1d4: {  	vm1 =	veq.s32 v26, v22;
	v26 =	vperm.xlane v22, v13;
	vm10 =	vnez.u8 v24  }
0x1d5: {  	vm4 =	vmor vm2, vm4;
	vm2 =	veq.s32 v25, v22;
	vm5 =	vmand vm5, vm10  }
0x1d6: {  	s4 =	sadd.s32 $0xFFFFFFFF, s4;
	v25 =	vperm.xlane v22, v10;
	v24 =	vperm.xlane v22, v11;
	vm4 =	vmor vm5, vm4  }
.Ltmp12:
0x1d7: {  	_ = 	snop;
	(pc) =	sbr.rel .LBB2_14-.Ltmp12, $1  }
0x1d8: {  	_ =	sdelay $0x3  }
.LBB2_16:
0x1d9: {  	_ =	sfence.sel $0x180000  }
0x1da: {  	[bflag:$0x0] =	sbarrier.arrive $0xFFFF  }
0x1db: {  	_ =	strace $0x9000004A  }
0x1dc: {  	s0 =	stileid.u32;
	[bflag:$0x2] =	sbarrier.arrive $0xFFFF  }
0x1dd: {  	p0 =	sne.s32 s0, $0x0;
	s0 =	rddreg [dreg:$0x5]  }
0x1de: {  	s0 =	sadd.s32 @!p0 $0x100000, s0  }
0x1df: {  	[sflag:s0] =	ssyncadd.tile.s32 @!p0 $0x1;
	_ =	shalt  }
.Lfunc_end2:
_tile_overlayer_lowered:
.L_overlay_start_2:
0x1e0: {  	(tag) =	ssettag $0x2  }
0x1e1: {  	s0 =	rddreg [dreg:$0x0];
	s2 =	stileid.u32  }
0x1e2: {  	s1 =	rddreg [dreg:$0x1];
	p0 =	sne.s32 s2, $0x0  }
0x1e3: {  	s3 =	rddreg [dreg:$0x2];
	[bflag:$0x3] =	sbarrier.arrive $0xFFFF;
	s2 =	simm.s32 @!p0 $0x1C04  }
0x1e4: {  	[timem:s3], [sflag:s2] =	dma.local @!p0 [hbm:s0], s1  }
0x1e5: {  	s0 =	simm.s32 @!p0 $0x4  }
0x1e6: {  	_ =	swait.ge @!p0 [sflag:s0], s1  }
0x1e7: {  	s1 =	ssub.s32 @!p0 $0x0, s1;
	[sflag:s0] =	ssyncset.done @!p0 $0x0  }
0x1e8: {  	[sflag:s0] =	ssyncadd.s32 @!p0 s1  }
0x1e9: {  	[bflag:$0x3] =	sbarrier.arrive $0xFFFF  }
0x1ea: {  	_ =	shalt  }

// kernel: kernel.7.cloned.1.call-start
scs
__scs_entry_jumppad:
0x0: {  	(pc) =	sbr.rel $0x88, $3  }
0x1: {  	(tag) =	ssettag $0x0;
	lr =	simm.s32 $0x1  }
0x2: {  	[smem:$0x3F91] =	sst lr;
	_ =	strace $0xD0000000  }
0x3: {  	_ = 	snop  }
0x4: {  	_ = 	snop  }
0x5: {  	_ = 	snop  }
0x6: {  	_ = 	snop  }
0x7: {  	_ = 	snop  }
__scs_overlays_trampoline_lowered:
0x8: {  	[smem:$0x3FA0] =	sst s0  }
0x9: {  	[smem:$0x3FA1] =	sst s1  }
0xa: {  	[smem:$0x3FA2] =	sst s2  }
0xb: {  	[smem:$0x3FA3] =	sst s3  }
0xc: {  	[smem:$0x3FA4] =	sst s4  }
0xd: {  	[smem:$0x3FA5] =	sst s5  }
0xe: {  	[smem:$0x3FA6] =	sst s6  }
0xf: {  	[smem:$0x3FA7] =	sst s7  }
0x10: {  	[smem:$0x3FA8] =	sst s8  }
0x11: {  	[smem:$0x3FA9] =	sst s9;
	s0 =	simm.s32 @!p0 $0x0  }
0x12: {  	s1 =	sld [smem:$0x3F8F];
	s0 =	simm.s32 @p0 $0x1  }
0x13: {  	[smem:$0x3FAA] =	sst s0;
	s0 =	simm.s32 @!p1 $0x0  }
0x14: {  	s2 =	sld [smem:$0x3F8E];
	s0 =	simm.s32 @p1 $0x1  }
0x15: {  	[smem:$0x3FAB] =	sst s0;
	s0 =	simm.s32 @!p2 $0x0  }
0x16: {  	s3 =	sld [smem:$0x3FDB];
	s0 =	simm.s32 @p2 $0x1  }
0x17: {  	s4 =	simm.s32 $0x1BF5;
	[smem:$0x3FAD] =	sst s0  }
0x18: {  	s0 =	sld [smem:$0x3F90];
	_ =	swait.ge [sflag:s4], $0x0  }
0x19: {  	s7 =	sld [smem:$0x3F91]  }
0x1a: {  	s8 =	sadd.s32 $0xFFFFE003, lr  }
0x1b: {  	s9 =	sadd.s32 $0xFFFFFEF7, lr;
	s5 =	simm.s32 $0xFFFFFFFF;
	p2 =	slt.u32 s8, $0xFFFFF086  }
0x1c: {  	p1 =	slt.u32 s9, $0xF7A;
	s5 =	simm.s32 @!p2 $0x0  }
0x1d: {  	s5 =	simm.s32 @p1 $0x1;
	p0 =	seq.s32 s7, s2  }
0x1e: {  	s7 =	smul.u32 @!p0 $0xF7A, s2;
	p2 =	seq.s32 @!p0 s5, $0x0  }
0x1f: {  	s9 =	smul.u32 $0xF7A, s1;
	s8 =	simm.s32 @!p0 $0x1BF5;
	p2 =	por !p2, p0  }
0x20: {  	[sflag:s8] =	ssyncset.s32 @!p0 $0xFFFFF086;
	s6 =	sadd.s32 @!p0 s3, s7;
	s7 =	simm.s32 @!p0 $0x108  }
0x21: {  	s3 =	sadd.s32 s3, s9;
	s6 =	sadd.s32 @!p0 $0x88, s6;
	s7 =	simm.s32 @p2 $0x1082  }
0x22: {  	[simem:s7], [sflag:s8] =	dma.local @!p0 [hbm:s6], $0xF7A  }
0x23: {  	s9 =	sor.u32 $0xD0000000, s2;
	s6 =	simm.s32 $0x108;
	_ =	swait.ge @!p0 [sflag:s8], $0x0  }
0x24: {  	s3 =	sadd.s32 $0x88, s3;
	s6 =	simm.s32 @!p1 $0x1082;
	[sflag:s4] =	ssyncset.s32 $0xFFFFF086  }
0x25: {  	[simem:s6], [sflag:s4] =	dma.local [hbm:s3], $0xF7A  }
0x26: {  	[smem:$0x3F91] =	sst s1;
	(tag) =	ssettag s2;
	_ =	strace s9  }
0x27: {  	s1 =	sld [smem:$0x3FA1]  }
0x28: {  	s2 =	sld [smem:$0x3FA2]  }
0x29: {  	s4 =	sld [smem:$0x3FA4]  }
0x2a: {  	p0 =	seq.s32 s5, $0x0;
	s5 =	sld [smem:$0x3FA5]  }
0x2b: {  	s6 =	sld [smem:$0x3FA6]  }
0x2c: {  	s7 =	sld [smem:$0x3FA7]  }
0x2d: {  	s3 =	simm.s32 $0x108;
	s8 =	sld [smem:$0x3FA8]  }
0x2e: {  	s3 =	simm.s32 @!p0 $0x1082;
	s9 =	sld [smem:$0x3FA9]  }
0x2f: {  	lr =	sadd.s32 s0, s3;
	s0 =	sld [smem:$0x3FA0]  }
0x30: {  	s3 =	sld [smem:$0x3FA3]  }
0x31: {  	[smem:$0x3FAC] =	sst s10  }
0x32: {  	s10 =	sld [smem:$0x3FAA];
	_ =	sdelay $0x3  }
0x33: {  	p0 =	seq.s32 s10, $0x1;
	s10 =	sld [smem:$0x3FAC];
	_ =	sdelay $0x3  }
0x34: {  	[smem:$0x3FAC] =	sst s10  }
0x35: {  	s10 =	sld [smem:$0x3FAB];
	_ =	sdelay $0x3  }
0x36: {  	p1 =	seq.s32 s10, $0x1;
	s10 =	sld [smem:$0x3FAC];
	_ =	sdelay $0x3  }
0x37: {  	[smem:$0x3FAC] =	sst s10  }
0x38: {  	s10 =	sld [smem:$0x3FAD]  }
0x39: {  	_ = 	snop;
	(pc) =	sbr.ind lr, $3  }
0x3a: {  	_ = 	snop  }
0x3b: {  	_ = 	snop  }
0x3c: {  	p2 =	seq.s32 s10, $0x1;
	s10 =	sld [smem:$0x3FAC]  }
0x3d: {  	_ =	shalt  }
0x3e: {  	_ =	shalt  }
0x3f: {  	_ =	shalt  }
0x40: {  	_ =	shalt  }
0x41: {  	_ =	shalt  }
0x42: {  	_ =	shalt  }
0x43: {  	_ =	shalt  }
0x44: {  	_ =	shalt  }
0x45: {  	_ =	shalt  }
0x46: {  	_ =	shalt  }
0x47: {  	_ =	shalt  }
0x48: {  	_ =	shalt  }
0x49: {  	_ =	shalt  }
0x4a: {  	_ =	shalt  }
0x4b: {  	_ =	shalt  }
0x4c: {  	_ =	shalt  }
0x4d: {  	_ =	shalt  }
0x4e: {  	_ =	shalt  }
0x4f: {  	_ =	shalt  }
0x50: {  	_ =	shalt  }
0x51: {  	_ =	shalt  }
0x52: {  	_ =	shalt  }
0x53: {  	_ =	shalt  }
0x54: {  	_ =	shalt  }
0x55: {  	_ =	shalt  }
0x56: {  	_ =	shalt  }
0x57: {  	_ =	shalt  }
0x58: {  	_ =	shalt  }
0x59: {  	_ =	shalt  }
0x5a: {  	_ =	shalt  }
0x5b: {  	_ =	shalt  }
0x5c: {  	_ =	shalt  }
0x5d: {  	_ =	shalt  }
0x5e: {  	_ =	shalt  }
0x5f: {  	_ =	shalt  }
0x60: {  	_ =	shalt  }
0x61: {  	_ =	shalt  }
0x62: {  	_ =	shalt  }
0x63: {  	_ =	shalt  }
0x64: {  	_ =	shalt  }
0x65: {  	_ =	shalt  }
0x66: {  	_ =	shalt  }
0x67: {  	_ =	shalt  }
0x68: {  	_ =	shalt  }
0x69: {  	_ =	shalt  }
0x6a: {  	_ =	shalt  }
0x6b: {  	_ =	shalt  }
0x6c: {  	_ =	shalt  }
0x6d: {  	_ =	shalt  }
0x6e: {  	_ =	shalt  }
0x6f: {  	_ =	shalt  }
0x70: {  	_ =	shalt  }
0x71: {  	_ =	shalt  }
0x72: {  	_ =	shalt  }
0x73: {  	_ =	shalt  }
0x74: {  	_ =	shalt  }
0x75: {  	_ =	shalt  }
0x76: {  	_ =	shalt  }
0x77: {  	_ =	shalt  }
0x78: {  	_ =	shalt  }
0x79: {  	_ =	shalt  }
0x7a: {  	_ =	shalt  }
0x7b: {  	_ =	shalt  }
0x7c: {  	_ =	shalt  }
0x7d: {  	_ =	shalt  }
0x7e: {  	_ =	shalt  }
0x7f: {  	_ =	shalt  }
0x80: {  	_ =	shalt  }
0x81: {  	_ =	shalt  }
0x82: {  	_ =	shalt  }
0x83: {  	_ =	shalt  }
0x84: {  	_ =	shalt  }
0x85: {  	_ =	shalt  }
0x86: {  	_ =	shalt  }
0x87: {  	_ =	shalt  }
.Lfunc_end0:
.L_simem_size_0:
called_computation_lowered:
.L_overlay_start_0:
0x88: {  	s2 =	sld [smem:$0x3FD9]  }
0x89: {  	s3 =	sld [smem:$0x3FFE];
	_ =	sdelay $0x1  }
0x8a: {  	s1 =	srdreg.scid  }
0x8b: {  	s0 =	sand.u32 $0x1, s1  }
0x8c: {  	s14 =	sshll.u32 s0, $0xA;
	s2 =	sadd.s32 s3, s2  }
0x8d: {  	s2 =	sadd.s32 s2, s14  }
0x8e: {  	[smem:$0x3FB8] =	sst s2  }
0x8f: {  	_ = 	snop  }
0x90: {  	s2 =	sld [smem:$0x3FC5]  }
0x91: {  	s15 =	sld [smem:$0x3FD0]  }
0x92: {  	s4 =	sld [smem:$0x3FC4]  }
0x93: {  	s5 =	sld [smem:$0x3FC3]  }
0x94: {  	s7 =	simm.s32 $0xA;
	s8 =	simm.s32 $0x10;
	s6 =	sld [smem:$0x3FC2]  }
0x95: {  	[smem:s8], [sflag:s7] =	dma.local [hbm:s15], $0x1  }
0x96: {  	_ =	swait.eq [sflag:s7], $0x1  }
0x97: {  	[sflag:s7] =	ssyncset.done $0x0  }
0x98: {  	s16 =	sld [smem:$0x10];
	[sflag:s7] =	ssyncadd.s32 $0xFFFFFFFF  }
0x99: {  	s17 =	sld [smem:$0x17];
	(tm) =	ssettm $0x1  }
0x9a: {  	s18 =	sld [smem:$0x3FFB];
	_ =	sdelay $0x3  }
0x9b: {  	_ =	strace s18  }
0x9c: {  	s8 =	sld [smem:$0x3FFC];
	_ =	sdelay $0x3  }
0x9d: {  	_ =	strace s8  }
0x9e: {  	s8 =	sld [smem:$0x3FFD];
	_ =	sdelay $0x3  }
0x9f: {  	_ =	strace s8  }
0xa0: {  	_ =	strace $0x8FFFFFFF  }
0xa1: {  	s19 =	sld [smem:$0x3FDB];
	_ =	sdelay $0x1  }
0xa2: {  	s9 =	simm.s32 $_scs_section_size  }
0xa3: {  	s10 =	simm.s32 $_size__tile_overlayer_lowered;
	s11 =	simm.s32 $_tile_overlayer_lowered  }
0xa4: {  	s22 =	simm.s32 $0x1BFF;
	s21 =	sshll.u32 s11, $0x1;
	s8 =	sadd.s32 s9, s19  }
0xa5: {  	s12 =	simm.s32 $0x0;
	s20 =	sshll.u32 s10, $0x1;
	s10 =	sadd.s32 s21, s8  }
0xa6: {  	[timem:s12], [sflag:s22] =	dma.local [hbm:s10], s20  }
0xa7: {  	_ =	swait.ge [sflag:s22], s20  }
0xa8: {  	s9 =	ssub.s32 $0x0, s20;
	[sflag:s22] =	ssyncset.done $0x0  }
0xa9: {  	[sflag:s22] =	ssyncadd.s32 s9;
	_ =	sdelay $0x1  }
0xaa: {  	s23 =	simm.s32 $0x1B8B  }
0xab: {  	_ =	swait.ge [sflag:s23], $0x1  }
0xac: {  	[sflag:s23] =	ssyncset.done $0x0  }
0xad: {  	s25 =	simm.s32 $0x1B8E;
	s24 =	sld [smem:$0x3FFE];
	[sflag:s23] =	ssyncadd.s32 $0xFFFFFFFF  }
0xae: {  	s26 =	simm.s32 $execute0_lowered;
	[smem:$0x3FD2] =	sst s25  }
0xaf: {  	s10 =	sshll.u32 s26, $0x1;
	_ =	strace $0x80000046;
	[dreg:$0x1] =	wrdreg $0xFFFFFFFF  }
0xb0: {  	s28 =	simm.s32 $_size_execute0_lowered;
	s8 =	sadd.s32 s8, s10;
	[dreg:$0x0] =	wrdreg $0x0  }
0xb1: {  	s10 =	sshll.u32 s28, $0x1;
	[dreg:$0x2] =	wrdreg s8  }
0xb2: {  	[dreg:$0x3] =	wrdreg s10  }
0xb3: {  	[dreg:$0x4] =	wrdreg $0xC0  }
0xb4: {  	_ =	task [dreg:s12], $0x5FFFF  }
0xb5: {  	[dreg:$0x1] =	wrdreg $0xFFFFFFFF  }
0xb6: {  	[dreg:$0x0] =	wrdreg $0x60  }
0xb7: {  	[dreg:$0x2] =	wrdreg s2  }
0xb8: {  	[dreg:$0x3] =	wrdreg s4  }
0xb9: {  	[dreg:$0x4] =	wrdreg s5  }
0xba: {  	[dreg:$0x5] =	wrdreg s6  }
0xbb: {  	[dreg:$0x6] =	wrdreg s17  }
0xbc: {  	[dreg:$0x7] =	wrdreg s16  }
0xbd: {  	[dreg:$0x8] =	wrdreg s24  }
0xbe: {  	[dreg:$0x9] =	wrdreg $0x9  }
0xbf: {  	_ =	task.clear_ibuf [dreg:s12], $0xAFFFF;
	_ =	strace $0x90000046  }
0xc0: {  	s29 =	simm.s32 $0x9;
	_ =	strace $0x80000048  }
0xc1: {  	_ =	swait.ge [sflag:s29], $0x1  }
0xc2: {  	[sflag:s29] =	ssyncadd.s32 $0xFFFFFFFF  }
0xc3: {  	_ =	strace $0x90000048  }
0xc4: {  	_ =	sfence  }
0xc5: {  	s30 =	sld [smem:$0x0];
	_ =	sdelay $0x2  }
0xc6: {  	s31 =	sshll.u32 s1, $0xD;
	s1 =	sshrl.u32 s1, $0x2  }
0xc7: {  	s3 =	sand.u32 $0x4000, s31;
	s1 =	sadd.s32 s1, s30  }
0xc8: {  	s0 =	sor.u32 s3, s0;
	s1 =	sshll.u32 s1, $0x11  }
0xc9: {  	s0 =	sor.u32 s1, s0  }
0xca: {  	s0 =	sadd.s32 $0x8F2B, s0  }
0xcb: {  	[sflag:s0] =	ssyncadd.remote.s32 $0x1  }
0xcc: {  	_ =	sfence.sel $0xFFFF  }
0xcd: {  	[dreg:$0x0] =	wrdreg $0xFFFFFFFF;
	(pc) =	sbr.abs _section_cstart, $3  }
0xce: {  	[dreg:$0x1] =	wrdreg $0xFFFFFFFF  }
0xcf: {  	_ =	task.clear_ibuf [dreg:s12], $0x2FFFF;
	_ =	strace $0x9FFFFFFF  }
0xd0: {  	(tm) =	ssettm $0x7FFFFFFF  }
0xd1: {  	_ =	shalt  }
tec
execute0_lowered:
.L_overlay_start_1:
0x0: {  	(tag) =	ssettag $0x1  }
0x1: {  	s3 =	rddreg [dreg:$0x0]  }
0x2: {  	s5 =	rddreg [dreg:$0x1]  }
0x3: {  	s6 =	rddreg [dreg:$0x2]  }
0x4: {  	s7 =	rddreg [dreg:$0x3]  }
0x5: {  	s4 =	rddreg [dreg:$0x4]  }
0x6: {  	s8 =	rddreg [dreg:$0x5]  }
0x7: {  	s9 =	rddreg [dreg:$0x6];
	s2 =	srdreg.scid  }
0x8: {  	s0 =	rddreg [dreg:$0x7];
	s1 =	stileid.u32;
	s10 =	sand.u32 $0x1, s2  }
0x9: {  	s2 =	simm.s32 $0x0;
	s11 =	sshll.u32 s1, $0x4;
	s12 =	sshll.u32 s10, $0x3  }
0xa: {  	[smem:$0x7FF] =	sst s2;
	s11 =	sor.u32 s12, s11  }
0xb: {  	_ =	strace $0x80000047;
	s20 =	sadd.s32 s3, s11;
	s3 =	simm.s32 $0x4  }
0xc: {  	[tilespmem:s2], [sflag:$0x4] =	stream.linear.gather [hbm4b:s20+s2], $0x40, $0x38;
	[tilespmem:$0x580] =	vst v63  }
0xd: {  	_ =	swait.ge [sflag:s3], $0x40  }
0xe: {  	[sflag:s3] =	ssyncset.done $0x0  }
0xf: {  	s22 =	simm.s32 $0x80;
	s21 =	sadd.s32 s5, s11;
	[sflag:s3] =	ssyncadd.s32 $0xFFFFFFC0  }
0x10: {  	[tilespmem:s22], [sflag:$0x4] =	stream.linear.gather [hbm4b:s21+s2], $0x40, $0x38;
	[tilespmem:$0x580] =	vst v63  }
0x11: {  	s24 =	simm.s32 $0x100;
	s26 =	simm.s32 $0x180;
	_ =	swait.ge [sflag:s3], $0x40  }
0x12: {  	s13 =	simm.s32 $0x40;
	s14 =	simm.s32 $0x200;
	[sflag:s3] =	ssyncset.done $0x0  }
0x13: {  	s30 =	ssub.s32 $0x2, s10;
	s23 =	sadd.s32 s6, s11;
	[sflag:s3] =	ssyncadd.s32 $0xFFFFFFC0  }
0x14: {  	[tilespmem:s24], [sflag:$0x4] =	stream.linear.gather [hbm4b:s23+s2], $0x40, $0x38;
	[tilespmem:$0x580] =	vst v63  }
0x15: {  	s15 =	simm.s32 $0x280;
	s10 =	sshrl.u32 s30, $0x1;
	_ =	swait.ge [sflag:s3], $0x40  }
0x16: {  	s17 =	simm.s32 $0x300;
	s10 =	ssub.s32 s30, s10;
	[sflag:s3] =	ssyncset.done $0x0  }
0x17: {  	s25 =	sadd.s32 s7, s11;
	s31 =	smax.u32 s10, $0x1;
	[sflag:s3] =	ssyncadd.s32 $0xFFFFFFC0  }
0x18: {  	[tilespmem:s26], [sflag:$0x4] =	stream.linear.gather [hbm4b:s25+s2], $0x40, $0x38;
	[tilespmem:$0x580] =	vst v63  }
0x19: {  	s18 =	simm.s32 $0x1;
	p0 =	sne.s32 s31, $0x1;
	_ =	swait.ge [sflag:s3], $0x40  }
.Ltmp0:
0x1a: {  	s16 =	simm.s32 $0x2;
	[sflag:s3] =	ssyncset.done $0x0;
	(pc) =	sbr.rel @!p0 .LBB2_2-.Ltmp0, $4  }
0x1b: {  	s19 =	simm.s32 $0x3;
	s12 =	simm.s32 $0x380;
	[sflag:s3] =	ssyncadd.s32 $0xFFFFFFC0  }
0x1c: {  	s9 =	sadd.s32 s11, s9;
	s8 =	sadd.s32 s8, s11;
	s11 =	simm.s32 $0x400;
	v1 =	vld [tilespmem:$0x20]  }
0x1d: {  	s7 =	sadd.s32 $0x2600, s9;
	s5 =	sadd.s32 $0x2800, s9;
	s6 =	sadd.s32 $0x2A00, s9;
	v2 =	vld [tilespmem:$0xA0]  }
0x1e: {  	s10 =	simm.s32 $0x480;
	s9 =	simm.s32 $0x500;
	s28 =	sadd.s32 $0xFFFFFFFF, s31;
	v0 =	vld [tilespmem:$0x1B0]  }
.LBB2_1:
0x1f: {  	p0 =	sne.s32 s28, $0x1;
	s28 =	sadd.s32 $0xFFFFFFFF, s28;
	v3 =	vld [tilespmem:$0x1A0]  }
0x20: {  	v4 =	vld [tilespmem:$0x180]  }
0x21: {  	v5 =	vld [tilespmem:$0x190];
	v6 =	vshll.u32 v1, $0xC  }
0x22: {  	v7 =	vld [tilespmem:$0x10];
	v2 =	vadd.s32 v2, v6  }
0x23: {  	v6 =	vld [tilespmem:$0x90];
	[tilespmem:$0x220] =	vst v2;
	v8 =	vadd.s32 $0x6000, v2;
	v2 =	vadd.s32 $0xC000, v2  }
0x24: {  	v9 =	vld [tilespmem:$0x110];
	[tilespmem:$0x2A0] =	vst v8  }
0x25: {  	v8 =	vld [tilespmem:$0x100];
	[tilespmem:$0x320] =	vst v2  }
0x26: {  	v2 =	vld [tilespmem:$0x0]  }
0x27: {  	v10 =	vld [tilespmem:$0x80];
	v11 =	vshll.u32 v7, $0xC;
	v7 =	vshll.u32 v7, $0x10  }
0x28: {  	v5 =	vshll.u32 v5, $0x8;
	v6 =	vadd.s32 v6, v11;
	v11 =	vld [tilespmem:$0x120]  }
0x29: {  	[tilespmem:$0x210] =	vst v6;
	v12 =	vadd.s32 $0x6000, v6;
	v6 =	vadd.s32 $0xC000, v6;
	v7 =	vadd.s32 v7, v9;
	v9 =	vld [tilespmem:$0x130]  }
0x2a: {  	v3 =	vshll.u32 v3, $0x8;
	[tilespmem:$0x290] =	vst v12;
	v5 =	vadd.s32 v5, v7;
	v7 =	vld [tilespmem:$0x30]  }
0x2b: {  	v4 =	vshll.u32 v4, $0x8;
	v12 =	vshll.u32 v2, $0xC;
	v2 =	vshll.u32 v2, $0x10;
	[tilespmem:$0x310] =	vst v6;
	v6 =	vld [tilespmem:$0xB0]  }
0x2c: {  	v1 =	vshll.u32 v1, $0x10;
	v10 =	vadd.s32 v10, v12;
	v2 =	vadd.s32 v2, v8;
	[tilespmem:$0x390] =	vst v5  }
0x2d: {  	[tilespmem:$0x200] =	vst v10;
	v5 =	vadd.s32 $0x6000, v10;
	v8 =	vadd.s32 $0xC000, v10;
	v1 =	vadd.s32 v1, v11  }
0x2e: {  	v2 =	vadd.s32 v4, v2;
	[tilespmem:$0x300] =	vst v8;
	v1 =	vadd.s32 v3, v1  }
0x2f: {  	[tilespmem:$0x380] =	vst v2;
	v2 =	vshll.u32 v7, $0xC;
	v3 =	vshll.u32 v7, $0x10  }
0x30: {  	v0 =	vshll.u32 v0, $0x8;
	[tilespmem:$0x3A0] =	vst v1;
	v1 =	vadd.s32 v6, v2;
	v2 =	vadd.s32 v3, v9  }
0x31: {  	[tilespmem:$0x230] =	vst v1;
	v3 =	vadd.s32 $0x6000, v1;
	v1 =	vadd.s32 $0xC000, v1;
	v0 =	vadd.s32 v0, v2  }
0x32: {  	[tilespmem:$0x280] =	vst v5  }
0x33: {  	[tilespmem:$0x3B0] =	vst v0  }
0x34: {  	[tilespmem:$0x330] =	vst v1  }
0x35: {  	[tilespmem:$0x2B0] =	vst v3  }
0x36: {  	[tilespmem:s11], [sflag:$0x1] =	stream.indirect.gather [hbm4b:s4+s13], $0x1, s14, s13, $0xb8;
	[tilespmem:$0x580] =	vst v63  }
0x37: {  	_ = 	snop  }
0x38: {  	[tilespmem:s10], [sflag:$0x2] =	stream.indirect.gather [hbm4b:s4+s13], $0x1, s15, s13, $0xb8;
	[tilespmem:$0x580] =	vst v63  }
0x39: {  	_ = 	snop  }
0x3a: {  	[tilespmem:s9], [sflag:$0x3] =	stream.indirect.gather [hbm4b:s4+s13], $0x1, s17, s13, $0xb8;
	[tilespmem:$0x580] =	vst v63  }
0x3b: {  	_ =	swait.ge [sflag:s18], $0x40  }
0x3c: {  	[sflag:s18] =	ssyncset.done $0x0  }
0x3d: {  	[sflag:s18] =	ssyncadd.s32 $0xFFFFFFC0  }
0x3e: {  	_ =	swait.ge [sflag:s16], $0x40  }
0x3f: {  	[sflag:s16] =	ssyncset.done $0x0  }
0x40: {  	[sflag:s16] =	ssyncadd.s32 $0xFFFFFFC0  }
0x41: {  	_ =	swait.ge [sflag:s19], $0x40  }
0x42: {  	[sflag:s19] =	ssyncset.done $0x0  }
0x43: {  	[sflag:s19] =	ssyncadd.s32 $0xFFFFFFC0  }
0x44: {  	[hbm4b:s8+s2] =	stream.linear.scatter [tilespmem:s11], [sflag:$0x4], $0x40, $0x38;
	[tilespmem:$0x580] =	vst v63  }
0x45: {  	_ =	swait.ge [sflag:s3], $0x40  }
0x46: {  	[sflag:s3] =	ssyncset.done $0x0  }
0x47: {  	[sflag:s3] =	ssyncadd.s32 $0xFFFFFFC0  }
0x48: {  	[hbm4b:s7+s2] =	stream.linear.scatter [tilespmem:s10], [sflag:$0x4], $0x40, $0x38;
	[tilespmem:$0x580] =	vst v63  }
0x49: {  	_ =	swait.ge [sflag:s3], $0x40  }
0x4a: {  	[sflag:s3] =	ssyncset.done $0x0  }
0x4b: {  	[sflag:s3] =	ssyncadd.s32 $0xFFFFFFC0  }
0x4c: {  	[hbm4b:s5+s2] =	stream.linear.scatter [tilespmem:s9], [sflag:$0x4], $0x40, $0x38;
	[tilespmem:$0x580] =	vst v63  }
0x4d: {  	_ =	swait.ge [sflag:s3], $0x40  }
0x4e: {  	[sflag:s3] =	ssyncset.done $0x0  }
0x4f: {  	[sflag:s3] =	ssyncadd.s32 $0xFFFFFFC0  }
0x50: {  	[hbm4b:s6+s2] =	stream.linear.scatter [tilespmem:s12], [sflag:$0x4], $0x40, $0x38;
	[tilespmem:$0x580] =	vst v63  }
0x51: {  	_ =	swait.ge [sflag:s3], $0x40  }
0x52: {  	[sflag:s3] =	ssyncset.done $0x0  }
0x53: {  	[sflag:s3] =	ssyncadd.s32 $0xFFFFFFC0  }
0x54: {  	[tilespmem:s2], [sflag:$0x4] =	stream.linear.gather [hbm4b:s20+s2], $0x40, $0x38;
	[tilespmem:$0x580] =	vst v63  }
0x55: {  	_ =	swait.ge [sflag:s3], $0x40  }
0x56: {  	[sflag:s3] =	ssyncset.done $0x0  }
0x57: {  	[sflag:s3] =	ssyncadd.s32 $0xFFFFFFC0  }
0x58: {  	[tilespmem:s22], [sflag:$0x4] =	stream.linear.gather [hbm4b:s21+s2], $0x40, $0x38;
	[tilespmem:$0x580] =	vst v63  }
0x59: {  	_ =	swait.ge [sflag:s3], $0x40  }
0x5a: {  	[sflag:s3] =	ssyncset.done $0x0  }
0x5b: {  	[sflag:s3] =	ssyncadd.s32 $0xFFFFFFC0  }
0x5c: {  	[tilespmem:s24], [sflag:$0x4] =	stream.linear.gather [hbm4b:s23+s2], $0x40, $0x38;
	[tilespmem:$0x580] =	vst v63  }
0x5d: {  	_ =	swait.ge [sflag:s3], $0x40  }
0x5e: {  	[sflag:s3] =	ssyncset.done $0x0  }
0x5f: {  	[sflag:s3] =	ssyncadd.s32 $0xFFFFFFC0  }
0x60: {  	[tilespmem:s26], [sflag:$0x4] =	stream.linear.gather [hbm4b:s25+s2], $0x40, $0x38;
	[tilespmem:$0x580] =	vst v63  }
0x61: {  	_ =	swait.ge [sflag:s3], $0x40  }
.Ltmp1:
0x62: {  	[sflag:s3] =	ssyncset.done $0x0;
	(pc) =	sbr.rel @p0 .LBB2_1-.Ltmp1, $4  }
0x63: {  	[sflag:s3] =	ssyncadd.s32 $0xFFFFFFC0  }
0x64: {  	v1 =	vld [tilespmem:$0x20]  }
0x65: {  	v2 =	vld [tilespmem:$0xA0]  }
0x66: {  	v0 =	vld [tilespmem:$0x1B0]  }
.LBB2_2:
0x67: {  	v3 =	vld [tilespmem:$0x1A0]  }
0x68: {  	v4 =	vld [tilespmem:$0x180]  }
0x69: {  	v5 =	vld [tilespmem:$0x10]  }
0x6a: {  	v6 =	vld [tilespmem:$0x90]  }
0x6b: {  	v7 =	vld [tilespmem:$0x190]  }
0x6c: {  	v50 =	vld [tilespmem:$0x120]  }
0x6d: {  	v51 =	vld [tilespmem:$0x30];
	v8 =	vshll.u32 v1, $0xC  }
0x6e: {  	v53 =	vld [tilespmem:$0xB0];
	v2 =	vadd.s32 v2, v8  }
0x6f: {  	v47 =	vld [tilespmem:$0x110];
	[tilespmem:$0x220] =	vst v2;
	v9 =	vadd.s32 $0x6000, v2  }
0x70: {  	v10 =	vld [tilespmem:$0x0];
	v56 =	vshll.u32 v1, $0x10;
	v2 =	vadd.s32 $0xC000, v2;
	[tilespmem:$0x2A0] =	vst v9;
	v11 =	vshll.u32 v5, $0xC  }
0x71: {  	v48 =	vld [tilespmem:$0x80];
	[tilespmem:$0x320] =	vst v2;
	v3 =	vshll.u32 v3, $0x8;
	v1 =	vadd.s32 v56, v50;
	v49 =	vadd.s32 v6, v11  }
0x72: {  	v12 =	vld [tilespmem:$0x100];
	v57 =	vshll.u32 v51, $0xC;
	v1 =	vadd.s32 v3, v1;
	[tilespmem:$0x210] =	vst v49  }
0x73: {  	v54 =	vld [tilespmem:$0x130];
	v59 =	vadd.s32 v53, v57;
	[tilespmem:$0x3A0] =	vst v1  }
0x74: {  	v5 =	vshll.u32 v5, $0x10;
	v7 =	vshll.u32 v7, $0x8;
	v11 =	vadd.s32 $0x6000, v49;
	[tilespmem:$0x230] =	vst v59  }
0x75: {  	v52 =	vshll.u32 v10, $0xC;
	v5 =	vadd.s32 v5, v47;
	v2 =	vadd.s32 $0xC000, v49;
	[tilespmem:$0x290] =	vst v11  }
0x76: {  	v10 =	vshll.u32 v10, $0x10;
	v4 =	vshll.u32 v4, $0x8;
	v5 =	vadd.s32 v7, v5;
	[tilespmem:$0x310] =	vst v2  }
0x77: {  	v58 =	vshll.u32 v51, $0x10;
	v55 =	vadd.s32 v10, v12;
	v7 =	vadd.s32 v48, v52;
	[tilespmem:$0x390] =	vst v5  }
0x78: {  	v0 =	vshll.u32 v0, $0x8;
	v61 =	vadd.s32 v58, v54;
	v4 =	vadd.s32 v4, v55;
	[tilespmem:$0x200] =	vst v7  }
0x79: {  	v0 =	vadd.s32 v0, v61;
	[tilespmem:$0x380] =	vst v4  }
0x7a: {  	v62 =	vadd.s32 $0xC000, v59;
	[tilespmem:$0x3B0] =	vst v0  }
0x7b: {  	v63 =	vadd.s32 $0x6000, v59;
	[tilespmem:$0x330] =	vst v62  }
0x7c: {  	v9 =	vadd.s32 $0xC000, v7;
	[tilespmem:$0x2B0] =	vst v63  }
0x7d: {  	v60 =	vadd.s32 $0x6000, v7;
	[tilespmem:$0x300] =	vst v9  }
0x7e: {  	[tilespmem:$0x280] =	vst v60  }
0x7f: {  	[tilespmem:s11], [sflag:$0x1] =	stream.indirect.gather [hbm4b:s4+s13], $0x1, s14, s13, $0xb8;
	[tilespmem:$0x580] =	vst v63  }
0x80: {  	_ = 	snop  }
0x81: {  	[tilespmem:s10], [sflag:$0x2] =	stream.indirect.gather [hbm4b:s4+s13], $0x1, s15, s13, $0xb8;
	[tilespmem:$0x580] =	vst v63  }
0x82: {  	_ = 	snop  }
0x83: {  	[tilespmem:s9], [sflag:$0x3] =	stream.indirect.gather [hbm4b:s4+s13], $0x1, s17, s13, $0xb8;
	[tilespmem:$0x580] =	vst v63  }
0x84: {  	_ =	swait.ge [sflag:s18], $0x40  }
0x85: {  	[sflag:s18] =	ssyncset.done $0x0  }
0x86: {  	[sflag:s18] =	ssyncadd.s32 $0xFFFFFFC0  }
0x87: {  	_ =	swait.ge [sflag:s16], $0x40  }
0x88: {  	[sflag:s16] =	ssyncset.done $0x0  }
0x89: {  	[sflag:s16] =	ssyncadd.s32 $0xFFFFFFC0  }
0x8a: {  	_ =	swait.ge [sflag:s19], $0x40  }
0x8b: {  	[sflag:s19] =	ssyncset.done $0x0  }
0x8c: {  	[sflag:s19] =	ssyncadd.s32 $0xFFFFFFC0  }
0x8d: {  	[hbm4b:s8+s2] =	stream.linear.scatter [tilespmem:s11], [sflag:$0x4], $0x40, $0x38;
	[tilespmem:$0x580] =	vst v63  }
0x8e: {  	_ =	swait.ge [sflag:s3], $0x40  }
0x8f: {  	[sflag:s3] =	ssyncset.done $0x0  }
0x90: {  	[sflag:s3] =	ssyncadd.s32 $0xFFFFFFC0  }
0x91: {  	[hbm4b:s7+s2] =	stream.linear.scatter [tilespmem:s10], [sflag:$0x4], $0x40, $0x38;
	[tilespmem:$0x580] =	vst v63  }
0x92: {  	_ =	swait.ge [sflag:s3], $0x40  }
0x93: {  	[sflag:s3] =	ssyncset.done $0x0  }
0x94: {  	[sflag:s3] =	ssyncadd.s32 $0xFFFFFFC0  }
0x95: {  	[hbm4b:s5+s2] =	stream.linear.scatter [tilespmem:s9], [sflag:$0x4], $0x40, $0x38;
	[tilespmem:$0x580] =	vst v63  }
0x96: {  	_ =	swait.ge [sflag:s3], $0x40  }
0x97: {  	[sflag:s3] =	ssyncset.done $0x0  }
0x98: {  	[sflag:s3] =	ssyncadd.s32 $0xFFFFFFC0  }
0x99: {  	[hbm4b:s6+s2] =	stream.linear.scatter [tilespmem:s12], [sflag:$0x4], $0x40, $0x38;
	[tilespmem:$0x580] =	vst v63  }
0x9a: {  	_ =	swait.ge [sflag:s3], $0x40  }
0x9b: {  	[sflag:s3] =	ssyncset.done $0x0  }
0x9c: {  	[sflag:s3] =	ssyncadd.s32 $0xFFFFFFC0  }
0x9d: {  	_ =	sfence.sel $0x180000  }
0x9e: {  	[bflag:$0x0] =	sbarrier.arrive $0xFFFF  }
0x9f: {  	p0 =	sne.s32 s1, $0x0;
	_ =	strace $0x90000047  }
0xa0: {  	s0 =	sadd.s32 @!p0 $0x100000, s0;
	[bflag:$0x2] =	sbarrier.arrive $0xFFFF  }
0xa1: {  	[sflag:s0] =	ssyncadd.tile.s32 @!p0 $0x1;
	_ =	shalt  }
.Lfunc_end2:
_tile_overlayer_lowered:
.L_overlay_start_2:
0xa2: {  	(tag) =	ssettag $0x2  }
0xa3: {  	s0 =	rddreg [dreg:$0x0];
	s2 =	stileid.u32  }
0xa4: {  	s1 =	rddreg [dreg:$0x1];
	p0 =	sne.s32 s2, $0x0  }
0xa5: {  	s3 =	rddreg [dreg:$0x2];
	[bflag:$0x3] =	sbarrier.arrive $0xFFFF;
	s2 =	simm.s32 @!p0 $0x1C04  }
0xa6: {  	[timem:s3], [sflag:s2] =	dma.local @!p0 [hbm:s0], s1  }
0xa7: {  	s0 =	simm.s32 @!p0 $0x4  }
0xa8: {  	_ =	swait.ge @!p0 [sflag:s0], s1  }
0xa9: {  	s1 =	ssub.s32 @!p0 $0x0, s1;
	[sflag:s0] =	ssyncset.done @!p0 $0x0  }
0xaa: {  	[sflag:s0] =	ssyncadd.s32 @!p0 s1  }
0xab: {  	[bflag:$0x3] =	sbarrier.arrive $0xFFFF  }
0xac: {  	_ =	shalt  }

</sc_bundles>
